<compile_context>
chip_gen: v7x
topology: tpu7x:2x2x1
jax: 0.10.2.dev20260603
libtpu: 0.0.44.dev20260713+nightly
codegen_flags: <defaults>
</compile_context>

<pallas_src>
import functools
import math

import jax
import jax.numpy as jnp
from jax import lax
from jax.experimental import pallas as pl
from jax.experimental.pallas import tpu as pltpu
from jax.experimental.pallas import tpu_sc as plsc

_ALPHA = 0.1
_BETA_BASE = 0.5

_NC = 2
_NS = 16
_NW = _NC * _NS
_K = 40
_NB = 4


def _sc_mesh():
    return plsc.VectorSubcoreMesh(
        core_axis_name="c", subcore_axis_name="s",
        num_cores=_NC, num_subcores=_NS)


def _row_split(n):
    br = 8 * (n // (8 * _NS))
    tail = n - br * _NS
    return br, tail


def _deg_parts(dst3, zeros16, n):
    nw, nch, k = dst3.shape
    br, tail = _row_split(n)

    @functools.partial(
        pl.kernel,
        out_type=jax.ShapeDtypeStruct((_NC * n, 16), jnp.float32),
        mesh=_sc_mesh(),
        scratch_types=[
            pltpu.VMEM((nch, k), jnp.int32),
            pltpu.VMEM((k, 16), jnp.float32),
            pltpu.VMEM_SHARED((n, 16), jnp.float32),
        ] + [pltpu.SemaphoreType.DMA] * 4,
    )
    def kern(dst_hbm, zer_hbm, out_hbm, didx, ones_v, acc, *dsem):
        cid = lax.axis_index("c")
        sid = lax.axis_index("s")
        wid = sid * _NC + cid
        pltpu.sync_copy(dst_hbm.at[wid], didx)
        onehot = jnp.where(lax.iota(jnp.int32, 16) == 0, 1.0, 0.0)

        @pl.loop(0, k)
        def _(r):
            ones_v[r, :] = onehot

        pltpu.sync_copy(zer_hbm.at[pl.ds(0, br)], acc.at[pl.ds(sid * br, br)])

        @pl.when(sid == _NS - 1)
        def _():
            pltpu.sync_copy(zer_hbm.at[pl.ds(0, tail)],
                            acc.at[pl.ds(_NS * br, tail)])

        plsc.subcore_barrier()
        nmain = (nch // 4) * 4

        @pl.loop(0, nmain, step=4)
        def _(j0):
            for b in range(4):
                pltpu.async_copy(ones_v, acc.at[didx.at[j0 + b]], dsem[b],
                                 add=True)
            for b in range(4):
                pltpu.make_async_copy(ones_v, acc.at[didx.at[j0 + b]],
                                      dsem[b]).wait()

        for j in range(nmain, nch):
            pltpu.sync_copy(ones_v, acc.at[didx.at[j]], add=True)

        plsc.subcore_barrier()
        pltpu.sync_copy(acc.at[pl.ds(sid * br, br)],
                        out_hbm.at[pl.ds(cid * n + sid * br, br)])

        @pl.when(sid == _NS - 1)
        def _():
            pltpu.sync_copy(acc.at[pl.ds(_NS * br, tail)],
                            out_hbm.at[pl.ds(cid * n + _NS * br, tail)])

    return kern(dst3, zeros16)


def _sc_scatter(hp, src2, dst3, zerosf):
    n, f = hp.shape
    ew = src2.shape[1]
    k = _K
    nch = ew // k
    br, tail = _row_split(n)

    nb = _NB
    assert nb % 2 == 0 and nch % 2 == 0
    nmain = (nch // nb) * nb

    @functools.partial(
        pl.kernel,
        out_type=jax.ShapeDtypeStruct((_NC * n, f), jnp.float32),
        mesh=_sc_mesh(),
        scratch_types=[
            pltpu.VMEM((ew,), jnp.int32),
            pltpu.VMEM((ew // 80, 80), jnp.int32),
            pltpu.VMEM((nb, k, f), jnp.float32),
            pltpu.VMEM_SHARED((n, f), jnp.float32),
        ] + [pltpu.SemaphoreType.DMA] * (2 * nb + 2),
    )
    def kern(hp_hbm, src_hbm, dst_hbm, zer_hbm, out_hbm, sidx, didx, rows, acc,
             *sems):
        gsem, ssem = sems[:nb], sems[nb:2 * nb]
        isem1, isem2 = sems[2 * nb], sems[2 * nb + 1]
        cid = lax.axis_index("c")
        sid = lax.axis_index("s")
        wid = sid * _NC + cid
        c1 = pltpu.async_copy(src_hbm.at[wid], sidx, isem1)
        c2 = pltpu.async_copy(dst_hbm.at[wid], didx, isem2)
        c3 = pltpu.async_copy(zer_hbm.at[pl.ds(0, br)],
                              acc.at[pl.ds(sid * br, br)], isem2)
        c1.wait()

        def dslice(j, b):
            return didx.at[j // 2, pl.ds((b % 2) * k, k)]

        for b in range(nb):
            pltpu.async_copy(hp_hbm.at[sidx.at[pl.ds(b * k, k)]], rows.at[b],
                             gsem[b])

        @pl.when(sid == _NS - 1)
        def _():
            pltpu.sync_copy(zer_hbm.at[pl.ds(0, tail)],
                            acc.at[pl.ds(_NS * br, tail)])

        c2.wait()
        c3.wait()
        plsc.subcore_barrier()

        @pl.loop(0, nmain, step=nb)
        def _(j0):
            for b in range(nb):
                j = j0 + b
                pltpu.make_async_copy(hp_hbm.at[sidx.at[pl.ds(j * k, k)]],
                                      rows.at[b], gsem[b]).wait()
                pltpu.async_copy(rows.at[b], acc.at[dslice(j, b)], ssem[b],
                                 add=True)
            for b in range(nb):
                j = j0 + b
                pltpu.make_async_copy(rows.at[b], acc.at[dslice(j, b)],
                                      ssem[b]).wait()
                jn = j + nb

                @pl.when(jn < nch)
                def _():
                    pltpu.async_copy(hp_hbm.at[sidx.at[pl.ds(jn * k, k)]],
                                     rows.at[b], gsem[b])

        for j in range(nmain, nch):
            b = j % nb
            pltpu.make_async_copy(hp_hbm.at[sidx.at[pl.ds(j * k, k)]],
                                  rows.at[b], gsem[b]).wait()
            pltpu.sync_copy(rows.at[b], acc.at[dslice(j, b)], add=True)

        plsc.subcore_barrier()
        pltpu.sync_copy(acc.at[pl.ds(sid * br, br)],
                        out_hbm.at[pl.ds(cid * n + sid * br, br)])

        @pl.when(sid == _NS - 1)
        def _():
            pltpu.sync_copy(acc.at[pl.ds(_NS * br, tail)],
                            out_hbm.at[pl.ds(cid * n + _NS * br, tail)])

    return kern(hp, src2, dst3, zerosf)


def _tc_init(x, w, b2, degp, block_rows):
    n, fin = x.shape
    fh = w.shape[1]

    def body(x_ref, w_ref, b_ref, d0_ref, d1_ref, h0_ref, hp_ref,
             dinv_ref):
        deg = d0_ref[:, 0:1] + d1_ref[:, 0:1] + 1.0
        dinv = lax.rsqrt(deg)
        h = jnp.dot(x_ref[...], w_ref[...],
                    preferred_element_type=jnp.float32,
                    precision=lax.Precision.HIGHEST)
        h = jnp.maximum(h + b_ref[...], 0.0)
        h0_ref[...] = h
        hp_ref[...] = dinv * h
        dinv_ref[...] = dinv

    r = block_rows
    return pl.pallas_call(
        body,
        grid=(n // r,),
        in_specs=[
            pl.BlockSpec((r, fin), lambda i: (i, 0)),
            pl.BlockSpec((fin, fh), lambda i: (0, 0)),
            pl.BlockSpec((1, fh), lambda i: (0, 0)),
            pl.BlockSpec((r, 16), lambda i: (i, 0)),
            pl.BlockSpec((r, 16), lambda i, _nb=n // block_rows: (i + _nb, 0)),
        ],
        out_specs=[
            pl.BlockSpec((r, fh), lambda i: (i, 0)),
            pl.BlockSpec((r, fh), lambda i: (i, 0)),
            pl.BlockSpec((r, 1), lambda i: (i, 0)),
        ],
        out_shape=[
            jax.ShapeDtypeStruct((n, fh), jnp.float32),
            jax.ShapeDtypeStruct((n, fh), jnp.float32),
            jax.ShapeDtypeStruct((n, 1), jnp.float32),
        ],
    )(x, w, b2, degp, degp)


def _tc_layer(s, hp, h0, dinv, w_eff, block_rows):
    n, fh = hp.shape

    def body(s0_ref, s1_ref, hp_ref, h0_ref, dinv_ref, w_ref, out_ref):
        dinv = dinv_ref[...]
        sup = ((1.0 - _ALPHA) * dinv
               * (s0_ref[...] + s1_ref[...] + hp_ref[...])
               + _ALPHA * h0_ref[...])
        h = jnp.dot(sup, w_ref[...], preferred_element_type=jnp.float32,
                    precision=lax.Precision.HIGHEST)
        out_ref[...] = dinv * jnp.maximum(h, 0.0)

    r = block_rows
    return pl.pallas_call(
        body,
        grid=(n // r,),
        in_specs=[
            pl.BlockSpec((r, fh), lambda i: (i, 0)),
            pl.BlockSpec((r, fh), lambda i, _nb=n // block_rows: (i + _nb, 0)),
            pl.BlockSpec((r, fh), lambda i: (i, 0)),
            pl.BlockSpec((r, fh), lambda i: (i, 0)),
            pl.BlockSpec((r, 1), lambda i: (i, 0)),
            pl.BlockSpec((fh, fh), lambda i: (0, 0)),
        ],
        out_specs=pl.BlockSpec((r, fh), lambda i: (i, 0)),
        out_shape=jax.ShapeDtypeStruct((n, fh), jnp.float32),
    )(s, s, hp, h0, dinv, w_eff)


def _tc_final(s, hp, h0, dinv, w_eff, w_fin, bf2, block_rows):
    n, fh = hp.shape
    fo = w_fin.shape[1]

    def body(s0_ref, s1_ref, hp_ref, h0_ref, dinv_ref, w_ref, wf_ref,
             bf_ref, out_ref):
        dinv = dinv_ref[...]
        sup = ((1.0 - _ALPHA) * dinv
               * (s0_ref[...] + s1_ref[...] + hp_ref[...])
               + _ALPHA * h0_ref[...])
        h = jnp.dot(sup, w_ref[...], preferred_element_type=jnp.float32,
                    precision=lax.Precision.HIGHEST)
        h = jnp.maximum(h, 0.0)
        logits = jnp.dot(h, wf_ref[...], preferred_element_type=jnp.float32,
                         precision=lax.Precision.HIGHEST) + bf_ref[...]
        m = jnp.max(logits, axis=1, keepdims=True)
        z = logits - m
        lse = jnp.log(jnp.sum(jnp.exp(z), axis=1, keepdims=True))
        out_ref[...] = z - lse

    r = block_rows
    return pl.pallas_call(
        body,
        grid=(n // r,),
        in_specs=[
            pl.BlockSpec((r, fh), lambda i: (i, 0)),
            pl.BlockSpec((r, fh), lambda i, _nb=n // block_rows: (i + _nb, 0)),
            pl.BlockSpec((r, fh), lambda i: (i, 0)),
            pl.BlockSpec((r, fh), lambda i: (i, 0)),
            pl.BlockSpec((r, 1), lambda i: (i, 0)),
            pl.BlockSpec((fh, fh), lambda i: (0, 0)),
            pl.BlockSpec((fh, fo), lambda i: (0, 0)),
            pl.BlockSpec((1, fo), lambda i: (0, 0)),
        ],
        out_specs=pl.BlockSpec((r, fo), lambda i: (i, 0)),
        out_shape=jax.ShapeDtypeStruct((n, fo), jnp.float32),
    )(s, s, hp, h0, dinv, w_eff, w_fin, bf2)


def kernel(x, edge_index, W_init, b_init, W_layers, W_final, b_final):
    n, _ = x.shape
    e = edge_index.shape[1]
    ew = e // _NW
    nch = ew // _K
    assert ew * _NW == e and nch * _K == ew and n % 8 == 0
    src2 = edge_index[0].reshape(_NW, ew)
    dst3 = edge_index[1].reshape(_NW, ew // 80, 80)
    block_rows = 1000
    br, _tail = _row_split(n)
    fh = W_init.shape[1]
    zeros16 = jnp.zeros((br, 16), jnp.float32)
    zerosf = jnp.zeros((br, fh), jnp.float32)

    degp = _deg_parts(dst3, zeros16, n)
    h0, hp, dinv = _tc_init(x, W_init, b_init.reshape(1, -1),
                            degp, block_rows)

    num_layers = W_layers.shape[0]
    eye = jnp.eye(W_layers.shape[1], dtype=jnp.float32)
    out = None
    for i in range(num_layers):
        beta = math.log(_BETA_BASE / (i + 1) + 1.0)
        w_eff = (1.0 - beta) * eye + beta * W_layers[i]
        s = _sc_scatter(hp, src2, dst3, zerosf)
        if i + 1 < num_layers:
            hp = _tc_layer(s, hp, h0, dinv, w_eff, block_rows)
        else:
            out = _tc_final(s, hp, h0, dinv, w_eff,
                            W_final, b_final.reshape(1, -1), block_rows)
    return out

# --- scband reference (transcript-rebuilt; emitter-appended) ---
"""Pipeline reference for scband-scale-gcn-53936199303446 (READ-ONLY COPY).

The authoritative reference and input builder live on the scoring server;
editing this copy changes nothing except your own understanding.
"""

import math
import jax, jax.numpy as jnp
import numpy as np

N = 10000
E = 320000
IN_CH = 128
HID = 128
OUT_CH = 64
NUM_LAYERS = 4
ALPHA = 0.1
BETA_BASE = 0.5


def setup_inputs(seed: int = 0) -> dict:
    key = jax.random.key(seed)
    ks = jax.random.split(key, 8)
    x = jax.random.normal(ks[0], (N, IN_CH), dtype=jnp.float32)
    edge_index = jax.random.randint(ks[1], (2, E), 0, N, dtype=jnp.int32)
    W_init = jax.random.normal(ks[2], (IN_CH, HID), dtype=jnp.float32) * (1.0 / math.sqrt(IN_CH))
    b_init = jnp.zeros((HID,), dtype=jnp.float32)
    W_layers = jax.random.normal(ks[3], (NUM_LAYERS, HID, HID), dtype=jnp.float32) * (1.0 / math.sqrt(HID))
    W_final = jax.random.normal(ks[4], (HID, OUT_CH), dtype=jnp.float32) * (1.0 / math.sqrt(HID))
    b_final = jnp.zeros((OUT_CH,), dtype=jnp.float32)
    return {"x": x, "edge_index": edge_index, "W_init": W_init, "b_init": b_init,
            "W_layers": W_layers, "W_final": W_final, "b_final": b_final}


def reference(x, edge_index, W_init, b_init, W_layers, W_final, b_final):
    # GCN symmetric normalization with self-loops (cached adjacency in the torch module)
    loop = jnp.arange(N, dtype=edge_index.dtype)
    src = jnp.concatenate([edge_index[0], loop])
    dst = jnp.concatenate([edge_index[1], loop])
    deg = jax.ops.segment_sum(jnp.ones_like(src, dtype=x.dtype), dst, num_segments=N)
    dinv = jnp.where(deg > 0, jax.lax.rsqrt(deg), 0.0)
    norm = dinv[src] * dinv[dst]

    # init layer (dropout is identity in eval mode)
    h = jax.nn.relu(x @ W_init + b_init)
    h0 = h
    for i in range(NUM_LAYERS):
        beta = math.log(BETA_BASE / (i + 1) + 1.0)
        # propagate: A_hat @ h via gather + scatter-add
        msg = norm[:, None] * h[src]
        agg = jax.ops.segment_sum(msg, dst, num_segments=N)
        # GCNII-style initial residual + identity mapping (ScaleGConv)
        support = (1.0 - ALPHA) * agg + ALPHA * h0
        h = jax.nn.relu((1.0 - beta) * support + beta * (support @ W_layers[i]))
    logits = h @ W_final + b_final
    return jax.nn.log_softmax(logits, axis=1)

if __name__ == "__main__":
    import jax
    _d = setup_inputs()
    print(jax.jit(kernel)(*tuple(_d.values())))

</pallas_src>

<mosaic_0001>
#map = affine_map<(d0, d1) -> (0, 0)>
#map1 = affine_map<(d0, d1) -> (0, 0, 0)>
module attributes {stable_mosaic.version = 14 : i64} {
  func.func @kern(%arg0: i32, %arg1: i32, %arg2: memref<10000x128xf32, #tpu.memory_space<hbm>>, %arg3: memref<32x10000xi32, #tpu.memory_space<hbm>>, %arg4: memref<32x125x80xi32, #tpu.memory_space<hbm>>, %arg5: memref<624x128xf32, #tpu.memory_space<hbm>>, %arg6: memref<20000x128xf32, #tpu.memory_space<hbm>>, %arg7: memref<10000xi32, #tpu.memory_space<vmem>>, %arg8: memref<125x80xi32, #tpu.memory_space<vmem>>, %arg9: memref<4x40x128xf32, #tpu.memory_space<vmem>>, %arg10: memref<10000x128xf32, #tpu.memory_space<vmem_shared>>, %arg11: memref<!tpu.dma_semaphore, #tpu.memory_space<semaphore_mem>>, %arg12: memref<!tpu.dma_semaphore, #tpu.memory_space<semaphore_mem>>, %arg13: memref<!tpu.dma_semaphore, #tpu.memory_space<semaphore_mem>>, %arg14: memref<!tpu.dma_semaphore, #tpu.memory_space<semaphore_mem>>, %arg15: memref<!tpu.dma_semaphore, #tpu.memory_space<semaphore_mem>>, %arg16: memref<!tpu.dma_semaphore, #tpu.memory_space<semaphore_mem>>, %arg17: memref<!tpu.dma_semaphore, #tpu.memory_space<semaphore_mem>>, %arg18: memref<!tpu.dma_semaphore, #tpu.memory_space<semaphore_mem>>, %arg19: memref<!tpu.dma_semaphore, #tpu.memory_space<semaphore_mem>>, %arg20: memref<!tpu.dma_semaphore, #tpu.memory_space<semaphore_mem>>) attributes {dimension_semantics = [#tpu.dimension_semantics<core_parallel>, #tpu.dimension_semantics<subcore_parallel>], iteration_bounds = array<i64: 2, 16>, scalar_prefetch = 0 : i64, scratch_operands = 14 : i64, tpu.core_type = #tpu.core_type<sc_vector_subcore>, window_params = [{transform_indices = #map}, {transform_indices = #map}, {transform_indices = #map1}, {transform_indices = #map}, {transform_indices = #map}]} {
    %mul3A = arith.constant 2 : i32
    %mul3A_0 = arith.muli %arg1, %mul3A : i32
    %add3A = arith.addi %mul3A_0, %arg0 : i32
    %dma_start3A = arith.constant 0 : i32
    %dma_start3A_1 = tpu.memref_slice %arg3[%add3A, %dma_start3A] : memref<32x10000xi32, #tpu.memory_space<hbm>> -> memref<1x10000xi32, #tpu.memory_space<hbm>>
    %dma_start3A_2 = tpu.memref_squeeze %dma_start3A_1 : memref<1x10000xi32, #tpu.memory_space<hbm>> -> memref<10000xi32, #tpu.memory_space<hbm>>
    %dma_start3A_3 = arith.constant 0 : i32
    %dma_start3A_4 = tpu.memref_slice %arg3[%add3A, %dma_start3A_3] : memref<32x10000xi32, #tpu.memory_space<hbm>> -> memref<1x10000xi32, #tpu.memory_space<hbm>>
    %dma_start3A_5 = tpu.memref_squeeze %dma_start3A_4 : memref<1x10000xi32, #tpu.memory_space<hbm>> -> memref<10000xi32, #tpu.memory_space<hbm>>
    tpu.enqueue_dma source(%dma_start3A_5 : memref<10000xi32, #tpu.memory_space<hbm>>) target(%arg7 : memref<10000xi32, #tpu.memory_space<vmem>>) target_semaphore(%arg19 : memref<!tpu.dma_semaphore, #tpu.memory_space<semaphore_mem>>)
    %dma_start3A_6 = arith.constant 0 : i32
    %dma_start3A_7 = arith.constant 0 : i32
    %dma_start3A_8 = tpu.memref_slice %arg4[%add3A, %dma_start3A_6, %dma_start3A_7] : memref<32x125x80xi32, #tpu.memory_space<hbm>> -> memref<1x125x80xi32, #tpu.memory_space<hbm>>
    %dma_start3A_9 = tpu.memref_squeeze %dma_start3A_8 : memref<1x125x80xi32, #tpu.memory_space<hbm>> -> memref<125x80xi32, #tpu.memory_space<hbm>>
    %dma_start3A_10 = arith.constant 0 : i32
    %dma_start3A_11 = arith.constant 0 : i32
    %dma_start3A_12 = tpu.memref_slice %arg4[%add3A, %dma_start3A_10, %dma_start3A_11] : memref<32x125x80xi32, #tpu.memory_space<hbm>> -> memref<1x125x80xi32, #tpu.memory_space<hbm>>
    %dma_start3A_13 = tpu.memref_squeeze %dma_start3A_12 : memref<1x125x80xi32, #tpu.memory_space<hbm>> -> memref<125x80xi32, #tpu.memory_space<hbm>>
    tpu.enqueue_dma source(%dma_start3A_13 : memref<125x80xi32, #tpu.memory_space<hbm>>) target(%arg8 : memref<125x80xi32, #tpu.memory_space<vmem>>) target_semaphore(%arg20 : memref<!tpu.dma_semaphore, #tpu.memory_space<semaphore_mem>>)
    %mul3A_14 = arith.constant 624 : i32
    %mul3A_15 = arith.muli %arg1, %mul3A_14 : i32
    %dma_start3A_16 = arith.constant 0 : i32
    %dma_start3A_17 = tpu.memref_slice %arg10[%mul3A_15, %dma_start3A_16] : memref<10000x128xf32, #tpu.memory_space<vmem_shared>> -> memref<624x128xf32, #tpu.memory_space<vmem_shared>>
    %dma_start3A_18 = arith.constant 0 : i32
    %dma_start3A_19 = arith.constant 0 : i32
    %dma_start3A_20 = tpu.memref_slice %arg5[%dma_start3A_18, %dma_start3A_19] : memref<624x128xf32, #tpu.memory_space<hbm>> -> memref<624x128xf32, #tpu.memory_space<hbm>>
    tpu.enqueue_dma source(%dma_start3A_20 : memref<624x128xf32, #tpu.memory_space<hbm>>) target(%dma_start3A_17 : memref<624x128xf32, #tpu.memory_space<vmem_shared>>) target_semaphore(%arg20 : memref<!tpu.dma_semaphore, #tpu.memory_space<semaphore_mem>>)
    %dma_wait3A = arith.constant 0 : i32
    %dma_wait3A_21 = tpu.memref_slice %arg3[%add3A, %dma_wait3A] : memref<32x10000xi32, #tpu.memory_space<hbm>> -> memref<1x10000xi32, #tpu.memory_space<hbm>>
    %dma_wait3A_22 = tpu.memref_squeeze %dma_wait3A_21 : memref<1x10000xi32, #tpu.memory_space<hbm>> -> memref<10000xi32, #tpu.memory_space<hbm>>
    %dma_wait3A_23 = arith.constant 0 : i32
    %dma_wait3A_24 = tpu.memref_slice %arg3[%add3A, %dma_wait3A_23] : memref<32x10000xi32, #tpu.memory_space<hbm>> -> memref<1x10000xi32, #tpu.memory_space<hbm>>
    %dma_wait3A_25 = tpu.memref_squeeze %dma_wait3A_24 : memref<1x10000xi32, #tpu.memory_space<hbm>> -> memref<10000xi32, #tpu.memory_space<hbm>>
    tpu.wait_dma2 semaphore(%arg19 : memref<!tpu.dma_semaphore, #tpu.memory_space<semaphore_mem>>) src(%dma_wait3A_25 : memref<10000xi32, #tpu.memory_space<hbm>>) dst(%arg7 : memref<10000xi32, #tpu.memory_space<vmem>>)
    %dma_start3A_26 = arith.constant 0 : i32
    %dma_start3A_27 = arith.constant 0 : i32
    %dma_start3A_28 = arith.constant 0 : i32
    %dma_start3A_29 = tpu.memref_slice %arg9[%dma_start3A_26, %dma_start3A_27, %dma_start3A_28] : memref<4x40x128xf32, #tpu.memory_space<vmem>> -> memref<1x40x128xf32, #tpu.memory_space<vmem>>
    %dma_start3A_30 = tpu.memref_squeeze %dma_start3A_29 : memref<1x40x128xf32, #tpu.memory_space<vmem>> -> memref<40x128xf32, #tpu.memory_space<vmem>>
    %dma_start3A_31 = arith.constant 0 : i32
    %dma_start3A_32 = tpu.memref_slice %arg7[%dma_start3A_31] : memref<10000xi32, #tpu.memory_space<vmem>> -> memref<40xi32, #tpu.memory_space<vmem>>
    %dma_start3A_33 = arith.constant 0 : i32
    %dma_start3A_34 = arith.constant 0 : i32
    %dma_start3A_35 = tpu.memref_slice %arg2[%dma_start3A_33, %dma_start3A_34] : memref<10000x128xf32, #tpu.memory_space<hbm>> -> memref<10000x128xf32, #tpu.memory_space<hbm>>
    tpu.enqueue_indirect_dma source(%dma_start3A_35 : memref<10000x128xf32, #tpu.memory_space<hbm>>) target(%dma_start3A_30 : memref<40x128xf32, #tpu.memory_space<vmem>>) offsets(%dma_start3A_32 : memref<40xi32, #tpu.memory_space<vmem>>) semaphore(%arg11 : memref<!tpu.dma_semaphore, #tpu.memory_space<semaphore_mem>>)
    %dma_start3A_36 = arith.constant 1 : i32
    %dma_start3A_37 = arith.constant 0 : i32
    %dma_start3A_38 = arith.constant 0 : i32
    %dma_start3A_39 = tpu.memref_slice %arg9[%dma_start3A_36, %dma_start3A_37, %dma_start3A_38] : memref<4x40x128xf32, #tpu.memory_space<vmem>> -> memref<1x40x128xf32, #tpu.memory_space<vmem>>
    %dma_start3A_40 = tpu.memref_squeeze %dma_start3A_39 : memref<1x40x128xf32, #tpu.memory_space<vmem>> -> memref<40x128xf32, #tpu.memory_space<vmem>>
    %dma_start3A_41 = arith.constant 40 : i32
    %dma_start3A_42 = tpu.memref_slice %arg7[%dma_start3A_41] : memref<10000xi32, #tpu.memory_space<vmem>> -> memref<40xi32, #tpu.memory_space<vmem>>
    %dma_start3A_43 = arith.constant 0 : i32
    %dma_start3A_44 = arith.constant 0 : i32
    %dma_start3A_45 = tpu.memref_slice %arg2[%dma_start3A_43, %dma_start3A_44] : memref<10000x128xf32, #tpu.memory_space<hbm>> -> memref<10000x128xf32, #tpu.memory_space<hbm>>
    tpu.enqueue_indirect_dma source(%dma_start3A_45 : memref<10000x128xf32, #tpu.memory_space<hbm>>) target(%dma_start3A_40 : memref<40x128xf32, #tpu.memory_space<vmem>>) offsets(%dma_start3A_42 : memref<40xi32, #tpu.memory_space<vmem>>) semaphore(%arg12 : memref<!tpu.dma_semaphore, #tpu.memory_space<semaphore_mem>>)
    %dma_start3A_46 = arith.constant 2 : i32
    %dma_start3A_47 = arith.constant 0 : i32
    %dma_start3A_48 = arith.constant 0 : i32
    %dma_start3A_49 = tpu.memref_slice %arg9[%dma_start3A_46, %dma_start3A_47, %dma_start3A_48] : memref<4x40x128xf32, #tpu.memory_space<vmem>> -> memref<1x40x128xf32, #tpu.memory_space<vmem>>
    %dma_start3A_50 = tpu.memref_squeeze %dma_start3A_49 : memref<1x40x128xf32, #tpu.memory_space<vmem>> -> memref<40x128xf32, #tpu.memory_space<vmem>>
    %dma_start3A_51 = arith.constant 80 : i32
    %dma_start3A_52 = tpu.memref_slice %arg7[%dma_start3A_51] : memref<10000xi32, #tpu.memory_space<vmem>> -> memref<40xi32, #tpu.memory_space<vmem>>
    %dma_start3A_53 = arith.constant 0 : i32
    %dma_start3A_54 = arith.constant 0 : i32
    %dma_start3A_55 = tpu.memref_slice %arg2[%dma_start3A_53, %dma_start3A_54] : memref<10000x128xf32, #tpu.memory_space<hbm>> -> memref<10000x128xf32, #tpu.memory_space<hbm>>
    tpu.enqueue_indirect_dma source(%dma_start3A_55 : memref<10000x128xf32, #tpu.memory_space<hbm>>) target(%dma_start3A_50 : memref<40x128xf32, #tpu.memory_space<vmem>>) offsets(%dma_start3A_52 : memref<40xi32, #tpu.memory_space<vmem>>) semaphore(%arg13 : memref<!tpu.dma_semaphore, #tpu.memory_space<semaphore_mem>>)
    %dma_start3A_56 = arith.constant 3 : i32
    %dma_start3A_57 = arith.constant 0 : i32
    %dma_start3A_58 = arith.constant 0 : i32
    %dma_start3A_59 = tpu.memref_slice %arg9[%dma_start3A_56, %dma_start3A_57, %dma_start3A_58] : memref<4x40x128xf32, #tpu.memory_space<vmem>> -> memref<1x40x128xf32, #tpu.memory_space<vmem>>
    %dma_start3A_60 = tpu.memref_squeeze %dma_start3A_59 : memref<1x40x128xf32, #tpu.memory_space<vmem>> -> memref<40x128xf32, #tpu.memory_space<vmem>>
    %dma_start3A_61 = arith.constant 120 : i32
    %dma_start3A_62 = tpu.memref_slice %arg7[%dma_start3A_61] : memref<10000xi32, #tpu.memory_space<vmem>> -> memref<40xi32, #tpu.memory_space<vmem>>
    %dma_start3A_63 = arith.constant 0 : i32
    %dma_start3A_64 = arith.constant 0 : i32
    %dma_start3A_65 = tpu.memref_slice %arg2[%dma_start3A_63, %dma_start3A_64] : memref<10000x128xf32, #tpu.memory_space<hbm>> -> memref<10000x128xf32, #tpu.memory_space<hbm>>
    tpu.enqueue_indirect_dma source(%dma_start3A_65 : memref<10000x128xf32, #tpu.memory_space<hbm>>) target(%dma_start3A_60 : memref<40x128xf32, #tpu.memory_space<vmem>>) offsets(%dma_start3A_62 : memref<40xi32, #tpu.memory_space<vmem>>) semaphore(%arg14 : memref<!tpu.dma_semaphore, #tpu.memory_space<semaphore_mem>>)
    %eq3A = arith.constant 15 : i32
    %eq3A_66 = arith.cmpi eq, %arg1, %eq3A : i32
    %convert_element_type3A = arith.extui %eq3A_66 : i1 to i32
    %cond3A = arith.constant 0 : i32
    %cond3A_67 = arith.cmpi ne, %convert_element_type3A, %cond3A : i32
    scf.if %cond3A_67 {
      "tpu.region"() ({
        %run_scoped3A_121 = tpu.sem_alloc : memref<!tpu.dma_semaphore, #tpu.memory_space<semaphore_mem>>
        %dma_start3A_122 = arith.constant 9984 : i32
        %dma_start3A_123 = arith.constant 0 : i32
        %dma_start3A_124 = tpu.memref_slice %arg10[%dma_start3A_122, %dma_start3A_123] : memref<10000x128xf32, #tpu.memory_space<vmem_shared>> -> memref<16x128xf32, #tpu.memory_space<vmem_shared>>
        %dma_start3A_125 = arith.constant 0 : i32
        %dma_start3A_126 = arith.constant 0 : i32
        %dma_start3A_127 = tpu.memref_slice %arg5[%dma_start3A_125, %dma_start3A_126] : memref<624x128xf32, #tpu.memory_space<hbm>> -> memref<16x128xf32, #tpu.memory_space<hbm>>
        tpu.enqueue_dma source(%dma_start3A_127 : memref<16x128xf32, #tpu.memory_space<hbm>>) target(%dma_start3A_124 : memref<16x128xf32, #tpu.memory_space<vmem_shared>>) target_semaphore(%run_scoped3A_121 : memref<!tpu.dma_semaphore, #tpu.memory_space<semaphore_mem>>)
        %dma_wait3A_128 = arith.constant 9984 : i32
        %dma_wait3A_129 = arith.constant 0 : i32
        %dma_wait3A_130 = tpu.memref_slice %arg10[%dma_wait3A_128, %dma_wait3A_129] : memref<10000x128xf32, #tpu.memory_space<vmem_shared>> -> memref<16x128xf32, #tpu.memory_space<vmem_shared>>
        %dma_wait3A_131 = arith.constant 0 : i32
        %dma_wait3A_132 = arith.constant 0 : i32
        %dma_wait3A_133 = tpu.memref_slice %arg5[%dma_wait3A_131, %dma_wait3A_132] : memref<624x128xf32, #tpu.memory_space<hbm>> -> memref<16x128xf32, #tpu.memory_space<hbm>>
        tpu.wait_dma2 semaphore(%run_scoped3A_121 : memref<!tpu.dma_semaphore, #tpu.memory_space<semaphore_mem>>) src(%dma_wait3A_133 : memref<16x128xf32, #tpu.memory_space<hbm>>) dst(%dma_wait3A_130 : memref<16x128xf32, #tpu.memory_space<vmem_shared>>)
        tpu.yield
      }) : () -> ()
    } else {
    }
    %dma_wait3A_68 = arith.constant 0 : i32
    %dma_wait3A_69 = arith.constant 0 : i32
    %dma_wait3A_70 = tpu.memref_slice %arg4[%add3A, %dma_wait3A_68, %dma_wait3A_69] : memref<32x125x80xi32, #tpu.memory_space<hbm>> -> memref<1x125x80xi32, #tpu.memory_space<hbm>>
    %dma_wait3A_71 = tpu.memref_squeeze %dma_wait3A_70 : memref<1x125x80xi32, #tpu.memory_space<hbm>> -> memref<125x80xi32, #tpu.memory_space<hbm>>
    %dma_wait3A_72 = arith.constant 0 : i32
    %dma_wait3A_73 = arith.constant 0 : i32
    %dma_wait3A_74 = tpu.memref_slice %arg4[%add3A, %dma_wait3A_72, %dma_wait3A_73] : memref<32x125x80xi32, #tpu.memory_space<hbm>> -> memref<1x125x80xi32, #tpu.memory_space<hbm>>
    %dma_wait3A_75 = tpu.memref_squeeze %dma_wait3A_74 : memref<1x125x80xi32, #tpu.memory_space<hbm>> -> memref<125x80xi32, #tpu.memory_space<hbm>>
    tpu.wait_dma2 semaphore(%arg20 : memref<!tpu.dma_semaphore, #tpu.memory_space<semaphore_mem>>) src(%dma_wait3A_75 : memref<125x80xi32, #tpu.memory_space<hbm>>) dst(%arg8 : memref<125x80xi32, #tpu.memory_space<vmem>>)
    %dma_wait3A_76 = arith.constant 0 : i32
    %dma_wait3A_77 = tpu.memref_slice %arg10[%mul3A_15, %dma_wait3A_76] : memref<10000x128xf32, #tpu.memory_space<vmem_shared>> -> memref<624x128xf32, #tpu.memory_space<vmem_shared>>
    %dma_wait3A_78 = arith.constant 0 : i32
    %dma_wait3A_79 = arith.constant 0 : i32
    %dma_wait3A_80 = tpu.memref_slice %arg5[%dma_wait3A_78, %dma_wait3A_79] : memref<624x128xf32, #tpu.memory_space<hbm>> -> memref<624x128xf32, #tpu.memory_space<hbm>>
    tpu.wait_dma2 semaphore(%arg20 : memref<!tpu.dma_semaphore, #tpu.memory_space<semaphore_mem>>) src(%dma_wait3A_80 : memref<624x128xf32, #tpu.memory_space<hbm>>) dst(%dma_wait3A_77 : memref<624x128xf32, #tpu.memory_space<vmem_shared>>)
    %barrier3A = arith.constant 0 : index
    tpu.barrier barrier_id(%barrier3A)
    %scan3A = arith.constant 0 : i32
    %scan3A_81 = arith.constant 62 : i32
    %scan3A_82 = arith.addi %scan3A, %scan3A_81 : i32
    %scan3A_83 = arith.constant 1 : i32
    scf.for %scan3A_121 = %scan3A to %scan3A_82 step %scan3A_83  : i32 {
      %mul3A_122 = arith.constant 4 : i32
      %mul3A_123 = arith.muli %scan3A_121, %mul3A_122 : i32
      %add3A_124 = arith.constant 0 : i32
      %add3A_125 = arith.addi %add3A_124, %mul3A_123 : i32
      %add3A_126 = arith.constant 0 : i32
      %add3A_127 = arith.addi %add3A_125, %add3A_126 : i32
      %mul3A_128 = arith.constant 40 : i32
      %mul3A_129 = arith.muli %add3A_127, %mul3A_128 : i32
      %dma_wait3A_130 = arith.constant 0 : i32
      %dma_wait3A_131 = arith.constant 0 : i32
      %dma_wait3A_132 = arith.constant 0 : i32
      %dma_wait3A_133 = tpu.memref_slice %arg9[%dma_wait3A_130, %dma_wait3A_131, %dma_wait3A_132] : memref<4x40x128xf32, #tpu.memory_space<vmem>> -> memref<1x40x128xf32, #tpu.memory_space<vmem>>
      %dma_wait3A_134 = tpu.memref_squeeze %dma_wait3A_133 : memref<1x40x128xf32, #tpu.memory_space<vmem>> -> memref<40x128xf32, #tpu.memory_space<vmem>>
      %dma_wait3A_135 = tpu.memref_slice %arg7[%mul3A_129] : memref<10000xi32, #tpu.memory_space<vmem>> -> memref<40xi32, #tpu.memory_space<vmem>>
      %dma_wait3A_136 = arith.constant 0 : i32
      %dma_wait3A_137 = arith.constant 0 : i32
      %dma_wait3A_138 = tpu.memref_slice %arg2[%dma_wait3A_136, %dma_wait3A_137] : memref<10000x128xf32, #tpu.memory_space<hbm>> -> memref<10000x128xf32, #tpu.memory_space<hbm>>
      tpu.wait_indirect_dma semaphore(%arg11 : memref<!tpu.dma_semaphore, #tpu.memory_space<semaphore_mem>>) src(%dma_wait3A_138 : memref<10000x128xf32, #tpu.memory_space<hbm>>) dst(%dma_wait3A_134 : memref<40x128xf32, #tpu.memory_space<vmem>>)
      %jit3A = arith.constant 2 : i32
      %div3A = arith.divsi %add3A_127, %jit3A : i32
      %sign3A = arith.constant 0 : i32
      %sign3A_139 = arith.cmpi sgt, %add3A_127, %sign3A : i32
      %sign3A_140 = arith.extui %sign3A_139 : i1 to i32
      %sign3A_141 = arith.constant 0 : i32
      %sign3A_142 = arith.cmpi slt, %add3A_127, %sign3A_141 : i32
      %sign3A_143 = arith.extui %sign3A_142 : i1 to i32
      %sign3A_144 = arith.subi %sign3A_140, %sign3A_143 : i32
      %sign3A_145 = arith.constant 0 : i32
      %sign3A_146 = arith.cmpi sgt, %jit3A, %sign3A_145 : i32
      %sign3A_147 = arith.extui %sign3A_146 : i1 to i32
      %sign3A_148 = arith.constant 0 : i32
      %sign3A_149 = arith.cmpi slt, %jit3A, %sign3A_148 : i32
      %sign3A_150 = arith.extui %sign3A_149 : i1 to i32
      %sign3A_151 = arith.subi %sign3A_147, %sign3A_150 : i32
      %ne3A = arith.cmpi ne, %sign3A_144, %sign3A_151 : i32
      %rem3A = arith.remsi %add3A_127, %jit3A : i32
      %ne3A_152 = arith.constant 0 : i32
      %ne3A_153 = arith.cmpi ne, %rem3A, %ne3A_152 : i32
      %and3A = arith.andi %ne3A, %ne3A_153 : i1
      %sub3A = arith.constant 1 : i32
      %sub3A_154 = arith.subi %div3A, %sub3A : i32
      %select_n3A = arith.select %and3A, %sub3A_154, %div3A : i32
      %dma_start3A_155 = arith.constant 0 : i32
      %dma_start3A_156 = arith.constant 0 : i32
      %dma_start3A_157 = arith.constant 0 : i32
      %dma_start3A_158 = tpu.memref_slice %arg9[%dma_start3A_155, %dma_start3A_156, %dma_start3A_157] : memref<4x40x128xf32, #tpu.memory_space<vmem>> -> memref<1x40x128xf32, #tpu.memory_space<vmem>>
      %dma_start3A_159 = tpu.memref_squeeze %dma_start3A_158 : memref<1x40x128xf32, #tpu.memory_space<vmem>> -> memref<40x128xf32, #tpu.memory_space<vmem>>
      %dma_start3A_160 = arith.constant 0 : i32
      %dma_start3A_161 = tpu.memref_slice %arg8[%select_n3A, %dma_start3A_160] : memref<125x80xi32, #tpu.memory_space<vmem>> -> memref<1x40xi32, #tpu.memory_space<vmem>>
      %dma_start3A_162 = tpu.memref_squeeze %dma_start3A_161 : memref<1x40xi32, #tpu.memory_space<vmem>> -> memref<40xi32, #tpu.memory_space<vmem>>
      %dma_start3A_163 = arith.constant 0 : i32
      %dma_start3A_164 = arith.constant 0 : i32
      %dma_start3A_165 = tpu.memref_slice %arg10[%dma_start3A_163, %dma_start3A_164] : memref<10000x128xf32, #tpu.memory_space<vmem_shared>> -> memref<10000x128xf32, #tpu.memory_space<vmem_shared>>
      tpu.enqueue_indirect_dma source(%dma_start3A_159 : memref<40x128xf32, #tpu.memory_space<vmem>>) target(%dma_start3A_165 : memref<10000x128xf32, #tpu.memory_space<vmem_shared>>) offsets(%dma_start3A_162 : memref<40xi32, #tpu.memory_space<vmem>>) semaphore(%arg15 : memref<!tpu.dma_semaphore, #tpu.memory_space<semaphore_mem>>) {add = true}
      %add3A_166 = arith.constant 1 : i32
      %add3A_167 = arith.addi %add3A_125, %add3A_166 : i32
      %mul3A_168 = arith.constant 40 : i32
      %mul3A_169 = arith.muli %add3A_167, %mul3A_168 : i32
      %dma_wait3A_170 = arith.constant 1 : i32
      %dma_wait3A_171 = arith.constant 0 : i32
      %dma_wait3A_172 = arith.constant 0 : i32
      %dma_wait3A_173 = tpu.memref_slice %arg9[%dma_wait3A_170, %dma_wait3A_171, %dma_wait3A_172] : memref<4x40x128xf32, #tpu.memory_space<vmem>> -> memref<1x40x128xf32, #tpu.memory_space<vmem>>
      %dma_wait3A_174 = tpu.memref_squeeze %dma_wait3A_173 : memref<1x40x128xf32, #tpu.memory_space<vmem>> -> memref<40x128xf32, #tpu.memory_space<vmem>>
      %dma_wait3A_175 = tpu.memref_slice %arg7[%mul3A_169] : memref<10000xi32, #tpu.memory_space<vmem>> -> memref<40xi32, #tpu.memory_space<vmem>>
      %dma_wait3A_176 = arith.constant 0 : i32
      %dma_wait3A_177 = arith.constant 0 : i32
      %dma_wait3A_178 = tpu.memref_slice %arg2[%dma_wait3A_176, %dma_wait3A_177] : memref<10000x128xf32, #tpu.memory_space<hbm>> -> memref<10000x128xf32, #tpu.memory_space<hbm>>
      tpu.wait_indirect_dma semaphore(%arg12 : memref<!tpu.dma_semaphore, #tpu.memory_space<semaphore_mem>>) src(%dma_wait3A_178 : memref<10000x128xf32, #tpu.memory_space<hbm>>) dst(%dma_wait3A_174 : memref<40x128xf32, #tpu.memory_space<vmem>>)
      %jit3A_179 = arith.constant 2 : i32
      %div3A_180 = arith.divsi %add3A_167, %jit3A_179 : i32
      %sign3A_181 = arith.constant 0 : i32
      %sign3A_182 = arith.cmpi sgt, %add3A_167, %sign3A_181 : i32
      %sign3A_183 = arith.extui %sign3A_182 : i1 to i32
      %sign3A_184 = arith.constant 0 : i32
      %sign3A_185 = arith.cmpi slt, %add3A_167, %sign3A_184 : i32
      %sign3A_186 = arith.extui %sign3A_185 : i1 to i32
      %sign3A_187 = arith.subi %sign3A_183, %sign3A_186 : i32
      %sign3A_188 = arith.constant 0 : i32
      %sign3A_189 = arith.cmpi sgt, %jit3A_179, %sign3A_188 : i32
      %sign3A_190 = arith.extui %sign3A_189 : i1 to i32
      %sign3A_191 = arith.constant 0 : i32
      %sign3A_192 = arith.cmpi slt, %jit3A_179, %sign3A_191 : i32
      %sign3A_193 = arith.extui %sign3A_192 : i1 to i32
      %sign3A_194 = arith.subi %sign3A_190, %sign3A_193 : i32
      %ne3A_195 = arith.cmpi ne, %sign3A_187, %sign3A_194 : i32
      %rem3A_196 = arith.remsi %add3A_167, %jit3A_179 : i32
      %ne3A_197 = arith.constant 0 : i32
      %ne3A_198 = arith.cmpi ne, %rem3A_196, %ne3A_197 : i32
      %and3A_199 = arith.andi %ne3A_195, %ne3A_198 : i1
      %sub3A_200 = arith.constant 1 : i32
      %sub3A_201 = arith.subi %div3A_180, %sub3A_200 : i32
      %select_n3A_202 = arith.select %and3A_199, %sub3A_201, %div3A_180 : i32
      %dma_start3A_203 = arith.constant 1 : i32
      %dma_start3A_204 = arith.constant 0 : i32
      %dma_start3A_205 = arith.constant 0 : i32
      %dma_start3A_206 = tpu.memref_slice %arg9[%dma_start3A_203, %dma_start3A_204, %dma_start3A_205] : memref<4x40x128xf32, #tpu.memory_space<vmem>> -> memref<1x40x128xf32, #tpu.memory_space<vmem>>
      %dma_start3A_207 = tpu.memref_squeeze %dma_start3A_206 : memref<1x40x128xf32, #tpu.memory_space<vmem>> -> memref<40x128xf32, #tpu.memory_space<vmem>>
      %dma_start3A_208 = arith.constant 40 : i32
      %dma_start3A_209 = tpu.memref_slice %arg8[%select_n3A_202, %dma_start3A_208] : memref<125x80xi32, #tpu.memory_space<vmem>> -> memref<1x40xi32, #tpu.memory_space<vmem>>
      %dma_start3A_210 = tpu.memref_squeeze %dma_start3A_209 : memref<1x40xi32, #tpu.memory_space<vmem>> -> memref<40xi32, #tpu.memory_space<vmem>>
      %dma_start3A_211 = arith.constant 0 : i32
      %dma_start3A_212 = arith.constant 0 : i32
      %dma_start3A_213 = tpu.memref_slice %arg10[%dma_start3A_211, %dma_start3A_212] : memref<10000x128xf32, #tpu.memory_space<vmem_shared>> -> memref<10000x128xf32, #tpu.memory_space<vmem_shared>>
      tpu.enqueue_indirect_dma source(%dma_start3A_207 : memref<40x128xf32, #tpu.memory_space<vmem>>) target(%dma_start3A_213 : memref<10000x128xf32, #tpu.memory_space<vmem_shared>>) offsets(%dma_start3A_210 : memref<40xi32, #tpu.memory_space<vmem>>) semaphore(%arg16 : memref<!tpu.dma_semaphore, #tpu.memory_space<semaphore_mem>>) {add = true}
      %add3A_214 = arith.constant 2 : i32
      %add3A_215 = arith.addi %add3A_125, %add3A_214 : i32
      %mul3A_216 = arith.constant 40 : i32
      %mul3A_217 = arith.muli %add3A_215, %mul3A_216 : i32
      %dma_wait3A_218 = arith.constant 2 : i32
      %dma_wait3A_219 = arith.constant 0 : i32
      %dma_wait3A_220 = arith.constant 0 : i32
      %dma_wait3A_221 = tpu.memref_slice %arg9[%dma_wait3A_218, %dma_wait3A_219, %dma_wait3A_220] : memref<4x40x128xf32, #tpu.memory_space<vmem>> -> memref<1x40x128xf32, #tpu.memory_space<vmem>>
      %dma_wait3A_222 = tpu.memref_squeeze %dma_wait3A_221 : memref<1x40x128xf32, #tpu.memory_space<vmem>> -> memref<40x128xf32, #tpu.memory_space<vmem>>
      %dma_wait3A_223 = tpu.memref_slice %arg7[%mul3A_217] : memref<10000xi32, #tpu.memory_space<vmem>> -> memref<40xi32, #tpu.memory_space<vmem>>
      %dma_wait3A_224 = arith.constant 0 : i32
      %dma_wait3A_225 = arith.constant 0 : i32
      %dma_wait3A_226 = tpu.memref_slice %arg2[%dma_wait3A_224, %dma_wait3A_225] : memref<10000x128xf32, #tpu.memory_space<hbm>> -> memref<10000x128xf32, #tpu.memory_space<hbm>>
      tpu.wait_indirect_dma semaphore(%arg13 : memref<!tpu.dma_semaphore, #tpu.memory_space<semaphore_mem>>) src(%dma_wait3A_226 : memref<10000x128xf32, #tpu.memory_space<hbm>>) dst(%dma_wait3A_222 : memref<40x128xf32, #tpu.memory_space<vmem>>)
      %jit3A_227 = arith.constant 2 : i32
      %div3A_228 = arith.divsi %add3A_215, %jit3A_227 : i32
      %sign3A_229 = arith.constant 0 : i32
      %sign3A_230 = arith.cmpi sgt, %add3A_215, %sign3A_229 : i32
      %sign3A_231 = arith.extui %sign3A_230 : i1 to i32
      %sign3A_232 = arith.constant 0 : i32
      %sign3A_233 = arith.cmpi slt, %add3A_215, %sign3A_232 : i32
      %sign3A_234 = arith.extui %sign3A_233 : i1 to i32
      %sign3A_235 = arith.subi %sign3A_231, %sign3A_234 : i32
      %sign3A_236 = arith.constant 0 : i32
      %sign3A_237 = arith.cmpi sgt, %jit3A_227, %sign3A_236 : i32
      %sign3A_238 = arith.extui %sign3A_237 : i1 to i32
      %sign3A_239 = arith.constant 0 : i32
      %sign3A_240 = arith.cmpi slt, %jit3A_227, %sign3A_239 : i32
      %sign3A_241 = arith.extui %sign3A_240 : i1 to i32
      %sign3A_242 = arith.subi %sign3A_238, %sign3A_241 : i32
      %ne3A_243 = arith.cmpi ne, %sign3A_235, %sign3A_242 : i32
      %rem3A_244 = arith.remsi %add3A_215, %jit3A_227 : i32
      %ne3A_245 = arith.constant 0 : i32
      %ne3A_246 = arith.cmpi ne, %rem3A_244, %ne3A_245 : i32
      %and3A_247 = arith.andi %ne3A_243, %ne3A_246 : i1
      %sub3A_248 = arith.constant 1 : i32
      %sub3A_249 = arith.subi %div3A_228, %sub3A_248 : i32
      %select_n3A_250 = arith.select %and3A_247, %sub3A_249, %div3A_228 : i32
      %dma_start3A_251 = arith.constant 2 : i32
      %dma_start3A_252 = arith.constant 0 : i32
      %dma_start3A_253 = arith.constant 0 : i32
      %dma_start3A_254 = tpu.memref_slice %arg9[%dma_start3A_251, %dma_start3A_252, %dma_start3A_253] : memref<4x40x128xf32, #tpu.memory_space<vmem>> -> memref<1x40x128xf32, #tpu.memory_space<vmem>>
      %dma_start3A_255 = tpu.memref_squeeze %dma_start3A_254 : memref<1x40x128xf32, #tpu.memory_space<vmem>> -> memref<40x128xf32, #tpu.memory_space<vmem>>
      %dma_start3A_256 = arith.constant 0 : i32
      %dma_start3A_257 = tpu.memref_slice %arg8[%select_n3A_250, %dma_start3A_256] : memref<125x80xi32, #tpu.memory_space<vmem>> -> memref<1x40xi32, #tpu.memory_space<vmem>>
      %dma_start3A_258 = tpu.memref_squeeze %dma_start3A_257 : memref<1x40xi32, #tpu.memory_space<vmem>> -> memref<40xi32, #tpu.memory_space<vmem>>
      %dma_start3A_259 = arith.constant 0 : i32
      %dma_start3A_260 = arith.constant 0 : i32
      %dma_start3A_261 = tpu.memref_slice %arg10[%dma_start3A_259, %dma_start3A_260] : memref<10000x128xf32, #tpu.memory_space<vmem_shared>> -> memref<10000x128xf32, #tpu.memory_space<vmem_shared>>
      tpu.enqueue_indirect_dma source(%dma_start3A_255 : memref<40x128xf32, #tpu.memory_space<vmem>>) target(%dma_start3A_261 : memref<10000x128xf32, #tpu.memory_space<vmem_shared>>) offsets(%dma_start3A_258 : memref<40xi32, #tpu.memory_space<vmem>>) semaphore(%arg17 : memref<!tpu.dma_semaphore, #tpu.memory_space<semaphore_mem>>) {add = true}
      %add3A_262 = arith.constant 3 : i32
      %add3A_263 = arith.addi %add3A_125, %add3A_262 : i32
      %mul3A_264 = arith.constant 40 : i32
      %mul3A_265 = arith.muli %add3A_263, %mul3A_264 : i32
      %dma_wait3A_266 = arith.constant 3 : i32
      %dma_wait3A_267 = arith.constant 0 : i32
      %dma_wait3A_268 = arith.constant 0 : i32
      %dma_wait3A_269 = tpu.memref_slice %arg9[%dma_wait3A_266, %dma_wait3A_267, %dma_wait3A_268] : memref<4x40x128xf32, #tpu.memory_space<vmem>> -> memref<1x40x128xf32, #tpu.memory_space<vmem>>
      %dma_wait3A_270 = tpu.memref_squeeze %dma_wait3A_269 : memref<1x40x128xf32, #tpu.memory_space<vmem>> -> memref<40x128xf32, #tpu.memory_space<vmem>>
      %dma_wait3A_271 = tpu.memref_slice %arg7[%mul3A_265] : memref<10000xi32, #tpu.memory_space<vmem>> -> memref<40xi32, #tpu.memory_space<vmem>>
      %dma_wait3A_272 = arith.constant 0 : i32
      %dma_wait3A_273 = arith.constant 0 : i32
      %dma_wait3A_274 = tpu.memref_slice %arg2[%dma_wait3A_272, %dma_wait3A_273] : memref<10000x128xf32, #tpu.memory_space<hbm>> -> memref<10000x128xf32, #tpu.memory_space<hbm>>
      tpu.wait_indirect_dma semaphore(%arg14 : memref<!tpu.dma_semaphore, #tpu.memory_space<semaphore_mem>>) src(%dma_wait3A_274 : memref<10000x128xf32, #tpu.memory_space<hbm>>) dst(%dma_wait3A_270 : memref<40x128xf32, #tpu.memory_space<vmem>>)
      %jit3A_275 = arith.constant 2 : i32
      %div3A_276 = arith.divsi %add3A_263, %jit3A_275 : i32
      %sign3A_277 = arith.constant 0 : i32
      %sign3A_278 = arith.cmpi sgt, %add3A_263, %sign3A_277 : i32
      %sign3A_279 = arith.extui %sign3A_278 : i1 to i32
      %sign3A_280 = arith.constant 0 : i32
      %sign3A_281 = arith.cmpi slt, %add3A_263, %sign3A_280 : i32
      %sign3A_282 = arith.extui %sign3A_281 : i1 to i32
      %sign3A_283 = arith.subi %sign3A_279, %sign3A_282 : i32
      %sign3A_284 = arith.constant 0 : i32
      %sign3A_285 = arith.cmpi sgt, %jit3A_275, %sign3A_284 : i32
      %sign3A_286 = arith.extui %sign3A_285 : i1 to i32
      %sign3A_287 = arith.constant 0 : i32
      %sign3A_288 = arith.cmpi slt, %jit3A_275, %sign3A_287 : i32
      %sign3A_289 = arith.extui %sign3A_288 : i1 to i32
      %sign3A_290 = arith.subi %sign3A_286, %sign3A_289 : i32
      %ne3A_291 = arith.cmpi ne, %sign3A_283, %sign3A_290 : i32
      %rem3A_292 = arith.remsi %add3A_263, %jit3A_275 : i32
      %ne3A_293 = arith.constant 0 : i32
      %ne3A_294 = arith.cmpi ne, %rem3A_292, %ne3A_293 : i32
      %and3A_295 = arith.andi %ne3A_291, %ne3A_294 : i1
      %sub3A_296 = arith.constant 1 : i32
      %sub3A_297 = arith.subi %div3A_276, %sub3A_296 : i32
      %select_n3A_298 = arith.select %and3A_295, %sub3A_297, %div3A_276 : i32
      %dma_start3A_299 = arith.constant 3 : i32
      %dma_start3A_300 = arith.constant 0 : i32
      %dma_start3A_301 = arith.constant 0 : i32
      %dma_start3A_302 = tpu.memref_slice %arg9[%dma_start3A_299, %dma_start3A_300, %dma_start3A_301] : memref<4x40x128xf32, #tpu.memory_space<vmem>> -> memref<1x40x128xf32, #tpu.memory_space<vmem>>
      %dma_start3A_303 = tpu.memref_squeeze %dma_start3A_302 : memref<1x40x128xf32, #tpu.memory_space<vmem>> -> memref<40x128xf32, #tpu.memory_space<vmem>>
      %dma_start3A_304 = arith.constant 40 : i32
      %dma_start3A_305 = tpu.memref_slice %arg8[%select_n3A_298, %dma_start3A_304] : memref<125x80xi32, #tpu.memory_space<vmem>> -> memref<1x40xi32, #tpu.memory_space<vmem>>
      %dma_start3A_306 = tpu.memref_squeeze %dma_start3A_305 : memref<1x40xi32, #tpu.memory_space<vmem>> -> memref<40xi32, #tpu.memory_space<vmem>>
      %dma_start3A_307 = arith.constant 0 : i32
      %dma_start3A_308 = arith.constant 0 : i32
      %dma_start3A_309 = tpu.memref_slice %arg10[%dma_start3A_307, %dma_start3A_308] : memref<10000x128xf32, #tpu.memory_space<vmem_shared>> -> memref<10000x128xf32, #tpu.memory_space<vmem_shared>>
      tpu.enqueue_indirect_dma source(%dma_start3A_303 : memref<40x128xf32, #tpu.memory_space<vmem>>) target(%dma_start3A_309 : memref<10000x128xf32, #tpu.memory_space<vmem_shared>>) offsets(%dma_start3A_306 : memref<40xi32, #tpu.memory_space<vmem>>) semaphore(%arg18 : memref<!tpu.dma_semaphore, #tpu.memory_space<semaphore_mem>>) {add = true}
      %add3A_310 = arith.constant 0 : i32
      %add3A_311 = arith.addi %add3A_125, %add3A_310 : i32
      %jit3A_312 = arith.constant 2 : i32
      %div3A_313 = arith.divsi %add3A_311, %jit3A_312 : i32
      %sign3A_314 = arith.constant 0 : i32
      %sign3A_315 = arith.cmpi sgt, %add3A_311, %sign3A_314 : i32
      %sign3A_316 = arith.extui %sign3A_315 : i1 to i32
      %sign3A_317 = arith.constant 0 : i32
      %sign3A_318 = arith.cmpi slt, %add3A_311, %sign3A_317 : i32
      %sign3A_319 = arith.extui %sign3A_318 : i1 to i32
      %sign3A_320 = arith.subi %sign3A_316, %sign3A_319 : i32
      %sign3A_321 = arith.constant 0 : i32
      %sign3A_322 = arith.cmpi sgt, %jit3A_312, %sign3A_321 : i32
      %sign3A_323 = arith.extui %sign3A_322 : i1 to i32
      %sign3A_324 = arith.constant 0 : i32
      %sign3A_325 = arith.cmpi slt, %jit3A_312, %sign3A_324 : i32
      %sign3A_326 = arith.extui %sign3A_325 : i1 to i32
      %sign3A_327 = arith.subi %sign3A_323, %sign3A_326 : i32
      %ne3A_328 = arith.cmpi ne, %sign3A_320, %sign3A_327 : i32
      %rem3A_329 = arith.remsi %add3A_311, %jit3A_312 : i32
      %ne3A_330 = arith.constant 0 : i32
      %ne3A_331 = arith.cmpi ne, %rem3A_329, %ne3A_330 : i32
      %and3A_332 = arith.andi %ne3A_328, %ne3A_331 : i1
      %sub3A_333 = arith.constant 1 : i32
      %sub3A_334 = arith.subi %div3A_313, %sub3A_333 : i32
      %select_n3A_335 = arith.select %and3A_332, %sub3A_334, %div3A_313 : i32
      %dma_wait3A_336 = arith.constant 0 : i32
      %dma_wait3A_337 = arith.constant 0 : i32
      %dma_wait3A_338 = arith.constant 0 : i32
      %dma_wait3A_339 = tpu.memref_slice %arg9[%dma_wait3A_336, %dma_wait3A_337, %dma_wait3A_338] : memref<4x40x128xf32, #tpu.memory_space<vmem>> -> memref<1x40x128xf32, #tpu.memory_space<vmem>>
      %dma_wait3A_340 = tpu.memref_squeeze %dma_wait3A_339 : memref<1x40x128xf32, #tpu.memory_space<vmem>> -> memref<40x128xf32, #tpu.memory_space<vmem>>
      %dma_wait3A_341 = arith.constant 0 : i32
      %dma_wait3A_342 = tpu.memref_slice %arg8[%select_n3A_335, %dma_wait3A_341] : memref<125x80xi32, #tpu.memory_space<vmem>> -> memref<1x40xi32, #tpu.memory_space<vmem>>
      %dma_wait3A_343 = tpu.memref_squeeze %dma_wait3A_342 : memref<1x40xi32, #tpu.memory_space<vmem>> -> memref<40xi32, #tpu.memory_space<vmem>>
      %dma_wait3A_344 = arith.constant 0 : i32
      %dma_wait3A_345 = arith.constant 0 : i32
      %dma_wait3A_346 = tpu.memref_slice %arg10[%dma_wait3A_344, %dma_wait3A_345] : memref<10000x128xf32, #tpu.memory_space<vmem_shared>> -> memref<10000x128xf32, #tpu.memory_space<vmem_shared>>
      tpu.wait_indirect_dma semaphore(%arg15 : memref<!tpu.dma_semaphore, #tpu.memory_space<semaphore_mem>>) src(%dma_wait3A_340 : memref<40x128xf32, #tpu.memory_space<vmem>>) dst(%dma_wait3A_346 : memref<10000x128xf32, #tpu.memory_space<vmem_shared>>)
      %add3A_347 = arith.constant 4 : i32
      %add3A_348 = arith.addi %add3A_311, %add3A_347 : i32
      %lt3A = arith.constant 250 : i32
      %lt3A_349 = arith.cmpi slt, %add3A_348, %lt3A : i32
      %convert_element_type3A_350 = arith.extui %lt3A_349 : i1 to i32
      %cond3A_351 = arith.constant 0 : i32
      %cond3A_352 = arith.cmpi ne, %convert_element_type3A_350, %cond3A_351 : i32
      scf.if %cond3A_352 {
        %mul3A_485 = arith.constant 40 : i32
        %mul3A_486 = arith.muli %add3A_348, %mul3A_485 : i32
        %dma_start3A_487 = arith.constant 0 : i32
        %dma_start3A_488 = arith.constant 0 : i32
        %dma_start3A_489 = arith.constant 0 : i32
        %dma_start3A_490 = tpu.memref_slice %arg9[%dma_start3A_487, %dma_start3A_488, %dma_start3A_489] : memref<4x40x128xf32, #tpu.memory_space<vmem>> -> memref<1x40x128xf32, #tpu.memory_space<vmem>>
        %dma_start3A_491 = tpu.memref_squeeze %dma_start3A_490 : memref<1x40x128xf32, #tpu.memory_space<vmem>> -> memref<40x128xf32, #tpu.memory_space<vmem>>
        %dma_start3A_492 = tpu.memref_slice %arg7[%mul3A_486] : memref<10000xi32, #tpu.memory_space<vmem>> -> memref<40xi32, #tpu.memory_space<vmem>>
        %dma_start3A_493 = arith.constant 0 : i32
        %dma_start3A_494 = arith.constant 0 : i32
        %dma_start3A_495 = tpu.memref_slice %arg2[%dma_start3A_493, %dma_start3A_494] : memref<10000x128xf32, #tpu.memory_space<hbm>> -> memref<10000x128xf32, #tpu.memory_space<hbm>>
        tpu.enqueue_indirect_dma source(%dma_start3A_495 : memref<10000x128xf32, #tpu.memory_space<hbm>>) target(%dma_start3A_491 : memref<40x128xf32, #tpu.memory_space<vmem>>) offsets(%dma_start3A_492 : memref<40xi32, #tpu.memory_space<vmem>>) semaphore(%arg11 : memref<!tpu.dma_semaphore, #tpu.memory_space<semaphore_mem>>)
      } else {
      }
      %add3A_353 = arith.constant 1 : i32
      %add3A_354 = arith.addi %add3A_125, %add3A_353 : i32
      %jit3A_355 = arith.constant 2 : i32
      %div3A_356 = arith.divsi %add3A_354, %jit3A_355 : i32
      %sign3A_357 = arith.constant 0 : i32
      %sign3A_358 = arith.cmpi sgt, %add3A_354, %sign3A_357 : i32
      %sign3A_359 = arith.extui %sign3A_358 : i1 to i32
      %sign3A_360 = arith.constant 0 : i32
      %sign3A_361 = arith.cmpi slt, %add3A_354, %sign3A_360 : i32
      %sign3A_362 = arith.extui %sign3A_361 : i1 to i32
      %sign3A_363 = arith.subi %sign3A_359, %sign3A_362 : i32
      %sign3A_364 = arith.constant 0 : i32
      %sign3A_365 = arith.cmpi sgt, %jit3A_355, %sign3A_364 : i32
      %sign3A_366 = arith.extui %sign3A_365 : i1 to i32
      %sign3A_367 = arith.constant 0 : i32
      %sign3A_368 = arith.cmpi slt, %jit3A_355, %sign3A_367 : i32
      %sign3A_369 = arith.extui %sign3A_368 : i1 to i32
      %sign3A_370 = arith.subi %sign3A_366, %sign3A_369 : i32
      %ne3A_371 = arith.cmpi ne, %sign3A_363, %sign3A_370 : i32
      %rem3A_372 = arith.remsi %add3A_354, %jit3A_355 : i32
      %ne3A_373 = arith.constant 0 : i32
      %ne3A_374 = arith.cmpi ne, %rem3A_372, %ne3A_373 : i32
      %and3A_375 = arith.andi %ne3A_371, %ne3A_374 : i1
      %sub3A_376 = arith.constant 1 : i32
      %sub3A_377 = arith.subi %div3A_356, %sub3A_376 : i32
      %select_n3A_378 = arith.select %and3A_375, %sub3A_377, %div3A_356 : i32
      %dma_wait3A_379 = arith.constant 1 : i32
      %dma_wait3A_380 = arith.constant 0 : i32
      %dma_wait3A_381 = arith.constant 0 : i32
      %dma_wait3A_382 = tpu.memref_slice %arg9[%dma_wait3A_379, %dma_wait3A_380, %dma_wait3A_381] : memref<4x40x128xf32, #tpu.memory_space<vmem>> -> memref<1x40x128xf32, #tpu.memory_space<vmem>>
      %dma_wait3A_383 = tpu.memref_squeeze %dma_wait3A_382 : memref<1x40x128xf32, #tpu.memory_space<vmem>> -> memref<40x128xf32, #tpu.memory_space<vmem>>
      %dma_wait3A_384 = arith.constant 40 : i32
      %dma_wait3A_385 = tpu.memref_slice %arg8[%select_n3A_378, %dma_wait3A_384] : memref<125x80xi32, #tpu.memory_space<vmem>> -> memref<1x40xi32, #tpu.memory_space<vmem>>
      %dma_wait3A_386 = tpu.memref_squeeze %dma_wait3A_385 : memref<1x40xi32, #tpu.memory_space<vmem>> -> memref<40xi32, #tpu.memory_space<vmem>>
      %dma_wait3A_387 = arith.constant 0 : i32
      %dma_wait3A_388 = arith.constant 0 : i32
      %dma_wait3A_389 = tpu.memref_slice %arg10[%dma_wait3A_387, %dma_wait3A_388] : memref<10000x128xf32, #tpu.memory_space<vmem_shared>> -> memref<10000x128xf32, #tpu.memory_space<vmem_shared>>
      tpu.wait_indirect_dma semaphore(%arg16 : memref<!tpu.dma_semaphore, #tpu.memory_space<semaphore_mem>>) src(%dma_wait3A_383 : memref<40x128xf32, #tpu.memory_space<vmem>>) dst(%dma_wait3A_389 : memref<10000x128xf32, #tpu.memory_space<vmem_shared>>)
      %add3A_390 = arith.constant 4 : i32
      %add3A_391 = arith.addi %add3A_354, %add3A_390 : i32
      %lt3A_392 = arith.constant 250 : i32
      %lt3A_393 = arith.cmpi slt, %add3A_391, %lt3A_392 : i32
      %convert_element_type3A_394 = arith.extui %lt3A_393 : i1 to i32
      %cond3A_395 = arith.constant 0 : i32
      %cond3A_396 = arith.cmpi ne, %convert_element_type3A_394, %cond3A_395 : i32
      scf.if %cond3A_396 {
        %mul3A_485 = arith.constant 40 : i32
        %mul3A_486 = arith.muli %add3A_391, %mul3A_485 : i32
        %dma_start3A_487 = arith.constant 1 : i32
        %dma_start3A_488 = arith.constant 0 : i32
        %dma_start3A_489 = arith.constant 0 : i32
        %dma_start3A_490 = tpu.memref_slice %arg9[%dma_start3A_487, %dma_start3A_488, %dma_start3A_489] : memref<4x40x128xf32, #tpu.memory_space<vmem>> -> memref<1x40x128xf32, #tpu.memory_space<vmem>>
        %dma_start3A_491 = tpu.memref_squeeze %dma_start3A_490 : memref<1x40x128xf32, #tpu.memory_space<vmem>> -> memref<40x128xf32, #tpu.memory_space<vmem>>
        %dma_start3A_492 = tpu.memref_slice %arg7[%mul3A_486] : memref<10000xi32, #tpu.memory_space<vmem>> -> memref<40xi32, #tpu.memory_space<vmem>>
        %dma_start3A_493 = arith.constant 0 : i32
        %dma_start3A_494 = arith.constant 0 : i32
        %dma_start3A_495 = tpu.memref_slice %arg2[%dma_start3A_493, %dma_start3A_494] : memref<10000x128xf32, #tpu.memory_space<hbm>> -> memref<10000x128xf32, #tpu.memory_space<hbm>>
        tpu.enqueue_indirect_dma source(%dma_start3A_495 : memref<10000x128xf32, #tpu.memory_space<hbm>>) target(%dma_start3A_491 : memref<40x128xf32, #tpu.memory_space<vmem>>) offsets(%dma_start3A_492 : memref<40xi32, #tpu.memory_space<vmem>>) semaphore(%arg12 : memref<!tpu.dma_semaphore, #tpu.memory_space<semaphore_mem>>)
      } else {
      }
      %add3A_397 = arith.constant 2 : i32
      %add3A_398 = arith.addi %add3A_125, %add3A_397 : i32
      %jit3A_399 = arith.constant 2 : i32
      %div3A_400 = arith.divsi %add3A_398, %jit3A_399 : i32
      %sign3A_401 = arith.constant 0 : i32
      %sign3A_402 = arith.cmpi sgt, %add3A_398, %sign3A_401 : i32
      %sign3A_403 = arith.extui %sign3A_402 : i1 to i32
      %sign3A_404 = arith.constant 0 : i32
      %sign3A_405 = arith.cmpi slt, %add3A_398, %sign3A_404 : i32
      %sign3A_406 = arith.extui %sign3A_405 : i1 to i32
      %sign3A_407 = arith.subi %sign3A_403, %sign3A_406 : i32
      %sign3A_408 = arith.constant 0 : i32
      %sign3A_409 = arith.cmpi sgt, %jit3A_399, %sign3A_408 : i32
      %sign3A_410 = arith.extui %sign3A_409 : i1 to i32
      %sign3A_411 = arith.constant 0 : i32
      %sign3A_412 = arith.cmpi slt, %jit3A_399, %sign3A_411 : i32
      %sign3A_413 = arith.extui %sign3A_412 : i1 to i32
      %sign3A_414 = arith.subi %sign3A_410, %sign3A_413 : i32
      %ne3A_415 = arith.cmpi ne, %sign3A_407, %sign3A_414 : i32
      %rem3A_416 = arith.remsi %add3A_398, %jit3A_399 : i32
      %ne3A_417 = arith.constant 0 : i32
      %ne3A_418 = arith.cmpi ne, %rem3A_416, %ne3A_417 : i32
      %and3A_419 = arith.andi %ne3A_415, %ne3A_418 : i1
      %sub3A_420 = arith.constant 1 : i32
      %sub3A_421 = arith.subi %div3A_400, %sub3A_420 : i32
      %select_n3A_422 = arith.select %and3A_419, %sub3A_421, %div3A_400 : i32
      %dma_wait3A_423 = arith.constant 2 : i32
      %dma_wait3A_424 = arith.constant 0 : i32
      %dma_wait3A_425 = arith.constant 0 : i32
      %dma_wait3A_426 = tpu.memref_slice %arg9[%dma_wait3A_423, %dma_wait3A_424, %dma_wait3A_425] : memref<4x40x128xf32, #tpu.memory_space<vmem>> -> memref<1x40x128xf32, #tpu.memory_space<vmem>>
      %dma_wait3A_427 = tpu.memref_squeeze %dma_wait3A_426 : memref<1x40x128xf32, #tpu.memory_space<vmem>> -> memref<40x128xf32, #tpu.memory_space<vmem>>
      %dma_wait3A_428 = arith.constant 0 : i32
      %dma_wait3A_429 = tpu.memref_slice %arg8[%select_n3A_422, %dma_wait3A_428] : memref<125x80xi32, #tpu.memory_space<vmem>> -> memref<1x40xi32, #tpu.memory_space<vmem>>
      %dma_wait3A_430 = tpu.memref_squeeze %dma_wait3A_429 : memref<1x40xi32, #tpu.memory_space<vmem>> -> memref<40xi32, #tpu.memory_space<vmem>>
      %dma_wait3A_431 = arith.constant 0 : i32
      %dma_wait3A_432 = arith.constant 0 : i32
      %dma_wait3A_433 = tpu.memref_slice %arg10[%dma_wait3A_431, %dma_wait3A_432] : memref<10000x128xf32, #tpu.memory_space<vmem_shared>> -> memref<10000x128xf32, #tpu.memory_space<vmem_shared>>
      tpu.wait_indirect_dma semaphore(%arg17 : memref<!tpu.dma_semaphore, #tpu.memory_space<semaphore_mem>>) src(%dma_wait3A_427 : memref<40x128xf32, #tpu.memory_space<vmem>>) dst(%dma_wait3A_433 : memref<10000x128xf32, #tpu.memory_space<vmem_shared>>)
      %add3A_434 = arith.constant 4 : i32
      %add3A_435 = arith.addi %add3A_398, %add3A_434 : i32
      %lt3A_436 = arith.constant 250 : i32
      %lt3A_437 = arith.cmpi slt, %add3A_435, %lt3A_436 : i32
      %convert_element_type3A_438 = arith.extui %lt3A_437 : i1 to i32
      %cond3A_439 = arith.constant 0 : i32
      %cond3A_440 = arith.cmpi ne, %convert_element_type3A_438, %cond3A_439 : i32
      scf.if %cond3A_440 {
        %mul3A_485 = arith.constant 40 : i32
        %mul3A_486 = arith.muli %add3A_435, %mul3A_485 : i32
        %dma_start3A_487 = arith.constant 2 : i32
        %dma_start3A_488 = arith.constant 0 : i32
        %dma_start3A_489 = arith.constant 0 : i32
        %dma_start3A_490 = tpu.memref_slice %arg9[%dma_start3A_487, %dma_start3A_488, %dma_start3A_489] : memref<4x40x128xf32, #tpu.memory_space<vmem>> -> memref<1x40x128xf32, #tpu.memory_space<vmem>>
        %dma_start3A_491 = tpu.memref_squeeze %dma_start3A_490 : memref<1x40x128xf32, #tpu.memory_space<vmem>> -> memref<40x128xf32, #tpu.memory_space<vmem>>
        %dma_start3A_492 = tpu.memref_slice %arg7[%mul3A_486] : memref<10000xi32, #tpu.memory_space<vmem>> -> memref<40xi32, #tpu.memory_space<vmem>>
        %dma_start3A_493 = arith.constant 0 : i32
        %dma_start3A_494 = arith.constant 0 : i32
        %dma_start3A_495 = tpu.memref_slice %arg2[%dma_start3A_493, %dma_start3A_494] : memref<10000x128xf32, #tpu.memory_space<hbm>> -> memref<10000x128xf32, #tpu.memory_space<hbm>>
        tpu.enqueue_indirect_dma source(%dma_start3A_495 : memref<10000x128xf32, #tpu.memory_space<hbm>>) target(%dma_start3A_491 : memref<40x128xf32, #tpu.memory_space<vmem>>) offsets(%dma_start3A_492 : memref<40xi32, #tpu.memory_space<vmem>>) semaphore(%arg13 : memref<!tpu.dma_semaphore, #tpu.memory_space<semaphore_mem>>)
      } else {
      }
      %add3A_441 = arith.constant 3 : i32
      %add3A_442 = arith.addi %add3A_125, %add3A_441 : i32
      %jit3A_443 = arith.constant 2 : i32
      %div3A_444 = arith.divsi %add3A_442, %jit3A_443 : i32
      %sign3A_445 = arith.constant 0 : i32
      %sign3A_446 = arith.cmpi sgt, %add3A_442, %sign3A_445 : i32
      %sign3A_447 = arith.extui %sign3A_446 : i1 to i32
      %sign3A_448 = arith.constant 0 : i32
      %sign3A_449 = arith.cmpi slt, %add3A_442, %sign3A_448 : i32
      %sign3A_450 = arith.extui %sign3A_449 : i1 to i32
      %sign3A_451 = arith.subi %sign3A_447, %sign3A_450 : i32
      %sign3A_452 = arith.constant 0 : i32
      %sign3A_453 = arith.cmpi sgt, %jit3A_443, %sign3A_452 : i32
      %sign3A_454 = arith.extui %sign3A_453 : i1 to i32
      %sign3A_455 = arith.constant 0 : i32
      %sign3A_456 = arith.cmpi slt, %jit3A_443, %sign3A_455 : i32
      %sign3A_457 = arith.extui %sign3A_456 : i1 to i32
      %sign3A_458 = arith.subi %sign3A_454, %sign3A_457 : i32
      %ne3A_459 = arith.cmpi ne, %sign3A_451, %sign3A_458 : i32
      %rem3A_460 = arith.remsi %add3A_442, %jit3A_443 : i32
      %ne3A_461 = arith.constant 0 : i32
      %ne3A_462 = arith.cmpi ne, %rem3A_460, %ne3A_461 : i32
      %and3A_463 = arith.andi %ne3A_459, %ne3A_462 : i1
      %sub3A_464 = arith.constant 1 : i32
      %sub3A_465 = arith.subi %div3A_444, %sub3A_464 : i32
      %select_n3A_466 = arith.select %and3A_463, %sub3A_465, %div3A_444 : i32
      %dma_wait3A_467 = arith.constant 3 : i32
      %dma_wait3A_468 = arith.constant 0 : i32
      %dma_wait3A_469 = arith.constant 0 : i32
      %dma_wait3A_470 = tpu.memref_slice %arg9[%dma_wait3A_467, %dma_wait3A_468, %dma_wait3A_469] : memref<4x40x128xf32, #tpu.memory_space<vmem>> -> memref<1x40x128xf32, #tpu.memory_space<vmem>>
      %dma_wait3A_471 = tpu.memref_squeeze %dma_wait3A_470 : memref<1x40x128xf32, #tpu.memory_space<vmem>> -> memref<40x128xf32, #tpu.memory_space<vmem>>
      %dma_wait3A_472 = arith.constant 40 : i32
      %dma_wait3A_473 = tpu.memref_slice %arg8[%select_n3A_466, %dma_wait3A_472] : memref<125x80xi32, #tpu.memory_space<vmem>> -> memref<1x40xi32, #tpu.memory_space<vmem>>
      %dma_wait3A_474 = tpu.memref_squeeze %dma_wait3A_473 : memref<1x40xi32, #tpu.memory_space<vmem>> -> memref<40xi32, #tpu.memory_space<vmem>>
      %dma_wait3A_475 = arith.constant 0 : i32
      %dma_wait3A_476 = arith.constant 0 : i32
      %dma_wait3A_477 = tpu.memref_slice %arg10[%dma_wait3A_475, %dma_wait3A_476] : memref<10000x128xf32, #tpu.memory_space<vmem_shared>> -> memref<10000x128xf32, #tpu.memory_space<vmem_shared>>
      tpu.wait_indirect_dma semaphore(%arg18 : memref<!tpu.dma_semaphore, #tpu.memory_space<semaphore_mem>>) src(%dma_wait3A_471 : memref<40x128xf32, #tpu.memory_space<vmem>>) dst(%dma_wait3A_477 : memref<10000x128xf32, #tpu.memory_space<vmem_shared>>)
      %add3A_478 = arith.constant 4 : i32
      %add3A_479 = arith.addi %add3A_442, %add3A_478 : i32
      %lt3A_480 = arith.constant 250 : i32
      %lt3A_481 = arith.cmpi slt, %add3A_479, %lt3A_480 : i32
      %convert_element_type3A_482 = arith.extui %lt3A_481 : i1 to i32
      %cond3A_483 = arith.constant 0 : i32
      %cond3A_484 = arith.cmpi ne, %convert_element_type3A_482, %cond3A_483 : i32
      scf.if %cond3A_484 {
        %mul3A_485 = arith.constant 40 : i32
        %mul3A_486 = arith.muli %add3A_479, %mul3A_485 : i32
        %dma_start3A_487 = arith.constant 3 : i32
        %dma_start3A_488 = arith.constant 0 : i32
        %dma_start3A_489 = arith.constant 0 : i32
        %dma_start3A_490 = tpu.memref_slice %arg9[%dma_start3A_487, %dma_start3A_488, %dma_start3A_489] : memref<4x40x128xf32, #tpu.memory_space<vmem>> -> memref<1x40x128xf32, #tpu.memory_space<vmem>>
        %dma_start3A_491 = tpu.memref_squeeze %dma_start3A_490 : memref<1x40x128xf32, #tpu.memory_space<vmem>> -> memref<40x128xf32, #tpu.memory_space<vmem>>
        %dma_start3A_492 = tpu.memref_slice %arg7[%mul3A_486] : memref<10000xi32, #tpu.memory_space<vmem>> -> memref<40xi32, #tpu.memory_space<vmem>>
        %dma_start3A_493 = arith.constant 0 : i32
        %dma_start3A_494 = arith.constant 0 : i32
        %dma_start3A_495 = tpu.memref_slice %arg2[%dma_start3A_493, %dma_start3A_494] : memref<10000x128xf32, #tpu.memory_space<hbm>> -> memref<10000x128xf32, #tpu.memory_space<hbm>>
        tpu.enqueue_indirect_dma source(%dma_start3A_495 : memref<10000x128xf32, #tpu.memory_space<hbm>>) target(%dma_start3A_491 : memref<40x128xf32, #tpu.memory_space<vmem>>) offsets(%dma_start3A_492 : memref<40xi32, #tpu.memory_space<vmem>>) semaphore(%arg14 : memref<!tpu.dma_semaphore, #tpu.memory_space<semaphore_mem>>)
      } else {
      }
    }
    %scan3A_84 = arith.constant 62 : i32
    %dma_wait3A_85 = arith.constant 0 : i32
    %dma_wait3A_86 = arith.constant 0 : i32
    %dma_wait3A_87 = arith.constant 0 : i32
    %dma_wait3A_88 = tpu.memref_slice %arg9[%dma_wait3A_85, %dma_wait3A_86, %dma_wait3A_87] : memref<4x40x128xf32, #tpu.memory_space<vmem>> -> memref<1x40x128xf32, #tpu.memory_space<vmem>>
    %dma_wait3A_89 = tpu.memref_squeeze %dma_wait3A_88 : memref<1x40x128xf32, #tpu.memory_space<vmem>> -> memref<40x128xf32, #tpu.memory_space<vmem>>
    %dma_wait3A_90 = arith.constant 9920 : i32
    %dma_wait3A_91 = tpu.memref_slice %arg7[%dma_wait3A_90] : memref<10000xi32, #tpu.memory_space<vmem>> -> memref<40xi32, #tpu.memory_space<vmem>>
    %dma_wait3A_92 = arith.constant 0 : i32
    %dma_wait3A_93 = arith.constant 0 : i32
    %dma_wait3A_94 = tpu.memref_slice %arg2[%dma_wait3A_92, %dma_wait3A_93] : memref<10000x128xf32, #tpu.memory_space<hbm>> -> memref<10000x128xf32, #tpu.memory_space<hbm>>
    tpu.wait_indirect_dma semaphore(%arg11 : memref<!tpu.dma_semaphore, #tpu.memory_space<semaphore_mem>>) src(%dma_wait3A_94 : memref<10000x128xf32, #tpu.memory_space<hbm>>) dst(%dma_wait3A_89 : memref<40x128xf32, #tpu.memory_space<vmem>>)
    %run_scoped3A = arith.constant 0 : i32
    %run_scoped3A_95 = arith.constant 124 : i32
    "tpu.region"() ({
      %run_scoped3A_121 = tpu.sem_alloc : memref<!tpu.dma_semaphore, #tpu.memory_space<semaphore_mem>>
      %dma_start3A_122 = arith.constant 0 : i32
      %dma_start3A_123 = arith.constant 0 : i32
      %dma_start3A_124 = tpu.memref_slice %arg9[%run_scoped3A, %dma_start3A_122, %dma_start3A_123] : memref<4x40x128xf32, #tpu.memory_space<vmem>> -> memref<1x40x128xf32, #tpu.memory_space<vmem>>
      %dma_start3A_125 = tpu.memref_squeeze %dma_start3A_124 : memref<1x40x128xf32, #tpu.memory_space<vmem>> -> memref<40x128xf32, #tpu.memory_space<vmem>>
      %dma_start3A_126 = arith.constant 0 : i32
      %dma_start3A_127 = tpu.memref_slice %arg8[%run_scoped3A_95, %dma_start3A_126] : memref<125x80xi32, #tpu.memory_space<vmem>> -> memref<1x40xi32, #tpu.memory_space<vmem>>
      %dma_start3A_128 = tpu.memref_squeeze %dma_start3A_127 : memref<1x40xi32, #tpu.memory_space<vmem>> -> memref<40xi32, #tpu.memory_space<vmem>>
      %dma_start3A_129 = arith.constant 0 : i32
      %dma_start3A_130 = arith.constant 0 : i32
      %dma_start3A_131 = tpu.memref_slice %arg10[%dma_start3A_129, %dma_start3A_130] : memref<10000x128xf32, #tpu.memory_space<vmem_shared>> -> memref<10000x128xf32, #tpu.memory_space<vmem_shared>>
      tpu.enqueue_indirect_dma source(%dma_start3A_125 : memref<40x128xf32, #tpu.memory_space<vmem>>) target(%dma_start3A_131 : memref<10000x128xf32, #tpu.memory_space<vmem_shared>>) offsets(%dma_start3A_128 : memref<40xi32, #tpu.memory_space<vmem>>) semaphore(%run_scoped3A_121 : memref<!tpu.dma_semaphore, #tpu.memory_space<semaphore_mem>>) {add = true}
      %dma_wait3A_132 = arith.constant 0 : i32
      %dma_wait3A_133 = arith.constant 0 : i32
      %dma_wait3A_134 = tpu.memref_slice %arg9[%run_scoped3A, %dma_wait3A_132, %dma_wait3A_133] : memref<4x40x128xf32, #tpu.memory_space<vmem>> -> memref<1x40x128xf32, #tpu.memory_space<vmem>>
      %dma_wait3A_135 = tpu.memref_squeeze %dma_wait3A_134 : memref<1x40x128xf32, #tpu.memory_space<vmem>> -> memref<40x128xf32, #tpu.memory_space<vmem>>
      %dma_wait3A_136 = arith.constant 0 : i32
      %dma_wait3A_137 = tpu.memref_slice %arg8[%run_scoped3A_95, %dma_wait3A_136] : memref<125x80xi32, #tpu.memory_space<vmem>> -> memref<1x40xi32, #tpu.memory_space<vmem>>
      %dma_wait3A_138 = tpu.memref_squeeze %dma_wait3A_137 : memref<1x40xi32, #tpu.memory_space<vmem>> -> memref<40xi32, #tpu.memory_space<vmem>>
      %dma_wait3A_139 = arith.constant 0 : i32
      %dma_wait3A_140 = arith.constant 0 : i32
      %dma_wait3A_141 = tpu.memref_slice %arg10[%dma_wait3A_139, %dma_wait3A_140] : memref<10000x128xf32, #tpu.memory_space<vmem_shared>> -> memref<10000x128xf32, #tpu.memory_space<vmem_shared>>
      tpu.wait_indirect_dma semaphore(%run_scoped3A_121 : memref<!tpu.dma_semaphore, #tpu.memory_space<semaphore_mem>>) src(%dma_wait3A_135 : memref<40x128xf32, #tpu.memory_space<vmem>>) dst(%dma_wait3A_141 : memref<10000x128xf32, #tpu.memory_space<vmem_shared>>)
      tpu.yield
    }) : () -> ()
    %dma_wait3A_96 = arith.constant 1 : i32
    %dma_wait3A_97 = arith.constant 0 : i32
    %dma_wait3A_98 = arith.constant 0 : i32
    %dma_wait3A_99 = tpu.memref_slice %arg9[%dma_wait3A_96, %dma_wait3A_97, %dma_wait3A_98] : memref<4x40x128xf32, #tpu.memory_space<vmem>> -> memref<1x40x128xf32, #tpu.memory_space<vmem>>
    %dma_wait3A_100 = tpu.memref_squeeze %dma_wait3A_99 : memref<1x40x128xf32, #tpu.memory_space<vmem>> -> memref<40x128xf32, #tpu.memory_space<vmem>>
    %dma_wait3A_101 = arith.constant 9960 : i32
    %dma_wait3A_102 = tpu.memref_slice %arg7[%dma_wait3A_101] : memref<10000xi32, #tpu.memory_space<vmem>> -> memref<40xi32, #tpu.memory_space<vmem>>
    %dma_wait3A_103 = arith.constant 0 : i32
    %dma_wait3A_104 = arith.constant 0 : i32
    %dma_wait3A_105 = tpu.memref_slice %arg2[%dma_wait3A_103, %dma_wait3A_104] : memref<10000x128xf32, #tpu.memory_space<hbm>> -> memref<10000x128xf32, #tpu.memory_space<hbm>>
    tpu.wait_indirect_dma semaphore(%arg12 : memref<!tpu.dma_semaphore, #tpu.memory_space<semaphore_mem>>) src(%dma_wait3A_105 : memref<10000x128xf32, #tpu.memory_space<hbm>>) dst(%dma_wait3A_100 : memref<40x128xf32, #tpu.memory_space<vmem>>)
    %run_scoped3A_106 = arith.constant 1 : i32
    %run_scoped3A_107 = arith.constant 124 : i32
    "tpu.region"() ({
      %run_scoped3A_121 = tpu.sem_alloc : memref<!tpu.dma_semaphore, #tpu.memory_space<semaphore_mem>>
      %dma_start3A_122 = arith.constant 0 : i32
      %dma_start3A_123 = arith.constant 0 : i32
      %dma_start3A_124 = tpu.memref_slice %arg9[%run_scoped3A_106, %dma_start3A_122, %dma_start3A_123] : memref<4x40x128xf32, #tpu.memory_space<vmem>> -> memref<1x40x128xf32, #tpu.memory_space<vmem>>
      %dma_start3A_125 = tpu.memref_squeeze %dma_start3A_124 : memref<1x40x128xf32, #tpu.memory_space<vmem>> -> memref<40x128xf32, #tpu.memory_space<vmem>>
      %dma_start3A_126 = arith.constant 40 : i32
      %dma_start3A_127 = tpu.memref_slice %arg8[%run_scoped3A_107, %dma_start3A_126] : memref<125x80xi32, #tpu.memory_space<vmem>> -> memref<1x40xi32, #tpu.memory_space<vmem>>
      %dma_start3A_128 = tpu.memref_squeeze %dma_start3A_127 : memref<1x40xi32, #tpu.memory_space<vmem>> -> memref<40xi32, #tpu.memory_space<vmem>>
      %dma_start3A_129 = arith.constant 0 : i32
      %dma_start3A_130 = arith.constant 0 : i32
      %dma_start3A_131 = tpu.memref_slice %arg10[%dma_start3A_129, %dma_start3A_130] : memref<10000x128xf32, #tpu.memory_space<vmem_shared>> -> memref<10000x128xf32, #tpu.memory_space<vmem_shared>>
      tpu.enqueue_indirect_dma source(%dma_start3A_125 : memref<40x128xf32, #tpu.memory_space<vmem>>) target(%dma_start3A_131 : memref<10000x128xf32, #tpu.memory_space<vmem_shared>>) offsets(%dma_start3A_128 : memref<40xi32, #tpu.memory_space<vmem>>) semaphore(%run_scoped3A_121 : memref<!tpu.dma_semaphore, #tpu.memory_space<semaphore_mem>>) {add = true}
      %dma_wait3A_132 = arith.constant 0 : i32
      %dma_wait3A_133 = arith.constant 0 : i32
      %dma_wait3A_134 = tpu.memref_slice %arg9[%run_scoped3A_106, %dma_wait3A_132, %dma_wait3A_133] : memref<4x40x128xf32, #tpu.memory_space<vmem>> -> memref<1x40x128xf32, #tpu.memory_space<vmem>>
      %dma_wait3A_135 = tpu.memref_squeeze %dma_wait3A_134 : memref<1x40x128xf32, #tpu.memory_space<vmem>> -> memref<40x128xf32, #tpu.memory_space<vmem>>
      %dma_wait3A_136 = arith.constant 40 : i32
      %dma_wait3A_137 = tpu.memref_slice %arg8[%run_scoped3A_107, %dma_wait3A_136] : memref<125x80xi32, #tpu.memory_space<vmem>> -> memref<1x40xi32, #tpu.memory_space<vmem>>
      %dma_wait3A_138 = tpu.memref_squeeze %dma_wait3A_137 : memref<1x40xi32, #tpu.memory_space<vmem>> -> memref<40xi32, #tpu.memory_space<vmem>>
      %dma_wait3A_139 = arith.constant 0 : i32
      %dma_wait3A_140 = arith.constant 0 : i32
      %dma_wait3A_141 = tpu.memref_slice %arg10[%dma_wait3A_139, %dma_wait3A_140] : memref<10000x128xf32, #tpu.memory_space<vmem_shared>> -> memref<10000x128xf32, #tpu.memory_space<vmem_shared>>
      tpu.wait_indirect_dma semaphore(%run_scoped3A_121 : memref<!tpu.dma_semaphore, #tpu.memory_space<semaphore_mem>>) src(%dma_wait3A_135 : memref<40x128xf32, #tpu.memory_space<vmem>>) dst(%dma_wait3A_141 : memref<10000x128xf32, #tpu.memory_space<vmem_shared>>)
      tpu.yield
    }) : () -> ()
    %barrier3A_108 = arith.constant 0 : index
    tpu.barrier barrier_id(%barrier3A_108)
    %mul3A_109 = arith.constant 624 : i32
    %mul3A_110 = arith.muli %arg1, %mul3A_109 : i32
    %mul3A_111 = arith.constant 10000 : i32
    %mul3A_112 = arith.muli %arg0, %mul3A_111 : i32
    %mul3A_113 = arith.constant 624 : i32
    %mul3A_114 = arith.muli %arg1, %mul3A_113 : i32
    %add3A_115 = arith.addi %mul3A_112, %mul3A_114 : i32
    "tpu.region"() ({
      %run_scoped3A_121 = tpu.sem_alloc : memref<!tpu.dma_semaphore, #tpu.memory_space<semaphore_mem>>
      %dma_start3A_122 = arith.constant 0 : i32
      %dma_start3A_123 = tpu.memref_slice %arg6[%add3A_115, %dma_start3A_122] : memref<20000x128xf32, #tpu.memory_space<hbm>> -> memref<624x128xf32, #tpu.memory_space<hbm>>
      %dma_start3A_124 = arith.constant 0 : i32
      %dma_start3A_125 = tpu.memref_slice %arg10[%mul3A_110, %dma_start3A_124] : memref<10000x128xf32, #tpu.memory_space<vmem_shared>> -> memref<624x128xf32, #tpu.memory_space<vmem_shared>>
      tpu.enqueue_dma source(%dma_start3A_125 : memref<624x128xf32, #tpu.memory_space<vmem_shared>>) target(%dma_start3A_123 : memref<624x128xf32, #tpu.memory_space<hbm>>) target_semaphore(%run_scoped3A_121 : memref<!tpu.dma_semaphore, #tpu.memory_space<semaphore_mem>>)
      %dma_wait3A_126 = arith.constant 0 : i32
      %dma_wait3A_127 = tpu.memref_slice %arg6[%add3A_115, %dma_wait3A_126] : memref<20000x128xf32, #tpu.memory_space<hbm>> -> memref<624x128xf32, #tpu.memory_space<hbm>>
      %dma_wait3A_128 = arith.constant 0 : i32
      %dma_wait3A_129 = tpu.memref_slice %arg10[%mul3A_110, %dma_wait3A_128] : memref<10000x128xf32, #tpu.memory_space<vmem_shared>> -> memref<624x128xf32, #tpu.memory_space<vmem_shared>>
      tpu.wait_dma2 semaphore(%run_scoped3A_121 : memref<!tpu.dma_semaphore, #tpu.memory_space<semaphore_mem>>) src(%dma_wait3A_129 : memref<624x128xf32, #tpu.memory_space<vmem_shared>>) dst(%dma_wait3A_127 : memref<624x128xf32, #tpu.memory_space<hbm>>)
      tpu.yield
    }) : () -> ()
    %eq3A_116 = arith.constant 15 : i32
    %eq3A_117 = arith.cmpi eq, %arg1, %eq3A_116 : i32
    %convert_element_type3A_118 = arith.extui %eq3A_117 : i1 to i32
    %cond3A_119 = arith.constant 0 : i32
    %cond3A_120 = arith.cmpi ne, %convert_element_type3A_118, %cond3A_119 : i32
    scf.if %cond3A_120 {
      %mul3A_121 = arith.constant 10000 : i32
      %mul3A_122 = arith.muli %arg0, %mul3A_121 : i32
      %add3A_123 = arith.constant 9984 : i32
      %add3A_124 = arith.addi %mul3A_122, %add3A_123 : i32
      "tpu.region"() ({
        %run_scoped3A_125 = tpu.sem_alloc : memref<!tpu.dma_semaphore, #tpu.memory_space<semaphore_mem>>
        %dma_start3A_126 = arith.constant 0 : i32
        %dma_start3A_127 = tpu.memref_slice %arg6[%add3A_124, %dma_start3A_126] : memref<20000x128xf32, #tpu.memory_space<hbm>> -> memref<16x128xf32, #tpu.memory_space<hbm>>
        %dma_start3A_128 = arith.constant 9984 : i32
        %dma_start3A_129 = arith.constant 0 : i32
        %dma_start3A_130 = tpu.memref_slice %arg10[%dma_start3A_128, %dma_start3A_129] : memref<10000x128xf32, #tpu.memory_space<vmem_shared>> -> memref<16x128xf32, #tpu.memory_space<vmem_shared>>
        tpu.enqueue_dma source(%dma_start3A_130 : memref<16x128xf32, #tpu.memory_space<vmem_shared>>) target(%dma_start3A_127 : memref<16x128xf32, #tpu.memory_space<hbm>>) target_semaphore(%run_scoped3A_125 : memref<!tpu.dma_semaphore, #tpu.memory_space<semaphore_mem>>)
        %dma_wait3A_131 = arith.constant 0 : i32
        %dma_wait3A_132 = tpu.memref_slice %arg6[%add3A_124, %dma_wait3A_131] : memref<20000x128xf32, #tpu.memory_space<hbm>> -> memref<16x128xf32, #tpu.memory_space<hbm>>
        %dma_wait3A_133 = arith.constant 9984 : i32
        %dma_wait3A_134 = arith.constant 0 : i32
        %dma_wait3A_135 = tpu.memref_slice %arg10[%dma_wait3A_133, %dma_wait3A_134] : memref<10000x128xf32, #tpu.memory_space<vmem_shared>> -> memref<16x128xf32, #tpu.memory_space<vmem_shared>>
        tpu.wait_dma2 semaphore(%run_scoped3A_125 : memref<!tpu.dma_semaphore, #tpu.memory_space<semaphore_mem>>) src(%dma_wait3A_135 : memref<16x128xf32, #tpu.memory_space<vmem_shared>>) dst(%dma_wait3A_132 : memref<16x128xf32, #tpu.memory_space<hbm>>)
        tpu.yield
      }) : () -> ()
    } else {
    }
    return
  }
}

#map = affine_map<(d0, d1) -> (0, 0, 0)>
#map1 = affine_map<(d0, d1) -> (0, 0)>
module attributes {stable_mosaic.version = 14 : i64} {
  func.func @kern(%arg0: i32, %arg1: i32, %arg2: memref<32x125x80xi32, #tpu.memory_space<hbm>>, %arg3: memref<624x16xf32, #tpu.memory_space<hbm>>, %arg4: memref<20000x16xf32, #tpu.memory_space<hbm>>, %arg5: memref<125x80xi32, #tpu.memory_space<vmem>>, %arg6: memref<80x16xf32, #tpu.memory_space<vmem>>, %arg7: memref<10000x16xf32, #tpu.memory_space<vmem_shared>>, %arg8: memref<!tpu.dma_semaphore, #tpu.memory_space<semaphore_mem>>, %arg9: memref<!tpu.dma_semaphore, #tpu.memory_space<semaphore_mem>>, %arg10: memref<!tpu.dma_semaphore, #tpu.memory_space<semaphore_mem>>, %arg11: memref<!tpu.dma_semaphore, #tpu.memory_space<semaphore_mem>>) attributes {dimension_semantics = [#tpu.dimension_semantics<core_parallel>, #tpu.dimension_semantics<subcore_parallel>], iteration_bounds = array<i64: 2, 16>, scalar_prefetch = 0 : i64, scratch_operands = 7 : i64, tpu.core_type = #tpu.core_type<sc_vector_subcore>, window_params = [{transform_indices = #map}, {transform_indices = #map1}, {transform_indices = #map1}]} {
    %mul3A = arith.constant 2 : i32
    %mul3A_0 = arith.muli %arg1, %mul3A : i32
    %add3A = arith.addi %mul3A_0, %arg0 : i32
    "tpu.region"() ({
      %run_scoped3A_32 = tpu.sem_alloc : memref<!tpu.dma_semaphore, #tpu.memory_space<semaphore_mem>>
      %dma_start3A = arith.constant 0 : i32
      %dma_start3A_33 = arith.constant 0 : i32
      %dma_start3A_34 = tpu.memref_slice %arg2[%add3A, %dma_start3A, %dma_start3A_33] : memref<32x125x80xi32, #tpu.memory_space<hbm>> -> memref<1x125x80xi32, #tpu.memory_space<hbm>>
      %dma_start3A_35 = tpu.memref_squeeze %dma_start3A_34 : memref<1x125x80xi32, #tpu.memory_space<hbm>> -> memref<125x80xi32, #tpu.memory_space<hbm>>
      %dma_start3A_36 = arith.constant 0 : i32
      %dma_start3A_37 = arith.constant 0 : i32
      %dma_start3A_38 = tpu.memref_slice %arg2[%add3A, %dma_start3A_36, %dma_start3A_37] : memref<32x125x80xi32, #tpu.memory_space<hbm>> -> memref<1x125x80xi32, #tpu.memory_space<hbm>>
      %dma_start3A_39 = tpu.memref_squeeze %dma_start3A_38 : memref<1x125x80xi32, #tpu.memory_space<hbm>> -> memref<125x80xi32, #tpu.memory_space<hbm>>
      tpu.enqueue_dma source(%dma_start3A_39 : memref<125x80xi32, #tpu.memory_space<hbm>>) target(%arg5 : memref<125x80xi32, #tpu.memory_space<vmem>>) target_semaphore(%run_scoped3A_32 : memref<!tpu.dma_semaphore, #tpu.memory_space<semaphore_mem>>)
      %dma_wait3A = arith.constant 0 : i32
      %dma_wait3A_40 = arith.constant 0 : i32
      %dma_wait3A_41 = tpu.memref_slice %arg2[%add3A, %dma_wait3A, %dma_wait3A_40] : memref<32x125x80xi32, #tpu.memory_space<hbm>> -> memref<1x125x80xi32, #tpu.memory_space<hbm>>
      %dma_wait3A_42 = tpu.memref_squeeze %dma_wait3A_41 : memref<1x125x80xi32, #tpu.memory_space<hbm>> -> memref<125x80xi32, #tpu.memory_space<hbm>>
      %dma_wait3A_43 = arith.constant 0 : i32
      %dma_wait3A_44 = arith.constant 0 : i32
      %dma_wait3A_45 = tpu.memref_slice %arg2[%add3A, %dma_wait3A_43, %dma_wait3A_44] : memref<32x125x80xi32, #tpu.memory_space<hbm>> -> memref<1x125x80xi32, #tpu.memory_space<hbm>>
      %dma_wait3A_46 = tpu.memref_squeeze %dma_wait3A_45 : memref<1x125x80xi32, #tpu.memory_space<hbm>> -> memref<125x80xi32, #tpu.memory_space<hbm>>
      tpu.wait_dma2 semaphore(%run_scoped3A_32 : memref<!tpu.dma_semaphore, #tpu.memory_space<semaphore_mem>>) src(%dma_wait3A_46 : memref<125x80xi32, #tpu.memory_space<hbm>>) dst(%arg5 : memref<125x80xi32, #tpu.memory_space<vmem>>)
      tpu.yield
    }) : () -> ()
    %iota3A = tpu.iota {dimensions = array<i32: 0>} : vector<16xi32>
    %eq3A = arith.constant 0 : i32
    %eq3A_1 = vector.broadcast %eq3A : i32 to vector<16xi32>
    %eq3A_2 = arith.cmpi eq, %iota3A, %eq3A_1 : vector<16xi32>
    %jit3A = arith.constant 1.000000e+00 : f32
    %jit3A_3 = arith.constant 0.000000e+00 : f32
    %broadcast_in_dim3A = vector.broadcast %jit3A : f32 to vector<16xf32>
    %broadcast_in_dim3A_4 = vector.broadcast %jit3A_3 : f32 to vector<16xf32>
    %select_n3A = arith.select %eq3A_2, %broadcast_in_dim3A, %broadcast_in_dim3A_4 : vector<16xi1>, vector<16xf32>
    %scan3A = arith.constant 0 : i32
    %scan3A_5 = arith.constant 80 : i32
    %scan3A_6 = arith.addi %scan3A, %scan3A_5 : i32
    %scan3A_7 = arith.constant 1 : i32
    scf.for %scan3A_32 = %scan3A to %scan3A_6 step %scan3A_7  : i32 {
      %mul3A_33 = arith.constant 1 : i32
      %mul3A_34 = arith.muli %scan3A_32, %mul3A_33 : i32
      %add3A_35 = arith.constant 0 : i32
      %add3A_36 = arith.addi %add3A_35, %mul3A_34 : i32
      %swap3A = arith.index_cast %add3A_36 : i32 to index
      %swap3A_37 = arith.constant 0 : index
      %swap3A_38 = tpu.vector_load %arg6[%swap3A, %swap3A_37] {strides = array<i32>} : memref<80x16xf32, #tpu.memory_space<vmem>>, vector<1x16xf32>,
      %swap3A_39 = vector.shape_cast %swap3A_38 : vector<1x16xf32> to vector<16xf32>
      %swap3A_40 = vector.shape_cast %select_n3A : vector<16xf32> to vector<1x16xf32>
      tpu.vector_store %arg6[%swap3A, %swap3A_37], %swap3A_40 {strides = array<i32>} : memref<80x16xf32, #tpu.memory_space<vmem>>, vector<1x16xf32>,
    }
    %scan3A_8 = arith.constant 80 : i32
    %mul3A_9 = arith.constant 624 : i32
    %mul3A_10 = arith.muli %arg1, %mul3A_9 : i32
    "tpu.region"() ({
      %run_scoped3A_32 = tpu.sem_alloc : memref<!tpu.dma_semaphore, #tpu.memory_space<semaphore_mem>>
      %dma_start3A = arith.constant 0 : i32
      %dma_start3A_33 = tpu.memref_slice %arg7[%mul3A_10, %dma_start3A] : memref<10000x16xf32, #tpu.memory_space<vmem_shared>> -> memref<624x16xf32, #tpu.memory_space<vmem_shared>>
      %dma_start3A_34 = arith.constant 0 : i32
      %dma_start3A_35 = arith.constant 0 : i32
      %dma_start3A_36 = tpu.memref_slice %arg3[%dma_start3A_34, %dma_start3A_35] : memref<624x16xf32, #tpu.memory_space<hbm>> -> memref<624x16xf32, #tpu.memory_space<hbm>>
      tpu.enqueue_dma source(%dma_start3A_36 : memref<624x16xf32, #tpu.memory_space<hbm>>) target(%dma_start3A_33 : memref<624x16xf32, #tpu.memory_space<vmem_shared>>) target_semaphore(%run_scoped3A_32 : memref<!tpu.dma_semaphore, #tpu.memory_space<semaphore_mem>>)
      %dma_wait3A = arith.constant 0 : i32
      %dma_wait3A_37 = tpu.memref_slice %arg7[%mul3A_10, %dma_wait3A] : memref<10000x16xf32, #tpu.memory_space<vmem_shared>> -> memref<624x16xf32, #tpu.memory_space<vmem_shared>>
      %dma_wait3A_38 = arith.constant 0 : i32
      %dma_wait3A_39 = arith.constant 0 : i32
      %dma_wait3A_40 = tpu.memref_slice %arg3[%dma_wait3A_38, %dma_wait3A_39] : memref<624x16xf32, #tpu.memory_space<hbm>> -> memref<624x16xf32, #tpu.memory_space<hbm>>
      tpu.wait_dma2 semaphore(%run_scoped3A_32 : memref<!tpu.dma_semaphore, #tpu.memory_space<semaphore_mem>>) src(%dma_wait3A_40 : memref<624x16xf32, #tpu.memory_space<hbm>>) dst(%dma_wait3A_37 : memref<624x16xf32, #tpu.memory_space<vmem_shared>>)
      tpu.yield
    }) : () -> ()
    %eq3A_11 = arith.constant 15 : i32
    %eq3A_12 = arith.cmpi eq, %arg1, %eq3A_11 : i32
    %convert_element_type3A = arith.extui %eq3A_12 : i1 to i32
    %cond3A = arith.constant 0 : i32
    %cond3A_13 = arith.cmpi ne, %convert_element_type3A, %cond3A : i32
    scf.if %cond3A_13 {
      "tpu.region"() ({
        %run_scoped3A_32 = tpu.sem_alloc : memref<!tpu.dma_semaphore, #tpu.memory_space<semaphore_mem>>
        %dma_start3A = arith.constant 9984 : i32
        %dma_start3A_33 = arith.constant 0 : i32
        %dma_start3A_34 = tpu.memref_slice %arg7[%dma_start3A, %dma_start3A_33] : memref<10000x16xf32, #tpu.memory_space<vmem_shared>> -> memref<16x16xf32, #tpu.memory_space<vmem_shared>>
        %dma_start3A_35 = arith.constant 0 : i32
        %dma_start3A_36 = arith.constant 0 : i32
        %dma_start3A_37 = tpu.memref_slice %arg3[%dma_start3A_35, %dma_start3A_36] : memref<624x16xf32, #tpu.memory_space<hbm>> -> memref<16x16xf32, #tpu.memory_space<hbm>>
        tpu.enqueue_dma source(%dma_start3A_37 : memref<16x16xf32, #tpu.memory_space<hbm>>) target(%dma_start3A_34 : memref<16x16xf32, #tpu.memory_space<vmem_shared>>) target_semaphore(%run_scoped3A_32 : memref<!tpu.dma_semaphore, #tpu.memory_space<semaphore_mem>>)
        %dma_wait3A = arith.constant 9984 : i32
        %dma_wait3A_38 = arith.constant 0 : i32
        %dma_wait3A_39 = tpu.memref_slice %arg7[%dma_wait3A, %dma_wait3A_38] : memref<10000x16xf32, #tpu.memory_space<vmem_shared>> -> memref<16x16xf32, #tpu.memory_space<vmem_shared>>
        %dma_wait3A_40 = arith.constant 0 : i32
        %dma_wait3A_41 = arith.constant 0 : i32
        %dma_wait3A_42 = tpu.memref_slice %arg3[%dma_wait3A_40, %dma_wait3A_41] : memref<624x16xf32, #tpu.memory_space<hbm>> -> memref<16x16xf32, #tpu.memory_space<hbm>>
        tpu.wait_dma2 semaphore(%run_scoped3A_32 : memref<!tpu.dma_semaphore, #tpu.memory_space<semaphore_mem>>) src(%dma_wait3A_42 : memref<16x16xf32, #tpu.memory_space<hbm>>) dst(%dma_wait3A_39 : memref<16x16xf32, #tpu.memory_space<vmem_shared>>)
        tpu.yield
      }) : () -> ()
    } else {
    }
    %barrier3A = arith.constant 0 : index
    tpu.barrier barrier_id(%barrier3A)
    %scan3A_14 = arith.constant 0 : i32
    %scan3A_15 = arith.constant 31 : i32
    %scan3A_16 = arith.addi %scan3A_14, %scan3A_15 : i32
    %scan3A_17 = arith.constant 1 : i32
    scf.for %scan3A_32 = %scan3A_14 to %scan3A_16 step %scan3A_17  : i32 {
      %mul3A_33 = arith.constant 4 : i32
      %mul3A_34 = arith.muli %scan3A_32, %mul3A_33 : i32
      %add3A_35 = arith.constant 0 : i32
      %add3A_36 = arith.addi %add3A_35, %mul3A_34 : i32
      %add3A_37 = arith.constant 0 : i32
      %add3A_38 = arith.addi %add3A_36, %add3A_37 : i32
      %dma_start3A = arith.constant 0 : i32
      %dma_start3A_39 = tpu.memref_slice %arg5[%add3A_38, %dma_start3A] : memref<125x80xi32, #tpu.memory_space<vmem>> -> memref<1x80xi32, #tpu.memory_space<vmem>>
      %dma_start3A_40 = tpu.memref_squeeze %dma_start3A_39 : memref<1x80xi32, #tpu.memory_space<vmem>> -> memref<80xi32, #tpu.memory_space<vmem>>
      %dma_start3A_41 = arith.constant 0 : i32
      %dma_start3A_42 = arith.constant 0 : i32
      %dma_start3A_43 = tpu.memref_slice %arg7[%dma_start3A_41, %dma_start3A_42] : memref<10000x16xf32, #tpu.memory_space<vmem_shared>> -> memref<10000x16xf32, #tpu.memory_space<vmem_shared>>
      tpu.enqueue_indirect_dma source(%arg6 : memref<80x16xf32, #tpu.memory_space<vmem>>) target(%dma_start3A_43 : memref<10000x16xf32, #tpu.memory_space<vmem_shared>>) offsets(%dma_start3A_40 : memref<80xi32, #tpu.memory_space<vmem>>) semaphore(%arg8 : memref<!tpu.dma_semaphore, #tpu.memory_space<semaphore_mem>>) {add = true}
      %add3A_44 = arith.constant 1 : i32
      %add3A_45 = arith.addi %add3A_36, %add3A_44 : i32
      %dma_start3A_46 = arith.constant 0 : i32
      %dma_start3A_47 = tpu.memref_slice %arg5[%add3A_45, %dma_start3A_46] : memref<125x80xi32, #tpu.memory_space<vmem>> -> memref<1x80xi32, #tpu.memory_space<vmem>>
      %dma_start3A_48 = tpu.memref_squeeze %dma_start3A_47 : memref<1x80xi32, #tpu.memory_space<vmem>> -> memref<80xi32, #tpu.memory_space<vmem>>
      %dma_start3A_49 = arith.constant 0 : i32
      %dma_start3A_50 = arith.constant 0 : i32
      %dma_start3A_51 = tpu.memref_slice %arg7[%dma_start3A_49, %dma_start3A_50] : memref<10000x16xf32, #tpu.memory_space<vmem_shared>> -> memref<10000x16xf32, #tpu.memory_space<vmem_shared>>
      tpu.enqueue_indirect_dma source(%arg6 : memref<80x16xf32, #tpu.memory_space<vmem>>) target(%dma_start3A_51 : memref<10000x16xf32, #tpu.memory_space<vmem_shared>>) offsets(%dma_start3A_48 : memref<80xi32, #tpu.memory_space<vmem>>) semaphore(%arg9 : memref<!tpu.dma_semaphore, #tpu.memory_space<semaphore_mem>>) {add = true}
      %add3A_52 = arith.constant 2 : i32
      %add3A_53 = arith.addi %add3A_36, %add3A_52 : i32
      %dma_start3A_54 = arith.constant 0 : i32
      %dma_start3A_55 = tpu.memref_slice %arg5[%add3A_53, %dma_start3A_54] : memref<125x80xi32, #tpu.memory_space<vmem>> -> memref<1x80xi32, #tpu.memory_space<vmem>>
      %dma_start3A_56 = tpu.memref_squeeze %dma_start3A_55 : memref<1x80xi32, #tpu.memory_space<vmem>> -> memref<80xi32, #tpu.memory_space<vmem>>
      %dma_start3A_57 = arith.constant 0 : i32
      %dma_start3A_58 = arith.constant 0 : i32
      %dma_start3A_59 = tpu.memref_slice %arg7[%dma_start3A_57, %dma_start3A_58] : memref<10000x16xf32, #tpu.memory_space<vmem_shared>> -> memref<10000x16xf32, #tpu.memory_space<vmem_shared>>
      tpu.enqueue_indirect_dma source(%arg6 : memref<80x16xf32, #tpu.memory_space<vmem>>) target(%dma_start3A_59 : memref<10000x16xf32, #tpu.memory_space<vmem_shared>>) offsets(%dma_start3A_56 : memref<80xi32, #tpu.memory_space<vmem>>) semaphore(%arg10 : memref<!tpu.dma_semaphore, #tpu.memory_space<semaphore_mem>>) {add = true}
      %add3A_60 = arith.constant 3 : i32
      %add3A_61 = arith.addi %add3A_36, %add3A_60 : i32
      %dma_start3A_62 = arith.constant 0 : i32
      %dma_start3A_63 = tpu.memref_slice %arg5[%add3A_61, %dma_start3A_62] : memref<125x80xi32, #tpu.memory_space<vmem>> -> memref<1x80xi32, #tpu.memory_space<vmem>>
      %dma_start3A_64 = tpu.memref_squeeze %dma_start3A_63 : memref<1x80xi32, #tpu.memory_space<vmem>> -> memref<80xi32, #tpu.memory_space<vmem>>
      %dma_start3A_65 = arith.constant 0 : i32
      %dma_start3A_66 = arith.constant 0 : i32
      %dma_start3A_67 = tpu.memref_slice %arg7[%dma_start3A_65, %dma_start3A_66] : memref<10000x16xf32, #tpu.memory_space<vmem_shared>> -> memref<10000x16xf32, #tpu.memory_space<vmem_shared>>
      tpu.enqueue_indirect_dma source(%arg6 : memref<80x16xf32, #tpu.memory_space<vmem>>) target(%dma_start3A_67 : memref<10000x16xf32, #tpu.memory_space<vmem_shared>>) offsets(%dma_start3A_64 : memref<80xi32, #tpu.memory_space<vmem>>) semaphore(%arg11 : memref<!tpu.dma_semaphore, #tpu.memory_space<semaphore_mem>>) {add = true}
      %add3A_68 = arith.constant 0 : i32
      %add3A_69 = arith.addi %add3A_36, %add3A_68 : i32
      %dma_wait3A = arith.constant 0 : i32
      %dma_wait3A_70 = tpu.memref_slice %arg5[%add3A_69, %dma_wait3A] : memref<125x80xi32, #tpu.memory_space<vmem>> -> memref<1x80xi32, #tpu.memory_space<vmem>>
      %dma_wait3A_71 = tpu.memref_squeeze %dma_wait3A_70 : memref<1x80xi32, #tpu.memory_space<vmem>> -> memref<80xi32, #tpu.memory_space<vmem>>
      %dma_wait3A_72 = arith.constant 0 : i32
      %dma_wait3A_73 = arith.constant 0 : i32
      %dma_wait3A_74 = tpu.memref_slice %arg7[%dma_wait3A_72, %dma_wait3A_73] : memref<10000x16xf32, #tpu.memory_space<vmem_shared>> -> memref<10000x16xf32, #tpu.memory_space<vmem_shared>>
      tpu.wait_indirect_dma semaphore(%arg8 : memref<!tpu.dma_semaphore, #tpu.memory_space<semaphore_mem>>) src(%arg6 : memref<80x16xf32, #tpu.memory_space<vmem>>) dst(%dma_wait3A_74 : memref<10000x16xf32, #tpu.memory_space<vmem_shared>>)
      %add3A_75 = arith.constant 1 : i32
      %add3A_76 = arith.addi %add3A_36, %add3A_75 : i32
      %dma_wait3A_77 = arith.constant 0 : i32
      %dma_wait3A_78 = tpu.memref_slice %arg5[%add3A_76, %dma_wait3A_77] : memref<125x80xi32, #tpu.memory_space<vmem>> -> memref<1x80xi32, #tpu.memory_space<vmem>>
      %dma_wait3A_79 = tpu.memref_squeeze %dma_wait3A_78 : memref<1x80xi32, #tpu.memory_space<vmem>> -> memref<80xi32, #tpu.memory_space<vmem>>
      %dma_wait3A_80 = arith.constant 0 : i32
      %dma_wait3A_81 = arith.constant 0 : i32
      %dma_wait3A_82 = tpu.memref_slice %arg7[%dma_wait3A_80, %dma_wait3A_81] : memref<10000x16xf32, #tpu.memory_space<vmem_shared>> -> memref<10000x16xf32, #tpu.memory_space<vmem_shared>>
      tpu.wait_indirect_dma semaphore(%arg9 : memref<!tpu.dma_semaphore, #tpu.memory_space<semaphore_mem>>) src(%arg6 : memref<80x16xf32, #tpu.memory_space<vmem>>) dst(%dma_wait3A_82 : memref<10000x16xf32, #tpu.memory_space<vmem_shared>>)
      %add3A_83 = arith.constant 2 : i32
      %add3A_84 = arith.addi %add3A_36, %add3A_83 : i32
      %dma_wait3A_85 = arith.constant 0 : i32
      %dma_wait3A_86 = tpu.memref_slice %arg5[%add3A_84, %dma_wait3A_85] : memref<125x80xi32, #tpu.memory_space<vmem>> -> memref<1x80xi32, #tpu.memory_space<vmem>>
      %dma_wait3A_87 = tpu.memref_squeeze %dma_wait3A_86 : memref<1x80xi32, #tpu.memory_space<vmem>> -> memref<80xi32, #tpu.memory_space<vmem>>
      %dma_wait3A_88 = arith.constant 0 : i32
      %dma_wait3A_89 = arith.constant 0 : i32
      %dma_wait3A_90 = tpu.memref_slice %arg7[%dma_wait3A_88, %dma_wait3A_89] : memref<10000x16xf32, #tpu.memory_space<vmem_shared>> -> memref<10000x16xf32, #tpu.memory_space<vmem_shared>>
      tpu.wait_indirect_dma semaphore(%arg10 : memref<!tpu.dma_semaphore, #tpu.memory_space<semaphore_mem>>) src(%arg6 : memref<80x16xf32, #tpu.memory_space<vmem>>) dst(%dma_wait3A_90 : memref<10000x16xf32, #tpu.memory_space<vmem_shared>>)
      %add3A_91 = arith.constant 3 : i32
      %add3A_92 = arith.addi %add3A_36, %add3A_91 : i32
      %dma_wait3A_93 = arith.constant 0 : i32
      %dma_wait3A_94 = tpu.memref_slice %arg5[%add3A_92, %dma_wait3A_93] : memref<125x80xi32, #tpu.memory_space<vmem>> -> memref<1x80xi32, #tpu.memory_space<vmem>>
      %dma_wait3A_95 = tpu.memref_squeeze %dma_wait3A_94 : memref<1x80xi32, #tpu.memory_space<vmem>> -> memref<80xi32, #tpu.memory_space<vmem>>
      %dma_wait3A_96 = arith.constant 0 : i32
      %dma_wait3A_97 = arith.constant 0 : i32
      %dma_wait3A_98 = tpu.memref_slice %arg7[%dma_wait3A_96, %dma_wait3A_97] : memref<10000x16xf32, #tpu.memory_space<vmem_shared>> -> memref<10000x16xf32, #tpu.memory_space<vmem_shared>>
      tpu.wait_indirect_dma semaphore(%arg11 : memref<!tpu.dma_semaphore, #tpu.memory_space<semaphore_mem>>) src(%arg6 : memref<80x16xf32, #tpu.memory_space<vmem>>) dst(%dma_wait3A_98 : memref<10000x16xf32, #tpu.memory_space<vmem_shared>>)
    }
    %scan3A_18 = arith.constant 31 : i32
    %run_scoped3A = arith.constant 124 : i32
    "tpu.region"() ({
      %run_scoped3A_32 = tpu.sem_alloc : memref<!tpu.dma_semaphore, #tpu.memory_space<semaphore_mem>>
      %dma_start3A = arith.constant 0 : i32
      %dma_start3A_33 = tpu.memref_slice %arg5[%run_scoped3A, %dma_start3A] : memref<125x80xi32, #tpu.memory_space<vmem>> -> memref<1x80xi32, #tpu.memory_space<vmem>>
      %dma_start3A_34 = tpu.memref_squeeze %dma_start3A_33 : memref<1x80xi32, #tpu.memory_space<vmem>> -> memref<80xi32, #tpu.memory_space<vmem>>
      %dma_start3A_35 = arith.constant 0 : i32
      %dma_start3A_36 = arith.constant 0 : i32
      %dma_start3A_37 = tpu.memref_slice %arg7[%dma_start3A_35, %dma_start3A_36] : memref<10000x16xf32, #tpu.memory_space<vmem_shared>> -> memref<10000x16xf32, #tpu.memory_space<vmem_shared>>
      tpu.enqueue_indirect_dma source(%arg6 : memref<80x16xf32, #tpu.memory_space<vmem>>) target(%dma_start3A_37 : memref<10000x16xf32, #tpu.memory_space<vmem_shared>>) offsets(%dma_start3A_34 : memref<80xi32, #tpu.memory_space<vmem>>) semaphore(%run_scoped3A_32 : memref<!tpu.dma_semaphore, #tpu.memory_space<semaphore_mem>>) {add = true}
      %dma_wait3A = arith.constant 0 : i32
      %dma_wait3A_38 = tpu.memref_slice %arg5[%run_scoped3A, %dma_wait3A] : memref<125x80xi32, #tpu.memory_space<vmem>> -> memref<1x80xi32, #tpu.memory_space<vmem>>
      %dma_wait3A_39 = tpu.memref_squeeze %dma_wait3A_38 : memref<1x80xi32, #tpu.memory_space<vmem>> -> memref<80xi32, #tpu.memory_space<vmem>>
      %dma_wait3A_40 = arith.constant 0 : i32
      %dma_wait3A_41 = arith.constant 0 : i32
      %dma_wait3A_42 = tpu.memref_slice %arg7[%dma_wait3A_40, %dma_wait3A_41] : memref<10000x16xf32, #tpu.memory_space<vmem_shared>> -> memref<10000x16xf32, #tpu.memory_space<vmem_shared>>
      tpu.wait_indirect_dma semaphore(%run_scoped3A_32 : memref<!tpu.dma_semaphore, #tpu.memory_space<semaphore_mem>>) src(%arg6 : memref<80x16xf32, #tpu.memory_space<vmem>>) dst(%dma_wait3A_42 : memref<10000x16xf32, #tpu.memory_space<vmem_shared>>)
      tpu.yield
    }) : () -> ()
    %barrier3A_19 = arith.constant 0 : index
    tpu.barrier barrier_id(%barrier3A_19)
    %mul3A_20 = arith.constant 624 : i32
    %mul3A_21 = arith.muli %arg1, %mul3A_20 : i32
    %mul3A_22 = arith.constant 10000 : i32
    %mul3A_23 = arith.muli %arg0, %mul3A_22 : i32
    %mul3A_24 = arith.constant 624 : i32
    %mul3A_25 = arith.muli %arg1, %mul3A_24 : i32
    %add3A_26 = arith.addi %mul3A_23, %mul3A_25 : i32
    "tpu.region"() ({
      %run_scoped3A_32 = tpu.sem_alloc : memref<!tpu.dma_semaphore, #tpu.memory_space<semaphore_mem>>
      %dma_start3A = arith.constant 0 : i32
      %dma_start3A_33 = tpu.memref_slice %arg4[%add3A_26, %dma_start3A] : memref<20000x16xf32, #tpu.memory_space<hbm>> -> memref<624x16xf32, #tpu.memory_space<hbm>>
      %dma_start3A_34 = arith.constant 0 : i32
      %dma_start3A_35 = tpu.memref_slice %arg7[%mul3A_21, %dma_start3A_34] : memref<10000x16xf32, #tpu.memory_space<vmem_shared>> -> memref<624x16xf32, #tpu.memory_space<vmem_shared>>
      tpu.enqueue_dma source(%dma_start3A_35 : memref<624x16xf32, #tpu.memory_space<vmem_shared>>) target(%dma_start3A_33 : memref<624x16xf32, #tpu.memory_space<hbm>>) target_semaphore(%run_scoped3A_32 : memref<!tpu.dma_semaphore, #tpu.memory_space<semaphore_mem>>)
      %dma_wait3A = arith.constant 0 : i32
      %dma_wait3A_36 = tpu.memref_slice %arg4[%add3A_26, %dma_wait3A] : memref<20000x16xf32, #tpu.memory_space<hbm>> -> memref<624x16xf32, #tpu.memory_space<hbm>>
      %dma_wait3A_37 = arith.constant 0 : i32
      %dma_wait3A_38 = tpu.memref_slice %arg7[%mul3A_21, %dma_wait3A_37] : memref<10000x16xf32, #tpu.memory_space<vmem_shared>> -> memref<624x16xf32, #tpu.memory_space<vmem_shared>>
      tpu.wait_dma2 semaphore(%run_scoped3A_32 : memref<!tpu.dma_semaphore, #tpu.memory_space<semaphore_mem>>) src(%dma_wait3A_38 : memref<624x16xf32, #tpu.memory_space<vmem_shared>>) dst(%dma_wait3A_36 : memref<624x16xf32, #tpu.memory_space<hbm>>)
      tpu.yield
    }) : () -> ()
    %eq3A_27 = arith.constant 15 : i32
    %eq3A_28 = arith.cmpi eq, %arg1, %eq3A_27 : i32
    %convert_element_type3A_29 = arith.extui %eq3A_28 : i1 to i32
    %cond3A_30 = arith.constant 0 : i32
    %cond3A_31 = arith.cmpi ne, %convert_element_type3A_29, %cond3A_30 : i32
    scf.if %cond3A_31 {
      %mul3A_32 = arith.constant 10000 : i32
      %mul3A_33 = arith.muli %arg0, %mul3A_32 : i32
      %add3A_34 = arith.constant 9984 : i32
      %add3A_35 = arith.addi %mul3A_33, %add3A_34 : i32
      "tpu.region"() ({
        %run_scoped3A_36 = tpu.sem_alloc : memref<!tpu.dma_semaphore, #tpu.memory_space<semaphore_mem>>
        %dma_start3A = arith.constant 0 : i32
        %dma_start3A_37 = tpu.memref_slice %arg4[%add3A_35, %dma_start3A] : memref<20000x16xf32, #tpu.memory_space<hbm>> -> memref<16x16xf32, #tpu.memory_space<hbm>>
        %dma_start3A_38 = arith.constant 9984 : i32
        %dma_start3A_39 = arith.constant 0 : i32
        %dma_start3A_40 = tpu.memref_slice %arg7[%dma_start3A_38, %dma_start3A_39] : memref<10000x16xf32, #tpu.memory_space<vmem_shared>> -> memref<16x16xf32, #tpu.memory_space<vmem_shared>>
        tpu.enqueue_dma source(%dma_start3A_40 : memref<16x16xf32, #tpu.memory_space<vmem_shared>>) target(%dma_start3A_37 : memref<16x16xf32, #tpu.memory_space<hbm>>) target_semaphore(%run_scoped3A_36 : memref<!tpu.dma_semaphore, #tpu.memory_space<semaphore_mem>>)
        %dma_wait3A = arith.constant 0 : i32
        %dma_wait3A_41 = tpu.memref_slice %arg4[%add3A_35, %dma_wait3A] : memref<20000x16xf32, #tpu.memory_space<hbm>> -> memref<16x16xf32, #tpu.memory_space<hbm>>
        %dma_wait3A_42 = arith.constant 9984 : i32
        %dma_wait3A_43 = arith.constant 0 : i32
        %dma_wait3A_44 = tpu.memref_slice %arg7[%dma_wait3A_42, %dma_wait3A_43] : memref<10000x16xf32, #tpu.memory_space<vmem_shared>> -> memref<16x16xf32, #tpu.memory_space<vmem_shared>>
        tpu.wait_dma2 semaphore(%run_scoped3A_36 : memref<!tpu.dma_semaphore, #tpu.memory_space<semaphore_mem>>) src(%dma_wait3A_44 : memref<16x16xf32, #tpu.memory_space<vmem_shared>>) dst(%dma_wait3A_41 : memref<16x16xf32, #tpu.memory_space<hbm>>)
        tpu.yield
      }) : () -> ()
    } else {
    }
    return
  }
}

#map = affine_map<(d0, d1) -> (0, 0)>
#map1 = affine_map<(d0, d1) -> (0, 0, 0)>
module attributes {stable_mosaic.version = 14 : i64} {
  func.func @kern(%arg0: i32, %arg1: i32, %arg2: memref<10000x128xf32, #tpu.memory_space<hbm>>, %arg3: memref<32x10000xi32, #tpu.memory_space<hbm>>, %arg4: memref<32x125x80xi32, #tpu.memory_space<hbm>>, %arg5: memref<624x128xf32, #tpu.memory_space<hbm>>, %arg6: memref<20000x128xf32, #tpu.memory_space<hbm>>, %arg7: memref<10000xi32, #tpu.memory_space<vmem>>, %arg8: memref<125x80xi32, #tpu.memory_space<vmem>>, %arg9: memref<4x40x128xf32, #tpu.memory_space<vmem>>, %arg10: memref<10000x128xf32, #tpu.memory_space<vmem_shared>>, %arg11: memref<!tpu.dma_semaphore, #tpu.memory_space<semaphore_mem>>, %arg12: memref<!tpu.dma_semaphore, #tpu.memory_space<semaphore_mem>>, %arg13: memref<!tpu.dma_semaphore, #tpu.memory_space<semaphore_mem>>, %arg14: memref<!tpu.dma_semaphore, #tpu.memory_space<semaphore_mem>>, %arg15: memref<!tpu.dma_semaphore, #tpu.memory_space<semaphore_mem>>, %arg16: memref<!tpu.dma_semaphore, #tpu.memory_space<semaphore_mem>>, %arg17: memref<!tpu.dma_semaphore, #tpu.memory_space<semaphore_mem>>, %arg18: memref<!tpu.dma_semaphore, #tpu.memory_space<semaphore_mem>>, %arg19: memref<!tpu.dma_semaphore, #tpu.memory_space<semaphore_mem>>, %arg20: memref<!tpu.dma_semaphore, #tpu.memory_space<semaphore_mem>>) attributes {dimension_semantics = [#tpu.dimension_semantics<core_parallel>, #tpu.dimension_semantics<subcore_parallel>], iteration_bounds = array<i64: 2, 16>, scalar_prefetch = 0 : i64, scratch_operands = 14 : i64, tpu.core_type = #tpu.core_type<sc_vector_subcore>, window_params = [{transform_indices = #map}, {transform_indices = #map}, {transform_indices = #map1}, {transform_indices = #map}, {transform_indices = #map}]} {
    %mul3A = arith.constant 2 : i32
    %mul3A_0 = arith.muli %arg1, %mul3A : i32
    %add3A = arith.addi %mul3A_0, %arg0 : i32
    %dma_start3A = arith.constant 0 : i32
    %dma_start3A_1 = tpu.memref_slice %arg3[%add3A, %dma_start3A] : memref<32x10000xi32, #tpu.memory_space<hbm>> -> memref<1x10000xi32, #tpu.memory_space<hbm>>
    %dma_start3A_2 = tpu.memref_squeeze %dma_start3A_1 : memref<1x10000xi32, #tpu.memory_space<hbm>> -> memref<10000xi32, #tpu.memory_space<hbm>>
    %dma_start3A_3 = arith.constant 0 : i32
    %dma_start3A_4 = tpu.memref_slice %arg3[%add3A, %dma_start3A_3] : memref<32x10000xi32, #tpu.memory_space<hbm>> -> memref<1x10000xi32, #tpu.memory_space<hbm>>
    %dma_start3A_5 = tpu.memref_squeeze %dma_start3A_4 : memref<1x10000xi32, #tpu.memory_space<hbm>> -> memref<10000xi32, #tpu.memory_space<hbm>>
    tpu.enqueue_dma source(%dma_start3A_5 : memref<10000xi32, #tpu.memory_space<hbm>>) target(%arg7 : memref<10000xi32, #tpu.memory_space<vmem>>) target_semaphore(%arg19 : memref<!tpu.dma_semaphore, #tpu.memory_space<semaphore_mem>>)
    %dma_start3A_6 = arith.constant 0 : i32
    %dma_start3A_7 = arith.constant 0 : i32
    %dma_start3A_8 = tpu.memref_slice %arg4[%add3A, %dma_start3A_6, %dma_start3A_7] : memref<32x125x80xi32, #tpu.memory_space<hbm>> -> memref<1x125x80xi32, #tpu.memory_space<hbm>>
    %dma_start3A_9 = tpu.memref_squeeze %dma_start3A_8 : memref<1x125x80xi32, #tpu.memory_space<hbm>> -> memref<125x80xi32, #tpu.memory_space<hbm>>
    %dma_start3A_10 = arith.constant 0 : i32
    %dma_start3A_11 = arith.constant 0 : i32
    %dma_start3A_12 = tpu.memref_slice %arg4[%add3A, %dma_start3A_10, %dma_start3A_11] : memref<32x125x80xi32, #tpu.memory_space<hbm>> -> memref<1x125x80xi32, #tpu.memory_space<hbm>>
    %dma_start3A_13 = tpu.memref_squeeze %dma_start3A_12 : memref<1x125x80xi32, #tpu.memory_space<hbm>> -> memref<125x80xi32, #tpu.memory_space<hbm>>
    tpu.enqueue_dma source(%dma_start3A_13 : memref<125x80xi32, #tpu.memory_space<hbm>>) target(%arg8 : memref<125x80xi32, #tpu.memory_space<vmem>>) target_semaphore(%arg20 : memref<!tpu.dma_semaphore, #tpu.memory_space<semaphore_mem>>)
    %mul3A_14 = arith.constant 624 : i32
    %mul3A_15 = arith.muli %arg1, %mul3A_14 : i32
    %dma_start3A_16 = arith.constant 0 : i32
    %dma_start3A_17 = tpu.memref_slice %arg10[%mul3A_15, %dma_start3A_16] : memref<10000x128xf32, #tpu.memory_space<vmem_shared>> -> memref<624x128xf32, #tpu.memory_space<vmem_shared>>
    %dma_start3A_18 = arith.constant 0 : i32
    %dma_start3A_19 = arith.constant 0 : i32
    %dma_start3A_20 = tpu.memref_slice %arg5[%dma_start3A_18, %dma_start3A_19] : memref<624x128xf32, #tpu.memory_space<hbm>> -> memref<624x128xf32, #tpu.memory_space<hbm>>
    tpu.enqueue_dma source(%dma_start3A_20 : memref<624x128xf32, #tpu.memory_space<hbm>>) target(%dma_start3A_17 : memref<624x128xf32, #tpu.memory_space<vmem_shared>>) target_semaphore(%arg20 : memref<!tpu.dma_semaphore, #tpu.memory_space<semaphore_mem>>)
    %dma_wait3A = arith.constant 0 : i32
    %dma_wait3A_21 = tpu.memref_slice %arg3[%add3A, %dma_wait3A] : memref<32x10000xi32, #tpu.memory_space<hbm>> -> memref<1x10000xi32, #tpu.memory_space<hbm>>
    %dma_wait3A_22 = tpu.memref_squeeze %dma_wait3A_21 : memref<1x10000xi32, #tpu.memory_space<hbm>> -> memref<10000xi32, #tpu.memory_space<hbm>>
    %dma_wait3A_23 = arith.constant 0 : i32
    %dma_wait3A_24 = tpu.memref_slice %arg3[%add3A, %dma_wait3A_23] : memref<32x10000xi32, #tpu.memory_space<hbm>> -> memref<1x10000xi32, #tpu.memory_space<hbm>>
    %dma_wait3A_25 = tpu.memref_squeeze %dma_wait3A_24 : memref<1x10000xi32, #tpu.memory_space<hbm>> -> memref<10000xi32, #tpu.memory_space<hbm>>
    tpu.wait_dma2 semaphore(%arg19 : memref<!tpu.dma_semaphore, #tpu.memory_space<semaphore_mem>>) src(%dma_wait3A_25 : memref<10000xi32, #tpu.memory_space<hbm>>) dst(%arg7 : memref<10000xi32, #tpu.memory_space<vmem>>)
    %dma_start3A_26 = arith.constant 0 : i32
    %dma_start3A_27 = arith.constant 0 : i32
    %dma_start3A_28 = arith.constant 0 : i32
    %dma_start3A_29 = tpu.memref_slice %arg9[%dma_start3A_26, %dma_start3A_27, %dma_start3A_28] : memref<4x40x128xf32, #tpu.memory_space<vmem>> -> memref<1x40x128xf32, #tpu.memory_space<vmem>>
    %dma_start3A_30 = tpu.memref_squeeze %dma_start3A_29 : memref<1x40x128xf32, #tpu.memory_space<vmem>> -> memref<40x128xf32, #tpu.memory_space<vmem>>
    %dma_start3A_31 = arith.constant 0 : i32
    %dma_start3A_32 = tpu.memref_slice %arg7[%dma_start3A_31] : memref<10000xi32, #tpu.memory_space<vmem>> -> memref<40xi32, #tpu.memory_space<vmem>>
    %dma_start3A_33 = arith.constant 0 : i32
    %dma_start3A_34 = arith.constant 0 : i32
    %dma_start3A_35 = tpu.memref_slice %arg2[%dma_start3A_33, %dma_start3A_34] : memref<10000x128xf32, #tpu.memory_space<hbm>> -> memref<10000x128xf32, #tpu.memory_space<hbm>>
    tpu.enqueue_indirect_dma source(%dma_start3A_35 : memref<10000x128xf32, #tpu.memory_space<hbm>>) target(%dma_start3A_30 : memref<40x128xf32, #tpu.memory_space<vmem>>) offsets(%dma_start3A_32 : memref<40xi32, #tpu.memory_space<vmem>>) semaphore(%arg11 : memref<!tpu.dma_semaphore, #tpu.memory_space<semaphore_mem>>)
    %dma_start3A_36 = arith.constant 1 : i32
    %dma_start3A_37 = arith.constant 0 : i32
    %dma_start3A_38 = arith.constant 0 : i32
    %dma_start3A_39 = tpu.memref_slice %arg9[%dma_start3A_36, %dma_start3A_37, %dma_start3A_38] : memref<4x40x128xf32, #tpu.memory_space<vmem>> -> memref<1x40x128xf32, #tpu.memory_space<vmem>>
    %dma_start3A_40 = tpu.memref_squeeze %dma_start3A_39 : memref<1x40x128xf32, #tpu.memory_space<vmem>> -> memref<40x128xf32, #tpu.memory_space<vmem>>
    %dma_start3A_41 = arith.constant 40 : i32
    %dma_start3A_42 = tpu.memref_slice %arg7[%dma_start3A_41] : memref<10000xi32, #tpu.memory_space<vmem>> -> memref<40xi32, #tpu.memory_space<vmem>>
    %dma_start3A_43 = arith.constant 0 : i32
    %dma_start3A_44 = arith.constant 0 : i32
    %dma_start3A_45 = tpu.memref_slice %arg2[%dma_start3A_43, %dma_start3A_44] : memref<10000x128xf32, #tpu.memory_space<hbm>> -> memref<10000x128xf32, #tpu.memory_space<hbm>>
    tpu.enqueue_indirect_dma source(%dma_start3A_45 : memref<10000x128xf32, #tpu.memory_space<hbm>>) target(%dma_start3A_40 : memref<40x128xf32, #tpu.memory_space<vmem>>) offsets(%dma_start3A_42 : memref<40xi32, #tpu.memory_space<vmem>>) semaphore(%arg12 : memref<!tpu.dma_semaphore, #tpu.memory_space<semaphore_mem>>)
    %dma_start3A_46 = arith.constant 2 : i32
    %dma_start3A_47 = arith.constant 0 : i32
    %dma_start3A_48 = arith.constant 0 : i32
    %dma_start3A_49 = tpu.memref_slice %arg9[%dma_start3A_46, %dma_start3A_47, %dma_start3A_48] : memref<4x40x128xf32, #tpu.memory_space<vmem>> -> memref<1x40x128xf32, #tpu.memory_space<vmem>>
    %dma_start3A_50 = tpu.memref_squeeze %dma_start3A_49 : memref<1x40x128xf32, #tpu.memory_space<vmem>> -> memref<40x128xf32, #tpu.memory_space<vmem>>
    %dma_start3A_51 = arith.constant 80 : i32
    %dma_start3A_52 = tpu.memref_slice %arg7[%dma_start3A_51] : memref<10000xi32, #tpu.memory_space<vmem>> -> memref<40xi32, #tpu.memory_space<vmem>>
    %dma_start3A_53 = arith.constant 0 : i32
    %dma_start3A_54 = arith.constant 0 : i32
    %dma_start3A_55 = tpu.memref_slice %arg2[%dma_start3A_53, %dma_start3A_54] : memref<10000x128xf32, #tpu.memory_space<hbm>> -> memref<10000x128xf32, #tpu.memory_space<hbm>>
    tpu.enqueue_indirect_dma source(%dma_start3A_55 : memref<10000x128xf32, #tpu.memory_space<hbm>>) target(%dma_start3A_50 : memref<40x128xf32, #tpu.memory_space<vmem>>) offsets(%dma_start3A_52 : memref<40xi32, #tpu.memory_space<vmem>>) semaphore(%arg13 : memref<!tpu.dma_semaphore, #tpu.memory_space<semaphore_mem>>)
    %dma_start3A_56 = arith.constant 3 : i32
    %dma_start3A_57 = arith.constant 0 : i32
    %dma_start3A_58 = arith.constant 0 : i32
    %dma_start3A_59 = tpu.memref_slice %arg9[%dma_start3A_56, %dma_start3A_57, %dma_start3A_58] : memref<4x40x128xf32, #tpu.memory_space<vmem>> -> memref<1x40x128xf32, #tpu.memory_space<vmem>>
    %dma_start3A_60 = tpu.memref_squeeze %dma_start3A_59 : memref<1x40x128xf32, #tpu.memory_space<vmem>> -> memref<40x128xf32, #tpu.memory_space<vmem>>
    %dma_start3A_61 = arith.constant 120 : i32
    %dma_start3A_62 = tpu.memref_slice %arg7[%dma_start3A_61] : memref<10000xi32, #tpu.memory_space<vmem>> -> memref<40xi32, #tpu.memory_space<vmem>>
    %dma_start3A_63 = arith.constant 0 : i32
    %dma_start3A_64 = arith.constant 0 : i32
    %dma_start3A_65 = tpu.memref_slice %arg2[%dma_start3A_63, %dma_start3A_64] : memref<10000x128xf32, #tpu.memory_space<hbm>> -> memref<10000x128xf32, #tpu.memory_space<hbm>>
    tpu.enqueue_indirect_dma source(%dma_start3A_65 : memref<10000x128xf32, #tpu.memory_space<hbm>>) target(%dma_start3A_60 : memref<40x128xf32, #tpu.memory_space<vmem>>) offsets(%dma_start3A_62 : memref<40xi32, #tpu.memory_space<vmem>>) semaphore(%arg14 : memref<!tpu.dma_semaphore, #tpu.memory_space<semaphore_mem>>)
    %eq3A = arith.constant 15 : i32
    %eq3A_66 = arith.cmpi eq, %arg1, %eq3A : i32
    %convert_element_type3A = arith.extui %eq3A_66 : i1 to i32
    %cond3A = arith.constant 0 : i32
    %cond3A_67 = arith.cmpi ne, %convert_element_type3A, %cond3A : i32
    scf.if %cond3A_67 {
      "tpu.region"() ({
        %run_scoped3A_121 = tpu.sem_alloc : memref<!tpu.dma_semaphore, #tpu.memory_space<semaphore_mem>>
        %dma_start3A_122 = arith.constant 9984 : i32
        %dma_start3A_123 = arith.constant 0 : i32
        %dma_start3A_124 = tpu.memref_slice %arg10[%dma_start3A_122, %dma_start3A_123] : memref<10000x128xf32, #tpu.memory_space<vmem_shared>> -> memref<16x128xf32, #tpu.memory_space<vmem_shared>>
        %dma_start3A_125 = arith.constant 0 : i32
        %dma_start3A_126 = arith.constant 0 : i32
        %dma_start3A_127 = tpu.memref_slice %arg5[%dma_start3A_125, %dma_start3A_126] : memref<624x128xf32, #tpu.memory_space<hbm>> -> memref<16x128xf32, #tpu.memory_space<hbm>>
        tpu.enqueue_dma source(%dma_start3A_127 : memref<16x128xf32, #tpu.memory_space<hbm>>) target(%dma_start3A_124 : memref<16x128xf32, #tpu.memory_space<vmem_shared>>) target_semaphore(%run_scoped3A_121 : memref<!tpu.dma_semaphore, #tpu.memory_space<semaphore_mem>>)
        %dma_wait3A_128 = arith.constant 9984 : i32
        %dma_wait3A_129 = arith.constant 0 : i32
        %dma_wait3A_130 = tpu.memref_slice %arg10[%dma_wait3A_128, %dma_wait3A_129] : memref<10000x128xf32, #tpu.memory_space<vmem_shared>> -> memref<16x128xf32, #tpu.memory_space<vmem_shared>>
        %dma_wait3A_131 = arith.constant 0 : i32
        %dma_wait3A_132 = arith.constant 0 : i32
        %dma_wait3A_133 = tpu.memref_slice %arg5[%dma_wait3A_131, %dma_wait3A_132] : memref<624x128xf32, #tpu.memory_space<hbm>> -> memref<16x128xf32, #tpu.memory_space<hbm>>
        tpu.wait_dma2 semaphore(%run_scoped3A_121 : memref<!tpu.dma_semaphore, #tpu.memory_space<semaphore_mem>>) src(%dma_wait3A_133 : memref<16x128xf32, #tpu.memory_space<hbm>>) dst(%dma_wait3A_130 : memref<16x128xf32, #tpu.memory_space<vmem_shared>>)
        tpu.yield
      }) : () -> ()
    } else {
    }
    %dma_wait3A_68 = arith.constant 0 : i32
    %dma_wait3A_69 = arith.constant 0 : i32
    %dma_wait3A_70 = tpu.memref_slice %arg4[%add3A, %dma_wait3A_68, %dma_wait3A_69] : memref<32x125x80xi32, #tpu.memory_space<hbm>> -> memref<1x125x80xi32, #tpu.memory_space<hbm>>
    %dma_wait3A_71 = tpu.memref_squeeze %dma_wait3A_70 : memref<1x125x80xi32, #tpu.memory_space<hbm>> -> memref<125x80xi32, #tpu.memory_space<hbm>>
    %dma_wait3A_72 = arith.constant 0 : i32
    %dma_wait3A_73 = arith.constant 0 : i32
    %dma_wait3A_74 = tpu.memref_slice %arg4[%add3A, %dma_wait3A_72, %dma_wait3A_73] : memref<32x125x80xi32, #tpu.memory_space<hbm>> -> memref<1x125x80xi32, #tpu.memory_space<hbm>>
    %dma_wait3A_75 = tpu.memref_squeeze %dma_wait3A_74 : memref<1x125x80xi32, #tpu.memory_space<hbm>> -> memref<125x80xi32, #tpu.memory_space<hbm>>
    tpu.wait_dma2 semaphore(%arg20 : memref<!tpu.dma_semaphore, #tpu.memory_space<semaphore_mem>>) src(%dma_wait3A_75 : memref<125x80xi32, #tpu.memory_space<hbm>>) dst(%arg8 : memref<125x80xi32, #tpu.memory_space<vmem>>)
    %dma_wait3A_76 = arith.constant 0 : i32
    %dma_wait3A_77 = tpu.memref_slice %arg10[%mul3A_15, %dma_wait3A_76] : memref<10000x128xf32, #tpu.memory_space<vmem_shared>> -> memref<624x128xf32, #tpu.memory_space<vmem_shared>>
    %dma_wait3A_78 = arith.constant 0 : i32
    %dma_wait3A_79 = arith.constant 0 : i32
    %dma_wait3A_80 = tpu.memref_slice %arg5[%dma_wait3A_78, %dma_wait3A_79] : memref<624x128xf32, #tpu.memory_space<hbm>> -> memref<624x128xf32, #tpu.memory_space<hbm>>
    tpu.wait_dma2 semaphore(%arg20 : memref<!tpu.dma_semaphore, #tpu.memory_space<semaphore_mem>>) src(%dma_wait3A_80 : memref<624x128xf32, #tpu.memory_space<hbm>>) dst(%dma_wait3A_77 : memref<624x128xf32, #tpu.memory_space<vmem_shared>>)
    %barrier3A = arith.constant 0 : index
    tpu.barrier barrier_id(%barrier3A)
    %scan3A = arith.constant 0 : i32
    %scan3A_81 = arith.constant 62 : i32
    %scan3A_82 = arith.addi %scan3A, %scan3A_81 : i32
    %scan3A_83 = arith.constant 1 : i32
    scf.for %scan3A_121 = %scan3A to %scan3A_82 step %scan3A_83  : i32 {
      %mul3A_122 = arith.constant 4 : i32
      %mul3A_123 = arith.muli %scan3A_121, %mul3A_122 : i32
      %add3A_124 = arith.constant 0 : i32
      %add3A_125 = arith.addi %add3A_124, %mul3A_123 : i32
      %add3A_126 = arith.constant 0 : i32
      %add3A_127 = arith.addi %add3A_125, %add3A_126 : i32
      %mul3A_128 = arith.constant 40 : i32
      %mul3A_129 = arith.muli %add3A_127, %mul3A_128 : i32
      %dma_wait3A_130 = arith.constant 0 : i32
      %dma_wait3A_131 = arith.constant 0 : i32
      %dma_wait3A_132 = arith.constant 0 : i32
      %dma_wait3A_133 = tpu.memref_slice %arg9[%dma_wait3A_130, %dma_wait3A_131, %dma_wait3A_132] : memref<4x40x128xf32, #tpu.memory_space<vmem>> -> memref<1x40x128xf32, #tpu.memory_space<vmem>>
      %dma_wait3A_134 = tpu.memref_squeeze %dma_wait3A_133 : memref<1x40x128xf32, #tpu.memory_space<vmem>> -> memref<40x128xf32, #tpu.memory_space<vmem>>
      %dma_wait3A_135 = tpu.memref_slice %arg7[%mul3A_129] : memref<10000xi32, #tpu.memory_space<vmem>> -> memref<40xi32, #tpu.memory_space<vmem>>
      %dma_wait3A_136 = arith.constant 0 : i32
      %dma_wait3A_137 = arith.constant 0 : i32
      %dma_wait3A_138 = tpu.memref_slice %arg2[%dma_wait3A_136, %dma_wait3A_137] : memref<10000x128xf32, #tpu.memory_space<hbm>> -> memref<10000x128xf32, #tpu.memory_space<hbm>>
      tpu.wait_indirect_dma semaphore(%arg11 : memref<!tpu.dma_semaphore, #tpu.memory_space<semaphore_mem>>) src(%dma_wait3A_138 : memref<10000x128xf32, #tpu.memory_space<hbm>>) dst(%dma_wait3A_134 : memref<40x128xf32, #tpu.memory_space<vmem>>)
      %jit3A = arith.constant 2 : i32
      %div3A = arith.divsi %add3A_127, %jit3A : i32
      %sign3A = arith.constant 0 : i32
      %sign3A_139 = arith.cmpi sgt, %add3A_127, %sign3A : i32
      %sign3A_140 = arith.extui %sign3A_139 : i1 to i32
      %sign3A_141 = arith.constant 0 : i32
      %sign3A_142 = arith.cmpi slt, %add3A_127, %sign3A_141 : i32
      %sign3A_143 = arith.extui %sign3A_142 : i1 to i32
      %sign3A_144 = arith.subi %sign3A_140, %sign3A_143 : i32
      %sign3A_145 = arith.constant 0 : i32
      %sign3A_146 = arith.cmpi sgt, %jit3A, %sign3A_145 : i32
      %sign3A_147 = arith.extui %sign3A_146 : i1 to i32
      %sign3A_148 = arith.constant 0 : i32
      %sign3A_149 = arith.cmpi slt, %jit3A, %sign3A_148 : i32
      %sign3A_150 = arith.extui %sign3A_149 : i1 to i32
      %sign3A_151 = arith.subi %sign3A_147, %sign3A_150 : i32
      %ne3A = arith.cmpi ne, %sign3A_144, %sign3A_151 : i32
      %rem3A = arith.remsi %add3A_127, %jit3A : i32
      %ne3A_152 = arith.constant 0 : i32
      %ne3A_153 = arith.cmpi ne, %rem3A, %ne3A_152 : i32
      %and3A = arith.andi %ne3A, %ne3A_153 : i1
      %sub3A = arith.constant 1 : i32
      %sub3A_154 = arith.subi %div3A, %sub3A : i32
      %select_n3A = arith.select %and3A, %sub3A_154, %div3A : i32
      %dma_start3A_155 = arith.constant 0 : i32
      %dma_start3A_156 = arith.constant 0 : i32
      %dma_start3A_157 = arith.constant 0 : i32
      %dma_start3A_158 = tpu.memref_slice %arg9[%dma_start3A_155, %dma_start3A_156, %dma_start3A_157] : memref<4x40x128xf32, #tpu.memory_space<vmem>> -> memref<1x40x128xf32, #tpu.memory_space<vmem>>
      %dma_start3A_159 = tpu.memref_squeeze %dma_start3A_158 : memref<1x40x128xf32, #tpu.memory_space<vmem>> -> memref<40x128xf32, #tpu.memory_space<vmem>>
      %dma_start3A_160 = arith.constant 0 : i32
      %dma_start3A_161 = tpu.memref_slice %arg8[%select_n3A, %dma_start3A_160] : memref<125x80xi32, #tpu.memory_space<vmem>> -> memref<1x40xi32, #tpu.memory_space<vmem>>
      %dma_start3A_162 = tpu.memref_squeeze %dma_start3A_161 : memref<1x40xi32, #tpu.memory_space<vmem>> -> memref<40xi32, #tpu.memory_space<vmem>>
      %dma_start3A_163 = arith.constant 0 : i32
      %dma_start3A_164 = arith.constant 0 : i32
      %dma_start3A_165 = tpu.memref_slice %arg10[%dma_start3A_163, %dma_start3A_164] : memref<10000x128xf32, #tpu.memory_space<vmem_shared>> -> memref<10000x128xf32, #tpu.memory_space<vmem_shared>>
      tpu.enqueue_indirect_dma source(%dma_start3A_159 : memref<40x128xf32, #tpu.memory_space<vmem>>) target(%dma_start3A_165 : memref<10000x128xf32, #tpu.memory_space<vmem_shared>>) offsets(%dma_start3A_162 : memref<40xi32, #tpu.memory_space<vmem>>) semaphore(%arg15 : memref<!tpu.dma_semaphore, #tpu.memory_space<semaphore_mem>>) {add = true}
      %add3A_166 = arith.constant 1 : i32
      %add3A_167 = arith.addi %add3A_125, %add3A_166 : i32
      %mul3A_168 = arith.constant 40 : i32
      %mul3A_169 = arith.muli %add3A_167, %mul3A_168 : i32
      %dma_wait3A_170 = arith.constant 1 : i32
      %dma_wait3A_171 = arith.constant 0 : i32
      %dma_wait3A_172 = arith.constant 0 : i32
      %dma_wait3A_173 = tpu.memref_slice %arg9[%dma_wait3A_170, %dma_wait3A_171, %dma_wait3A_172] : memref<4x40x128xf32, #tpu.memory_space<vmem>> -> memref<1x40x128xf32, #tpu.memory_space<vmem>>
      %dma_wait3A_174 = tpu.memref_squeeze %dma_wait3A_173 : memref<1x40x128xf32, #tpu.memory_space<vmem>> -> memref<40x128xf32, #tpu.memory_space<vmem>>
      %dma_wait3A_175 = tpu.memref_slice %arg7[%mul3A_169] : memref<10000xi32, #tpu.memory_space<vmem>> -> memref<40xi32, #tpu.memory_space<vmem>>
      %dma_wait3A_176 = arith.constant 0 : i32
      %dma_wait3A_177 = arith.constant 0 : i32
      %dma_wait3A_178 = tpu.memref_slice %arg2[%dma_wait3A_176, %dma_wait3A_177] : memref<10000x128xf32, #tpu.memory_space<hbm>> -> memref<10000x128xf32, #tpu.memory_space<hbm>>
      tpu.wait_indirect_dma semaphore(%arg12 : memref<!tpu.dma_semaphore, #tpu.memory_space<semaphore_mem>>) src(%dma_wait3A_178 : memref<10000x128xf32, #tpu.memory_space<hbm>>) dst(%dma_wait3A_174 : memref<40x128xf32, #tpu.memory_space<vmem>>)
      %jit3A_179 = arith.constant 2 : i32
      %div3A_180 = arith.divsi %add3A_167, %jit3A_179 : i32
      %sign3A_181 = arith.constant 0 : i32
      %sign3A_182 = arith.cmpi sgt, %add3A_167, %sign3A_181 : i32
      %sign3A_183 = arith.extui %sign3A_182 : i1 to i32
      %sign3A_184 = arith.constant 0 : i32
      %sign3A_185 = arith.cmpi slt, %add3A_167, %sign3A_184 : i32
      %sign3A_186 = arith.extui %sign3A_185 : i1 to i32
      %sign3A_187 = arith.subi %sign3A_183, %sign3A_186 : i32
      %sign3A_188 = arith.constant 0 : i32
      %sign3A_189 = arith.cmpi sgt, %jit3A_179, %sign3A_188 : i32
      %sign3A_190 = arith.extui %sign3A_189 : i1 to i32
      %sign3A_191 = arith.constant 0 : i32
      %sign3A_192 = arith.cmpi slt, %jit3A_179, %sign3A_191 : i32
      %sign3A_193 = arith.extui %sign3A_192 : i1 to i32
      %sign3A_194 = arith.subi %sign3A_190, %sign3A_193 : i32
      %ne3A_195 = arith.cmpi ne, %sign3A_187, %sign3A_194 : i32
      %rem3A_196 = arith.remsi %add3A_167, %jit3A_179 : i32
      %ne3A_197 = arith.constant 0 : i32
      %ne3A_198 = arith.cmpi ne, %rem3A_196, %ne3A_197 : i32
      %and3A_199 = arith.andi %ne3A_195, %ne3A_198 : i1
      %sub3A_200 = arith.constant 1 : i32
      %sub3A_201 = arith.subi %div3A_180, %sub3A_200 : i32
      %select_n3A_202 = arith.select %and3A_199, %sub3A_201, %div3A_180 : i32
      %dma_start3A_203 = arith.constant 1 : i32
      %dma_start3A_204 = arith.constant 0 : i32
      %dma_start3A_205 = arith.constant 0 : i32
      %dma_start3A_206 = tpu.memref_slice %arg9[%dma_start3A_203, %dma_start3A_204, %dma_start3A_205] : memref<4x40x128xf32, #tpu.memory_space<vmem>> -> memref<1x40x128xf32, #tpu.memory_space<vmem>>
      %dma_start3A_207 = tpu.memref_squeeze %dma_start3A_206 : memref<1x40x128xf32, #tpu.memory_space<vmem>> -> memref<40x128xf32, #tpu.memory_space<vmem>>
      %dma_start3A_208 = arith.constant 40 : i32
      %dma_start3A_209 = tpu.memref_slice %arg8[%select_n3A_202, %dma_start3A_208] : memref<125x80xi32, #tpu.memory_space<vmem>> -> memref<1x40xi32, #tpu.memory_space<vmem>>
      %dma_start3A_210 = tpu.memref_squeeze %dma_start3A_209 : memref<1x40xi32, #tpu.memory_space<vmem>> -> memref<40xi32, #tpu.memory_space<vmem>>
      %dma_start3A_211 = arith.constant 0 : i32
      %dma_start3A_212 = arith.constant 0 : i32
      %dma_start3A_213 = tpu.memref_slice %arg10[%dma_start3A_211, %dma_start3A_212] : memref<10000x128xf32, #tpu.memory_space<vmem_shared>> -> memref<10000x128xf32, #tpu.memory_space<vmem_shared>>
      tpu.enqueue_indirect_dma source(%dma_start3A_207 : memref<40x128xf32, #tpu.memory_space<vmem>>) target(%dma_start3A_213 : memref<10000x128xf32, #tpu.memory_space<vmem_shared>>) offsets(%dma_start3A_210 : memref<40xi32, #tpu.memory_space<vmem>>) semaphore(%arg16 : memref<!tpu.dma_semaphore, #tpu.memory_space<semaphore_mem>>) {add = true}
      %add3A_214 = arith.constant 2 : i32
      %add3A_215 = arith.addi %add3A_125, %add3A_214 : i32
      %mul3A_216 = arith.constant 40 : i32
      %mul3A_217 = arith.muli %add3A_215, %mul3A_216 : i32
      %dma_wait3A_218 = arith.constant 2 : i32
      %dma_wait3A_219 = arith.constant 0 : i32
      %dma_wait3A_220 = arith.constant 0 : i32
      %dma_wait3A_221 = tpu.memref_slice %arg9[%dma_wait3A_218, %dma_wait3A_219, %dma_wait3A_220] : memref<4x40x128xf32, #tpu.memory_space<vmem>> -> memref<1x40x128xf32, #tpu.memory_space<vmem>>
      %dma_wait3A_222 = tpu.memref_squeeze %dma_wait3A_221 : memref<1x40x128xf32, #tpu.memory_space<vmem>> -> memref<40x128xf32, #tpu.memory_space<vmem>>
      %dma_wait3A_223 = tpu.memref_slice %arg7[%mul3A_217] : memref<10000xi32, #tpu.memory_space<vmem>> -> memref<40xi32, #tpu.memory_space<vmem>>
      %dma_wait3A_224 = arith.constant 0 : i32
      %dma_wait3A_225 = arith.constant 0 : i32
      %dma_wait3A_226 = tpu.memref_slice %arg2[%dma_wait3A_224, %dma_wait3A_225] : memref<10000x128xf32, #tpu.memory_space<hbm>> -> memref<10000x128xf32, #tpu.memory_space<hbm>>
      tpu.wait_indirect_dma semaphore(%arg13 : memref<!tpu.dma_semaphore, #tpu.memory_space<semaphore_mem>>) src(%dma_wait3A_226 : memref<10000x128xf32, #tpu.memory_space<hbm>>) dst(%dma_wait3A_222 : memref<40x128xf32, #tpu.memory_space<vmem>>)
      %jit3A_227 = arith.constant 2 : i32
      %div3A_228 = arith.divsi %add3A_215, %jit3A_227 : i32
      %sign3A_229 = arith.constant 0 : i32
      %sign3A_230 = arith.cmpi sgt, %add3A_215, %sign3A_229 : i32
      %sign3A_231 = arith.extui %sign3A_230 : i1 to i32
      %sign3A_232 = arith.constant 0 : i32
      %sign3A_233 = arith.cmpi slt, %add3A_215, %sign3A_232 : i32
      %sign3A_234 = arith.extui %sign3A_233 : i1 to i32
      %sign3A_235 = arith.subi %sign3A_231, %sign3A_234 : i32
      %sign3A_236 = arith.constant 0 : i32
      %sign3A_237 = arith.cmpi sgt, %jit3A_227, %sign3A_236 : i32
      %sign3A_238 = arith.extui %sign3A_237 : i1 to i32
      %sign3A_239 = arith.constant 0 : i32
      %sign3A_240 = arith.cmpi slt, %jit3A_227, %sign3A_239 : i32
      %sign3A_241 = arith.extui %sign3A_240 : i1 to i32
      %sign3A_242 = arith.subi %sign3A_238, %sign3A_241 : i32
      %ne3A_243 = arith.cmpi ne, %sign3A_235, %sign3A_242 : i32
      %rem3A_244 = arith.remsi %add3A_215, %jit3A_227 : i32
      %ne3A_245 = arith.constant 0 : i32
      %ne3A_246 = arith.cmpi ne, %rem3A_244, %ne3A_245 : i32
      %and3A_247 = arith.andi %ne3A_243, %ne3A_246 : i1
      %sub3A_248 = arith.constant 1 : i32
      %sub3A_249 = arith.subi %div3A_228, %sub3A_248 : i32
      %select_n3A_250 = arith.select %and3A_247, %sub3A_249, %div3A_228 : i32
      %dma_start3A_251 = arith.constant 2 : i32
      %dma_start3A_252 = arith.constant 0 : i32
      %dma_start3A_253 = arith.constant 0 : i32
      %dma_start3A_254 = tpu.memref_slice %arg9[%dma_start3A_251, %dma_start3A_252, %dma_start3A_253] : memref<4x40x128xf32, #tpu.memory_space<vmem>> -> memref<1x40x128xf32, #tpu.memory_space<vmem>>
      %dma_start3A_255 = tpu.memref_squeeze %dma_start3A_254 : memref<1x40x128xf32, #tpu.memory_space<vmem>> -> memref<40x128xf32, #tpu.memory_space<vmem>>
      %dma_start3A_256 = arith.constant 0 : i32
      %dma_start3A_257 = tpu.memref_slice %arg8[%select_n3A_250, %dma_start3A_256] : memref<125x80xi32, #tpu.memory_space<vmem>> -> memref<1x40xi32, #tpu.memory_space<vmem>>
      %dma_start3A_258 = tpu.memref_squeeze %dma_start3A_257 : memref<1x40xi32, #tpu.memory_space<vmem>> -> memref<40xi32, #tpu.memory_space<vmem>>
      %dma_start3A_259 = arith.constant 0 : i32
      %dma_start3A_260 = arith.constant 0 : i32
      %dma_start3A_261 = tpu.memref_slice %arg10[%dma_start3A_259, %dma_start3A_260] : memref<10000x128xf32, #tpu.memory_space<vmem_shared>> -> memref<10000x128xf32, #tpu.memory_space<vmem_shared>>
      tpu.enqueue_indirect_dma source(%dma_start3A_255 : memref<40x128xf32, #tpu.memory_space<vmem>>) target(%dma_start3A_261 : memref<10000x128xf32, #tpu.memory_space<vmem_shared>>) offsets(%dma_start3A_258 : memref<40xi32, #tpu.memory_space<vmem>>) semaphore(%arg17 : memref<!tpu.dma_semaphore, #tpu.memory_space<semaphore_mem>>) {add = true}
      %add3A_262 = arith.constant 3 : i32
      %add3A_263 = arith.addi %add3A_125, %add3A_262 : i32
      %mul3A_264 = arith.constant 40 : i32
      %mul3A_265 = arith.muli %add3A_263, %mul3A_264 : i32
      %dma_wait3A_266 = arith.constant 3 : i32
      %dma_wait3A_267 = arith.constant 0 : i32
      %dma_wait3A_268 = arith.constant 0 : i32
      %dma_wait3A_269 = tpu.memref_slice %arg9[%dma_wait3A_266, %dma_wait3A_267, %dma_wait3A_268] : memref<4x40x128xf32, #tpu.memory_space<vmem>> -> memref<1x40x128xf32, #tpu.memory_space<vmem>>
      %dma_wait3A_270 = tpu.memref_squeeze %dma_wait3A_269 : memref<1x40x128xf32, #tpu.memory_space<vmem>> -> memref<40x128xf32, #tpu.memory_space<vmem>>
      %dma_wait3A_271 = tpu.memref_slice %arg7[%mul3A_265] : memref<10000xi32, #tpu.memory_space<vmem>> -> memref<40xi32, #tpu.memory_space<vmem>>
      %dma_wait3A_272 = arith.constant 0 : i32
      %dma_wait3A_273 = arith.constant 0 : i32
      %dma_wait3A_274 = tpu.memref_slice %arg2[%dma_wait3A_272, %dma_wait3A_273] : memref<10000x128xf32, #tpu.memory_space<hbm>> -> memref<10000x128xf32, #tpu.memory_space<hbm>>
      tpu.wait_indirect_dma semaphore(%arg14 : memref<!tpu.dma_semaphore, #tpu.memory_space<semaphore_mem>>) src(%dma_wait3A_274 : memref<10000x128xf32, #tpu.memory_space<hbm>>) dst(%dma_wait3A_270 : memref<40x128xf32, #tpu.memory_space<vmem>>)
      %jit3A_275 = arith.constant 2 : i32
      %div3A_276 = arith.divsi %add3A_263, %jit3A_275 : i32
      %sign3A_277 = arith.constant 0 : i32
      %sign3A_278 = arith.cmpi sgt, %add3A_263, %sign3A_277 : i32
      %sign3A_279 = arith.extui %sign3A_278 : i1 to i32
      %sign3A_280 = arith.constant 0 : i32
      %sign3A_281 = arith.cmpi slt, %add3A_263, %sign3A_280 : i32
      %sign3A_282 = arith.extui %sign3A_281 : i1 to i32
      %sign3A_283 = arith.subi %sign3A_279, %sign3A_282 : i32
      %sign3A_284 = arith.constant 0 : i32
      %sign3A_285 = arith.cmpi sgt, %jit3A_275, %sign3A_284 : i32
      %sign3A_286 = arith.extui %sign3A_285 : i1 to i32
      %sign3A_287 = arith.constant 0 : i32
      %sign3A_288 = arith.cmpi slt, %jit3A_275, %sign3A_287 : i32
      %sign3A_289 = arith.extui %sign3A_288 : i1 to i32
      %sign3A_290 = arith.subi %sign3A_286, %sign3A_289 : i32
      %ne3A_291 = arith.cmpi ne, %sign3A_283, %sign3A_290 : i32
      %rem3A_292 = arith.remsi %add3A_263, %jit3A_275 : i32
      %ne3A_293 = arith.constant 0 : i32
      %ne3A_294 = arith.cmpi ne, %rem3A_292, %ne3A_293 : i32
      %and3A_295 = arith.andi %ne3A_291, %ne3A_294 : i1
      %sub3A_296 = arith.constant 1 : i32
      %sub3A_297 = arith.subi %div3A_276, %sub3A_296 : i32
      %select_n3A_298 = arith.select %and3A_295, %sub3A_297, %div3A_276 : i32
      %dma_start3A_299 = arith.constant 3 : i32
      %dma_start3A_300 = arith.constant 0 : i32
      %dma_start3A_301 = arith.constant 0 : i32
      %dma_start3A_302 = tpu.memref_slice %arg9[%dma_start3A_299, %dma_start3A_300, %dma_start3A_301] : memref<4x40x128xf32, #tpu.memory_space<vmem>> -> memref<1x40x128xf32, #tpu.memory_space<vmem>>
      %dma_start3A_303 = tpu.memref_squeeze %dma_start3A_302 : memref<1x40x128xf32, #tpu.memory_space<vmem>> -> memref<40x128xf32, #tpu.memory_space<vmem>>
      %dma_start3A_304 = arith.constant 40 : i32
      %dma_start3A_305 = tpu.memref_slice %arg8[%select_n3A_298, %dma_start3A_304] : memref<125x80xi32, #tpu.memory_space<vmem>> -> memref<1x40xi32, #tpu.memory_space<vmem>>
      %dma_start3A_306 = tpu.memref_squeeze %dma_start3A_305 : memref<1x40xi32, #tpu.memory_space<vmem>> -> memref<40xi32, #tpu.memory_space<vmem>>
      %dma_start3A_307 = arith.constant 0 : i32
      %dma_start3A_308 = arith.constant 0 : i32
      %dma_start3A_309 = tpu.memref_slice %arg10[%dma_start3A_307, %dma_start3A_308] : memref<10000x128xf32, #tpu.memory_space<vmem_shared>> -> memref<10000x128xf32, #tpu.memory_space<vmem_shared>>
      tpu.enqueue_indirect_dma source(%dma_start3A_303 : memref<40x128xf32, #tpu.memory_space<vmem>>) target(%dma_start3A_309 : memref<10000x128xf32, #tpu.memory_space<vmem_shared>>) offsets(%dma_start3A_306 : memref<40xi32, #tpu.memory_space<vmem>>) semaphore(%arg18 : memref<!tpu.dma_semaphore, #tpu.memory_space<semaphore_mem>>) {add = true}
      %add3A_310 = arith.constant 0 : i32
      %add3A_311 = arith.addi %add3A_125, %add3A_310 : i32
      %jit3A_312 = arith.constant 2 : i32
      %div3A_313 = arith.divsi %add3A_311, %jit3A_312 : i32
      %sign3A_314 = arith.constant 0 : i32
      %sign3A_315 = arith.cmpi sgt, %add3A_311, %sign3A_314 : i32
      %sign3A_316 = arith.extui %sign3A_315 : i1 to i32
      %sign3A_317 = arith.constant 0 : i32
      %sign3A_318 = arith.cmpi slt, %add3A_311, %sign3A_317 : i32
      %sign3A_319 = arith.extui %sign3A_318 : i1 to i32
      %sign3A_320 = arith.subi %sign3A_316, %sign3A_319 : i32
      %sign3A_321 = arith.constant 0 : i32
      %sign3A_322 = arith.cmpi sgt, %jit3A_312, %sign3A_321 : i32
      %sign3A_323 = arith.extui %sign3A_322 : i1 to i32
      %sign3A_324 = arith.constant 0 : i32
      %sign3A_325 = arith.cmpi slt, %jit3A_312, %sign3A_324 : i32
      %sign3A_326 = arith.extui %sign3A_325 : i1 to i32
      %sign3A_327 = arith.subi %sign3A_323, %sign3A_326 : i32
      %ne3A_328 = arith.cmpi ne, %sign3A_320, %sign3A_327 : i32
      %rem3A_329 = arith.remsi %add3A_311, %jit3A_312 : i32
      %ne3A_330 = arith.constant 0 : i32
      %ne3A_331 = arith.cmpi ne, %rem3A_329, %ne3A_330 : i32
      %and3A_332 = arith.andi %ne3A_328, %ne3A_331 : i1
      %sub3A_333 = arith.constant 1 : i32
      %sub3A_334 = arith.subi %div3A_313, %sub3A_333 : i32
      %select_n3A_335 = arith.select %and3A_332, %sub3A_334, %div3A_313 : i32
      %dma_wait3A_336 = arith.constant 0 : i32
      %dma_wait3A_337 = arith.constant 0 : i32
      %dma_wait3A_338 = arith.constant 0 : i32
      %dma_wait3A_339 = tpu.memref_slice %arg9[%dma_wait3A_336, %dma_wait3A_337, %dma_wait3A_338] : memref<4x40x128xf32, #tpu.memory_space<vmem>> -> memref<1x40x128xf32, #tpu.memory_space<vmem>>
      %dma_wait3A_340 = tpu.memref_squeeze %dma_wait3A_339 : memref<1x40x128xf32, #tpu.memory_space<vmem>> -> memref<40x128xf32, #tpu.memory_space<vmem>>
      %dma_wait3A_341 = arith.constant 0 : i32
      %dma_wait3A_342 = tpu.memref_slice %arg8[%select_n3A_335, %dma_wait3A_341] : memref<125x80xi32, #tpu.memory_space<vmem>> -> memref<1x40xi32, #tpu.memory_space<vmem>>
      %dma_wait3A_343 = tpu.memref_squeeze %dma_wait3A_342 : memref<1x40xi32, #tpu.memory_space<vmem>> -> memref<40xi32, #tpu.memory_space<vmem>>
      %dma_wait3A_344 = arith.constant 0 : i32
      %dma_wait3A_345 = arith.constant 0 : i32
      %dma_wait3A_346 = tpu.memref_slice %arg10[%dma_wait3A_344, %dma_wait3A_345] : memref<10000x128xf32, #tpu.memory_space<vmem_shared>> -> memref<10000x128xf32, #tpu.memory_space<vmem_shared>>
      tpu.wait_indirect_dma semaphore(%arg15 : memref<!tpu.dma_semaphore, #tpu.memory_space<semaphore_mem>>) src(%dma_wait3A_340 : memref<40x128xf32, #tpu.memory_space<vmem>>) dst(%dma_wait3A_346 : memref<10000x128xf32, #tpu.memory_space<vmem_shared>>)
      %add3A_347 = arith.constant 4 : i32
      %add3A_348 = arith.addi %add3A_311, %add3A_347 : i32
      %lt3A = arith.constant 250 : i32
      %lt3A_349 = arith.cmpi slt, %add3A_348, %lt3A : i32
      %convert_element_type3A_350 = arith.extui %lt3A_349 : i1 to i32
      %cond3A_351 = arith.constant 0 : i32
      %cond3A_352 = arith.cmpi ne, %convert_element_type3A_350, %cond3A_351 : i32
      scf.if %cond3A_352 {
        %mul3A_485 = arith.constant 40 : i32
        %mul3A_486 = arith.muli %add3A_348, %mul3A_485 : i32
        %dma_start3A_487 = arith.constant 0 : i32
        %dma_start3A_488 = arith.constant 0 : i32
        %dma_start3A_489 = arith.constant 0 : i32
        %dma_start3A_490 = tpu.memref_slice %arg9[%dma_start3A_487, %dma_start3A_488, %dma_start3A_489] : memref<4x40x128xf32, #tpu.memory_space<vmem>> -> memref<1x40x128xf32, #tpu.memory_space<vmem>>
        %dma_start3A_491 = tpu.memref_squeeze %dma_start3A_490 : memref<1x40x128xf32, #tpu.memory_space<vmem>> -> memref<40x128xf32, #tpu.memory_space<vmem>>
        %dma_start3A_492 = tpu.memref_slice %arg7[%mul3A_486] : memref<10000xi32, #tpu.memory_space<vmem>> -> memref<40xi32, #tpu.memory_space<vmem>>
        %dma_start3A_493 = arith.constant 0 : i32
        %dma_start3A_494 = arith.constant 0 : i32
        %dma_start3A_495 = tpu.memref_slice %arg2[%dma_start3A_493, %dma_start3A_494] : memref<10000x128xf32, #tpu.memory_space<hbm>> -> memref<10000x128xf32, #tpu.memory_space<hbm>>
        tpu.enqueue_indirect_dma source(%dma_start3A_495 : memref<10000x128xf32, #tpu.memory_space<hbm>>) target(%dma_start3A_491 : memref<40x128xf32, #tpu.memory_space<vmem>>) offsets(%dma_start3A_492 : memref<40xi32, #tpu.memory_space<vmem>>) semaphore(%arg11 : memref<!tpu.dma_semaphore, #tpu.memory_space<semaphore_mem>>)
      } else {
      }
      %add3A_353 = arith.constant 1 : i32
      %add3A_354 = arith.addi %add3A_125, %add3A_353 : i32
      %jit3A_355 = arith.constant 2 : i32
      %div3A_356 = arith.divsi %add3A_354, %jit3A_355 : i32
      %sign3A_357 = arith.constant 0 : i32
      %sign3A_358 = arith.cmpi sgt, %add3A_354, %sign3A_357 : i32
      %sign3A_359 = arith.extui %sign3A_358 : i1 to i32
      %sign3A_360 = arith.constant 0 : i32
      %sign3A_361 = arith.cmpi slt, %add3A_354, %sign3A_360 : i32
      %sign3A_362 = arith.extui %sign3A_361 : i1 to i32
      %sign3A_363 = arith.subi %sign3A_359, %sign3A_362 : i32
      %sign3A_364 = arith.constant 0 : i32
      %sign3A_365 = arith.cmpi sgt, %jit3A_355, %sign3A_364 : i32
      %sign3A_366 = arith.extui %sign3A_365 : i1 to i32
      %sign3A_367 = arith.constant 0 : i32
      %sign3A_368 = arith.cmpi slt, %jit3A_355, %sign3A_367 : i32
      %sign3A_369 = arith.extui %sign3A_368 : i1 to i32
      %sign3A_370 = arith.subi %sign3A_366, %sign3A_369 : i32
      %ne3A_371 = arith.cmpi ne, %sign3A_363, %sign3A_370 : i32
      %rem3A_372 = arith.remsi %add3A_354, %jit3A_355 : i32
      %ne3A_373 = arith.constant 0 : i32
      %ne3A_374 = arith.cmpi ne, %rem3A_372, %ne3A_373 : i32
      %and3A_375 = arith.andi %ne3A_371, %ne3A_374 : i1
      %sub3A_376 = arith.constant 1 : i32
      %sub3A_377 = arith.subi %div3A_356, %sub3A_376 : i32
      %select_n3A_378 = arith.select %and3A_375, %sub3A_377, %div3A_356 : i32
      %dma_wait3A_379 = arith.constant 1 : i32
      %dma_wait3A_380 = arith.constant 0 : i32
      %dma_wait3A_381 = arith.constant 0 : i32
      %dma_wait3A_382 = tpu.memref_slice %arg9[%dma_wait3A_379, %dma_wait3A_380, %dma_wait3A_381] : memref<4x40x128xf32, #tpu.memory_space<vmem>> -> memref<1x40x128xf32, #tpu.memory_space<vmem>>
      %dma_wait3A_383 = tpu.memref_squeeze %dma_wait3A_382 : memref<1x40x128xf32, #tpu.memory_space<vmem>> -> memref<40x128xf32, #tpu.memory_space<vmem>>
      %dma_wait3A_384 = arith.constant 40 : i32
      %dma_wait3A_385 = tpu.memref_slice %arg8[%select_n3A_378, %dma_wait3A_384] : memref<125x80xi32, #tpu.memory_space<vmem>> -> memref<1x40xi32, #tpu.memory_space<vmem>>
      %dma_wait3A_386 = tpu.memref_squeeze %dma_wait3A_385 : memref<1x40xi32, #tpu.memory_space<vmem>> -> memref<40xi32, #tpu.memory_space<vmem>>
      %dma_wait3A_387 = arith.constant 0 : i32
      %dma_wait3A_388 = arith.constant 0 : i32
      %dma_wait3A_389 = tpu.memref_slice %arg10[%dma_wait3A_387, %dma_wait3A_388] : memref<10000x128xf32, #tpu.memory_space<vmem_shared>> -> memref<10000x128xf32, #tpu.memory_space<vmem_shared>>
      tpu.wait_indirect_dma semaphore(%arg16 : memref<!tpu.dma_semaphore, #tpu.memory_space<semaphore_mem>>) src(%dma_wait3A_383 : memref<40x128xf32, #tpu.memory_space<vmem>>) dst(%dma_wait3A_389 : memref<10000x128xf32, #tpu.memory_space<vmem_shared>>)
      %add3A_390 = arith.constant 4 : i32
      %add3A_391 = arith.addi %add3A_354, %add3A_390 : i32
      %lt3A_392 = arith.constant 250 : i32
      %lt3A_393 = arith.cmpi slt, %add3A_391, %lt3A_392 : i32
      %convert_element_type3A_394 = arith.extui %lt3A_393 : i1 to i32
      %cond3A_395 = arith.constant 0 : i32
      %cond3A_396 = arith.cmpi ne, %convert_element_type3A_394, %cond3A_395 : i32
      scf.if %cond3A_396 {
        %mul3A_485 = arith.constant 40 : i32
        %mul3A_486 = arith.muli %add3A_391, %mul3A_485 : i32
        %dma_start3A_487 = arith.constant 1 : i32
        %dma_start3A_488 = arith.constant 0 : i32
        %dma_start3A_489 = arith.constant 0 : i32
        %dma_start3A_490 = tpu.memref_slice %arg9[%dma_start3A_487, %dma_start3A_488, %dma_start3A_489] : memref<4x40x128xf32, #tpu.memory_space<vmem>> -> memref<1x40x128xf32, #tpu.memory_space<vmem>>
        %dma_start3A_491 = tpu.memref_squeeze %dma_start3A_490 : memref<1x40x128xf32, #tpu.memory_space<vmem>> -> memref<40x128xf32, #tpu.memory_space<vmem>>
        %dma_start3A_492 = tpu.memref_slice %arg7[%mul3A_486] : memref<10000xi32, #tpu.memory_space<vmem>> -> memref<40xi32, #tpu.memory_space<vmem>>
        %dma_start3A_493 = arith.constant 0 : i32
        %dma_start3A_494 = arith.constant 0 : i32
        %dma_start3A_495 = tpu.memref_slice %arg2[%dma_start3A_493, %dma_start3A_494] : memref<10000x128xf32, #tpu.memory_space<hbm>> -> memref<10000x128xf32, #tpu.memory_space<hbm>>
        tpu.enqueue_indirect_dma source(%dma_start3A_495 : memref<10000x128xf32, #tpu.memory_space<hbm>>) target(%dma_start3A_491 : memref<40x128xf32, #tpu.memory_space<vmem>>) offsets(%dma_start3A_492 : memref<40xi32, #tpu.memory_space<vmem>>) semaphore(%arg12 : memref<!tpu.dma_semaphore, #tpu.memory_space<semaphore_mem>>)
      } else {
      }
      %add3A_397 = arith.constant 2 : i32
      %add3A_398 = arith.addi %add3A_125, %add3A_397 : i32
      %jit3A_399 = arith.constant 2 : i32
      %div3A_400 = arith.divsi %add3A_398, %jit3A_399 : i32
      %sign3A_401 = arith.constant 0 : i32
      %sign3A_402 = arith.cmpi sgt, %add3A_398, %sign3A_401 : i32
      %sign3A_403 = arith.extui %sign3A_402 : i1 to i32
      %sign3A_404 = arith.constant 0 : i32
      %sign3A_405 = arith.cmpi slt, %add3A_398, %sign3A_404 : i32
      %sign3A_406 = arith.extui %sign3A_405 : i1 to i32
      %sign3A_407 = arith.subi %sign3A_403, %sign3A_406 : i32
      %sign3A_408 = arith.constant 0 : i32
      %sign3A_409 = arith.cmpi sgt, %jit3A_399, %sign3A_408 : i32
      %sign3A_410 = arith.extui %sign3A_409 : i1 to i32
      %sign3A_411 = arith.constant 0 : i32
      %sign3A_412 = arith.cmpi slt, %jit3A_399, %sign3A_411 : i32
      %sign3A_413 = arith.extui %sign3A_412 : i1 to i32
      %sign3A_414 = arith.subi %sign3A_410, %sign3A_413 : i32
      %ne3A_415 = arith.cmpi ne, %sign3A_407, %sign3A_414 : i32
      %rem3A_416 = arith.remsi %add3A_398, %jit3A_399 : i32
      %ne3A_417 = arith.constant 0 : i32
      %ne3A_418 = arith.cmpi ne, %rem3A_416, %ne3A_417 : i32
      %and3A_419 = arith.andi %ne3A_415, %ne3A_418 : i1
      %sub3A_420 = arith.constant 1 : i32
      %sub3A_421 = arith.subi %div3A_400, %sub3A_420 : i32
      %select_n3A_422 = arith.select %and3A_419, %sub3A_421, %div3A_400 : i32
      %dma_wait3A_423 = arith.constant 2 : i32
      %dma_wait3A_424 = arith.constant 0 : i32
      %dma_wait3A_425 = arith.constant 0 : i32
      %dma_wait3A_426 = tpu.memref_slice %arg9[%dma_wait3A_423, %dma_wait3A_424, %dma_wait3A_425] : memref<4x40x128xf32, #tpu.memory_space<vmem>> -> memref<1x40x128xf32, #tpu.memory_space<vmem>>
      %dma_wait3A_427 = tpu.memref_squeeze %dma_wait3A_426 : memref<1x40x128xf32, #tpu.memory_space<vmem>> -> memref<40x128xf32, #tpu.memory_space<vmem>>
      %dma_wait3A_428 = arith.constant 0 : i32
      %dma_wait3A_429 = tpu.memref_slice %arg8[%select_n3A_422, %dma_wait3A_428] : memref<125x80xi32, #tpu.memory_space<vmem>> -> memref<1x40xi32, #tpu.memory_space<vmem>>
      %dma_wait3A_430 = tpu.memref_squeeze %dma_wait3A_429 : memref<1x40xi32, #tpu.memory_space<vmem>> -> memref<40xi32, #tpu.memory_space<vmem>>
      %dma_wait3A_431 = arith.constant 0 : i32
      %dma_wait3A_432 = arith.constant 0 : i32
      %dma_wait3A_433 = tpu.memref_slice %arg10[%dma_wait3A_431, %dma_wait3A_432] : memref<10000x128xf32, #tpu.memory_space<vmem_shared>> -> memref<10000x128xf32, #tpu.memory_space<vmem_shared>>
      tpu.wait_indirect_dma semaphore(%arg17 : memref<!tpu.dma_semaphore, #tpu.memory_space<semaphore_mem>>) src(%dma_wait3A_427 : memref<40x128xf32, #tpu.memory_space<vmem>>) dst(%dma_wait3A_433 : memref<10000x128xf32, #tpu.memory_space<vmem_shared>>)
      %add3A_434 = arith.constant 4 : i32
      %add3A_435 = arith.addi %add3A_398, %add3A_434 : i32
      %lt3A_436 = arith.constant 250 : i32
      %lt3A_437 = arith.cmpi slt, %add3A_435, %lt3A_436 : i32
      %convert_element_type3A_438 = arith.extui %lt3A_437 : i1 to i32
      %cond3A_439 = arith.constant 0 : i32
      %cond3A_440 = arith.cmpi ne, %convert_element_type3A_438, %cond3A_439 : i32
      scf.if %cond3A_440 {
        %mul3A_485 = arith.constant 40 : i32
        %mul3A_486 = arith.muli %add3A_435, %mul3A_485 : i32
        %dma_start3A_487 = arith.constant 2 : i32
        %dma_start3A_488 = arith.constant 0 : i32
        %dma_start3A_489 = arith.constant 0 : i32
        %dma_start3A_490 = tpu.memref_slice %arg9[%dma_start3A_487, %dma_start3A_488, %dma_start3A_489] : memref<4x40x128xf32, #tpu.memory_space<vmem>> -> memref<1x40x128xf32, #tpu.memory_space<vmem>>
        %dma_start3A_491 = tpu.memref_squeeze %dma_start3A_490 : memref<1x40x128xf32, #tpu.memory_space<vmem>> -> memref<40x128xf32, #tpu.memory_space<vmem>>
        %dma_start3A_492 = tpu.memref_slice %arg7[%mul3A_486] : memref<10000xi32, #tpu.memory_space<vmem>> -> memref<40xi32, #tpu.memory_space<vmem>>
        %dma_start3A_493 = arith.constant 0 : i32
        %dma_start3A_494 = arith.constant 0 : i32
        %dma_start3A_495 = tpu.memref_slice %arg2[%dma_start3A_493, %dma_start3A_494] : memref<10000x128xf32, #tpu.memory_space<hbm>> -> memref<10000x128xf32, #tpu.memory_space<hbm>>
        tpu.enqueue_indirect_dma source(%dma_start3A_495 : memref<10000x128xf32, #tpu.memory_space<hbm>>) target(%dma_start3A_491 : memref<40x128xf32, #tpu.memory_space<vmem>>) offsets(%dma_start3A_492 : memref<40xi32, #tpu.memory_space<vmem>>) semaphore(%arg13 : memref<!tpu.dma_semaphore, #tpu.memory_space<semaphore_mem>>)
      } else {
      }
      %add3A_441 = arith.constant 3 : i32
      %add3A_442 = arith.addi %add3A_125, %add3A_441 : i32
      %jit3A_443 = arith.constant 2 : i32
      %div3A_444 = arith.divsi %add3A_442, %jit3A_443 : i32
      %sign3A_445 = arith.constant 0 : i32
      %sign3A_446 = arith.cmpi sgt, %add3A_442, %sign3A_445 : i32
      %sign3A_447 = arith.extui %sign3A_446 : i1 to i32
      %sign3A_448 = arith.constant 0 : i32
      %sign3A_449 = arith.cmpi slt, %add3A_442, %sign3A_448 : i32
      %sign3A_450 = arith.extui %sign3A_449 : i1 to i32
      %sign3A_451 = arith.subi %sign3A_447, %sign3A_450 : i32
      %sign3A_452 = arith.constant 0 : i32
      %sign3A_453 = arith.cmpi sgt, %jit3A_443, %sign3A_452 : i32
      %sign3A_454 = arith.extui %sign3A_453 : i1 to i32
      %sign3A_455 = arith.constant 0 : i32
      %sign3A_456 = arith.cmpi slt, %jit3A_443, %sign3A_455 : i32
      %sign3A_457 = arith.extui %sign3A_456 : i1 to i32
      %sign3A_458 = arith.subi %sign3A_454, %sign3A_457 : i32
      %ne3A_459 = arith.cmpi ne, %sign3A_451, %sign3A_458 : i32
      %rem3A_460 = arith.remsi %add3A_442, %jit3A_443 : i32
      %ne3A_461 = arith.constant 0 : i32
      %ne3A_462 = arith.cmpi ne, %rem3A_460, %ne3A_461 : i32
      %and3A_463 = arith.andi %ne3A_459, %ne3A_462 : i1
      %sub3A_464 = arith.constant 1 : i32
      %sub3A_465 = arith.subi %div3A_444, %sub3A_464 : i32
      %select_n3A_466 = arith.select %and3A_463, %sub3A_465, %div3A_444 : i32
      %dma_wait3A_467 = arith.constant 3 : i32
      %dma_wait3A_468 = arith.constant 0 : i32
      %dma_wait3A_469 = arith.constant 0 : i32
      %dma_wait3A_470 = tpu.memref_slice %arg9[%dma_wait3A_467, %dma_wait3A_468, %dma_wait3A_469] : memref<4x40x128xf32, #tpu.memory_space<vmem>> -> memref<1x40x128xf32, #tpu.memory_space<vmem>>
      %dma_wait3A_471 = tpu.memref_squeeze %dma_wait3A_470 : memref<1x40x128xf32, #tpu.memory_space<vmem>> -> memref<40x128xf32, #tpu.memory_space<vmem>>
      %dma_wait3A_472 = arith.constant 40 : i32
      %dma_wait3A_473 = tpu.memref_slice %arg8[%select_n3A_466, %dma_wait3A_472] : memref<125x80xi32, #tpu.memory_space<vmem>> -> memref<1x40xi32, #tpu.memory_space<vmem>>
      %dma_wait3A_474 = tpu.memref_squeeze %dma_wait3A_473 : memref<1x40xi32, #tpu.memory_space<vmem>> -> memref<40xi32, #tpu.memory_space<vmem>>
      %dma_wait3A_475 = arith.constant 0 : i32
      %dma_wait3A_476 = arith.constant 0 : i32
      %dma_wait3A_477 = tpu.memref_slice %arg10[%dma_wait3A_475, %dma_wait3A_476] : memref<10000x128xf32, #tpu.memory_space<vmem_shared>> -> memref<10000x128xf32, #tpu.memory_space<vmem_shared>>
      tpu.wait_indirect_dma semaphore(%arg18 : memref<!tpu.dma_semaphore, #tpu.memory_space<semaphore_mem>>) src(%dma_wait3A_471 : memref<40x128xf32, #tpu.memory_space<vmem>>) dst(%dma_wait3A_477 : memref<10000x128xf32, #tpu.memory_space<vmem_shared>>)
      %add3A_478 = arith.constant 4 : i32
      %add3A_479 = arith.addi %add3A_442, %add3A_478 : i32
      %lt3A_480 = arith.constant 250 : i32
      %lt3A_481 = arith.cmpi slt, %add3A_479, %lt3A_480 : i32
      %convert_element_type3A_482 = arith.extui %lt3A_481 : i1 to i32
      %cond3A_483 = arith.constant 0 : i32
      %cond3A_484 = arith.cmpi ne, %convert_element_type3A_482, %cond3A_483 : i32
      scf.if %cond3A_484 {
        %mul3A_485 = arith.constant 40 : i32
        %mul3A_486 = arith.muli %add3A_479, %mul3A_485 : i32
        %dma_start3A_487 = arith.constant 3 : i32
        %dma_start3A_488 = arith.constant 0 : i32
        %dma_start3A_489 = arith.constant 0 : i32
        %dma_start3A_490 = tpu.memref_slice %arg9[%dma_start3A_487, %dma_start3A_488, %dma_start3A_489] : memref<4x40x128xf32, #tpu.memory_space<vmem>> -> memref<1x40x128xf32, #tpu.memory_space<vmem>>
        %dma_start3A_491 = tpu.memref_squeeze %dma_start3A_490 : memref<1x40x128xf32, #tpu.memory_space<vmem>> -> memref<40x128xf32, #tpu.memory_space<vmem>>
        %dma_start3A_492 = tpu.memref_slice %arg7[%mul3A_486] : memref<10000xi32, #tpu.memory_space<vmem>> -> memref<40xi32, #tpu.memory_space<vmem>>
        %dma_start3A_493 = arith.constant 0 : i32
        %dma_start3A_494 = arith.constant 0 : i32
        %dma_start3A_495 = tpu.memref_slice %arg2[%dma_start3A_493, %dma_start3A_494] : memref<10000x128xf32, #tpu.memory_space<hbm>> -> memref<10000x128xf32, #tpu.memory_space<hbm>>
        tpu.enqueue_indirect_dma source(%dma_start3A_495 : memref<10000x128xf32, #tpu.memory_space<hbm>>) target(%dma_start3A_491 : memref<40x128xf32, #tpu.memory_space<vmem>>) offsets(%dma_start3A_492 : memref<40xi32, #tpu.memory_space<vmem>>) semaphore(%arg14 : memref<!tpu.dma_semaphore, #tpu.memory_space<semaphore_mem>>)
      } else {
      }
    }
    %scan3A_84 = arith.constant 62 : i32
    %dma_wait3A_85 = arith.constant 0 : i32
    %dma_wait3A_86 = arith.constant 0 : i32
    %dma_wait3A_87 = arith.constant 0 : i32
    %dma_wait3A_88 = tpu.memref_slice %arg9[%dma_wait3A_85, %dma_wait3A_86, %dma_wait3A_87] : memref<4x40x128xf32, #tpu.memory_space<vmem>> -> memref<1x40x128xf32, #tpu.memory_space<vmem>>
    %dma_wait3A_89 = tpu.memref_squeeze %dma_wait3A_88 : memref<1x40x128xf32, #tpu.memory_space<vmem>> -> memref<40x128xf32, #tpu.memory_space<vmem>>
    %dma_wait3A_90 = arith.constant 9920 : i32
    %dma_wait3A_91 = tpu.memref_slice %arg7[%dma_wait3A_90] : memref<10000xi32, #tpu.memory_space<vmem>> -> memref<40xi32, #tpu.memory_space<vmem>>
    %dma_wait3A_92 = arith.constant 0 : i32
    %dma_wait3A_93 = arith.constant 0 : i32
    %dma_wait3A_94 = tpu.memref_slice %arg2[%dma_wait3A_92, %dma_wait3A_93] : memref<10000x128xf32, #tpu.memory_space<hbm>> -> memref<10000x128xf32, #tpu.memory_space<hbm>>
    tpu.wait_indirect_dma semaphore(%arg11 : memref<!tpu.dma_semaphore, #tpu.memory_space<semaphore_mem>>) src(%dma_wait3A_94 : memref<10000x128xf32, #tpu.memory_space<hbm>>) dst(%dma_wait3A_89 : memref<40x128xf32, #tpu.memory_space<vmem>>)
    %run_scoped3A = arith.constant 0 : i32
    %run_scoped3A_95 = arith.constant 124 : i32
    "tpu.region"() ({
      %run_scoped3A_121 = tpu.sem_alloc : memref<!tpu.dma_semaphore, #tpu.memory_space<semaphore_mem>>
      %dma_start3A_122 = arith.constant 0 : i32
      %dma_start3A_123 = arith.constant 0 : i32
      %dma_start3A_124 = tpu.memref_slice %arg9[%run_scoped3A, %dma_start3A_122, %dma_start3A_123] : memref<4x40x128xf32, #tpu.memory_space<vmem>> -> memref<1x40x128xf32, #tpu.memory_space<vmem>>
      %dma_start3A_125 = tpu.memref_squeeze %dma_start3A_124 : memref<1x40x128xf32, #tpu.memory_space<vmem>> -> memref<40x128xf32, #tpu.memory_space<vmem>>
      %dma_start3A_126 = arith.constant 0 : i32
      %dma_start3A_127 = tpu.memref_slice %arg8[%run_scoped3A_95, %dma_start3A_126] : memref<125x80xi32, #tpu.memory_space<vmem>> -> memref<1x40xi32, #tpu.memory_space<vmem>>
      %dma_start3A_128 = tpu.memref_squeeze %dma_start3A_127 : memref<1x40xi32, #tpu.memory_space<vmem>> -> memref<40xi32, #tpu.memory_space<vmem>>
      %dma_start3A_129 = arith.constant 0 : i32
      %dma_start3A_130 = arith.constant 0 : i32
      %dma_start3A_131 = tpu.memref_slice %arg10[%dma_start3A_129, %dma_start3A_130] : memref<10000x128xf32, #tpu.memory_space<vmem_shared>> -> memref<10000x128xf32, #tpu.memory_space<vmem_shared>>
      tpu.enqueue_indirect_dma source(%dma_start3A_125 : memref<40x128xf32, #tpu.memory_space<vmem>>) target(%dma_start3A_131 : memref<10000x128xf32, #tpu.memory_space<vmem_shared>>) offsets(%dma_start3A_128 : memref<40xi32, #tpu.memory_space<vmem>>) semaphore(%run_scoped3A_121 : memref<!tpu.dma_semaphore, #tpu.memory_space<semaphore_mem>>) {add = true}
      %dma_wait3A_132 = arith.constant 0 : i32
      %dma_wait3A_133 = arith.constant 0 : i32
      %dma_wait3A_134 = tpu.memref_slice %arg9[%run_scoped3A, %dma_wait3A_132, %dma_wait3A_133] : memref<4x40x128xf32, #tpu.memory_space<vmem>> -> memref<1x40x128xf32, #tpu.memory_space<vmem>>
      %dma_wait3A_135 = tpu.memref_squeeze %dma_wait3A_134 : memref<1x40x128xf32, #tpu.memory_space<vmem>> -> memref<40x128xf32, #tpu.memory_space<vmem>>
      %dma_wait3A_136 = arith.constant 0 : i32
      %dma_wait3A_137 = tpu.memref_slice %arg8[%run_scoped3A_95, %dma_wait3A_136] : memref<125x80xi32, #tpu.memory_space<vmem>> -> memref<1x40xi32, #tpu.memory_space<vmem>>
      %dma_wait3A_138 = tpu.memref_squeeze %dma_wait3A_137 : memref<1x40xi32, #tpu.memory_space<vmem>> -> memref<40xi32, #tpu.memory_space<vmem>>
      %dma_wait3A_139 = arith.constant 0 : i32
      %dma_wait3A_140 = arith.constant 0 : i32
      %dma_wait3A_141 = tpu.memref_slice %arg10[%dma_wait3A_139, %dma_wait3A_140] : memref<10000x128xf32, #tpu.memory_space<vmem_shared>> -> memref<10000x128xf32, #tpu.memory_space<vmem_shared>>
      tpu.wait_indirect_dma semaphore(%run_scoped3A_121 : memref<!tpu.dma_semaphore, #tpu.memory_space<semaphore_mem>>) src(%dma_wait3A_135 : memref<40x128xf32, #tpu.memory_space<vmem>>) dst(%dma_wait3A_141 : memref<10000x128xf32, #tpu.memory_space<vmem_shared>>)
      tpu.yield
    }) : () -> ()
    %dma_wait3A_96 = arith.constant 1 : i32
    %dma_wait3A_97 = arith.constant 0 : i32
    %dma_wait3A_98 = arith.constant 0 : i32
    %dma_wait3A_99 = tpu.memref_slice %arg9[%dma_wait3A_96, %dma_wait3A_97, %dma_wait3A_98] : memref<4x40x128xf32, #tpu.memory_space<vmem>> -> memref<1x40x128xf32, #tpu.memory_space<vmem>>
    %dma_wait3A_100 = tpu.memref_squeeze %dma_wait3A_99 : memref<1x40x128xf32, #tpu.memory_space<vmem>> -> memref<40x128xf32, #tpu.memory_space<vmem>>
    %dma_wait3A_101 = arith.constant 9960 : i32
    %dma_wait3A_102 = tpu.memref_slice %arg7[%dma_wait3A_101] : memref<10000xi32, #tpu.memory_space<vmem>> -> memref<40xi32, #tpu.memory_space<vmem>>
    %dma_wait3A_103 = arith.constant 0 : i32
    %dma_wait3A_104 = arith.constant 0 : i32
    %dma_wait3A_105 = tpu.memref_slice %arg2[%dma_wait3A_103, %dma_wait3A_104] : memref<10000x128xf32, #tpu.memory_space<hbm>> -> memref<10000x128xf32, #tpu.memory_space<hbm>>
    tpu.wait_indirect_dma semaphore(%arg12 : memref<!tpu.dma_semaphore, #tpu.memory_space<semaphore_mem>>) src(%dma_wait3A_105 : memref<10000x128xf32, #tpu.memory_space<hbm>>) dst(%dma_wait3A_100 : memref<40x128xf32, #tpu.memory_space<vmem>>)
    %run_scoped3A_106 = arith.constant 1 : i32
    %run_scoped3A_107 = arith.constant 124 : i32
    "tpu.region"() ({
      %run_scoped3A_121 = tpu.sem_alloc : memref<!tpu.dma_semaphore, #tpu.memory_space<semaphore_mem>>
      %dma_start3A_122 = arith.constant 0 : i32
      %dma_start3A_123 = arith.constant 0 : i32
      %dma_start3A_124 = tpu.memref_slice %arg9[%run_scoped3A_106, %dma_start3A_122, %dma_start3A_123] : memref<4x40x128xf32, #tpu.memory_space<vmem>> -> memref<1x40x128xf32, #tpu.memory_space<vmem>>
      %dma_start3A_125 = tpu.memref_squeeze %dma_start3A_124 : memref<1x40x128xf32, #tpu.memory_space<vmem>> -> memref<40x128xf32, #tpu.memory_space<vmem>>
      %dma_start3A_126 = arith.constant 40 : i32
      %dma_start3A_127 = tpu.memref_slice %arg8[%run_scoped3A_107, %dma_start3A_126] : memref<125x80xi32, #tpu.memory_space<vmem>> -> memref<1x40xi32, #tpu.memory_space<vmem>>
      %dma_start3A_128 = tpu.memref_squeeze %dma_start3A_127 : memref<1x40xi32, #tpu.memory_space<vmem>> -> memref<40xi32, #tpu.memory_space<vmem>>
      %dma_start3A_129 = arith.constant 0 : i32
      %dma_start3A_130 = arith.constant 0 : i32
      %dma_start3A_131 = tpu.memref_slice %arg10[%dma_start3A_129, %dma_start3A_130] : memref<10000x128xf32, #tpu.memory_space<vmem_shared>> -> memref<10000x128xf32, #tpu.memory_space<vmem_shared>>
      tpu.enqueue_indirect_dma source(%dma_start3A_125 : memref<40x128xf32, #tpu.memory_space<vmem>>) target(%dma_start3A_131 : memref<10000x128xf32, #tpu.memory_space<vmem_shared>>) offsets(%dma_start3A_128 : memref<40xi32, #tpu.memory_space<vmem>>) semaphore(%run_scoped3A_121 : memref<!tpu.dma_semaphore, #tpu.memory_space<semaphore_mem>>) {add = true}
      %dma_wait3A_132 = arith.constant 0 : i32
      %dma_wait3A_133 = arith.constant 0 : i32
      %dma_wait3A_134 = tpu.memref_slice %arg9[%run_scoped3A_106, %dma_wait3A_132, %dma_wait3A_133] : memref<4x40x128xf32, #tpu.memory_space<vmem>> -> memref<1x40x128xf32, #tpu.memory_space<vmem>>
      %dma_wait3A_135 = tpu.memref_squeeze %dma_wait3A_134 : memref<1x40x128xf32, #tpu.memory_space<vmem>> -> memref<40x128xf32, #tpu.memory_space<vmem>>
      %dma_wait3A_136 = arith.constant 40 : i32
      %dma_wait3A_137 = tpu.memref_slice %arg8[%run_scoped3A_107, %dma_wait3A_136] : memref<125x80xi32, #tpu.memory_space<vmem>> -> memref<1x40xi32, #tpu.memory_space<vmem>>
      %dma_wait3A_138 = tpu.memref_squeeze %dma_wait3A_137 : memref<1x40xi32, #tpu.memory_space<vmem>> -> memref<40xi32, #tpu.memory_space<vmem>>
      %dma_wait3A_139 = arith.constant 0 : i32
      %dma_wait3A_140 = arith.constant 0 : i32
      %dma_wait3A_141 = tpu.memref_slice %arg10[%dma_wait3A_139, %dma_wait3A_140] : memref<10000x128xf32, #tpu.memory_space<vmem_shared>> -> memref<10000x128xf32, #tpu.memory_space<vmem_shared>>
      tpu.wait_indirect_dma semaphore(%run_scoped3A_121 : memref<!tpu.dma_semaphore, #tpu.memory_space<semaphore_mem>>) src(%dma_wait3A_135 : memref<40x128xf32, #tpu.memory_space<vmem>>) dst(%dma_wait3A_141 : memref<10000x128xf32, #tpu.memory_space<vmem_shared>>)
      tpu.yield
    }) : () -> ()
    %barrier3A_108 = arith.constant 0 : index
    tpu.barrier barrier_id(%barrier3A_108)
    %mul3A_109 = arith.constant 624 : i32
    %mul3A_110 = arith.muli %arg1, %mul3A_109 : i32
    %mul3A_111 = arith.constant 10000 : i32
    %mul3A_112 = arith.muli %arg0, %mul3A_111 : i32
    %mul3A_113 = arith.constant 624 : i32
    %mul3A_114 = arith.muli %arg1, %mul3A_113 : i32
    %add3A_115 = arith.addi %mul3A_112, %mul3A_114 : i32
    "tpu.region"() ({
      %run_scoped3A_121 = tpu.sem_alloc : memref<!tpu.dma_semaphore, #tpu.memory_space<semaphore_mem>>
      %dma_start3A_122 = arith.constant 0 : i32
      %dma_start3A_123 = tpu.memref_slice %arg6[%add3A_115, %dma_start3A_122] : memref<20000x128xf32, #tpu.memory_space<hbm>> -> memref<624x128xf32, #tpu.memory_space<hbm>>
      %dma_start3A_124 = arith.constant 0 : i32
      %dma_start3A_125 = tpu.memref_slice %arg10[%mul3A_110, %dma_start3A_124] : memref<10000x128xf32, #tpu.memory_space<vmem_shared>> -> memref<624x128xf32, #tpu.memory_space<vmem_shared>>
      tpu.enqueue_dma source(%dma_start3A_125 : memref<624x128xf32, #tpu.memory_space<vmem_shared>>) target(%dma_start3A_123 : memref<624x128xf32, #tpu.memory_space<hbm>>) target_semaphore(%run_scoped3A_121 : memref<!tpu.dma_semaphore, #tpu.memory_space<semaphore_mem>>)
      %dma_wait3A_126 = arith.constant 0 : i32
      %dma_wait3A_127 = tpu.memref_slice %arg6[%add3A_115, %dma_wait3A_126] : memref<20000x128xf32, #tpu.memory_space<hbm>> -> memref<624x128xf32, #tpu.memory_space<hbm>>
      %dma_wait3A_128 = arith.constant 0 : i32
      %dma_wait3A_129 = tpu.memref_slice %arg10[%mul3A_110, %dma_wait3A_128] : memref<10000x128xf32, #tpu.memory_space<vmem_shared>> -> memref<624x128xf32, #tpu.memory_space<vmem_shared>>
      tpu.wait_dma2 semaphore(%run_scoped3A_121 : memref<!tpu.dma_semaphore, #tpu.memory_space<semaphore_mem>>) src(%dma_wait3A_129 : memref<624x128xf32, #tpu.memory_space<vmem_shared>>) dst(%dma_wait3A_127 : memref<624x128xf32, #tpu.memory_space<hbm>>)
      tpu.yield
    }) : () -> ()
    %eq3A_116 = arith.constant 15 : i32
    %eq3A_117 = arith.cmpi eq, %arg1, %eq3A_116 : i32
    %convert_element_type3A_118 = arith.extui %eq3A_117 : i1 to i32
    %cond3A_119 = arith.constant 0 : i32
    %cond3A_120 = arith.cmpi ne, %convert_element_type3A_118, %cond3A_119 : i32
    scf.if %cond3A_120 {
      %mul3A_121 = arith.constant 10000 : i32
      %mul3A_122 = arith.muli %arg0, %mul3A_121 : i32
      %add3A_123 = arith.constant 9984 : i32
      %add3A_124 = arith.addi %mul3A_122, %add3A_123 : i32
      "tpu.region"() ({
        %run_scoped3A_125 = tpu.sem_alloc : memref<!tpu.dma_semaphore, #tpu.memory_space<semaphore_mem>>
        %dma_start3A_126 = arith.constant 0 : i32
        %dma_start3A_127 = tpu.memref_slice %arg6[%add3A_124, %dma_start3A_126] : memref<20000x128xf32, #tpu.memory_space<hbm>> -> memref<16x128xf32, #tpu.memory_space<hbm>>
        %dma_start3A_128 = arith.constant 9984 : i32
        %dma_start3A_129 = arith.constant 0 : i32
        %dma_start3A_130 = tpu.memref_slice %arg10[%dma_start3A_128, %dma_start3A_129] : memref<10000x128xf32, #tpu.memory_space<vmem_shared>> -> memref<16x128xf32, #tpu.memory_space<vmem_shared>>
        tpu.enqueue_dma source(%dma_start3A_130 : memref<16x128xf32, #tpu.memory_space<vmem_shared>>) target(%dma_start3A_127 : memref<16x128xf32, #tpu.memory_space<hbm>>) target_semaphore(%run_scoped3A_125 : memref<!tpu.dma_semaphore, #tpu.memory_space<semaphore_mem>>)
        %dma_wait3A_131 = arith.constant 0 : i32
        %dma_wait3A_132 = tpu.memref_slice %arg6[%add3A_124, %dma_wait3A_131] : memref<20000x128xf32, #tpu.memory_space<hbm>> -> memref<16x128xf32, #tpu.memory_space<hbm>>
        %dma_wait3A_133 = arith.constant 9984 : i32
        %dma_wait3A_134 = arith.constant 0 : i32
        %dma_wait3A_135 = tpu.memref_slice %arg10[%dma_wait3A_133, %dma_wait3A_134] : memref<10000x128xf32, #tpu.memory_space<vmem_shared>> -> memref<16x128xf32, #tpu.memory_space<vmem_shared>>
        tpu.wait_dma2 semaphore(%run_scoped3A_125 : memref<!tpu.dma_semaphore, #tpu.memory_space<semaphore_mem>>) src(%dma_wait3A_135 : memref<16x128xf32, #tpu.memory_space<vmem_shared>>) dst(%dma_wait3A_132 : memref<16x128xf32, #tpu.memory_space<hbm>>)
        tpu.yield
      }) : () -> ()
    } else {
    }
    return
  }
}

#map = affine_map<(d0, d1) -> (0, 0)>
#map1 = affine_map<(d0, d1) -> (0, 0, 0)>
module attributes {stable_mosaic.version = 14 : i64} {
  func.func @kern(%arg0: i32, %arg1: i32, %arg2: memref<10000x128xf32, #tpu.memory_space<hbm>>, %arg3: memref<32x10000xi32, #tpu.memory_space<hbm>>, %arg4: memref<32x125x80xi32, #tpu.memory_space<hbm>>, %arg5: memref<624x128xf32, #tpu.memory_space<hbm>>, %arg6: memref<20000x128xf32, #tpu.memory_space<hbm>>, %arg7: memref<10000xi32, #tpu.memory_space<vmem>>, %arg8: memref<125x80xi32, #tpu.memory_space<vmem>>, %arg9: memref<4x40x128xf32, #tpu.memory_space<vmem>>, %arg10: memref<10000x128xf32, #tpu.memory_space<vmem_shared>>, %arg11: memref<!tpu.dma_semaphore, #tpu.memory_space<semaphore_mem>>, %arg12: memref<!tpu.dma_semaphore, #tpu.memory_space<semaphore_mem>>, %arg13: memref<!tpu.dma_semaphore, #tpu.memory_space<semaphore_mem>>, %arg14: memref<!tpu.dma_semaphore, #tpu.memory_space<semaphore_mem>>, %arg15: memref<!tpu.dma_semaphore, #tpu.memory_space<semaphore_mem>>, %arg16: memref<!tpu.dma_semaphore, #tpu.memory_space<semaphore_mem>>, %arg17: memref<!tpu.dma_semaphore, #tpu.memory_space<semaphore_mem>>, %arg18: memref<!tpu.dma_semaphore, #tpu.memory_space<semaphore_mem>>, %arg19: memref<!tpu.dma_semaphore, #tpu.memory_space<semaphore_mem>>, %arg20: memref<!tpu.dma_semaphore, #tpu.memory_space<semaphore_mem>>) attributes {dimension_semantics = [#tpu.dimension_semantics<core_parallel>, #tpu.dimension_semantics<subcore_parallel>], iteration_bounds = array<i64: 2, 16>, scalar_prefetch = 0 : i64, scratch_operands = 14 : i64, tpu.core_type = #tpu.core_type<sc_vector_subcore>, window_params = [{transform_indices = #map}, {transform_indices = #map}, {transform_indices = #map1}, {transform_indices = #map}, {transform_indices = #map}]} {
    %mul3A = arith.constant 2 : i32
    %mul3A_0 = arith.muli %arg1, %mul3A : i32
    %add3A = arith.addi %mul3A_0, %arg0 : i32
    %dma_start3A = arith.constant 0 : i32
    %dma_start3A_1 = tpu.memref_slice %arg3[%add3A, %dma_start3A] : memref<32x10000xi32, #tpu.memory_space<hbm>> -> memref<1x10000xi32, #tpu.memory_space<hbm>>
    %dma_start3A_2 = tpu.memref_squeeze %dma_start3A_1 : memref<1x10000xi32, #tpu.memory_space<hbm>> -> memref<10000xi32, #tpu.memory_space<hbm>>
    %dma_start3A_3 = arith.constant 0 : i32
    %dma_start3A_4 = tpu.memref_slice %arg3[%add3A, %dma_start3A_3] : memref<32x10000xi32, #tpu.memory_space<hbm>> -> memref<1x10000xi32, #tpu.memory_space<hbm>>
    %dma_start3A_5 = tpu.memref_squeeze %dma_start3A_4 : memref<1x10000xi32, #tpu.memory_space<hbm>> -> memref<10000xi32, #tpu.memory_space<hbm>>
    tpu.enqueue_dma source(%dma_start3A_5 : memref<10000xi32, #tpu.memory_space<hbm>>) target(%arg7 : memref<10000xi32, #tpu.memory_space<vmem>>) target_semaphore(%arg19 : memref<!tpu.dma_semaphore, #tpu.memory_space<semaphore_mem>>)
    %dma_start3A_6 = arith.constant 0 : i32
    %dma_start3A_7 = arith.constant 0 : i32
    %dma_start3A_8 = tpu.memref_slice %arg4[%add3A, %dma_start3A_6, %dma_start3A_7] : memref<32x125x80xi32, #tpu.memory_space<hbm>> -> memref<1x125x80xi32, #tpu.memory_space<hbm>>
    %dma_start3A_9 = tpu.memref_squeeze %dma_start3A_8 : memref<1x125x80xi32, #tpu.memory_space<hbm>> -> memref<125x80xi32, #tpu.memory_space<hbm>>
    %dma_start3A_10 = arith.constant 0 : i32
    %dma_start3A_11 = arith.constant 0 : i32
    %dma_start3A_12 = tpu.memref_slice %arg4[%add3A, %dma_start3A_10, %dma_start3A_11] : memref<32x125x80xi32, #tpu.memory_space<hbm>> -> memref<1x125x80xi32, #tpu.memory_space<hbm>>
    %dma_start3A_13 = tpu.memref_squeeze %dma_start3A_12 : memref<1x125x80xi32, #tpu.memory_space<hbm>> -> memref<125x80xi32, #tpu.memory_space<hbm>>
    tpu.enqueue_dma source(%dma_start3A_13 : memref<125x80xi32, #tpu.memory_space<hbm>>) target(%arg8 : memref<125x80xi32, #tpu.memory_space<vmem>>) target_semaphore(%arg20 : memref<!tpu.dma_semaphore, #tpu.memory_space<semaphore_mem>>)
    %mul3A_14 = arith.constant 624 : i32
    %mul3A_15 = arith.muli %arg1, %mul3A_14 : i32
    %dma_start3A_16 = arith.constant 0 : i32
    %dma_start3A_17 = tpu.memref_slice %arg10[%mul3A_15, %dma_start3A_16] : memref<10000x128xf32, #tpu.memory_space<vmem_shared>> -> memref<624x128xf32, #tpu.memory_space<vmem_shared>>
    %dma_start3A_18 = arith.constant 0 : i32
    %dma_start3A_19 = arith.constant 0 : i32
    %dma_start3A_20 = tpu.memref_slice %arg5[%dma_start3A_18, %dma_start3A_19] : memref<624x128xf32, #tpu.memory_space<hbm>> -> memref<624x128xf32, #tpu.memory_space<hbm>>
    tpu.enqueue_dma source(%dma_start3A_20 : memref<624x128xf32, #tpu.memory_space<hbm>>) target(%dma_start3A_17 : memref<624x128xf32, #tpu.memory_space<vmem_shared>>) target_semaphore(%arg20 : memref<!tpu.dma_semaphore, #tpu.memory_space<semaphore_mem>>)
    %dma_wait3A = arith.constant 0 : i32
    %dma_wait3A_21 = tpu.memref_slice %arg3[%add3A, %dma_wait3A] : memref<32x10000xi32, #tpu.memory_space<hbm>> -> memref<1x10000xi32, #tpu.memory_space<hbm>>
    %dma_wait3A_22 = tpu.memref_squeeze %dma_wait3A_21 : memref<1x10000xi32, #tpu.memory_space<hbm>> -> memref<10000xi32, #tpu.memory_space<hbm>>
    %dma_wait3A_23 = arith.constant 0 : i32
    %dma_wait3A_24 = tpu.memref_slice %arg3[%add3A, %dma_wait3A_23] : memref<32x10000xi32, #tpu.memory_space<hbm>> -> memref<1x10000xi32, #tpu.memory_space<hbm>>
    %dma_wait3A_25 = tpu.memref_squeeze %dma_wait3A_24 : memref<1x10000xi32, #tpu.memory_space<hbm>> -> memref<10000xi32, #tpu.memory_space<hbm>>
    tpu.wait_dma2 semaphore(%arg19 : memref<!tpu.dma_semaphore, #tpu.memory_space<semaphore_mem>>) src(%dma_wait3A_25 : memref<10000xi32, #tpu.memory_space<hbm>>) dst(%arg7 : memref<10000xi32, #tpu.memory_space<vmem>>)
    %dma_start3A_26 = arith.constant 0 : i32
    %dma_start3A_27 = arith.constant 0 : i32
    %dma_start3A_28 = arith.constant 0 : i32
    %dma_start3A_29 = tpu.memref_slice %arg9[%dma_start3A_26, %dma_start3A_27, %dma_start3A_28] : memref<4x40x128xf32, #tpu.memory_space<vmem>> -> memref<1x40x128xf32, #tpu.memory_space<vmem>>
    %dma_start3A_30 = tpu.memref_squeeze %dma_start3A_29 : memref<1x40x128xf32, #tpu.memory_space<vmem>> -> memref<40x128xf32, #tpu.memory_space<vmem>>
    %dma_start3A_31 = arith.constant 0 : i32
    %dma_start3A_32 = tpu.memref_slice %arg7[%dma_start3A_31] : memref<10000xi32, #tpu.memory_space<vmem>> -> memref<40xi32, #tpu.memory_space<vmem>>
    %dma_start3A_33 = arith.constant 0 : i32
    %dma_start3A_34 = arith.constant 0 : i32
    %dma_start3A_35 = tpu.memref_slice %arg2[%dma_start3A_33, %dma_start3A_34] : memref<10000x128xf32, #tpu.memory_space<hbm>> -> memref<10000x128xf32, #tpu.memory_space<hbm>>
    tpu.enqueue_indirect_dma source(%dma_start3A_35 : memref<10000x128xf32, #tpu.memory_space<hbm>>) target(%dma_start3A_30 : memref<40x128xf32, #tpu.memory_space<vmem>>) offsets(%dma_start3A_32 : memref<40xi32, #tpu.memory_space<vmem>>) semaphore(%arg11 : memref<!tpu.dma_semaphore, #tpu.memory_space<semaphore_mem>>)
    %dma_start3A_36 = arith.constant 1 : i32
    %dma_start3A_37 = arith.constant 0 : i32
    %dma_start3A_38 = arith.constant 0 : i32
    %dma_start3A_39 = tpu.memref_slice %arg9[%dma_start3A_36, %dma_start3A_37, %dma_start3A_38] : memref<4x40x128xf32, #tpu.memory_space<vmem>> -> memref<1x40x128xf32, #tpu.memory_space<vmem>>
    %dma_start3A_40 = tpu.memref_squeeze %dma_start3A_39 : memref<1x40x128xf32, #tpu.memory_space<vmem>> -> memref<40x128xf32, #tpu.memory_space<vmem>>
    %dma_start3A_41 = arith.constant 40 : i32
    %dma_start3A_42 = tpu.memref_slice %arg7[%dma_start3A_41] : memref<10000xi32, #tpu.memory_space<vmem>> -> memref<40xi32, #tpu.memory_space<vmem>>
    %dma_start3A_43 = arith.constant 0 : i32
    %dma_start3A_44 = arith.constant 0 : i32
    %dma_start3A_45 = tpu.memref_slice %arg2[%dma_start3A_43, %dma_start3A_44] : memref<10000x128xf32, #tpu.memory_space<hbm>> -> memref<10000x128xf32, #tpu.memory_space<hbm>>
    tpu.enqueue_indirect_dma source(%dma_start3A_45 : memref<10000x128xf32, #tpu.memory_space<hbm>>) target(%dma_start3A_40 : memref<40x128xf32, #tpu.memory_space<vmem>>) offsets(%dma_start3A_42 : memref<40xi32, #tpu.memory_space<vmem>>) semaphore(%arg12 : memref<!tpu.dma_semaphore, #tpu.memory_space<semaphore_mem>>)
    %dma_start3A_46 = arith.constant 2 : i32
    %dma_start3A_47 = arith.constant 0 : i32
    %dma_start3A_48 = arith.constant 0 : i32
    %dma_start3A_49 = tpu.memref_slice %arg9[%dma_start3A_46, %dma_start3A_47, %dma_start3A_48] : memref<4x40x128xf32, #tpu.memory_space<vmem>> -> memref<1x40x128xf32, #tpu.memory_space<vmem>>
    %dma_start3A_50 = tpu.memref_squeeze %dma_start3A_49 : memref<1x40x128xf32, #tpu.memory_space<vmem>> -> memref<40x128xf32, #tpu.memory_space<vmem>>
    %dma_start3A_51 = arith.constant 80 : i32
    %dma_start3A_52 = tpu.memref_slice %arg7[%dma_start3A_51] : memref<10000xi32, #tpu.memory_space<vmem>> -> memref<40xi32, #tpu.memory_space<vmem>>
    %dma_start3A_53 = arith.constant 0 : i32
    %dma_start3A_54 = arith.constant 0 : i32
    %dma_start3A_55 = tpu.memref_slice %arg2[%dma_start3A_53, %dma_start3A_54] : memref<10000x128xf32, #tpu.memory_space<hbm>> -> memref<10000x128xf32, #tpu.memory_space<hbm>>
    tpu.enqueue_indirect_dma source(%dma_start3A_55 : memref<10000x128xf32, #tpu.memory_space<hbm>>) target(%dma_start3A_50 : memref<40x128xf32, #tpu.memory_space<vmem>>) offsets(%dma_start3A_52 : memref<40xi32, #tpu.memory_space<vmem>>) semaphore(%arg13 : memref<!tpu.dma_semaphore, #tpu.memory_space<semaphore_mem>>)
    %dma_start3A_56 = arith.constant 3 : i32
    %dma_start3A_57 = arith.constant 0 : i32
    %dma_start3A_58 = arith.constant 0 : i32
    %dma_start3A_59 = tpu.memref_slice %arg9[%dma_start3A_56, %dma_start3A_57, %dma_start3A_58] : memref<4x40x128xf32, #tpu.memory_space<vmem>> -> memref<1x40x128xf32, #tpu.memory_space<vmem>>
    %dma_start3A_60 = tpu.memref_squeeze %dma_start3A_59 : memref<1x40x128xf32, #tpu.memory_space<vmem>> -> memref<40x128xf32, #tpu.memory_space<vmem>>
    %dma_start3A_61 = arith.constant 120 : i32
    %dma_start3A_62 = tpu.memref_slice %arg7[%dma_start3A_61] : memref<10000xi32, #tpu.memory_space<vmem>> -> memref<40xi32, #tpu.memory_space<vmem>>
    %dma_start3A_63 = arith.constant 0 : i32
    %dma_start3A_64 = arith.constant 0 : i32
    %dma_start3A_65 = tpu.memref_slice %arg2[%dma_start3A_63, %dma_start3A_64] : memref<10000x128xf32, #tpu.memory_space<hbm>> -> memref<10000x128xf32, #tpu.memory_space<hbm>>
    tpu.enqueue_indirect_dma source(%dma_start3A_65 : memref<10000x128xf32, #tpu.memory_space<hbm>>) target(%dma_start3A_60 : memref<40x128xf32, #tpu.memory_space<vmem>>) offsets(%dma_start3A_62 : memref<40xi32, #tpu.memory_space<vmem>>) semaphore(%arg14 : memref<!tpu.dma_semaphore, #tpu.memory_space<semaphore_mem>>)
    %eq3A = arith.constant 15 : i32
    %eq3A_66 = arith.cmpi eq, %arg1, %eq3A : i32
    %convert_element_type3A = arith.extui %eq3A_66 : i1 to i32
    %cond3A = arith.constant 0 : i32
    %cond3A_67 = arith.cmpi ne, %convert_element_type3A, %cond3A : i32
    scf.if %cond3A_67 {
      "tpu.region"() ({
        %run_scoped3A_121 = tpu.sem_alloc : memref<!tpu.dma_semaphore, #tpu.memory_space<semaphore_mem>>
        %dma_start3A_122 = arith.constant 9984 : i32
        %dma_start3A_123 = arith.constant 0 : i32
        %dma_start3A_124 = tpu.memref_slice %arg10[%dma_start3A_122, %dma_start3A_123] : memref<10000x128xf32, #tpu.memory_space<vmem_shared>> -> memref<16x128xf32, #tpu.memory_space<vmem_shared>>
        %dma_start3A_125 = arith.constant 0 : i32
        %dma_start3A_126 = arith.constant 0 : i32
        %dma_start3A_127 = tpu.memref_slice %arg5[%dma_start3A_125, %dma_start3A_126] : memref<624x128xf32, #tpu.memory_space<hbm>> -> memref<16x128xf32, #tpu.memory_space<hbm>>
        tpu.enqueue_dma source(%dma_start3A_127 : memref<16x128xf32, #tpu.memory_space<hbm>>) target(%dma_start3A_124 : memref<16x128xf32, #tpu.memory_space<vmem_shared>>) target_semaphore(%run_scoped3A_121 : memref<!tpu.dma_semaphore, #tpu.memory_space<semaphore_mem>>)
        %dma_wait3A_128 = arith.constant 9984 : i32
        %dma_wait3A_129 = arith.constant 0 : i32
        %dma_wait3A_130 = tpu.memref_slice %arg10[%dma_wait3A_128, %dma_wait3A_129] : memref<10000x128xf32, #tpu.memory_space<vmem_shared>> -> memref<16x128xf32, #tpu.memory_space<vmem_shared>>
        %dma_wait3A_131 = arith.constant 0 : i32
        %dma_wait3A_132 = arith.constant 0 : i32
        %dma_wait3A_133 = tpu.memref_slice %arg5[%dma_wait3A_131, %dma_wait3A_132] : memref<624x128xf32, #tpu.memory_space<hbm>> -> memref<16x128xf32, #tpu.memory_space<hbm>>
        tpu.wait_dma2 semaphore(%run_scoped3A_121 : memref<!tpu.dma_semaphore, #tpu.memory_space<semaphore_mem>>) src(%dma_wait3A_133 : memref<16x128xf32, #tpu.memory_space<hbm>>) dst(%dma_wait3A_130 : memref<16x128xf32, #tpu.memory_space<vmem_shared>>)
        tpu.yield
      }) : () -> ()
    } else {
    }
    %dma_wait3A_68 = arith.constant 0 : i32
    %dma_wait3A_69 = arith.constant 0 : i32
    %dma_wait3A_70 = tpu.memref_slice %arg4[%add3A, %dma_wait3A_68, %dma_wait3A_69] : memref<32x125x80xi32, #tpu.memory_space<hbm>> -> memref<1x125x80xi32, #tpu.memory_space<hbm>>
    %dma_wait3A_71 = tpu.memref_squeeze %dma_wait3A_70 : memref<1x125x80xi32, #tpu.memory_space<hbm>> -> memref<125x80xi32, #tpu.memory_space<hbm>>
    %dma_wait3A_72 = arith.constant 0 : i32
    %dma_wait3A_73 = arith.constant 0 : i32
    %dma_wait3A_74 = tpu.memref_slice %arg4[%add3A, %dma_wait3A_72, %dma_wait3A_73] : memref<32x125x80xi32, #tpu.memory_space<hbm>> -> memref<1x125x80xi32, #tpu.memory_space<hbm>>
    %dma_wait3A_75 = tpu.memref_squeeze %dma_wait3A_74 : memref<1x125x80xi32, #tpu.memory_space<hbm>> -> memref<125x80xi32, #tpu.memory_space<hbm>>
    tpu.wait_dma2 semaphore(%arg20 : memref<!tpu.dma_semaphore, #tpu.memory_space<semaphore_mem>>) src(%dma_wait3A_75 : memref<125x80xi32, #tpu.memory_space<hbm>>) dst(%arg8 : memref<125x80xi32, #tpu.memory_space<vmem>>)
    %dma_wait3A_76 = arith.constant 0 : i32
    %dma_wait3A_77 = tpu.memref_slice %arg10[%mul3A_15, %dma_wait3A_76] : memref<10000x128xf32, #tpu.memory_space<vmem_shared>> -> memref<624x128xf32, #tpu.memory_space<vmem_shared>>
    %dma_wait3A_78 = arith.constant 0 : i32
    %dma_wait3A_79 = arith.constant 0 : i32
    %dma_wait3A_80 = tpu.memref_slice %arg5[%dma_wait3A_78, %dma_wait3A_79] : memref<624x128xf32, #tpu.memory_space<hbm>> -> memref<624x128xf32, #tpu.memory_space<hbm>>
    tpu.wait_dma2 semaphore(%arg20 : memref<!tpu.dma_semaphore, #tpu.memory_space<semaphore_mem>>) src(%dma_wait3A_80 : memref<624x128xf32, #tpu.memory_space<hbm>>) dst(%dma_wait3A_77 : memref<624x128xf32, #tpu.memory_space<vmem_shared>>)
    %barrier3A = arith.constant 0 : index
    tpu.barrier barrier_id(%barrier3A)
    %scan3A = arith.constant 0 : i32
    %scan3A_81 = arith.constant 62 : i32
    %scan3A_82 = arith.addi %scan3A, %scan3A_81 : i32
    %scan3A_83 = arith.constant 1 : i32
    scf.for %scan3A_121 = %scan3A to %scan3A_82 step %scan3A_83  : i32 {
      %mul3A_122 = arith.constant 4 : i32
      %mul3A_123 = arith.muli %scan3A_121, %mul3A_122 : i32
      %add3A_124 = arith.constant 0 : i32
      %add3A_125 = arith.addi %add3A_124, %mul3A_123 : i32
      %add3A_126 = arith.constant 0 : i32
      %add3A_127 = arith.addi %add3A_125, %add3A_126 : i32
      %mul3A_128 = arith.constant 40 : i32
      %mul3A_129 = arith.muli %add3A_127, %mul3A_128 : i32
      %dma_wait3A_130 = arith.constant 0 : i32
      %dma_wait3A_131 = arith.constant 0 : i32
      %dma_wait3A_132 = arith.constant 0 : i32
      %dma_wait3A_133 = tpu.memref_slice %arg9[%dma_wait3A_130, %dma_wait3A_131, %dma_wait3A_132] : memref<4x40x128xf32, #tpu.memory_space<vmem>> -> memref<1x40x128xf32, #tpu.memory_space<vmem>>
      %dma_wait3A_134 = tpu.memref_squeeze %dma_wait3A_133 : memref<1x40x128xf32, #tpu.memory_space<vmem>> -> memref<40x128xf32, #tpu.memory_space<vmem>>
      %dma_wait3A_135 = tpu.memref_slice %arg7[%mul3A_129] : memref<10000xi32, #tpu.memory_space<vmem>> -> memref<40xi32, #tpu.memory_space<vmem>>
      %dma_wait3A_136 = arith.constant 0 : i32
      %dma_wait3A_137 = arith.constant 0 : i32
      %dma_wait3A_138 = tpu.memref_slice %arg2[%dma_wait3A_136, %dma_wait3A_137] : memref<10000x128xf32, #tpu.memory_space<hbm>> -> memref<10000x128xf32, #tpu.memory_space<hbm>>
      tpu.wait_indirect_dma semaphore(%arg11 : memref<!tpu.dma_semaphore, #tpu.memory_space<semaphore_mem>>) src(%dma_wait3A_138 : memref<10000x128xf32, #tpu.memory_space<hbm>>) dst(%dma_wait3A_134 : memref<40x128xf32, #tpu.memory_space<vmem>>)
      %jit3A = arith.constant 2 : i32
      %div3A = arith.divsi %add3A_127, %jit3A : i32
      %sign3A = arith.constant 0 : i32
      %sign3A_139 = arith.cmpi sgt, %add3A_127, %sign3A : i32
      %sign3A_140 = arith.extui %sign3A_139 : i1 to i32
      %sign3A_141 = arith.constant 0 : i32
      %sign3A_142 = arith.cmpi slt, %add3A_127, %sign3A_141 : i32
      %sign3A_143 = arith.extui %sign3A_142 : i1 to i32
      %sign3A_144 = arith.subi %sign3A_140, %sign3A_143 : i32
      %sign3A_145 = arith.constant 0 : i32
      %sign3A_146 = arith.cmpi sgt, %jit3A, %sign3A_145 : i32
      %sign3A_147 = arith.extui %sign3A_146 : i1 to i32
      %sign3A_148 = arith.constant 0 : i32
      %sign3A_149 = arith.cmpi slt, %jit3A, %sign3A_148 : i32
      %sign3A_150 = arith.extui %sign3A_149 : i1 to i32
      %sign3A_151 = arith.subi %sign3A_147, %sign3A_150 : i32
      %ne3A = arith.cmpi ne, %sign3A_144, %sign3A_151 : i32
      %rem3A = arith.remsi %add3A_127, %jit3A : i32
      %ne3A_152 = arith.constant 0 : i32
      %ne3A_153 = arith.cmpi ne, %rem3A, %ne3A_152 : i32
      %and3A = arith.andi %ne3A, %ne3A_153 : i1
      %sub3A = arith.constant 1 : i32
      %sub3A_154 = arith.subi %div3A, %sub3A : i32
      %select_n3A = arith.select %and3A, %sub3A_154, %div3A : i32
      %dma_start3A_155 = arith.constant 0 : i32
      %dma_start3A_156 = arith.constant 0 : i32
      %dma_start3A_157 = arith.constant 0 : i32
      %dma_start3A_158 = tpu.memref_slice %arg9[%dma_start3A_155, %dma_start3A_156, %dma_start3A_157] : memref<4x40x128xf32, #tpu.memory_space<vmem>> -> memref<1x40x128xf32, #tpu.memory_space<vmem>>
      %dma_start3A_159 = tpu.memref_squeeze %dma_start3A_158 : memref<1x40x128xf32, #tpu.memory_space<vmem>> -> memref<40x128xf32, #tpu.memory_space<vmem>>
      %dma_start3A_160 = arith.constant 0 : i32
      %dma_start3A_161 = tpu.memref_slice %arg8[%select_n3A, %dma_start3A_160] : memref<125x80xi32, #tpu.memory_space<vmem>> -> memref<1x40xi32, #tpu.memory_space<vmem>>
      %dma_start3A_162 = tpu.memref_squeeze %dma_start3A_161 : memref<1x40xi32, #tpu.memory_space<vmem>> -> memref<40xi32, #tpu.memory_space<vmem>>
      %dma_start3A_163 = arith.constant 0 : i32
      %dma_start3A_164 = arith.constant 0 : i32
      %dma_start3A_165 = tpu.memref_slice %arg10[%dma_start3A_163, %dma_start3A_164] : memref<10000x128xf32, #tpu.memory_space<vmem_shared>> -> memref<10000x128xf32, #tpu.memory_space<vmem_shared>>
      tpu.enqueue_indirect_dma source(%dma_start3A_159 : memref<40x128xf32, #tpu.memory_space<vmem>>) target(%dma_start3A_165 : memref<10000x128xf32, #tpu.memory_space<vmem_shared>>) offsets(%dma_start3A_162 : memref<40xi32, #tpu.memory_space<vmem>>) semaphore(%arg15 : memref<!tpu.dma_semaphore, #tpu.memory_space<semaphore_mem>>) {add = true}
      %add3A_166 = arith.constant 1 : i32
      %add3A_167 = arith.addi %add3A_125, %add3A_166 : i32
      %mul3A_168 = arith.constant 40 : i32
      %mul3A_169 = arith.muli %add3A_167, %mul3A_168 : i32
      %dma_wait3A_170 = arith.constant 1 : i32
      %dma_wait3A_171 = arith.constant 0 : i32
      %dma_wait3A_172 = arith.constant 0 : i32
      %dma_wait3A_173 = tpu.memref_slice %arg9[%dma_wait3A_170, %dma_wait3A_171, %dma_wait3A_172] : memref<4x40x128xf32, #tpu.memory_space<vmem>> -> memref<1x40x128xf32, #tpu.memory_space<vmem>>
      %dma_wait3A_174 = tpu.memref_squeeze %dma_wait3A_173 : memref<1x40x128xf32, #tpu.memory_space<vmem>> -> memref<40x128xf32, #tpu.memory_space<vmem>>
      %dma_wait3A_175 = tpu.memref_slice %arg7[%mul3A_169] : memref<10000xi32, #tpu.memory_space<vmem>> -> memref<40xi32, #tpu.memory_space<vmem>>
      %dma_wait3A_176 = arith.constant 0 : i32
      %dma_wait3A_177 = arith.constant 0 : i32
      %dma_wait3A_178 = tpu.memref_slice %arg2[%dma_wait3A_176, %dma_wait3A_177] : memref<10000x128xf32, #tpu.memory_space<hbm>> -> memref<10000x128xf32, #tpu.memory_space<hbm>>
      tpu.wait_indirect_dma semaphore(%arg12 : memref<!tpu.dma_semaphore, #tpu.memory_space<semaphore_mem>>) src(%dma_wait3A_178 : memref<10000x128xf32, #tpu.memory_space<hbm>>) dst(%dma_wait3A_174 : memref<40x128xf32, #tpu.memory_space<vmem>>)
      %jit3A_179 = arith.constant 2 : i32
      %div3A_180 = arith.divsi %add3A_167, %jit3A_179 : i32
      %sign3A_181 = arith.constant 0 : i32
      %sign3A_182 = arith.cmpi sgt, %add3A_167, %sign3A_181 : i32
      %sign3A_183 = arith.extui %sign3A_182 : i1 to i32
      %sign3A_184 = arith.constant 0 : i32
      %sign3A_185 = arith.cmpi slt, %add3A_167, %sign3A_184 : i32
      %sign3A_186 = arith.extui %sign3A_185 : i1 to i32
      %sign3A_187 = arith.subi %sign3A_183, %sign3A_186 : i32
      %sign3A_188 = arith.constant 0 : i32
      %sign3A_189 = arith.cmpi sgt, %jit3A_179, %sign3A_188 : i32
      %sign3A_190 = arith.extui %sign3A_189 : i1 to i32
      %sign3A_191 = arith.constant 0 : i32
      %sign3A_192 = arith.cmpi slt, %jit3A_179, %sign3A_191 : i32
      %sign3A_193 = arith.extui %sign3A_192 : i1 to i32
      %sign3A_194 = arith.subi %sign3A_190, %sign3A_193 : i32
      %ne3A_195 = arith.cmpi ne, %sign3A_187, %sign3A_194 : i32
      %rem3A_196 = arith.remsi %add3A_167, %jit3A_179 : i32
      %ne3A_197 = arith.constant 0 : i32
      %ne3A_198 = arith.cmpi ne, %rem3A_196, %ne3A_197 : i32
      %and3A_199 = arith.andi %ne3A_195, %ne3A_198 : i1
      %sub3A_200 = arith.constant 1 : i32
      %sub3A_201 = arith.subi %div3A_180, %sub3A_200 : i32
      %select_n3A_202 = arith.select %and3A_199, %sub3A_201, %div3A_180 : i32
      %dma_start3A_203 = arith.constant 1 : i32
      %dma_start3A_204 = arith.constant 0 : i32
      %dma_start3A_205 = arith.constant 0 : i32
      %dma_start3A_206 = tpu.memref_slice %arg9[%dma_start3A_203, %dma_start3A_204, %dma_start3A_205] : memref<4x40x128xf32, #tpu.memory_space<vmem>> -> memref<1x40x128xf32, #tpu.memory_space<vmem>>
      %dma_start3A_207 = tpu.memref_squeeze %dma_start3A_206 : memref<1x40x128xf32, #tpu.memory_space<vmem>> -> memref<40x128xf32, #tpu.memory_space<vmem>>
      %dma_start3A_208 = arith.constant 40 : i32
      %dma_start3A_209 = tpu.memref_slice %arg8[%select_n3A_202, %dma_start3A_208] : memref<125x80xi32, #tpu.memory_space<vmem>> -> memref<1x40xi32, #tpu.memory_space<vmem>>
      %dma_start3A_210 = tpu.memref_squeeze %dma_start3A_209 : memref<1x40xi32, #tpu.memory_space<vmem>> -> memref<40xi32, #tpu.memory_space<vmem>>
      %dma_start3A_211 = arith.constant 0 : i32
      %dma_start3A_212 = arith.constant 0 : i32
      %dma_start3A_213 = tpu.memref_slice %arg10[%dma_start3A_211, %dma_start3A_212] : memref<10000x128xf32, #tpu.memory_space<vmem_shared>> -> memref<10000x128xf32, #tpu.memory_space<vmem_shared>>
      tpu.enqueue_indirect_dma source(%dma_start3A_207 : memref<40x128xf32, #tpu.memory_space<vmem>>) target(%dma_start3A_213 : memref<10000x128xf32, #tpu.memory_space<vmem_shared>>) offsets(%dma_start3A_210 : memref<40xi32, #tpu.memory_space<vmem>>) semaphore(%arg16 : memref<!tpu.dma_semaphore, #tpu.memory_space<semaphore_mem>>) {add = true}
      %add3A_214 = arith.constant 2 : i32
      %add3A_215 = arith.addi %add3A_125, %add3A_214 : i32
      %mul3A_216 = arith.constant 40 : i32
      %mul3A_217 = arith.muli %add3A_215, %mul3A_216 : i32
      %dma_wait3A_218 = arith.constant 2 : i32
      %dma_wait3A_219 = arith.constant 0 : i32
      %dma_wait3A_220 = arith.constant 0 : i32
      %dma_wait3A_221 = tpu.memref_slice %arg9[%dma_wait3A_218, %dma_wait3A_219, %dma_wait3A_220] : memref<4x40x128xf32, #tpu.memory_space<vmem>> -> memref<1x40x128xf32, #tpu.memory_space<vmem>>
      %dma_wait3A_222 = tpu.memref_squeeze %dma_wait3A_221 : memref<1x40x128xf32, #tpu.memory_space<vmem>> -> memref<40x128xf32, #tpu.memory_space<vmem>>
      %dma_wait3A_223 = tpu.memref_slice %arg7[%mul3A_217] : memref<10000xi32, #tpu.memory_space<vmem>> -> memref<40xi32, #tpu.memory_space<vmem>>
      %dma_wait3A_224 = arith.constant 0 : i32
      %dma_wait3A_225 = arith.constant 0 : i32
      %dma_wait3A_226 = tpu.memref_slice %arg2[%dma_wait3A_224, %dma_wait3A_225] : memref<10000x128xf32, #tpu.memory_space<hbm>> -> memref<10000x128xf32, #tpu.memory_space<hbm>>
      tpu.wait_indirect_dma semaphore(%arg13 : memref<!tpu.dma_semaphore, #tpu.memory_space<semaphore_mem>>) src(%dma_wait3A_226 : memref<10000x128xf32, #tpu.memory_space<hbm>>) dst(%dma_wait3A_222 : memref<40x128xf32, #tpu.memory_space<vmem>>)
      %jit3A_227 = arith.constant 2 : i32
      %div3A_228 = arith.divsi %add3A_215, %jit3A_227 : i32
      %sign3A_229 = arith.constant 0 : i32
      %sign3A_230 = arith.cmpi sgt, %add3A_215, %sign3A_229 : i32
      %sign3A_231 = arith.extui %sign3A_230 : i1 to i32
      %sign3A_232 = arith.constant 0 : i32
      %sign3A_233 = arith.cmpi slt, %add3A_215, %sign3A_232 : i32
      %sign3A_234 = arith.extui %sign3A_233 : i1 to i32
      %sign3A_235 = arith.subi %sign3A_231, %sign3A_234 : i32
      %sign3A_236 = arith.constant 0 : i32
      %sign3A_237 = arith.cmpi sgt, %jit3A_227, %sign3A_236 : i32
      %sign3A_238 = arith.extui %sign3A_237 : i1 to i32
      %sign3A_239 = arith.constant 0 : i32
      %sign3A_240 = arith.cmpi slt, %jit3A_227, %sign3A_239 : i32
      %sign3A_241 = arith.extui %sign3A_240 : i1 to i32
      %sign3A_242 = arith.subi %sign3A_238, %sign3A_241 : i32
      %ne3A_243 = arith.cmpi ne, %sign3A_235, %sign3A_242 : i32
      %rem3A_244 = arith.remsi %add3A_215, %jit3A_227 : i32
      %ne3A_245 = arith.constant 0 : i32
      %ne3A_246 = arith.cmpi ne, %rem3A_244, %ne3A_245 : i32
      %and3A_247 = arith.andi %ne3A_243, %ne3A_246 : i1
      %sub3A_248 = arith.constant 1 : i32
      %sub3A_249 = arith.subi %div3A_228, %sub3A_248 : i32
      %select_n3A_250 = arith.select %and3A_247, %sub3A_249, %div3A_228 : i32
      %dma_start3A_251 = arith.constant 2 : i32
      %dma_start3A_252 = arith.constant 0 : i32
      %dma_start3A_253 = arith.constant 0 : i32
      %dma_start3A_254 = tpu.memref_slice %arg9[%dma_start3A_251, %dma_start3A_252, %dma_start3A_253] : memref<4x40x128xf32, #tpu.memory_space<vmem>> -> memref<1x40x128xf32, #tpu.memory_space<vmem>>
      %dma_start3A_255 = tpu.memref_squeeze %dma_start3A_254 : memref<1x40x128xf32, #tpu.memory_space<vmem>> -> memref<40x128xf32, #tpu.memory_space<vmem>>
      %dma_start3A_256 = arith.constant 0 : i32
      %dma_start3A_257 = tpu.memref_slice %arg8[%select_n3A_250, %dma_start3A_256] : memref<125x80xi32, #tpu.memory_space<vmem>> -> memref<1x40xi32, #tpu.memory_space<vmem>>
      %dma_start3A_258 = tpu.memref_squeeze %dma_start3A_257 : memref<1x40xi32, #tpu.memory_space<vmem>> -> memref<40xi32, #tpu.memory_space<vmem>>
      %dma_start3A_259 = arith.constant 0 : i32
      %dma_start3A_260 = arith.constant 0 : i32
      %dma_start3A_261 = tpu.memref_slice %arg10[%dma_start3A_259, %dma_start3A_260] : memref<10000x128xf32, #tpu.memory_space<vmem_shared>> -> memref<10000x128xf32, #tpu.memory_space<vmem_shared>>
      tpu.enqueue_indirect_dma source(%dma_start3A_255 : memref<40x128xf32, #tpu.memory_space<vmem>>) target(%dma_start3A_261 : memref<10000x128xf32, #tpu.memory_space<vmem_shared>>) offsets(%dma_start3A_258 : memref<40xi32, #tpu.memory_space<vmem>>) semaphore(%arg17 : memref<!tpu.dma_semaphore, #tpu.memory_space<semaphore_mem>>) {add = true}
      %add3A_262 = arith.constant 3 : i32
      %add3A_263 = arith.addi %add3A_125, %add3A_262 : i32
      %mul3A_264 = arith.constant 40 : i32
      %mul3A_265 = arith.muli %add3A_263, %mul3A_264 : i32
      %dma_wait3A_266 = arith.constant 3 : i32
      %dma_wait3A_267 = arith.constant 0 : i32
      %dma_wait3A_268 = arith.constant 0 : i32
      %dma_wait3A_269 = tpu.memref_slice %arg9[%dma_wait3A_266, %dma_wait3A_267, %dma_wait3A_268] : memref<4x40x128xf32, #tpu.memory_space<vmem>> -> memref<1x40x128xf32, #tpu.memory_space<vmem>>
      %dma_wait3A_270 = tpu.memref_squeeze %dma_wait3A_269 : memref<1x40x128xf32, #tpu.memory_space<vmem>> -> memref<40x128xf32, #tpu.memory_space<vmem>>
      %dma_wait3A_271 = tpu.memref_slice %arg7[%mul3A_265] : memref<10000xi32, #tpu.memory_space<vmem>> -> memref<40xi32, #tpu.memory_space<vmem>>
      %dma_wait3A_272 = arith.constant 0 : i32
      %dma_wait3A_273 = arith.constant 0 : i32
      %dma_wait3A_274 = tpu.memref_slice %arg2[%dma_wait3A_272, %dma_wait3A_273] : memref<10000x128xf32, #tpu.memory_space<hbm>> -> memref<10000x128xf32, #tpu.memory_space<hbm>>
      tpu.wait_indirect_dma semaphore(%arg14 : memref<!tpu.dma_semaphore, #tpu.memory_space<semaphore_mem>>) src(%dma_wait3A_274 : memref<10000x128xf32, #tpu.memory_space<hbm>>) dst(%dma_wait3A_270 : memref<40x128xf32, #tpu.memory_space<vmem>>)
      %jit3A_275 = arith.constant 2 : i32
      %div3A_276 = arith.divsi %add3A_263, %jit3A_275 : i32
      %sign3A_277 = arith.constant 0 : i32
      %sign3A_278 = arith.cmpi sgt, %add3A_263, %sign3A_277 : i32
      %sign3A_279 = arith.extui %sign3A_278 : i1 to i32
      %sign3A_280 = arith.constant 0 : i32
      %sign3A_281 = arith.cmpi slt, %add3A_263, %sign3A_280 : i32
      %sign3A_282 = arith.extui %sign3A_281 : i1 to i32
      %sign3A_283 = arith.subi %sign3A_279, %sign3A_282 : i32
      %sign3A_284 = arith.constant 0 : i32
      %sign3A_285 = arith.cmpi sgt, %jit3A_275, %sign3A_284 : i32
      %sign3A_286 = arith.extui %sign3A_285 : i1 to i32
      %sign3A_287 = arith.constant 0 : i32
      %sign3A_288 = arith.cmpi slt, %jit3A_275, %sign3A_287 : i32
      %sign3A_289 = arith.extui %sign3A_288 : i1 to i32
      %sign3A_290 = arith.subi %sign3A_286, %sign3A_289 : i32
      %ne3A_291 = arith.cmpi ne, %sign3A_283, %sign3A_290 : i32
      %rem3A_292 = arith.remsi %add3A_263, %jit3A_275 : i32
      %ne3A_293 = arith.constant 0 : i32
      %ne3A_294 = arith.cmpi ne, %rem3A_292, %ne3A_293 : i32
      %and3A_295 = arith.andi %ne3A_291, %ne3A_294 : i1
      %sub3A_296 = arith.constant 1 : i32
      %sub3A_297 = arith.subi %div3A_276, %sub3A_296 : i32
      %select_n3A_298 = arith.select %and3A_295, %sub3A_297, %div3A_276 : i32
      %dma_start3A_299 = arith.constant 3 : i32
      %dma_start3A_300 = arith.constant 0 : i32
      %dma_start3A_301 = arith.constant 0 : i32
      %dma_start3A_302 = tpu.memref_slice %arg9[%dma_start3A_299, %dma_start3A_300, %dma_start3A_301] : memref<4x40x128xf32, #tpu.memory_space<vmem>> -> memref<1x40x128xf32, #tpu.memory_space<vmem>>
      %dma_start3A_303 = tpu.memref_squeeze %dma_start3A_302 : memref<1x40x128xf32, #tpu.memory_space<vmem>> -> memref<40x128xf32, #tpu.memory_space<vmem>>
      %dma_start3A_304 = arith.constant 40 : i32
      %dma_start3A_305 = tpu.memref_slice %arg8[%select_n3A_298, %dma_start3A_304] : memref<125x80xi32, #tpu.memory_space<vmem>> -> memref<1x40xi32, #tpu.memory_space<vmem>>
      %dma_start3A_306 = tpu.memref_squeeze %dma_start3A_305 : memref<1x40xi32, #tpu.memory_space<vmem>> -> memref<40xi32, #tpu.memory_space<vmem>>
      %dma_start3A_307 = arith.constant 0 : i32
      %dma_start3A_308 = arith.constant 0 : i32
      %dma_start3A_309 = tpu.memref_slice %arg10[%dma_start3A_307, %dma_start3A_308] : memref<10000x128xf32, #tpu.memory_space<vmem_shared>> -> memref<10000x128xf32, #tpu.memory_space<vmem_shared>>
      tpu.enqueue_indirect_dma source(%dma_start3A_303 : memref<40x128xf32, #tpu.memory_space<vmem>>) target(%dma_start3A_309 : memref<10000x128xf32, #tpu.memory_space<vmem_shared>>) offsets(%dma_start3A_306 : memref<40xi32, #tpu.memory_space<vmem>>) semaphore(%arg18 : memref<!tpu.dma_semaphore, #tpu.memory_space<semaphore_mem>>) {add = true}
      %add3A_310 = arith.constant 0 : i32
      %add3A_311 = arith.addi %add3A_125, %add3A_310 : i32
      %jit3A_312 = arith.constant 2 : i32
      %div3A_313 = arith.divsi %add3A_311, %jit3A_312 : i32
      %sign3A_314 = arith.constant 0 : i32
      %sign3A_315 = arith.cmpi sgt, %add3A_311, %sign3A_314 : i32
      %sign3A_316 = arith.extui %sign3A_315 : i1 to i32
      %sign3A_317 = arith.constant 0 : i32
      %sign3A_318 = arith.cmpi slt, %add3A_311, %sign3A_317 : i32
      %sign3A_319 = arith.extui %sign3A_318 : i1 to i32
      %sign3A_320 = arith.subi %sign3A_316, %sign3A_319 : i32
      %sign3A_321 = arith.constant 0 : i32
      %sign3A_322 = arith.cmpi sgt, %jit3A_312, %sign3A_321 : i32
      %sign3A_323 = arith.extui %sign3A_322 : i1 to i32
      %sign3A_324 = arith.constant 0 : i32
      %sign3A_325 = arith.cmpi slt, %jit3A_312, %sign3A_324 : i32
      %sign3A_326 = arith.extui %sign3A_325 : i1 to i32
      %sign3A_327 = arith.subi %sign3A_323, %sign3A_326 : i32
      %ne3A_328 = arith.cmpi ne, %sign3A_320, %sign3A_327 : i32
      %rem3A_329 = arith.remsi %add3A_311, %jit3A_312 : i32
      %ne3A_330 = arith.constant 0 : i32
      %ne3A_331 = arith.cmpi ne, %rem3A_329, %ne3A_330 : i32
      %and3A_332 = arith.andi %ne3A_328, %ne3A_331 : i1
      %sub3A_333 = arith.constant 1 : i32
      %sub3A_334 = arith.subi %div3A_313, %sub3A_333 : i32
      %select_n3A_335 = arith.select %and3A_332, %sub3A_334, %div3A_313 : i32
      %dma_wait3A_336 = arith.constant 0 : i32
      %dma_wait3A_337 = arith.constant 0 : i32
      %dma_wait3A_338 = arith.constant 0 : i32
      %dma_wait3A_339 = tpu.memref_slice %arg9[%dma_wait3A_336, %dma_wait3A_337, %dma_wait3A_338] : memref<4x40x128xf32, #tpu.memory_space<vmem>> -> memref<1x40x128xf32, #tpu.memory_space<vmem>>
      %dma_wait3A_340 = tpu.memref_squeeze %dma_wait3A_339 : memref<1x40x128xf32, #tpu.memory_space<vmem>> -> memref<40x128xf32, #tpu.memory_space<vmem>>
      %dma_wait3A_341 = arith.constant 0 : i32
      %dma_wait3A_342 = tpu.memref_slice %arg8[%select_n3A_335, %dma_wait3A_341] : memref<125x80xi32, #tpu.memory_space<vmem>> -> memref<1x40xi32, #tpu.memory_space<vmem>>
      %dma_wait3A_343 = tpu.memref_squeeze %dma_wait3A_342 : memref<1x40xi32, #tpu.memory_space<vmem>> -> memref<40xi32, #tpu.memory_space<vmem>>
      %dma_wait3A_344 = arith.constant 0 : i32
      %dma_wait3A_345 = arith.constant 0 : i32
      %dma_wait3A_346 = tpu.memref_slice %arg10[%dma_wait3A_344, %dma_wait3A_345] : memref<10000x128xf32, #tpu.memory_space<vmem_shared>> -> memref<10000x128xf32, #tpu.memory_space<vmem_shared>>
      tpu.wait_indirect_dma semaphore(%arg15 : memref<!tpu.dma_semaphore, #tpu.memory_space<semaphore_mem>>) src(%dma_wait3A_340 : memref<40x128xf32, #tpu.memory_space<vmem>>) dst(%dma_wait3A_346 : memref<10000x128xf32, #tpu.memory_space<vmem_shared>>)
      %add3A_347 = arith.constant 4 : i32
      %add3A_348 = arith.addi %add3A_311, %add3A_347 : i32
      %lt3A = arith.constant 250 : i32
      %lt3A_349 = arith.cmpi slt, %add3A_348, %lt3A : i32
      %convert_element_type3A_350 = arith.extui %lt3A_349 : i1 to i32
      %cond3A_351 = arith.constant 0 : i32
      %cond3A_352 = arith.cmpi ne, %convert_element_type3A_350, %cond3A_351 : i32
      scf.if %cond3A_352 {
        %mul3A_485 = arith.constant 40 : i32
        %mul3A_486 = arith.muli %add3A_348, %mul3A_485 : i32
        %dma_start3A_487 = arith.constant 0 : i32
        %dma_start3A_488 = arith.constant 0 : i32
        %dma_start3A_489 = arith.constant 0 : i32
        %dma_start3A_490 = tpu.memref_slice %arg9[%dma_start3A_487, %dma_start3A_488, %dma_start3A_489] : memref<4x40x128xf32, #tpu.memory_space<vmem>> -> memref<1x40x128xf32, #tpu.memory_space<vmem>>
        %dma_start3A_491 = tpu.memref_squeeze %dma_start3A_490 : memref<1x40x128xf32, #tpu.memory_space<vmem>> -> memref<40x128xf32, #tpu.memory_space<vmem>>
        %dma_start3A_492 = tpu.memref_slice %arg7[%mul3A_486] : memref<10000xi32, #tpu.memory_space<vmem>> -> memref<40xi32, #tpu.memory_space<vmem>>
        %dma_start3A_493 = arith.constant 0 : i32
        %dma_start3A_494 = arith.constant 0 : i32
        %dma_start3A_495 = tpu.memref_slice %arg2[%dma_start3A_493, %dma_start3A_494] : memref<10000x128xf32, #tpu.memory_space<hbm>> -> memref<10000x128xf32, #tpu.memory_space<hbm>>
        tpu.enqueue_indirect_dma source(%dma_start3A_495 : memref<10000x128xf32, #tpu.memory_space<hbm>>) target(%dma_start3A_491 : memref<40x128xf32, #tpu.memory_space<vmem>>) offsets(%dma_start3A_492 : memref<40xi32, #tpu.memory_space<vmem>>) semaphore(%arg11 : memref<!tpu.dma_semaphore, #tpu.memory_space<semaphore_mem>>)
      } else {
      }
      %add3A_353 = arith.constant 1 : i32
      %add3A_354 = arith.addi %add3A_125, %add3A_353 : i32
      %jit3A_355 = arith.constant 2 : i32
      %div3A_356 = arith.divsi %add3A_354, %jit3A_355 : i32
      %sign3A_357 = arith.constant 0 : i32
      %sign3A_358 = arith.cmpi sgt, %add3A_354, %sign3A_357 : i32
      %sign3A_359 = arith.extui %sign3A_358 : i1 to i32
      %sign3A_360 = arith.constant 0 : i32
      %sign3A_361 = arith.cmpi slt, %add3A_354, %sign3A_360 : i32
      %sign3A_362 = arith.extui %sign3A_361 : i1 to i32
      %sign3A_363 = arith.subi %sign3A_359, %sign3A_362 : i32
      %sign3A_364 = arith.constant 0 : i32
      %sign3A_365 = arith.cmpi sgt, %jit3A_355, %sign3A_364 : i32
      %sign3A_366 = arith.extui %sign3A_365 : i1 to i32
      %sign3A_367 = arith.constant 0 : i32
      %sign3A_368 = arith.cmpi slt, %jit3A_355, %sign3A_367 : i32
      %sign3A_369 = arith.extui %sign3A_368 : i1 to i32
      %sign3A_370 = arith.subi %sign3A_366, %sign3A_369 : i32
      %ne3A_371 = arith.cmpi ne, %sign3A_363, %sign3A_370 : i32
      %rem3A_372 = arith.remsi %add3A_354, %jit3A_355 : i32
      %ne3A_373 = arith.constant 0 : i32
      %ne3A_374 = arith.cmpi ne, %rem3A_372, %ne3A_373 : i32
      %and3A_375 = arith.andi %ne3A_371, %ne3A_374 : i1
      %sub3A_376 = arith.constant 1 : i32
      %sub3A_377 = arith.subi %div3A_356, %sub3A_376 : i32
      %select_n3A_378 = arith.select %and3A_375, %sub3A_377, %div3A_356 : i32
      %dma_wait3A_379 = arith.constant 1 : i32
      %dma_wait3A_380 = arith.constant 0 : i32
      %dma_wait3A_381 = arith.constant 0 : i32
      %dma_wait3A_382 = tpu.memref_slice %arg9[%dma_wait3A_379, %dma_wait3A_380, %dma_wait3A_381] : memref<4x40x128xf32, #tpu.memory_space<vmem>> -> memref<1x40x128xf32, #tpu.memory_space<vmem>>
      %dma_wait3A_383 = tpu.memref_squeeze %dma_wait3A_382 : memref<1x40x128xf32, #tpu.memory_space<vmem>> -> memref<40x128xf32, #tpu.memory_space<vmem>>
      %dma_wait3A_384 = arith.constant 40 : i32
      %dma_wait3A_385 = tpu.memref_slice %arg8[%select_n3A_378, %dma_wait3A_384] : memref<125x80xi32, #tpu.memory_space<vmem>> -> memref<1x40xi32, #tpu.memory_space<vmem>>
      %dma_wait3A_386 = tpu.memref_squeeze %dma_wait3A_385 : memref<1x40xi32, #tpu.memory_space<vmem>> -> memref<40xi32, #tpu.memory_space<vmem>>
      %dma_wait3A_387 = arith.constant 0 : i32
      %dma_wait3A_388 = arith.constant 0 : i32
      %dma_wait3A_389 = tpu.memref_slice %arg10[%dma_wait3A_387, %dma_wait3A_388] : memref<10000x128xf32, #tpu.memory_space<vmem_shared>> -> memref<10000x128xf32, #tpu.memory_space<vmem_shared>>
      tpu.wait_indirect_dma semaphore(%arg16 : memref<!tpu.dma_semaphore, #tpu.memory_space<semaphore_mem>>) src(%dma_wait3A_383 : memref<40x128xf32, #tpu.memory_space<vmem>>) dst(%dma_wait3A_389 : memref<10000x128xf32, #tpu.memory_space<vmem_shared>>)
      %add3A_390 = arith.constant 4 : i32
      %add3A_391 = arith.addi %add3A_354, %add3A_390 : i32
      %lt3A_392 = arith.constant 250 : i32
      %lt3A_393 = arith.cmpi slt, %add3A_391, %lt3A_392 : i32
      %convert_element_type3A_394 = arith.extui %lt3A_393 : i1 to i32
      %cond3A_395 = arith.constant 0 : i32
      %cond3A_396 = arith.cmpi ne, %convert_element_type3A_394, %cond3A_395 : i32
      scf.if %cond3A_396 {
        %mul3A_485 = arith.constant 40 : i32
        %mul3A_486 = arith.muli %add3A_391, %mul3A_485 : i32
        %dma_start3A_487 = arith.constant 1 : i32
        %dma_start3A_488 = arith.constant 0 : i32
        %dma_start3A_489 = arith.constant 0 : i32
        %dma_start3A_490 = tpu.memref_slice %arg9[%dma_start3A_487, %dma_start3A_488, %dma_start3A_489] : memref<4x40x128xf32, #tpu.memory_space<vmem>> -> memref<1x40x128xf32, #tpu.memory_space<vmem>>
        %dma_start3A_491 = tpu.memref_squeeze %dma_start3A_490 : memref<1x40x128xf32, #tpu.memory_space<vmem>> -> memref<40x128xf32, #tpu.memory_space<vmem>>
        %dma_start3A_492 = tpu.memref_slice %arg7[%mul3A_486] : memref<10000xi32, #tpu.memory_space<vmem>> -> memref<40xi32, #tpu.memory_space<vmem>>
        %dma_start3A_493 = arith.constant 0 : i32
        %dma_start3A_494 = arith.constant 0 : i32
        %dma_start3A_495 = tpu.memref_slice %arg2[%dma_start3A_493, %dma_start3A_494] : memref<10000x128xf32, #tpu.memory_space<hbm>> -> memref<10000x128xf32, #tpu.memory_space<hbm>>
        tpu.enqueue_indirect_dma source(%dma_start3A_495 : memref<10000x128xf32, #tpu.memory_space<hbm>>) target(%dma_start3A_491 : memref<40x128xf32, #tpu.memory_space<vmem>>) offsets(%dma_start3A_492 : memref<40xi32, #tpu.memory_space<vmem>>) semaphore(%arg12 : memref<!tpu.dma_semaphore, #tpu.memory_space<semaphore_mem>>)
      } else {
      }
      %add3A_397 = arith.constant 2 : i32
      %add3A_398 = arith.addi %add3A_125, %add3A_397 : i32
      %jit3A_399 = arith.constant 2 : i32
      %div3A_400 = arith.divsi %add3A_398, %jit3A_399 : i32
      %sign3A_401 = arith.constant 0 : i32
      %sign3A_402 = arith.cmpi sgt, %add3A_398, %sign3A_401 : i32
      %sign3A_403 = arith.extui %sign3A_402 : i1 to i32
      %sign3A_404 = arith.constant 0 : i32
      %sign3A_405 = arith.cmpi slt, %add3A_398, %sign3A_404 : i32
      %sign3A_406 = arith.extui %sign3A_405 : i1 to i32
      %sign3A_407 = arith.subi %sign3A_403, %sign3A_406 : i32
      %sign3A_408 = arith.constant 0 : i32
      %sign3A_409 = arith.cmpi sgt, %jit3A_399, %sign3A_408 : i32
      %sign3A_410 = arith.extui %sign3A_409 : i1 to i32
      %sign3A_411 = arith.constant 0 : i32
      %sign3A_412 = arith.cmpi slt, %jit3A_399, %sign3A_411 : i32
      %sign3A_413 = arith.extui %sign3A_412 : i1 to i32
      %sign3A_414 = arith.subi %sign3A_410, %sign3A_413 : i32
      %ne3A_415 = arith.cmpi ne, %sign3A_407, %sign3A_414 : i32
      %rem3A_416 = arith.remsi %add3A_398, %jit3A_399 : i32
      %ne3A_417 = arith.constant 0 : i32
      %ne3A_418 = arith.cmpi ne, %rem3A_416, %ne3A_417 : i32
      %and3A_419 = arith.andi %ne3A_415, %ne3A_418 : i1
      %sub3A_420 = arith.constant 1 : i32
      %sub3A_421 = arith.subi %div3A_400, %sub3A_420 : i32
      %select_n3A_422 = arith.select %and3A_419, %sub3A_421, %div3A_400 : i32
      %dma_wait3A_423 = arith.constant 2 : i32
      %dma_wait3A_424 = arith.constant 0 : i32
      %dma_wait3A_425 = arith.constant 0 : i32
      %dma_wait3A_426 = tpu.memref_slice %arg9[%dma_wait3A_423, %dma_wait3A_424, %dma_wait3A_425] : memref<4x40x128xf32, #tpu.memory_space<vmem>> -> memref<1x40x128xf32, #tpu.memory_space<vmem>>
      %dma_wait3A_427 = tpu.memref_squeeze %dma_wait3A_426 : memref<1x40x128xf32, #tpu.memory_space<vmem>> -> memref<40x128xf32, #tpu.memory_space<vmem>>
      %dma_wait3A_428 = arith.constant 0 : i32
      %dma_wait3A_429 = tpu.memref_slice %arg8[%select_n3A_422, %dma_wait3A_428] : memref<125x80xi32, #tpu.memory_space<vmem>> -> memref<1x40xi32, #tpu.memory_space<vmem>>
      %dma_wait3A_430 = tpu.memref_squeeze %dma_wait3A_429 : memref<1x40xi32, #tpu.memory_space<vmem>> -> memref<40xi32, #tpu.memory_space<vmem>>
      %dma_wait3A_431 = arith.constant 0 : i32
      %dma_wait3A_432 = arith.constant 0 : i32
      %dma_wait3A_433 = tpu.memref_slice %arg10[%dma_wait3A_431, %dma_wait3A_432] : memref<10000x128xf32, #tpu.memory_space<vmem_shared>> -> memref<10000x128xf32, #tpu.memory_space<vmem_shared>>
      tpu.wait_indirect_dma semaphore(%arg17 : memref<!tpu.dma_semaphore, #tpu.memory_space<semaphore_mem>>) src(%dma_wait3A_427 : memref<40x128xf32, #tpu.memory_space<vmem>>) dst(%dma_wait3A_433 : memref<10000x128xf32, #tpu.memory_space<vmem_shared>>)
      %add3A_434 = arith.constant 4 : i32
      %add3A_435 = arith.addi %add3A_398, %add3A_434 : i32
      %lt3A_436 = arith.constant 250 : i32
      %lt3A_437 = arith.cmpi slt, %add3A_435, %lt3A_436 : i32
      %convert_element_type3A_438 = arith.extui %lt3A_437 : i1 to i32
      %cond3A_439 = arith.constant 0 : i32
      %cond3A_440 = arith.cmpi ne, %convert_element_type3A_438, %cond3A_439 : i32
      scf.if %cond3A_440 {
        %mul3A_485 = arith.constant 40 : i32
        %mul3A_486 = arith.muli %add3A_435, %mul3A_485 : i32
        %dma_start3A_487 = arith.constant 2 : i32
        %dma_start3A_488 = arith.constant 0 : i32
        %dma_start3A_489 = arith.constant 0 : i32
        %dma_start3A_490 = tpu.memref_slice %arg9[%dma_start3A_487, %dma_start3A_488, %dma_start3A_489] : memref<4x40x128xf32, #tpu.memory_space<vmem>> -> memref<1x40x128xf32, #tpu.memory_space<vmem>>
        %dma_start3A_491 = tpu.memref_squeeze %dma_start3A_490 : memref<1x40x128xf32, #tpu.memory_space<vmem>> -> memref<40x128xf32, #tpu.memory_space<vmem>>
        %dma_start3A_492 = tpu.memref_slice %arg7[%mul3A_486] : memref<10000xi32, #tpu.memory_space<vmem>> -> memref<40xi32, #tpu.memory_space<vmem>>
        %dma_start3A_493 = arith.constant 0 : i32
        %dma_start3A_494 = arith.constant 0 : i32
        %dma_start3A_495 = tpu.memref_slice %arg2[%dma_start3A_493, %dma_start3A_494] : memref<10000x128xf32, #tpu.memory_space<hbm>> -> memref<10000x128xf32, #tpu.memory_space<hbm>>
        tpu.enqueue_indirect_dma source(%dma_start3A_495 : memref<10000x128xf32, #tpu.memory_space<hbm>>) target(%dma_start3A_491 : memref<40x128xf32, #tpu.memory_space<vmem>>) offsets(%dma_start3A_492 : memref<40xi32, #tpu.memory_space<vmem>>) semaphore(%arg13 : memref<!tpu.dma_semaphore, #tpu.memory_space<semaphore_mem>>)
      } else {
      }
      %add3A_441 = arith.constant 3 : i32
      %add3A_442 = arith.addi %add3A_125, %add3A_441 : i32
      %jit3A_443 = arith.constant 2 : i32
      %div3A_444 = arith.divsi %add3A_442, %jit3A_443 : i32
      %sign3A_445 = arith.constant 0 : i32
      %sign3A_446 = arith.cmpi sgt, %add3A_442, %sign3A_445 : i32
      %sign3A_447 = arith.extui %sign3A_446 : i1 to i32
      %sign3A_448 = arith.constant 0 : i32
      %sign3A_449 = arith.cmpi slt, %add3A_442, %sign3A_448 : i32
      %sign3A_450 = arith.extui %sign3A_449 : i1 to i32
      %sign3A_451 = arith.subi %sign3A_447, %sign3A_450 : i32
      %sign3A_452 = arith.constant 0 : i32
      %sign3A_453 = arith.cmpi sgt, %jit3A_443, %sign3A_452 : i32
      %sign3A_454 = arith.extui %sign3A_453 : i1 to i32
      %sign3A_455 = arith.constant 0 : i32
      %sign3A_456 = arith.cmpi slt, %jit3A_443, %sign3A_455 : i32
      %sign3A_457 = arith.extui %sign3A_456 : i1 to i32
      %sign3A_458 = arith.subi %sign3A_454, %sign3A_457 : i32
      %ne3A_459 = arith.cmpi ne, %sign3A_451, %sign3A_458 : i32
      %rem3A_460 = arith.remsi %add3A_442, %jit3A_443 : i32
      %ne3A_461 = arith.constant 0 : i32
      %ne3A_462 = arith.cmpi ne, %rem3A_460, %ne3A_461 : i32
      %and3A_463 = arith.andi %ne3A_459, %ne3A_462 : i1
      %sub3A_464 = arith.constant 1 : i32
      %sub3A_465 = arith.subi %div3A_444, %sub3A_464 : i32
      %select_n3A_466 = arith.select %and3A_463, %sub3A_465, %div3A_444 : i32
      %dma_wait3A_467 = arith.constant 3 : i32
      %dma_wait3A_468 = arith.constant 0 : i32
      %dma_wait3A_469 = arith.constant 0 : i32
      %dma_wait3A_470 = tpu.memref_slice %arg9[%dma_wait3A_467, %dma_wait3A_468, %dma_wait3A_469] : memref<4x40x128xf32, #tpu.memory_space<vmem>> -> memref<1x40x128xf32, #tpu.memory_space<vmem>>
      %dma_wait3A_471 = tpu.memref_squeeze %dma_wait3A_470 : memref<1x40x128xf32, #tpu.memory_space<vmem>> -> memref<40x128xf32, #tpu.memory_space<vmem>>
      %dma_wait3A_472 = arith.constant 40 : i32
      %dma_wait3A_473 = tpu.memref_slice %arg8[%select_n3A_466, %dma_wait3A_472] : memref<125x80xi32, #tpu.memory_space<vmem>> -> memref<1x40xi32, #tpu.memory_space<vmem>>
      %dma_wait3A_474 = tpu.memref_squeeze %dma_wait3A_473 : memref<1x40xi32, #tpu.memory_space<vmem>> -> memref<40xi32, #tpu.memory_space<vmem>>
      %dma_wait3A_475 = arith.constant 0 : i32
      %dma_wait3A_476 = arith.constant 0 : i32
      %dma_wait3A_477 = tpu.memref_slice %arg10[%dma_wait3A_475, %dma_wait3A_476] : memref<10000x128xf32, #tpu.memory_space<vmem_shared>> -> memref<10000x128xf32, #tpu.memory_space<vmem_shared>>
      tpu.wait_indirect_dma semaphore(%arg18 : memref<!tpu.dma_semaphore, #tpu.memory_space<semaphore_mem>>) src(%dma_wait3A_471 : memref<40x128xf32, #tpu.memory_space<vmem>>) dst(%dma_wait3A_477 : memref<10000x128xf32, #tpu.memory_space<vmem_shared>>)
      %add3A_478 = arith.constant 4 : i32
      %add3A_479 = arith.addi %add3A_442, %add3A_478 : i32
      %lt3A_480 = arith.constant 250 : i32
      %lt3A_481 = arith.cmpi slt, %add3A_479, %lt3A_480 : i32
      %convert_element_type3A_482 = arith.extui %lt3A_481 : i1 to i32
      %cond3A_483 = arith.constant 0 : i32
      %cond3A_484 = arith.cmpi ne, %convert_element_type3A_482, %cond3A_483 : i32
      scf.if %cond3A_484 {
        %mul3A_485 = arith.constant 40 : i32
        %mul3A_486 = arith.muli %add3A_479, %mul3A_485 : i32
        %dma_start3A_487 = arith.constant 3 : i32
        %dma_start3A_488 = arith.constant 0 : i32
        %dma_start3A_489 = arith.constant 0 : i32
        %dma_start3A_490 = tpu.memref_slice %arg9[%dma_start3A_487, %dma_start3A_488, %dma_start3A_489] : memref<4x40x128xf32, #tpu.memory_space<vmem>> -> memref<1x40x128xf32, #tpu.memory_space<vmem>>
        %dma_start3A_491 = tpu.memref_squeeze %dma_start3A_490 : memref<1x40x128xf32, #tpu.memory_space<vmem>> -> memref<40x128xf32, #tpu.memory_space<vmem>>
        %dma_start3A_492 = tpu.memref_slice %arg7[%mul3A_486] : memref<10000xi32, #tpu.memory_space<vmem>> -> memref<40xi32, #tpu.memory_space<vmem>>
        %dma_start3A_493 = arith.constant 0 : i32
        %dma_start3A_494 = arith.constant 0 : i32
        %dma_start3A_495 = tpu.memref_slice %arg2[%dma_start3A_493, %dma_start3A_494] : memref<10000x128xf32, #tpu.memory_space<hbm>> -> memref<10000x128xf32, #tpu.memory_space<hbm>>
        tpu.enqueue_indirect_dma source(%dma_start3A_495 : memref<10000x128xf32, #tpu.memory_space<hbm>>) target(%dma_start3A_491 : memref<40x128xf32, #tpu.memory_space<vmem>>) offsets(%dma_start3A_492 : memref<40xi32, #tpu.memory_space<vmem>>) semaphore(%arg14 : memref<!tpu.dma_semaphore, #tpu.memory_space<semaphore_mem>>)
      } else {
      }
    }
    %scan3A_84 = arith.constant 62 : i32
    %dma_wait3A_85 = arith.constant 0 : i32
    %dma_wait3A_86 = arith.constant 0 : i32
    %dma_wait3A_87 = arith.constant 0 : i32
    %dma_wait3A_88 = tpu.memref_slice %arg9[%dma_wait3A_85, %dma_wait3A_86, %dma_wait3A_87] : memref<4x40x128xf32, #tpu.memory_space<vmem>> -> memref<1x40x128xf32, #tpu.memory_space<vmem>>
    %dma_wait3A_89 = tpu.memref_squeeze %dma_wait3A_88 : memref<1x40x128xf32, #tpu.memory_space<vmem>> -> memref<40x128xf32, #tpu.memory_space<vmem>>
    %dma_wait3A_90 = arith.constant 9920 : i32
    %dma_wait3A_91 = tpu.memref_slice %arg7[%dma_wait3A_90] : memref<10000xi32, #tpu.memory_space<vmem>> -> memref<40xi32, #tpu.memory_space<vmem>>
    %dma_wait3A_92 = arith.constant 0 : i32
    %dma_wait3A_93 = arith.constant 0 : i32
    %dma_wait3A_94 = tpu.memref_slice %arg2[%dma_wait3A_92, %dma_wait3A_93] : memref<10000x128xf32, #tpu.memory_space<hbm>> -> memref<10000x128xf32, #tpu.memory_space<hbm>>
    tpu.wait_indirect_dma semaphore(%arg11 : memref<!tpu.dma_semaphore, #tpu.memory_space<semaphore_mem>>) src(%dma_wait3A_94 : memref<10000x128xf32, #tpu.memory_space<hbm>>) dst(%dma_wait3A_89 : memref<40x128xf32, #tpu.memory_space<vmem>>)
    %run_scoped3A = arith.constant 0 : i32
    %run_scoped3A_95 = arith.constant 124 : i32
    "tpu.region"() ({
      %run_scoped3A_121 = tpu.sem_alloc : memref<!tpu.dma_semaphore, #tpu.memory_space<semaphore_mem>>
      %dma_start3A_122 = arith.constant 0 : i32
      %dma_start3A_123 = arith.constant 0 : i32
      %dma_start3A_124 = tpu.memref_slice %arg9[%run_scoped3A, %dma_start3A_122, %dma_start3A_123] : memref<4x40x128xf32, #tpu.memory_space<vmem>> -> memref<1x40x128xf32, #tpu.memory_space<vmem>>
      %dma_start3A_125 = tpu.memref_squeeze %dma_start3A_124 : memref<1x40x128xf32, #tpu.memory_space<vmem>> -> memref<40x128xf32, #tpu.memory_space<vmem>>
      %dma_start3A_126 = arith.constant 0 : i32
      %dma_start3A_127 = tpu.memref_slice %arg8[%run_scoped3A_95, %dma_start3A_126] : memref<125x80xi32, #tpu.memory_space<vmem>> -> memref<1x40xi32, #tpu.memory_space<vmem>>
      %dma_start3A_128 = tpu.memref_squeeze %dma_start3A_127 : memref<1x40xi32, #tpu.memory_space<vmem>> -> memref<40xi32, #tpu.memory_space<vmem>>
      %dma_start3A_129 = arith.constant 0 : i32
      %dma_start3A_130 = arith.constant 0 : i32
      %dma_start3A_131 = tpu.memref_slice %arg10[%dma_start3A_129, %dma_start3A_130] : memref<10000x128xf32, #tpu.memory_space<vmem_shared>> -> memref<10000x128xf32, #tpu.memory_space<vmem_shared>>
      tpu.enqueue_indirect_dma source(%dma_start3A_125 : memref<40x128xf32, #tpu.memory_space<vmem>>) target(%dma_start3A_131 : memref<10000x128xf32, #tpu.memory_space<vmem_shared>>) offsets(%dma_start3A_128 : memref<40xi32, #tpu.memory_space<vmem>>) semaphore(%run_scoped3A_121 : memref<!tpu.dma_semaphore, #tpu.memory_space<semaphore_mem>>) {add = true}
      %dma_wait3A_132 = arith.constant 0 : i32
      %dma_wait3A_133 = arith.constant 0 : i32
      %dma_wait3A_134 = tpu.memref_slice %arg9[%run_scoped3A, %dma_wait3A_132, %dma_wait3A_133] : memref<4x40x128xf32, #tpu.memory_space<vmem>> -> memref<1x40x128xf32, #tpu.memory_space<vmem>>
      %dma_wait3A_135 = tpu.memref_squeeze %dma_wait3A_134 : memref<1x40x128xf32, #tpu.memory_space<vmem>> -> memref<40x128xf32, #tpu.memory_space<vmem>>
      %dma_wait3A_136 = arith.constant 0 : i32
      %dma_wait3A_137 = tpu.memref_slice %arg8[%run_scoped3A_95, %dma_wait3A_136] : memref<125x80xi32, #tpu.memory_space<vmem>> -> memref<1x40xi32, #tpu.memory_space<vmem>>
      %dma_wait3A_138 = tpu.memref_squeeze %dma_wait3A_137 : memref<1x40xi32, #tpu.memory_space<vmem>> -> memref<40xi32, #tpu.memory_space<vmem>>
      %dma_wait3A_139 = arith.constant 0 : i32
      %dma_wait3A_140 = arith.constant 0 : i32
      %dma_wait3A_141 = tpu.memref_slice %arg10[%dma_wait3A_139, %dma_wait3A_140] : memref<10000x128xf32, #tpu.memory_space<vmem_shared>> -> memref<10000x128xf32, #tpu.memory_space<vmem_shared>>
      tpu.wait_indirect_dma semaphore(%run_scoped3A_121 : memref<!tpu.dma_semaphore, #tpu.memory_space<semaphore_mem>>) src(%dma_wait3A_135 : memref<40x128xf32, #tpu.memory_space<vmem>>) dst(%dma_wait3A_141 : memref<10000x128xf32, #tpu.memory_space<vmem_shared>>)
      tpu.yield
    }) : () -> ()
    %dma_wait3A_96 = arith.constant 1 : i32
    %dma_wait3A_97 = arith.constant 0 : i32
    %dma_wait3A_98 = arith.constant 0 : i32
    %dma_wait3A_99 = tpu.memref_slice %arg9[%dma_wait3A_96, %dma_wait3A_97, %dma_wait3A_98] : memref<4x40x128xf32, #tpu.memory_space<vmem>> -> memref<1x40x128xf32, #tpu.memory_space<vmem>>
    %dma_wait3A_100 = tpu.memref_squeeze %dma_wait3A_99 : memref<1x40x128xf32, #tpu.memory_space<vmem>> -> memref<40x128xf32, #tpu.memory_space<vmem>>
    %dma_wait3A_101 = arith.constant 9960 : i32
    %dma_wait3A_102 = tpu.memref_slice %arg7[%dma_wait3A_101] : memref<10000xi32, #tpu.memory_space<vmem>> -> memref<40xi32, #tpu.memory_space<vmem>>
    %dma_wait3A_103 = arith.constant 0 : i32
    %dma_wait3A_104 = arith.constant 0 : i32
    %dma_wait3A_105 = tpu.memref_slice %arg2[%dma_wait3A_103, %dma_wait3A_104] : memref<10000x128xf32, #tpu.memory_space<hbm>> -> memref<10000x128xf32, #tpu.memory_space<hbm>>
    tpu.wait_indirect_dma semaphore(%arg12 : memref<!tpu.dma_semaphore, #tpu.memory_space<semaphore_mem>>) src(%dma_wait3A_105 : memref<10000x128xf32, #tpu.memory_space<hbm>>) dst(%dma_wait3A_100 : memref<40x128xf32, #tpu.memory_space<vmem>>)
    %run_scoped3A_106 = arith.constant 1 : i32
    %run_scoped3A_107 = arith.constant 124 : i32
    "tpu.region"() ({
      %run_scoped3A_121 = tpu.sem_alloc : memref<!tpu.dma_semaphore, #tpu.memory_space<semaphore_mem>>
      %dma_start3A_122 = arith.constant 0 : i32
      %dma_start3A_123 = arith.constant 0 : i32
      %dma_start3A_124 = tpu.memref_slice %arg9[%run_scoped3A_106, %dma_start3A_122, %dma_start3A_123] : memref<4x40x128xf32, #tpu.memory_space<vmem>> -> memref<1x40x128xf32, #tpu.memory_space<vmem>>
      %dma_start3A_125 = tpu.memref_squeeze %dma_start3A_124 : memref<1x40x128xf32, #tpu.memory_space<vmem>> -> memref<40x128xf32, #tpu.memory_space<vmem>>
      %dma_start3A_126 = arith.constant 40 : i32
      %dma_start3A_127 = tpu.memref_slice %arg8[%run_scoped3A_107, %dma_start3A_126] : memref<125x80xi32, #tpu.memory_space<vmem>> -> memref<1x40xi32, #tpu.memory_space<vmem>>
      %dma_start3A_128 = tpu.memref_squeeze %dma_start3A_127 : memref<1x40xi32, #tpu.memory_space<vmem>> -> memref<40xi32, #tpu.memory_space<vmem>>
      %dma_start3A_129 = arith.constant 0 : i32
      %dma_start3A_130 = arith.constant 0 : i32
      %dma_start3A_131 = tpu.memref_slice %arg10[%dma_start3A_129, %dma_start3A_130] : memref<10000x128xf32, #tpu.memory_space<vmem_shared>> -> memref<10000x128xf32, #tpu.memory_space<vmem_shared>>
      tpu.enqueue_indirect_dma source(%dma_start3A_125 : memref<40x128xf32, #tpu.memory_space<vmem>>) target(%dma_start3A_131 : memref<10000x128xf32, #tpu.memory_space<vmem_shared>>) offsets(%dma_start3A_128 : memref<40xi32, #tpu.memory_space<vmem>>) semaphore(%run_scoped3A_121 : memref<!tpu.dma_semaphore, #tpu.memory_space<semaphore_mem>>) {add = true}
      %dma_wait3A_132 = arith.constant 0 : i32
      %dma_wait3A_133 = arith.constant 0 : i32
      %dma_wait3A_134 = tpu.memref_slice %arg9[%run_scoped3A_106, %dma_wait3A_132, %dma_wait3A_133] : memref<4x40x128xf32, #tpu.memory_space<vmem>> -> memref<1x40x128xf32, #tpu.memory_space<vmem>>
      %dma_wait3A_135 = tpu.memref_squeeze %dma_wait3A_134 : memref<1x40x128xf32, #tpu.memory_space<vmem>> -> memref<40x128xf32, #tpu.memory_space<vmem>>
      %dma_wait3A_136 = arith.constant 40 : i32
      %dma_wait3A_137 = tpu.memref_slice %arg8[%run_scoped3A_107, %dma_wait3A_136] : memref<125x80xi32, #tpu.memory_space<vmem>> -> memref<1x40xi32, #tpu.memory_space<vmem>>
      %dma_wait3A_138 = tpu.memref_squeeze %dma_wait3A_137 : memref<1x40xi32, #tpu.memory_space<vmem>> -> memref<40xi32, #tpu.memory_space<vmem>>
      %dma_wait3A_139 = arith.constant 0 : i32
      %dma_wait3A_140 = arith.constant 0 : i32
      %dma_wait3A_141 = tpu.memref_slice %arg10[%dma_wait3A_139, %dma_wait3A_140] : memref<10000x128xf32, #tpu.memory_space<vmem_shared>> -> memref<10000x128xf32, #tpu.memory_space<vmem_shared>>
      tpu.wait_indirect_dma semaphore(%run_scoped3A_121 : memref<!tpu.dma_semaphore, #tpu.memory_space<semaphore_mem>>) src(%dma_wait3A_135 : memref<40x128xf32, #tpu.memory_space<vmem>>) dst(%dma_wait3A_141 : memref<10000x128xf32, #tpu.memory_space<vmem_shared>>)
      tpu.yield
    }) : () -> ()
    %barrier3A_108 = arith.constant 0 : index
    tpu.barrier barrier_id(%barrier3A_108)
    %mul3A_109 = arith.constant 624 : i32
    %mul3A_110 = arith.muli %arg1, %mul3A_109 : i32
    %mul3A_111 = arith.constant 10000 : i32
    %mul3A_112 = arith.muli %arg0, %mul3A_111 : i32
    %mul3A_113 = arith.constant 624 : i32
    %mul3A_114 = arith.muli %arg1, %mul3A_113 : i32
    %add3A_115 = arith.addi %mul3A_112, %mul3A_114 : i32
    "tpu.region"() ({
      %run_scoped3A_121 = tpu.sem_alloc : memref<!tpu.dma_semaphore, #tpu.memory_space<semaphore_mem>>
      %dma_start3A_122 = arith.constant 0 : i32
      %dma_start3A_123 = tpu.memref_slice %arg6[%add3A_115, %dma_start3A_122] : memref<20000x128xf32, #tpu.memory_space<hbm>> -> memref<624x128xf32, #tpu.memory_space<hbm>>
      %dma_start3A_124 = arith.constant 0 : i32
      %dma_start3A_125 = tpu.memref_slice %arg10[%mul3A_110, %dma_start3A_124] : memref<10000x128xf32, #tpu.memory_space<vmem_shared>> -> memref<624x128xf32, #tpu.memory_space<vmem_shared>>
      tpu.enqueue_dma source(%dma_start3A_125 : memref<624x128xf32, #tpu.memory_space<vmem_shared>>) target(%dma_start3A_123 : memref<624x128xf32, #tpu.memory_space<hbm>>) target_semaphore(%run_scoped3A_121 : memref<!tpu.dma_semaphore, #tpu.memory_space<semaphore_mem>>)
      %dma_wait3A_126 = arith.constant 0 : i32
      %dma_wait3A_127 = tpu.memref_slice %arg6[%add3A_115, %dma_wait3A_126] : memref<20000x128xf32, #tpu.memory_space<hbm>> -> memref<624x128xf32, #tpu.memory_space<hbm>>
      %dma_wait3A_128 = arith.constant 0 : i32
      %dma_wait3A_129 = tpu.memref_slice %arg10[%mul3A_110, %dma_wait3A_128] : memref<10000x128xf32, #tpu.memory_space<vmem_shared>> -> memref<624x128xf32, #tpu.memory_space<vmem_shared>>
      tpu.wait_dma2 semaphore(%run_scoped3A_121 : memref<!tpu.dma_semaphore, #tpu.memory_space<semaphore_mem>>) src(%dma_wait3A_129 : memref<624x128xf32, #tpu.memory_space<vmem_shared>>) dst(%dma_wait3A_127 : memref<624x128xf32, #tpu.memory_space<hbm>>)
      tpu.yield
    }) : () -> ()
    %eq3A_116 = arith.constant 15 : i32
    %eq3A_117 = arith.cmpi eq, %arg1, %eq3A_116 : i32
    %convert_element_type3A_118 = arith.extui %eq3A_117 : i1 to i32
    %cond3A_119 = arith.constant 0 : i32
    %cond3A_120 = arith.cmpi ne, %convert_element_type3A_118, %cond3A_119 : i32
    scf.if %cond3A_120 {
      %mul3A_121 = arith.constant 10000 : i32
      %mul3A_122 = arith.muli %arg0, %mul3A_121 : i32
      %add3A_123 = arith.constant 9984 : i32
      %add3A_124 = arith.addi %mul3A_122, %add3A_123 : i32
      "tpu.region"() ({
        %run_scoped3A_125 = tpu.sem_alloc : memref<!tpu.dma_semaphore, #tpu.memory_space<semaphore_mem>>
        %dma_start3A_126 = arith.constant 0 : i32
        %dma_start3A_127 = tpu.memref_slice %arg6[%add3A_124, %dma_start3A_126] : memref<20000x128xf32, #tpu.memory_space<hbm>> -> memref<16x128xf32, #tpu.memory_space<hbm>>
        %dma_start3A_128 = arith.constant 9984 : i32
        %dma_start3A_129 = arith.constant 0 : i32
        %dma_start3A_130 = tpu.memref_slice %arg10[%dma_start3A_128, %dma_start3A_129] : memref<10000x128xf32, #tpu.memory_space<vmem_shared>> -> memref<16x128xf32, #tpu.memory_space<vmem_shared>>
        tpu.enqueue_dma source(%dma_start3A_130 : memref<16x128xf32, #tpu.memory_space<vmem_shared>>) target(%dma_start3A_127 : memref<16x128xf32, #tpu.memory_space<hbm>>) target_semaphore(%run_scoped3A_125 : memref<!tpu.dma_semaphore, #tpu.memory_space<semaphore_mem>>)
        %dma_wait3A_131 = arith.constant 0 : i32
        %dma_wait3A_132 = tpu.memref_slice %arg6[%add3A_124, %dma_wait3A_131] : memref<20000x128xf32, #tpu.memory_space<hbm>> -> memref<16x128xf32, #tpu.memory_space<hbm>>
        %dma_wait3A_133 = arith.constant 9984 : i32
        %dma_wait3A_134 = arith.constant 0 : i32
        %dma_wait3A_135 = tpu.memref_slice %arg10[%dma_wait3A_133, %dma_wait3A_134] : memref<10000x128xf32, #tpu.memory_space<vmem_shared>> -> memref<16x128xf32, #tpu.memory_space<vmem_shared>>
        tpu.wait_dma2 semaphore(%run_scoped3A_125 : memref<!tpu.dma_semaphore, #tpu.memory_space<semaphore_mem>>) src(%dma_wait3A_135 : memref<16x128xf32, #tpu.memory_space<vmem_shared>>) dst(%dma_wait3A_132 : memref<16x128xf32, #tpu.memory_space<hbm>>)
        tpu.yield
      }) : () -> ()
    } else {
    }
    return
  }
}

#map = affine_map<(d0, d1) -> (0, 0)>
#map1 = affine_map<(d0, d1) -> (0, 0, 0)>
module attributes {stable_mosaic.version = 14 : i64} {
  func.func @kern(%arg0: i32, %arg1: i32, %arg2: memref<10000x128xf32, #tpu.memory_space<hbm>>, %arg3: memref<32x10000xi32, #tpu.memory_space<hbm>>, %arg4: memref<32x125x80xi32, #tpu.memory_space<hbm>>, %arg5: memref<624x128xf32, #tpu.memory_space<hbm>>, %arg6: memref<20000x128xf32, #tpu.memory_space<hbm>>, %arg7: memref<10000xi32, #tpu.memory_space<vmem>>, %arg8: memref<125x80xi32, #tpu.memory_space<vmem>>, %arg9: memref<4x40x128xf32, #tpu.memory_space<vmem>>, %arg10: memref<10000x128xf32, #tpu.memory_space<vmem_shared>>, %arg11: memref<!tpu.dma_semaphore, #tpu.memory_space<semaphore_mem>>, %arg12: memref<!tpu.dma_semaphore, #tpu.memory_space<semaphore_mem>>, %arg13: memref<!tpu.dma_semaphore, #tpu.memory_space<semaphore_mem>>, %arg14: memref<!tpu.dma_semaphore, #tpu.memory_space<semaphore_mem>>, %arg15: memref<!tpu.dma_semaphore, #tpu.memory_space<semaphore_mem>>, %arg16: memref<!tpu.dma_semaphore, #tpu.memory_space<semaphore_mem>>, %arg17: memref<!tpu.dma_semaphore, #tpu.memory_space<semaphore_mem>>, %arg18: memref<!tpu.dma_semaphore, #tpu.memory_space<semaphore_mem>>, %arg19: memref<!tpu.dma_semaphore, #tpu.memory_space<semaphore_mem>>, %arg20: memref<!tpu.dma_semaphore, #tpu.memory_space<semaphore_mem>>) attributes {dimension_semantics = [#tpu.dimension_semantics<core_parallel>, #tpu.dimension_semantics<subcore_parallel>], iteration_bounds = array<i64: 2, 16>, scalar_prefetch = 0 : i64, scratch_operands = 14 : i64, tpu.core_type = #tpu.core_type<sc_vector_subcore>, window_params = [{transform_indices = #map}, {transform_indices = #map}, {transform_indices = #map1}, {transform_indices = #map}, {transform_indices = #map}]} {
    %mul3A = arith.constant 2 : i32
    %mul3A_0 = arith.muli %arg1, %mul3A : i32
    %add3A = arith.addi %mul3A_0, %arg0 : i32
    %dma_start3A = arith.constant 0 : i32
    %dma_start3A_1 = tpu.memref_slice %arg3[%add3A, %dma_start3A] : memref<32x10000xi32, #tpu.memory_space<hbm>> -> memref<1x10000xi32, #tpu.memory_space<hbm>>
    %dma_start3A_2 = tpu.memref_squeeze %dma_start3A_1 : memref<1x10000xi32, #tpu.memory_space<hbm>> -> memref<10000xi32, #tpu.memory_space<hbm>>
    %dma_start3A_3 = arith.constant 0 : i32
    %dma_start3A_4 = tpu.memref_slice %arg3[%add3A, %dma_start3A_3] : memref<32x10000xi32, #tpu.memory_space<hbm>> -> memref<1x10000xi32, #tpu.memory_space<hbm>>
    %dma_start3A_5 = tpu.memref_squeeze %dma_start3A_4 : memref<1x10000xi32, #tpu.memory_space<hbm>> -> memref<10000xi32, #tpu.memory_space<hbm>>
    tpu.enqueue_dma source(%dma_start3A_5 : memref<10000xi32, #tpu.memory_space<hbm>>) target(%arg7 : memref<10000xi32, #tpu.memory_space<vmem>>) target_semaphore(%arg19 : memref<!tpu.dma_semaphore, #tpu.memory_space<semaphore_mem>>)
    %dma_start3A_6 = arith.constant 0 : i32
    %dma_start3A_7 = arith.constant 0 : i32
    %dma_start3A_8 = tpu.memref_slice %arg4[%add3A, %dma_start3A_6, %dma_start3A_7] : memref<32x125x80xi32, #tpu.memory_space<hbm>> -> memref<1x125x80xi32, #tpu.memory_space<hbm>>
    %dma_start3A_9 = tpu.memref_squeeze %dma_start3A_8 : memref<1x125x80xi32, #tpu.memory_space<hbm>> -> memref<125x80xi32, #tpu.memory_space<hbm>>
    %dma_start3A_10 = arith.constant 0 : i32
    %dma_start3A_11 = arith.constant 0 : i32
    %dma_start3A_12 = tpu.memref_slice %arg4[%add3A, %dma_start3A_10, %dma_start3A_11] : memref<32x125x80xi32, #tpu.memory_space<hbm>> -> memref<1x125x80xi32, #tpu.memory_space<hbm>>
    %dma_start3A_13 = tpu.memref_squeeze %dma_start3A_12 : memref<1x125x80xi32, #tpu.memory_space<hbm>> -> memref<125x80xi32, #tpu.memory_space<hbm>>
    tpu.enqueue_dma source(%dma_start3A_13 : memref<125x80xi32, #tpu.memory_space<hbm>>) target(%arg8 : memref<125x80xi32, #tpu.memory_space<vmem>>) target_semaphore(%arg20 : memref<!tpu.dma_semaphore, #tpu.memory_space<semaphore_mem>>)
    %mul3A_14 = arith.constant 624 : i32
    %mul3A_15 = arith.muli %arg1, %mul3A_14 : i32
    %dma_start3A_16 = arith.constant 0 : i32
    %dma_start3A_17 = tpu.memref_slice %arg10[%mul3A_15, %dma_start3A_16] : memref<10000x128xf32, #tpu.memory_space<vmem_shared>> -> memref<624x128xf32, #tpu.memory_space<vmem_shared>>
    %dma_start3A_18 = arith.constant 0 : i32
    %dma_start3A_19 = arith.constant 0 : i32
    %dma_start3A_20 = tpu.memref_slice %arg5[%dma_start3A_18, %dma_start3A_19] : memref<624x128xf32, #tpu.memory_space<hbm>> -> memref<624x128xf32, #tpu.memory_space<hbm>>
    tpu.enqueue_dma source(%dma_start3A_20 : memref<624x128xf32, #tpu.memory_space<hbm>>) target(%dma_start3A_17 : memref<624x128xf32, #tpu.memory_space<vmem_shared>>) target_semaphore(%arg20 : memref<!tpu.dma_semaphore, #tpu.memory_space<semaphore_mem>>)
    %dma_wait3A = arith.constant 0 : i32
    %dma_wait3A_21 = tpu.memref_slice %arg3[%add3A, %dma_wait3A] : memref<32x10000xi32, #tpu.memory_space<hbm>> -> memref<1x10000xi32, #tpu.memory_space<hbm>>
    %dma_wait3A_22 = tpu.memref_squeeze %dma_wait3A_21 : memref<1x10000xi32, #tpu.memory_space<hbm>> -> memref<10000xi32, #tpu.memory_space<hbm>>
    %dma_wait3A_23 = arith.constant 0 : i32
    %dma_wait3A_24 = tpu.memref_slice %arg3[%add3A, %dma_wait3A_23] : memref<32x10000xi32, #tpu.memory_space<hbm>> -> memref<1x10000xi32, #tpu.memory_space<hbm>>
    %dma_wait3A_25 = tpu.memref_squeeze %dma_wait3A_24 : memref<1x10000xi32, #tpu.memory_space<hbm>> -> memref<10000xi32, #tpu.memory_space<hbm>>
    tpu.wait_dma2 semaphore(%arg19 : memref<!tpu.dma_semaphore, #tpu.memory_space<semaphore_mem>>) src(%dma_wait3A_25 : memref<10000xi32, #tpu.memory_space<hbm>>) dst(%arg7 : memref<10000xi32, #tpu.memory_space<vmem>>)
    %dma_start3A_26 = arith.constant 0 : i32
    %dma_start3A_27 = arith.constant 0 : i32
    %dma_start3A_28 = arith.constant 0 : i32
    %dma_start3A_29 = tpu.memref_slice %arg9[%dma_start3A_26, %dma_start3A_27, %dma_start3A_28] : memref<4x40x128xf32, #tpu.memory_space<vmem>> -> memref<1x40x128xf32, #tpu.memory_space<vmem>>
    %dma_start3A_30 = tpu.memref_squeeze %dma_start3A_29 : memref<1x40x128xf32, #tpu.memory_space<vmem>> -> memref<40x128xf32, #tpu.memory_space<vmem>>
    %dma_start3A_31 = arith.constant 0 : i32
    %dma_start3A_32 = tpu.memref_slice %arg7[%dma_start3A_31] : memref<10000xi32, #tpu.memory_space<vmem>> -> memref<40xi32, #tpu.memory_space<vmem>>
    %dma_start3A_33 = arith.constant 0 : i32
    %dma_start3A_34 = arith.constant 0 : i32
    %dma_start3A_35 = tpu.memref_slice %arg2[%dma_start3A_33, %dma_start3A_34] : memref<10000x128xf32, #tpu.memory_space<hbm>> -> memref<10000x128xf32, #tpu.memory_space<hbm>>
    tpu.enqueue_indirect_dma source(%dma_start3A_35 : memref<10000x128xf32, #tpu.memory_space<hbm>>) target(%dma_start3A_30 : memref<40x128xf32, #tpu.memory_space<vmem>>) offsets(%dma_start3A_32 : memref<40xi32, #tpu.memory_space<vmem>>) semaphore(%arg11 : memref<!tpu.dma_semaphore, #tpu.memory_space<semaphore_mem>>)
    %dma_start3A_36 = arith.constant 1 : i32
    %dma_start3A_37 = arith.constant 0 : i32
    %dma_start3A_38 = arith.constant 0 : i32
    %dma_start3A_39 = tpu.memref_slice %arg9[%dma_start3A_36, %dma_start3A_37, %dma_start3A_38] : memref<4x40x128xf32, #tpu.memory_space<vmem>> -> memref<1x40x128xf32, #tpu.memory_space<vmem>>
    %dma_start3A_40 = tpu.memref_squeeze %dma_start3A_39 : memref<1x40x128xf32, #tpu.memory_space<vmem>> -> memref<40x128xf32, #tpu.memory_space<vmem>>
    %dma_start3A_41 = arith.constant 40 : i32
    %dma_start3A_42 = tpu.memref_slice %arg7[%dma_start3A_41] : memref<10000xi32, #tpu.memory_space<vmem>> -> memref<40xi32, #tpu.memory_space<vmem>>
    %dma_start3A_43 = arith.constant 0 : i32
    %dma_start3A_44 = arith.constant 0 : i32
    %dma_start3A_45 = tpu.memref_slice %arg2[%dma_start3A_43, %dma_start3A_44] : memref<10000x128xf32, #tpu.memory_space<hbm>> -> memref<10000x128xf32, #tpu.memory_space<hbm>>
    tpu.enqueue_indirect_dma source(%dma_start3A_45 : memref<10000x128xf32, #tpu.memory_space<hbm>>) target(%dma_start3A_40 : memref<40x128xf32, #tpu.memory_space<vmem>>) offsets(%dma_start3A_42 : memref<40xi32, #tpu.memory_space<vmem>>) semaphore(%arg12 : memref<!tpu.dma_semaphore, #tpu.memory_space<semaphore_mem>>)
    %dma_start3A_46 = arith.constant 2 : i32
    %dma_start3A_47 = arith.constant 0 : i32
    %dma_start3A_48 = arith.constant 0 : i32
    %dma_start3A_49 = tpu.memref_slice %arg9[%dma_start3A_46, %dma_start3A_47, %dma_start3A_48] : memref<4x40x128xf32, #tpu.memory_space<vmem>> -> memref<1x40x128xf32, #tpu.memory_space<vmem>>
    %dma_start3A_50 = tpu.memref_squeeze %dma_start3A_49 : memref<1x40x128xf32, #tpu.memory_space<vmem>> -> memref<40x128xf32, #tpu.memory_space<vmem>>
    %dma_start3A_51 = arith.constant 80 : i32
    %dma_start3A_52 = tpu.memref_slice %arg7[%dma_start3A_51] : memref<10000xi32, #tpu.memory_space<vmem>> -> memref<40xi32, #tpu.memory_space<vmem>>
    %dma_start3A_53 = arith.constant 0 : i32
    %dma_start3A_54 = arith.constant 0 : i32
    %dma_start3A_55 = tpu.memref_slice %arg2[%dma_start3A_53, %dma_start3A_54] : memref<10000x128xf32, #tpu.memory_space<hbm>> -> memref<10000x128xf32, #tpu.memory_space<hbm>>
    tpu.enqueue_indirect_dma source(%dma_start3A_55 : memref<10000x128xf32, #tpu.memory_space<hbm>>) target(%dma_start3A_50 : memref<40x128xf32, #tpu.memory_space<vmem>>) offsets(%dma_start3A_52 : memref<40xi32, #tpu.memory_space<vmem>>) semaphore(%arg13 : memref<!tpu.dma_semaphore, #tpu.memory_space<semaphore_mem>>)
    %dma_start3A_56 = arith.constant 3 : i32
    %dma_start3A_57 = arith.constant 0 : i32
    %dma_start3A_58 = arith.constant 0 : i32
    %dma_start3A_59 = tpu.memref_slice %arg9[%dma_start3A_56, %dma_start3A_57, %dma_start3A_58] : memref<4x40x128xf32, #tpu.memory_space<vmem>> -> memref<1x40x128xf32, #tpu.memory_space<vmem>>
    %dma_start3A_60 = tpu.memref_squeeze %dma_start3A_59 : memref<1x40x128xf32, #tpu.memory_space<vmem>> -> memref<40x128xf32, #tpu.memory_space<vmem>>
    %dma_start3A_61 = arith.constant 120 : i32
    %dma_start3A_62 = tpu.memref_slice %arg7[%dma_start3A_61] : memref<10000xi32, #tpu.memory_space<vmem>> -> memref<40xi32, #tpu.memory_space<vmem>>
    %dma_start3A_63 = arith.constant 0 : i32
    %dma_start3A_64 = arith.constant 0 : i32
    %dma_start3A_65 = tpu.memref_slice %arg2[%dma_start3A_63, %dma_start3A_64] : memref<10000x128xf32, #tpu.memory_space<hbm>> -> memref<10000x128xf32, #tpu.memory_space<hbm>>
    tpu.enqueue_indirect_dma source(%dma_start3A_65 : memref<10000x128xf32, #tpu.memory_space<hbm>>) target(%dma_start3A_60 : memref<40x128xf32, #tpu.memory_space<vmem>>) offsets(%dma_start3A_62 : memref<40xi32, #tpu.memory_space<vmem>>) semaphore(%arg14 : memref<!tpu.dma_semaphore, #tpu.memory_space<semaphore_mem>>)
    %eq3A = arith.constant 15 : i32
    %eq3A_66 = arith.cmpi eq, %arg1, %eq3A : i32
    %convert_element_type3A = arith.extui %eq3A_66 : i1 to i32
    %cond3A = arith.constant 0 : i32
    %cond3A_67 = arith.cmpi ne, %convert_element_type3A, %cond3A : i32
    scf.if %cond3A_67 {
      "tpu.region"() ({
        %run_scoped3A_121 = tpu.sem_alloc : memref<!tpu.dma_semaphore, #tpu.memory_space<semaphore_mem>>
        %dma_start3A_122 = arith.constant 9984 : i32
        %dma_start3A_123 = arith.constant 0 : i32
        %dma_start3A_124 = tpu.memref_slice %arg10[%dma_start3A_122, %dma_start3A_123] : memref<10000x128xf32, #tpu.memory_space<vmem_shared>> -> memref<16x128xf32, #tpu.memory_space<vmem_shared>>
        %dma_start3A_125 = arith.constant 0 : i32
        %dma_start3A_126 = arith.constant 0 : i32
        %dma_start3A_127 = tpu.memref_slice %arg5[%dma_start3A_125, %dma_start3A_126] : memref<624x128xf32, #tpu.memory_space<hbm>> -> memref<16x128xf32, #tpu.memory_space<hbm>>
        tpu.enqueue_dma source(%dma_start3A_127 : memref<16x128xf32, #tpu.memory_space<hbm>>) target(%dma_start3A_124 : memref<16x128xf32, #tpu.memory_space<vmem_shared>>) target_semaphore(%run_scoped3A_121 : memref<!tpu.dma_semaphore, #tpu.memory_space<semaphore_mem>>)
        %dma_wait3A_128 = arith.constant 9984 : i32
        %dma_wait3A_129 = arith.constant 0 : i32
        %dma_wait3A_130 = tpu.memref_slice %arg10[%dma_wait3A_128, %dma_wait3A_129] : memref<10000x128xf32, #tpu.memory_space<vmem_shared>> -> memref<16x128xf32, #tpu.memory_space<vmem_shared>>
        %dma_wait3A_131 = arith.constant 0 : i32
        %dma_wait3A_132 = arith.constant 0 : i32
        %dma_wait3A_133 = tpu.memref_slice %arg5[%dma_wait3A_131, %dma_wait3A_132] : memref<624x128xf32, #tpu.memory_space<hbm>> -> memref<16x128xf32, #tpu.memory_space<hbm>>
        tpu.wait_dma2 semaphore(%run_scoped3A_121 : memref<!tpu.dma_semaphore, #tpu.memory_space<semaphore_mem>>) src(%dma_wait3A_133 : memref<16x128xf32, #tpu.memory_space<hbm>>) dst(%dma_wait3A_130 : memref<16x128xf32, #tpu.memory_space<vmem_shared>>)
        tpu.yield
      }) : () -> ()
    } else {
    }
    %dma_wait3A_68 = arith.constant 0 : i32
    %dma_wait3A_69 = arith.constant 0 : i32
    %dma_wait3A_70 = tpu.memref_slice %arg4[%add3A, %dma_wait3A_68, %dma_wait3A_69] : memref<32x125x80xi32, #tpu.memory_space<hbm>> -> memref<1x125x80xi32, #tpu.memory_space<hbm>>
    %dma_wait3A_71 = tpu.memref_squeeze %dma_wait3A_70 : memref<1x125x80xi32, #tpu.memory_space<hbm>> -> memref<125x80xi32, #tpu.memory_space<hbm>>
    %dma_wait3A_72 = arith.constant 0 : i32
    %dma_wait3A_73 = arith.constant 0 : i32
    %dma_wait3A_74 = tpu.memref_slice %arg4[%add3A, %dma_wait3A_72, %dma_wait3A_73] : memref<32x125x80xi32, #tpu.memory_space<hbm>> -> memref<1x125x80xi32, #tpu.memory_space<hbm>>
    %dma_wait3A_75 = tpu.memref_squeeze %dma_wait3A_74 : memref<1x125x80xi32, #tpu.memory_space<hbm>> -> memref<125x80xi32, #tpu.memory_space<hbm>>
    tpu.wait_dma2 semaphore(%arg20 : memref<!tpu.dma_semaphore, #tpu.memory_space<semaphore_mem>>) src(%dma_wait3A_75 : memref<125x80xi32, #tpu.memory_space<hbm>>) dst(%arg8 : memref<125x80xi32, #tpu.memory_space<vmem>>)
    %dma_wait3A_76 = arith.constant 0 : i32
    %dma_wait3A_77 = tpu.memref_slice %arg10[%mul3A_15, %dma_wait3A_76] : memref<10000x128xf32, #tpu.memory_space<vmem_shared>> -> memref<624x128xf32, #tpu.memory_space<vmem_shared>>
    %dma_wait3A_78 = arith.constant 0 : i32
    %dma_wait3A_79 = arith.constant 0 : i32
    %dma_wait3A_80 = tpu.memref_slice %arg5[%dma_wait3A_78, %dma_wait3A_79] : memref<624x128xf32, #tpu.memory_space<hbm>> -> memref<624x128xf32, #tpu.memory_space<hbm>>
    tpu.wait_dma2 semaphore(%arg20 : memref<!tpu.dma_semaphore, #tpu.memory_space<semaphore_mem>>) src(%dma_wait3A_80 : memref<624x128xf32, #tpu.memory_space<hbm>>) dst(%dma_wait3A_77 : memref<624x128xf32, #tpu.memory_space<vmem_shared>>)
    %barrier3A = arith.constant 0 : index
    tpu.barrier barrier_id(%barrier3A)
    %scan3A = arith.constant 0 : i32
    %scan3A_81 = arith.constant 62 : i32
    %scan3A_82 = arith.addi %scan3A, %scan3A_81 : i32
    %scan3A_83 = arith.constant 1 : i32
    scf.for %scan3A_121 = %scan3A to %scan3A_82 step %scan3A_83  : i32 {
      %mul3A_122 = arith.constant 4 : i32
      %mul3A_123 = arith.muli %scan3A_121, %mul3A_122 : i32
      %add3A_124 = arith.constant 0 : i32
      %add3A_125 = arith.addi %add3A_124, %mul3A_123 : i32
      %add3A_126 = arith.constant 0 : i32
      %add3A_127 = arith.addi %add3A_125, %add3A_126 : i32
      %mul3A_128 = arith.constant 40 : i32
      %mul3A_129 = arith.muli %add3A_127, %mul3A_128 : i32
      %dma_wait3A_130 = arith.constant 0 : i32
      %dma_wait3A_131 = arith.constant 0 : i32
      %dma_wait3A_132 = arith.constant 0 : i32
      %dma_wait3A_133 = tpu.memref_slice %arg9[%dma_wait3A_130, %dma_wait3A_131, %dma_wait3A_132] : memref<4x40x128xf32, #tpu.memory_space<vmem>> -> memref<1x40x128xf32, #tpu.memory_space<vmem>>
      %dma_wait3A_134 = tpu.memref_squeeze %dma_wait3A_133 : memref<1x40x128xf32, #tpu.memory_space<vmem>> -> memref<40x128xf32, #tpu.memory_space<vmem>>
      %dma_wait3A_135 = tpu.memref_slice %arg7[%mul3A_129] : memref<10000xi32, #tpu.memory_space<vmem>> -> memref<40xi32, #tpu.memory_space<vmem>>
      %dma_wait3A_136 = arith.constant 0 : i32
      %dma_wait3A_137 = arith.constant 0 : i32
      %dma_wait3A_138 = tpu.memref_slice %arg2[%dma_wait3A_136, %dma_wait3A_137] : memref<10000x128xf32, #tpu.memory_space<hbm>> -> memref<10000x128xf32, #tpu.memory_space<hbm>>
      tpu.wait_indirect_dma semaphore(%arg11 : memref<!tpu.dma_semaphore, #tpu.memory_space<semaphore_mem>>) src(%dma_wait3A_138 : memref<10000x128xf32, #tpu.memory_space<hbm>>) dst(%dma_wait3A_134 : memref<40x128xf32, #tpu.memory_space<vmem>>)
      %jit3A = arith.constant 2 : i32
      %div3A = arith.divsi %add3A_127, %jit3A : i32
      %sign3A = arith.constant 0 : i32
      %sign3A_139 = arith.cmpi sgt, %add3A_127, %sign3A : i32
      %sign3A_140 = arith.extui %sign3A_139 : i1 to i32
      %sign3A_141 = arith.constant 0 : i32
      %sign3A_142 = arith.cmpi slt, %add3A_127, %sign3A_141 : i32
      %sign3A_143 = arith.extui %sign3A_142 : i1 to i32
      %sign3A_144 = arith.subi %sign3A_140, %sign3A_143 : i32
      %sign3A_145 = arith.constant 0 : i32
      %sign3A_146 = arith.cmpi sgt, %jit3A, %sign3A_145 : i32
      %sign3A_147 = arith.extui %sign3A_146 : i1 to i32
      %sign3A_148 = arith.constant 0 : i32
      %sign3A_149 = arith.cmpi slt, %jit3A, %sign3A_148 : i32
      %sign3A_150 = arith.extui %sign3A_149 : i1 to i32
      %sign3A_151 = arith.subi %sign3A_147, %sign3A_150 : i32
      %ne3A = arith.cmpi ne, %sign3A_144, %sign3A_151 : i32
      %rem3A = arith.remsi %add3A_127, %jit3A : i32
      %ne3A_152 = arith.constant 0 : i32
      %ne3A_153 = arith.cmpi ne, %rem3A, %ne3A_152 : i32
      %and3A = arith.andi %ne3A, %ne3A_153 : i1
      %sub3A = arith.constant 1 : i32
      %sub3A_154 = arith.subi %div3A, %sub3A : i32
      %select_n3A = arith.select %and3A, %sub3A_154, %div3A : i32
      %dma_start3A_155 = arith.constant 0 : i32
      %dma_start3A_156 = arith.constant 0 : i32
      %dma_start3A_157 = arith.constant 0 : i32
      %dma_start3A_158 = tpu.memref_slice %arg9[%dma_start3A_155, %dma_start3A_156, %dma_start3A_157] : memref<4x40x128xf32, #tpu.memory_space<vmem>> -> memref<1x40x128xf32, #tpu.memory_space<vmem>>
      %dma_start3A_159 = tpu.memref_squeeze %dma_start3A_158 : memref<1x40x128xf32, #tpu.memory_space<vmem>> -> memref<40x128xf32, #tpu.memory_space<vmem>>
      %dma_start3A_160 = arith.constant 0 : i32
      %dma_start3A_161 = tpu.memref_slice %arg8[%select_n3A, %dma_start3A_160] : memref<125x80xi32, #tpu.memory_space<vmem>> -> memref<1x40xi32, #tpu.memory_space<vmem>>
      %dma_start3A_162 = tpu.memref_squeeze %dma_start3A_161 : memref<1x40xi32, #tpu.memory_space<vmem>> -> memref<40xi32, #tpu.memory_space<vmem>>
      %dma_start3A_163 = arith.constant 0 : i32
      %dma_start3A_164 = arith.constant 0 : i32
      %dma_start3A_165 = tpu.memref_slice %arg10[%dma_start3A_163, %dma_start3A_164] : memref<10000x128xf32, #tpu.memory_space<vmem_shared>> -> memref<10000x128xf32, #tpu.memory_space<vmem_shared>>
      tpu.enqueue_indirect_dma source(%dma_start3A_159 : memref<40x128xf32, #tpu.memory_space<vmem>>) target(%dma_start3A_165 : memref<10000x128xf32, #tpu.memory_space<vmem_shared>>) offsets(%dma_start3A_162 : memref<40xi32, #tpu.memory_space<vmem>>) semaphore(%arg15 : memref<!tpu.dma_semaphore, #tpu.memory_space<semaphore_mem>>) {add = true}
      %add3A_166 = arith.constant 1 : i32
      %add3A_167 = arith.addi %add3A_125, %add3A_166 : i32
      %mul3A_168 = arith.constant 40 : i32
      %mul3A_169 = arith.muli %add3A_167, %mul3A_168 : i32
      %dma_wait3A_170 = arith.constant 1 : i32
      %dma_wait3A_171 = arith.constant 0 : i32
      %dma_wait3A_172 = arith.constant 0 : i32
      %dma_wait3A_173 = tpu.memref_slice %arg9[%dma_wait3A_170, %dma_wait3A_171, %dma_wait3A_172] : memref<4x40x128xf32, #tpu.memory_space<vmem>> -> memref<1x40x128xf32, #tpu.memory_space<vmem>>
      %dma_wait3A_174 = tpu.memref_squeeze %dma_wait3A_173 : memref<1x40x128xf32, #tpu.memory_space<vmem>> -> memref<40x128xf32, #tpu.memory_space<vmem>>
      %dma_wait3A_175 = tpu.memref_slice %arg7[%mul3A_169] : memref<10000xi32, #tpu.memory_space<vmem>> -> memref<40xi32, #tpu.memory_space<vmem>>
      %dma_wait3A_176 = arith.constant 0 : i32
      %dma_wait3A_177 = arith.constant 0 : i32
      %dma_wait3A_178 = tpu.memref_slice %arg2[%dma_wait3A_176, %dma_wait3A_177] : memref<10000x128xf32, #tpu.memory_space<hbm>> -> memref<10000x128xf32, #tpu.memory_space<hbm>>
      tpu.wait_indirect_dma semaphore(%arg12 : memref<!tpu.dma_semaphore, #tpu.memory_space<semaphore_mem>>) src(%dma_wait3A_178 : memref<10000x128xf32, #tpu.memory_space<hbm>>) dst(%dma_wait3A_174 : memref<40x128xf32, #tpu.memory_space<vmem>>)
      %jit3A_179 = arith.constant 2 : i32
      %div3A_180 = arith.divsi %add3A_167, %jit3A_179 : i32
      %sign3A_181 = arith.constant 0 : i32
      %sign3A_182 = arith.cmpi sgt, %add3A_167, %sign3A_181 : i32
      %sign3A_183 = arith.extui %sign3A_182 : i1 to i32
      %sign3A_184 = arith.constant 0 : i32
      %sign3A_185 = arith.cmpi slt, %add3A_167, %sign3A_184 : i32
      %sign3A_186 = arith.extui %sign3A_185 : i1 to i32
      %sign3A_187 = arith.subi %sign3A_183, %sign3A_186 : i32
      %sign3A_188 = arith.constant 0 : i32
      %sign3A_189 = arith.cmpi sgt, %jit3A_179, %sign3A_188 : i32
      %sign3A_190 = arith.extui %sign3A_189 : i1 to i32
      %sign3A_191 = arith.constant 0 : i32
      %sign3A_192 = arith.cmpi slt, %jit3A_179, %sign3A_191 : i32
      %sign3A_193 = arith.extui %sign3A_192 : i1 to i32
      %sign3A_194 = arith.subi %sign3A_190, %sign3A_193 : i32
      %ne3A_195 = arith.cmpi ne, %sign3A_187, %sign3A_194 : i32
      %rem3A_196 = arith.remsi %add3A_167, %jit3A_179 : i32
      %ne3A_197 = arith.constant 0 : i32
      %ne3A_198 = arith.cmpi ne, %rem3A_196, %ne3A_197 : i32
      %and3A_199 = arith.andi %ne3A_195, %ne3A_198 : i1
      %sub3A_200 = arith.constant 1 : i32
      %sub3A_201 = arith.subi %div3A_180, %sub3A_200 : i32
      %select_n3A_202 = arith.select %and3A_199, %sub3A_201, %div3A_180 : i32
      %dma_start3A_203 = arith.constant 1 : i32
      %dma_start3A_204 = arith.constant 0 : i32
      %dma_start3A_205 = arith.constant 0 : i32
      %dma_start3A_206 = tpu.memref_slice %arg9[%dma_start3A_203, %dma_start3A_204, %dma_start3A_205] : memref<4x40x128xf32, #tpu.memory_space<vmem>> -> memref<1x40x128xf32, #tpu.memory_space<vmem>>
      %dma_start3A_207 = tpu.memref_squeeze %dma_start3A_206 : memref<1x40x128xf32, #tpu.memory_space<vmem>> -> memref<40x128xf32, #tpu.memory_space<vmem>>
      %dma_start3A_208 = arith.constant 40 : i32
      %dma_start3A_209 = tpu.memref_slice %arg8[%select_n3A_202, %dma_start3A_208] : memref<125x80xi32, #tpu.memory_space<vmem>> -> memref<1x40xi32, #tpu.memory_space<vmem>>
      %dma_start3A_210 = tpu.memref_squeeze %dma_start3A_209 : memref<1x40xi32, #tpu.memory_space<vmem>> -> memref<40xi32, #tpu.memory_space<vmem>>
      %dma_start3A_211 = arith.constant 0 : i32
      %dma_start3A_212 = arith.constant 0 : i32
      %dma_start3A_213 = tpu.memref_slice %arg10[%dma_start3A_211, %dma_start3A_212] : memref<10000x128xf32, #tpu.memory_space<vmem_shared>> -> memref<10000x128xf32, #tpu.memory_space<vmem_shared>>
      tpu.enqueue_indirect_dma source(%dma_start3A_207 : memref<40x128xf32, #tpu.memory_space<vmem>>) target(%dma_start3A_213 : memref<10000x128xf32, #tpu.memory_space<vmem_shared>>) offsets(%dma_start3A_210 : memref<40xi32, #tpu.memory_space<vmem>>) semaphore(%arg16 : memref<!tpu.dma_semaphore, #tpu.memory_space<semaphore_mem>>) {add = true}
      %add3A_214 = arith.constant 2 : i32
      %add3A_215 = arith.addi %add3A_125, %add3A_214 : i32
      %mul3A_216 = arith.constant 40 : i32
      %mul3A_217 = arith.muli %add3A_215, %mul3A_216 : i32
      %dma_wait3A_218 = arith.constant 2 : i32
      %dma_wait3A_219 = arith.constant 0 : i32
      %dma_wait3A_220 = arith.constant 0 : i32
      %dma_wait3A_221 = tpu.memref_slice %arg9[%dma_wait3A_218, %dma_wait3A_219, %dma_wait3A_220] : memref<4x40x128xf32, #tpu.memory_space<vmem>> -> memref<1x40x128xf32, #tpu.memory_space<vmem>>
      %dma_wait3A_222 = tpu.memref_squeeze %dma_wait3A_221 : memref<1x40x128xf32, #tpu.memory_space<vmem>> -> memref<40x128xf32, #tpu.memory_space<vmem>>
      %dma_wait3A_223 = tpu.memref_slice %arg7[%mul3A_217] : memref<10000xi32, #tpu.memory_space<vmem>> -> memref<40xi32, #tpu.memory_space<vmem>>
      %dma_wait3A_224 = arith.constant 0 : i32
      %dma_wait3A_225 = arith.constant 0 : i32
      %dma_wait3A_226 = tpu.memref_slice %arg2[%dma_wait3A_224, %dma_wait3A_225] : memref<10000x128xf32, #tpu.memory_space<hbm>> -> memref<10000x128xf32, #tpu.memory_space<hbm>>
      tpu.wait_indirect_dma semaphore(%arg13 : memref<!tpu.dma_semaphore, #tpu.memory_space<semaphore_mem>>) src(%dma_wait3A_226 : memref<10000x128xf32, #tpu.memory_space<hbm>>) dst(%dma_wait3A_222 : memref<40x128xf32, #tpu.memory_space<vmem>>)
      %jit3A_227 = arith.constant 2 : i32
      %div3A_228 = arith.divsi %add3A_215, %jit3A_227 : i32
      %sign3A_229 = arith.constant 0 : i32
      %sign3A_230 = arith.cmpi sgt, %add3A_215, %sign3A_229 : i32
      %sign3A_231 = arith.extui %sign3A_230 : i1 to i32
      %sign3A_232 = arith.constant 0 : i32
      %sign3A_233 = arith.cmpi slt, %add3A_215, %sign3A_232 : i32
      %sign3A_234 = arith.extui %sign3A_233 : i1 to i32
      %sign3A_235 = arith.subi %sign3A_231, %sign3A_234 : i32
      %sign3A_236 = arith.constant 0 : i32
      %sign3A_237 = arith.cmpi sgt, %jit3A_227, %sign3A_236 : i32
      %sign3A_238 = arith.extui %sign3A_237 : i1 to i32
      %sign3A_239 = arith.constant 0 : i32
      %sign3A_240 = arith.cmpi slt, %jit3A_227, %sign3A_239 : i32
      %sign3A_241 = arith.extui %sign3A_240 : i1 to i32
      %sign3A_242 = arith.subi %sign3A_238, %sign3A_241 : i32
      %ne3A_243 = arith.cmpi ne, %sign3A_235, %sign3A_242 : i32
      %rem3A_244 = arith.remsi %add3A_215, %jit3A_227 : i32
      %ne3A_245 = arith.constant 0 : i32
      %ne3A_246 = arith.cmpi ne, %rem3A_244, %ne3A_245 : i32
      %and3A_247 = arith.andi %ne3A_243, %ne3A_246 : i1
      %sub3A_248 = arith.constant 1 : i32
      %sub3A_249 = arith.subi %div3A_228, %sub3A_248 : i32
      %select_n3A_250 = arith.select %and3A_247, %sub3A_249, %div3A_228 : i32
      %dma_start3A_251 = arith.constant 2 : i32
      %dma_start3A_252 = arith.constant 0 : i32
      %dma_start3A_253 = arith.constant 0 : i32
      %dma_start3A_254 = tpu.memref_slice %arg9[%dma_start3A_251, %dma_start3A_252, %dma_start3A_253] : memref<4x40x128xf32, #tpu.memory_space<vmem>> -> memref<1x40x128xf32, #tpu.memory_space<vmem>>
      %dma_start3A_255 = tpu.memref_squeeze %dma_start3A_254 : memref<1x40x128xf32, #tpu.memory_space<vmem>> -> memref<40x128xf32, #tpu.memory_space<vmem>>
      %dma_start3A_256 = arith.constant 0 : i32
      %dma_start3A_257 = tpu.memref_slice %arg8[%select_n3A_250, %dma_start3A_256] : memref<125x80xi32, #tpu.memory_space<vmem>> -> memref<1x40xi32, #tpu.memory_space<vmem>>
      %dma_start3A_258 = tpu.memref_squeeze %dma_start3A_257 : memref<1x40xi32, #tpu.memory_space<vmem>> -> memref<40xi32, #tpu.memory_space<vmem>>
      %dma_start3A_259 = arith.constant 0 : i32
      %dma_start3A_260 = arith.constant 0 : i32
      %dma_start3A_261 = tpu.memref_slice %arg10[%dma_start3A_259, %dma_start3A_260] : memref<10000x128xf32, #tpu.memory_space<vmem_shared>> -> memref<10000x128xf32, #tpu.memory_space<vmem_shared>>
      tpu.enqueue_indirect_dma source(%dma_start3A_255 : memref<40x128xf32, #tpu.memory_space<vmem>>) target(%dma_start3A_261 : memref<10000x128xf32, #tpu.memory_space<vmem_shared>>) offsets(%dma_start3A_258 : memref<40xi32, #tpu.memory_space<vmem>>) semaphore(%arg17 : memref<!tpu.dma_semaphore, #tpu.memory_space<semaphore_mem>>) {add = true}
      %add3A_262 = arith.constant 3 : i32
      %add3A_263 = arith.addi %add3A_125, %add3A_262 : i32
      %mul3A_264 = arith.constant 40 : i32
      %mul3A_265 = arith.muli %add3A_263, %mul3A_264 : i32
      %dma_wait3A_266 = arith.constant 3 : i32
      %dma_wait3A_267 = arith.constant 0 : i32
      %dma_wait3A_268 = arith.constant 0 : i32
      %dma_wait3A_269 = tpu.memref_slice %arg9[%dma_wait3A_266, %dma_wait3A_267, %dma_wait3A_268] : memref<4x40x128xf32, #tpu.memory_space<vmem>> -> memref<1x40x128xf32, #tpu.memory_space<vmem>>
      %dma_wait3A_270 = tpu.memref_squeeze %dma_wait3A_269 : memref<1x40x128xf32, #tpu.memory_space<vmem>> -> memref<40x128xf32, #tpu.memory_space<vmem>>
      %dma_wait3A_271 = tpu.memref_slice %arg7[%mul3A_265] : memref<10000xi32, #tpu.memory_space<vmem>> -> memref<40xi32, #tpu.memory_space<vmem>>
      %dma_wait3A_272 = arith.constant 0 : i32
      %dma_wait3A_273 = arith.constant 0 : i32
      %dma_wait3A_274 = tpu.memref_slice %arg2[%dma_wait3A_272, %dma_wait3A_273] : memref<10000x128xf32, #tpu.memory_space<hbm>> -> memref<10000x128xf32, #tpu.memory_space<hbm>>
      tpu.wait_indirect_dma semaphore(%arg14 : memref<!tpu.dma_semaphore, #tpu.memory_space<semaphore_mem>>) src(%dma_wait3A_274 : memref<10000x128xf32, #tpu.memory_space<hbm>>) dst(%dma_wait3A_270 : memref<40x128xf32, #tpu.memory_space<vmem>>)
      %jit3A_275 = arith.constant 2 : i32
      %div3A_276 = arith.divsi %add3A_263, %jit3A_275 : i32
      %sign3A_277 = arith.constant 0 : i32
      %sign3A_278 = arith.cmpi sgt, %add3A_263, %sign3A_277 : i32
      %sign3A_279 = arith.extui %sign3A_278 : i1 to i32
      %sign3A_280 = arith.constant 0 : i32
      %sign3A_281 = arith.cmpi slt, %add3A_263, %sign3A_280 : i32
      %sign3A_282 = arith.extui %sign3A_281 : i1 to i32
      %sign3A_283 = arith.subi %sign3A_279, %sign3A_282 : i32
      %sign3A_284 = arith.constant 0 : i32
      %sign3A_285 = arith.cmpi sgt, %jit3A_275, %sign3A_284 : i32
      %sign3A_286 = arith.extui %sign3A_285 : i1 to i32
      %sign3A_287 = arith.constant 0 : i32
      %sign3A_288 = arith.cmpi slt, %jit3A_275, %sign3A_287 : i32
      %sign3A_289 = arith.extui %sign3A_288 : i1 to i32
      %sign3A_290 = arith.subi %sign3A_286, %sign3A_289 : i32
      %ne3A_291 = arith.cmpi ne, %sign3A_283, %sign3A_290 : i32
      %rem3A_292 = arith.remsi %add3A_263, %jit3A_275 : i32
      %ne3A_293 = arith.constant 0 : i32
      %ne3A_294 = arith.cmpi ne, %rem3A_292, %ne3A_293 : i32
      %and3A_295 = arith.andi %ne3A_291, %ne3A_294 : i1
      %sub3A_296 = arith.constant 1 : i32
      %sub3A_297 = arith.subi %div3A_276, %sub3A_296 : i32
      %select_n3A_298 = arith.select %and3A_295, %sub3A_297, %div3A_276 : i32
      %dma_start3A_299 = arith.constant 3 : i32
      %dma_start3A_300 = arith.constant 0 : i32
      %dma_start3A_301 = arith.constant 0 : i32
      %dma_start3A_302 = tpu.memref_slice %arg9[%dma_start3A_299, %dma_start3A_300, %dma_start3A_301] : memref<4x40x128xf32, #tpu.memory_space<vmem>> -> memref<1x40x128xf32, #tpu.memory_space<vmem>>
      %dma_start3A_303 = tpu.memref_squeeze %dma_start3A_302 : memref<1x40x128xf32, #tpu.memory_space<vmem>> -> memref<40x128xf32, #tpu.memory_space<vmem>>
      %dma_start3A_304 = arith.constant 40 : i32
      %dma_start3A_305 = tpu.memref_slice %arg8[%select_n3A_298, %dma_start3A_304] : memref<125x80xi32, #tpu.memory_space<vmem>> -> memref<1x40xi32, #tpu.memory_space<vmem>>
      %dma_start3A_306 = tpu.memref_squeeze %dma_start3A_305 : memref<1x40xi32, #tpu.memory_space<vmem>> -> memref<40xi32, #tpu.memory_space<vmem>>
      %dma_start3A_307 = arith.constant 0 : i32
      %dma_start3A_308 = arith.constant 0 : i32
      %dma_start3A_309 = tpu.memref_slice %arg10[%dma_start3A_307, %dma_start3A_308] : memref<10000x128xf32, #tpu.memory_space<vmem_shared>> -> memref<10000x128xf32, #tpu.memory_space<vmem_shared>>
      tpu.enqueue_indirect_dma source(%dma_start3A_303 : memref<40x128xf32, #tpu.memory_space<vmem>>) target(%dma_start3A_309 : memref<10000x128xf32, #tpu.memory_space<vmem_shared>>) offsets(%dma_start3A_306 : memref<40xi32, #tpu.memory_space<vmem>>) semaphore(%arg18 : memref<!tpu.dma_semaphore, #tpu.memory_space<semaphore_mem>>) {add = true}
      %add3A_310 = arith.constant 0 : i32
      %add3A_311 = arith.addi %add3A_125, %add3A_310 : i32
      %jit3A_312 = arith.constant 2 : i32
      %div3A_313 = arith.divsi %add3A_311, %jit3A_312 : i32
      %sign3A_314 = arith.constant 0 : i32
      %sign3A_315 = arith.cmpi sgt, %add3A_311, %sign3A_314 : i32
      %sign3A_316 = arith.extui %sign3A_315 : i1 to i32
      %sign3A_317 = arith.constant 0 : i32
      %sign3A_318 = arith.cmpi slt, %add3A_311, %sign3A_317 : i32
      %sign3A_319 = arith.extui %sign3A_318 : i1 to i32
      %sign3A_320 = arith.subi %sign3A_316, %sign3A_319 : i32
      %sign3A_321 = arith.constant 0 : i32
      %sign3A_322 = arith.cmpi sgt, %jit3A_312, %sign3A_321 : i32
      %sign3A_323 = arith.extui %sign3A_322 : i1 to i32
      %sign3A_324 = arith.constant 0 : i32
      %sign3A_325 = arith.cmpi slt, %jit3A_312, %sign3A_324 : i32
      %sign3A_326 = arith.extui %sign3A_325 : i1 to i32
      %sign3A_327 = arith.subi %sign3A_323, %sign3A_326 : i32
      %ne3A_328 = arith.cmpi ne, %sign3A_320, %sign3A_327 : i32
      %rem3A_329 = arith.remsi %add3A_311, %jit3A_312 : i32
      %ne3A_330 = arith.constant 0 : i32
      %ne3A_331 = arith.cmpi ne, %rem3A_329, %ne3A_330 : i32
      %and3A_332 = arith.andi %ne3A_328, %ne3A_331 : i1
      %sub3A_333 = arith.constant 1 : i32
      %sub3A_334 = arith.subi %div3A_313, %sub3A_333 : i32
      %select_n3A_335 = arith.select %and3A_332, %sub3A_334, %div3A_313 : i32
      %dma_wait3A_336 = arith.constant 0 : i32
      %dma_wait3A_337 = arith.constant 0 : i32
      %dma_wait3A_338 = arith.constant 0 : i32
      %dma_wait3A_339 = tpu.memref_slice %arg9[%dma_wait3A_336, %dma_wait3A_337, %dma_wait3A_338] : memref<4x40x128xf32, #tpu.memory_space<vmem>> -> memref<1x40x128xf32, #tpu.memory_space<vmem>>
      %dma_wait3A_340 = tpu.memref_squeeze %dma_wait3A_339 : memref<1x40x128xf32, #tpu.memory_space<vmem>> -> memref<40x128xf32, #tpu.memory_space<vmem>>
      %dma_wait3A_341 = arith.constant 0 : i32
      %dma_wait3A_342 = tpu.memref_slice %arg8[%select_n3A_335, %dma_wait3A_341] : memref<125x80xi32, #tpu.memory_space<vmem>> -> memref<1x40xi32, #tpu.memory_space<vmem>>
      %dma_wait3A_343 = tpu.memref_squeeze %dma_wait3A_342 : memref<1x40xi32, #tpu.memory_space<vmem>> -> memref<40xi32, #tpu.memory_space<vmem>>
      %dma_wait3A_344 = arith.constant 0 : i32
      %dma_wait3A_345 = arith.constant 0 : i32
      %dma_wait3A_346 = tpu.memref_slice %arg10[%dma_wait3A_344, %dma_wait3A_345] : memref<10000x128xf32, #tpu.memory_space<vmem_shared>> -> memref<10000x128xf32, #tpu.memory_space<vmem_shared>>
      tpu.wait_indirect_dma semaphore(%arg15 : memref<!tpu.dma_semaphore, #tpu.memory_space<semaphore_mem>>) src(%dma_wait3A_340 : memref<40x128xf32, #tpu.memory_space<vmem>>) dst(%dma_wait3A_346 : memref<10000x128xf32, #tpu.memory_space<vmem_shared>>)
      %add3A_347 = arith.constant 4 : i32
      %add3A_348 = arith.addi %add3A_311, %add3A_347 : i32
      %lt3A = arith.constant 250 : i32
      %lt3A_349 = arith.cmpi slt, %add3A_348, %lt3A : i32
      %convert_element_type3A_350 = arith.extui %lt3A_349 : i1 to i32
      %cond3A_351 = arith.constant 0 : i32
      %cond3A_352 = arith.cmpi ne, %convert_element_type3A_350, %cond3A_351 : i32
      scf.if %cond3A_352 {
        %mul3A_485 = arith.constant 40 : i32
        %mul3A_486 = arith.muli %add3A_348, %mul3A_485 : i32
        %dma_start3A_487 = arith.constant 0 : i32
        %dma_start3A_488 = arith.constant 0 : i32
        %dma_start3A_489 = arith.constant 0 : i32
        %dma_start3A_490 = tpu.memref_slice %arg9[%dma_start3A_487, %dma_start3A_488, %dma_start3A_489] : memref<4x40x128xf32, #tpu.memory_space<vmem>> -> memref<1x40x128xf32, #tpu.memory_space<vmem>>
        %dma_start3A_491 = tpu.memref_squeeze %dma_start3A_490 : memref<1x40x128xf32, #tpu.memory_space<vmem>> -> memref<40x128xf32, #tpu.memory_space<vmem>>
        %dma_start3A_492 = tpu.memref_slice %arg7[%mul3A_486] : memref<10000xi32, #tpu.memory_space<vmem>> -> memref<40xi32, #tpu.memory_space<vmem>>
        %dma_start3A_493 = arith.constant 0 : i32
        %dma_start3A_494 = arith.constant 0 : i32
        %dma_start3A_495 = tpu.memref_slice %arg2[%dma_start3A_493, %dma_start3A_494] : memref<10000x128xf32, #tpu.memory_space<hbm>> -> memref<10000x128xf32, #tpu.memory_space<hbm>>
        tpu.enqueue_indirect_dma source(%dma_start3A_495 : memref<10000x128xf32, #tpu.memory_space<hbm>>) target(%dma_start3A_491 : memref<40x128xf32, #tpu.memory_space<vmem>>) offsets(%dma_start3A_492 : memref<40xi32, #tpu.memory_space<vmem>>) semaphore(%arg11 : memref<!tpu.dma_semaphore, #tpu.memory_space<semaphore_mem>>)
      } else {
      }
      %add3A_353 = arith.constant 1 : i32
      %add3A_354 = arith.addi %add3A_125, %add3A_353 : i32
      %jit3A_355 = arith.constant 2 : i32
      %div3A_356 = arith.divsi %add3A_354, %jit3A_355 : i32
      %sign3A_357 = arith.constant 0 : i32
      %sign3A_358 = arith.cmpi sgt, %add3A_354, %sign3A_357 : i32
      %sign3A_359 = arith.extui %sign3A_358 : i1 to i32
      %sign3A_360 = arith.constant 0 : i32
      %sign3A_361 = arith.cmpi slt, %add3A_354, %sign3A_360 : i32
      %sign3A_362 = arith.extui %sign3A_361 : i1 to i32
      %sign3A_363 = arith.subi %sign3A_359, %sign3A_362 : i32
      %sign3A_364 = arith.constant 0 : i32
      %sign3A_365 = arith.cmpi sgt, %jit3A_355, %sign3A_364 : i32
      %sign3A_366 = arith.extui %sign3A_365 : i1 to i32
      %sign3A_367 = arith.constant 0 : i32
      %sign3A_368 = arith.cmpi slt, %jit3A_355, %sign3A_367 : i32
      %sign3A_369 = arith.extui %sign3A_368 : i1 to i32
      %sign3A_370 = arith.subi %sign3A_366, %sign3A_369 : i32
      %ne3A_371 = arith.cmpi ne, %sign3A_363, %sign3A_370 : i32
      %rem3A_372 = arith.remsi %add3A_354, %jit3A_355 : i32
      %ne3A_373 = arith.constant 0 : i32
      %ne3A_374 = arith.cmpi ne, %rem3A_372, %ne3A_373 : i32
      %and3A_375 = arith.andi %ne3A_371, %ne3A_374 : i1
      %sub3A_376 = arith.constant 1 : i32
      %sub3A_377 = arith.subi %div3A_356, %sub3A_376 : i32
      %select_n3A_378 = arith.select %and3A_375, %sub3A_377, %div3A_356 : i32
      %dma_wait3A_379 = arith.constant 1 : i32
      %dma_wait3A_380 = arith.constant 0 : i32
      %dma_wait3A_381 = arith.constant 0 : i32
      %dma_wait3A_382 = tpu.memref_slice %arg9[%dma_wait3A_379, %dma_wait3A_380, %dma_wait3A_381] : memref<4x40x128xf32, #tpu.memory_space<vmem>> -> memref<1x40x128xf32, #tpu.memory_space<vmem>>
      %dma_wait3A_383 = tpu.memref_squeeze %dma_wait3A_382 : memref<1x40x128xf32, #tpu.memory_space<vmem>> -> memref<40x128xf32, #tpu.memory_space<vmem>>
      %dma_wait3A_384 = arith.constant 40 : i32
      %dma_wait3A_385 = tpu.memref_slice %arg8[%select_n3A_378, %dma_wait3A_384] : memref<125x80xi32, #tpu.memory_space<vmem>> -> memref<1x40xi32, #tpu.memory_space<vmem>>
      %dma_wait3A_386 = tpu.memref_squeeze %dma_wait3A_385 : memref<1x40xi32, #tpu.memory_space<vmem>> -> memref<40xi32, #tpu.memory_space<vmem>>
      %dma_wait3A_387 = arith.constant 0 : i32
      %dma_wait3A_388 = arith.constant 0 : i32
      %dma_wait3A_389 = tpu.memref_slice %arg10[%dma_wait3A_387, %dma_wait3A_388] : memref<10000x128xf32, #tpu.memory_space<vmem_shared>> -> memref<10000x128xf32, #tpu.memory_space<vmem_shared>>
      tpu.wait_indirect_dma semaphore(%arg16 : memref<!tpu.dma_semaphore, #tpu.memory_space<semaphore_mem>>) src(%dma_wait3A_383 : memref<40x128xf32, #tpu.memory_space<vmem>>) dst(%dma_wait3A_389 : memref<10000x128xf32, #tpu.memory_space<vmem_shared>>)
      %add3A_390 = arith.constant 4 : i32
      %add3A_391 = arith.addi %add3A_354, %add3A_390 : i32
      %lt3A_392 = arith.constant 250 : i32
      %lt3A_393 = arith.cmpi slt, %add3A_391, %lt3A_392 : i32
      %convert_element_type3A_394 = arith.extui %lt3A_393 : i1 to i32
      %cond3A_395 = arith.constant 0 : i32
      %cond3A_396 = arith.cmpi ne, %convert_element_type3A_394, %cond3A_395 : i32
      scf.if %cond3A_396 {
        %mul3A_485 = arith.constant 40 : i32
        %mul3A_486 = arith.muli %add3A_391, %mul3A_485 : i32
        %dma_start3A_487 = arith.constant 1 : i32
        %dma_start3A_488 = arith.constant 0 : i32
        %dma_start3A_489 = arith.constant 0 : i32
        %dma_start3A_490 = tpu.memref_slice %arg9[%dma_start3A_487, %dma_start3A_488, %dma_start3A_489] : memref<4x40x128xf32, #tpu.memory_space<vmem>> -> memref<1x40x128xf32, #tpu.memory_space<vmem>>
        %dma_start3A_491 = tpu.memref_squeeze %dma_start3A_490 : memref<1x40x128xf32, #tpu.memory_space<vmem>> -> memref<40x128xf32, #tpu.memory_space<vmem>>
        %dma_start3A_492 = tpu.memref_slice %arg7[%mul3A_486] : memref<10000xi32, #tpu.memory_space<vmem>> -> memref<40xi32, #tpu.memory_space<vmem>>
        %dma_start3A_493 = arith.constant 0 : i32
        %dma_start3A_494 = arith.constant 0 : i32
        %dma_start3A_495 = tpu.memref_slice %arg2[%dma_start3A_493, %dma_start3A_494] : memref<10000x128xf32, #tpu.memory_space<hbm>> -> memref<10000x128xf32, #tpu.memory_space<hbm>>
        tpu.enqueue_indirect_dma source(%dma_start3A_495 : memref<10000x128xf32, #tpu.memory_space<hbm>>) target(%dma_start3A_491 : memref<40x128xf32, #tpu.memory_space<vmem>>) offsets(%dma_start3A_492 : memref<40xi32, #tpu.memory_space<vmem>>) semaphore(%arg12 : memref<!tpu.dma_semaphore, #tpu.memory_space<semaphore_mem>>)
      } else {
      }
      %add3A_397 = arith.constant 2 : i32
      %add3A_398 = arith.addi %add3A_125, %add3A_397 : i32
      %jit3A_399 = arith.constant 2 : i32
      %div3A_400 = arith.divsi %add3A_398, %jit3A_399 : i32
      %sign3A_401 = arith.constant 0 : i32
      %sign3A_402 = arith.cmpi sgt, %add3A_398, %sign3A_401 : i32
      %sign3A_403 = arith.extui %sign3A_402 : i1 to i32
      %sign3A_404 = arith.constant 0 : i32
      %sign3A_405 = arith.cmpi slt, %add3A_398, %sign3A_404 : i32
      %sign3A_406 = arith.extui %sign3A_405 : i1 to i32
      %sign3A_407 = arith.subi %sign3A_403, %sign3A_406 : i32
      %sign3A_408 = arith.constant 0 : i32
      %sign3A_409 = arith.cmpi sgt, %jit3A_399, %sign3A_408 : i32
      %sign3A_410 = arith.extui %sign3A_409 : i1 to i32
      %sign3A_411 = arith.constant 0 : i32
      %sign3A_412 = arith.cmpi slt, %jit3A_399, %sign3A_411 : i32
      %sign3A_413 = arith.extui %sign3A_412 : i1 to i32
      %sign3A_414 = arith.subi %sign3A_410, %sign3A_413 : i32
      %ne3A_415 = arith.cmpi ne, %sign3A_407, %sign3A_414 : i32
      %rem3A_416 = arith.remsi %add3A_398, %jit3A_399 : i32
      %ne3A_417 = arith.constant 0 : i32
      %ne3A_418 = arith.cmpi ne, %rem3A_416, %ne3A_417 : i32
      %and3A_419 = arith.andi %ne3A_415, %ne3A_418 : i1
      %sub3A_420 = arith.constant 1 : i32
      %sub3A_421 = arith.subi %div3A_400, %sub3A_420 : i32
      %select_n3A_422 = arith.select %and3A_419, %sub3A_421, %div3A_400 : i32
      %dma_wait3A_423 = arith.constant 2 : i32
      %dma_wait3A_424 = arith.constant 0 : i32
      %dma_wait3A_425 = arith.constant 0 : i32
      %dma_wait3A_426 = tpu.memref_slice %arg9[%dma_wait3A_423, %dma_wait3A_424, %dma_wait3A_425] : memref<4x40x128xf32, #tpu.memory_space<vmem>> -> memref<1x40x128xf32, #tpu.memory_space<vmem>>
      %dma_wait3A_427 = tpu.memref_squeeze %dma_wait3A_426 : memref<1x40x128xf32, #tpu.memory_space<vmem>> -> memref<40x128xf32, #tpu.memory_space<vmem>>
      %dma_wait3A_428 = arith.constant 0 : i32
      %dma_wait3A_429 = tpu.memref_slice %arg8[%select_n3A_422, %dma_wait3A_428] : memref<125x80xi32, #tpu.memory_space<vmem>> -> memref<1x40xi32, #tpu.memory_space<vmem>>
      %dma_wait3A_430 = tpu.memref_squeeze %dma_wait3A_429 : memref<1x40xi32, #tpu.memory_space<vmem>> -> memref<40xi32, #tpu.memory_space<vmem>>
      %dma_wait3A_431 = arith.constant 0 : i32
      %dma_wait3A_432 = arith.constant 0 : i32
      %dma_wait3A_433 = tpu.memref_slice %arg10[%dma_wait3A_431, %dma_wait3A_432] : memref<10000x128xf32, #tpu.memory_space<vmem_shared>> -> memref<10000x128xf32, #tpu.memory_space<vmem_shared>>
      tpu.wait_indirect_dma semaphore(%arg17 : memref<!tpu.dma_semaphore, #tpu.memory_space<semaphore_mem>>) src(%dma_wait3A_427 : memref<40x128xf32, #tpu.memory_space<vmem>>) dst(%dma_wait3A_433 : memref<10000x128xf32, #tpu.memory_space<vmem_shared>>)
      %add3A_434 = arith.constant 4 : i32
      %add3A_435 = arith.addi %add3A_398, %add3A_434 : i32
      %lt3A_436 = arith.constant 250 : i32
      %lt3A_437 = arith.cmpi slt, %add3A_435, %lt3A_436 : i32
      %convert_element_type3A_438 = arith.extui %lt3A_437 : i1 to i32
      %cond3A_439 = arith.constant 0 : i32
      %cond3A_440 = arith.cmpi ne, %convert_element_type3A_438, %cond3A_439 : i32
      scf.if %cond3A_440 {
        %mul3A_485 = arith.constant 40 : i32
        %mul3A_486 = arith.muli %add3A_435, %mul3A_485 : i32
        %dma_start3A_487 = arith.constant 2 : i32
        %dma_start3A_488 = arith.constant 0 : i32
        %dma_start3A_489 = arith.constant 0 : i32
        %dma_start3A_490 = tpu.memref_slice %arg9[%dma_start3A_487, %dma_start3A_488, %dma_start3A_489] : memref<4x40x128xf32, #tpu.memory_space<vmem>> -> memref<1x40x128xf32, #tpu.memory_space<vmem>>
        %dma_start3A_491 = tpu.memref_squeeze %dma_start3A_490 : memref<1x40x128xf32, #tpu.memory_space<vmem>> -> memref<40x128xf32, #tpu.memory_space<vmem>>
        %dma_start3A_492 = tpu.memref_slice %arg7[%mul3A_486] : memref<10000xi32, #tpu.memory_space<vmem>> -> memref<40xi32, #tpu.memory_space<vmem>>
        %dma_start3A_493 = arith.constant 0 : i32
        %dma_start3A_494 = arith.constant 0 : i32
        %dma_start3A_495 = tpu.memref_slice %arg2[%dma_start3A_493, %dma_start3A_494] : memref<10000x128xf32, #tpu.memory_space<hbm>> -> memref<10000x128xf32, #tpu.memory_space<hbm>>
        tpu.enqueue_indirect_dma source(%dma_start3A_495 : memref<10000x128xf32, #tpu.memory_space<hbm>>) target(%dma_start3A_491 : memref<40x128xf32, #tpu.memory_space<vmem>>) offsets(%dma_start3A_492 : memref<40xi32, #tpu.memory_space<vmem>>) semaphore(%arg13 : memref<!tpu.dma_semaphore, #tpu.memory_space<semaphore_mem>>)
      } else {
      }
      %add3A_441 = arith.constant 3 : i32
      %add3A_442 = arith.addi %add3A_125, %add3A_441 : i32
      %jit3A_443 = arith.constant 2 : i32
      %div3A_444 = arith.divsi %add3A_442, %jit3A_443 : i32
      %sign3A_445 = arith.constant 0 : i32
      %sign3A_446 = arith.cmpi sgt, %add3A_442, %sign3A_445 : i32
      %sign3A_447 = arith.extui %sign3A_446 : i1 to i32
      %sign3A_448 = arith.constant 0 : i32
      %sign3A_449 = arith.cmpi slt, %add3A_442, %sign3A_448 : i32
      %sign3A_450 = arith.extui %sign3A_449 : i1 to i32
      %sign3A_451 = arith.subi %sign3A_447, %sign3A_450 : i32
      %sign3A_452 = arith.constant 0 : i32
      %sign3A_453 = arith.cmpi sgt, %jit3A_443, %sign3A_452 : i32
      %sign3A_454 = arith.extui %sign3A_453 : i1 to i32
      %sign3A_455 = arith.constant 0 : i32
      %sign3A_456 = arith.cmpi slt, %jit3A_443, %sign3A_455 : i32
      %sign3A_457 = arith.extui %sign3A_456 : i1 to i32
      %sign3A_458 = arith.subi %sign3A_454, %sign3A_457 : i32
      %ne3A_459 = arith.cmpi ne, %sign3A_451, %sign3A_458 : i32
      %rem3A_460 = arith.remsi %add3A_442, %jit3A_443 : i32
      %ne3A_461 = arith.constant 0 : i32
      %ne3A_462 = arith.cmpi ne, %rem3A_460, %ne3A_461 : i32
      %and3A_463 = arith.andi %ne3A_459, %ne3A_462 : i1
      %sub3A_464 = arith.constant 1 : i32
      %sub3A_465 = arith.subi %div3A_444, %sub3A_464 : i32
      %select_n3A_466 = arith.select %and3A_463, %sub3A_465, %div3A_444 : i32
      %dma_wait3A_467 = arith.constant 3 : i32
      %dma_wait3A_468 = arith.constant 0 : i32
      %dma_wait3A_469 = arith.constant 0 : i32
      %dma_wait3A_470 = tpu.memref_slice %arg9[%dma_wait3A_467, %dma_wait3A_468, %dma_wait3A_469] : memref<4x40x128xf32, #tpu.memory_space<vmem>> -> memref<1x40x128xf32, #tpu.memory_space<vmem>>
      %dma_wait3A_471 = tpu.memref_squeeze %dma_wait3A_470 : memref<1x40x128xf32, #tpu.memory_space<vmem>> -> memref<40x128xf32, #tpu.memory_space<vmem>>
      %dma_wait3A_472 = arith.constant 40 : i32
      %dma_wait3A_473 = tpu.memref_slice %arg8[%select_n3A_466, %dma_wait3A_472] : memref<125x80xi32, #tpu.memory_space<vmem>> -> memref<1x40xi32, #tpu.memory_space<vmem>>
      %dma_wait3A_474 = tpu.memref_squeeze %dma_wait3A_473 : memref<1x40xi32, #tpu.memory_space<vmem>> -> memref<40xi32, #tpu.memory_space<vmem>>
      %dma_wait3A_475 = arith.constant 0 : i32
      %dma_wait3A_476 = arith.constant 0 : i32
      %dma_wait3A_477 = tpu.memref_slice %arg10[%dma_wait3A_475, %dma_wait3A_476] : memref<10000x128xf32, #tpu.memory_space<vmem_shared>> -> memref<10000x128xf32, #tpu.memory_space<vmem_shared>>
      tpu.wait_indirect_dma semaphore(%arg18 : memref<!tpu.dma_semaphore, #tpu.memory_space<semaphore_mem>>) src(%dma_wait3A_471 : memref<40x128xf32, #tpu.memory_space<vmem>>) dst(%dma_wait3A_477 : memref<10000x128xf32, #tpu.memory_space<vmem_shared>>)
      %add3A_478 = arith.constant 4 : i32
      %add3A_479 = arith.addi %add3A_442, %add3A_478 : i32
      %lt3A_480 = arith.constant 250 : i32
      %lt3A_481 = arith.cmpi slt, %add3A_479, %lt3A_480 : i32
      %convert_element_type3A_482 = arith.extui %lt3A_481 : i1 to i32
      %cond3A_483 = arith.constant 0 : i32
      %cond3A_484 = arith.cmpi ne, %convert_element_type3A_482, %cond3A_483 : i32
      scf.if %cond3A_484 {
        %mul3A_485 = arith.constant 40 : i32
        %mul3A_486 = arith.muli %add3A_479, %mul3A_485 : i32
        %dma_start3A_487 = arith.constant 3 : i32
        %dma_start3A_488 = arith.constant 0 : i32
        %dma_start3A_489 = arith.constant 0 : i32
        %dma_start3A_490 = tpu.memref_slice %arg9[%dma_start3A_487, %dma_start3A_488, %dma_start3A_489] : memref<4x40x128xf32, #tpu.memory_space<vmem>> -> memref<1x40x128xf32, #tpu.memory_space<vmem>>
        %dma_start3A_491 = tpu.memref_squeeze %dma_start3A_490 : memref<1x40x128xf32, #tpu.memory_space<vmem>> -> memref<40x128xf32, #tpu.memory_space<vmem>>
        %dma_start3A_492 = tpu.memref_slice %arg7[%mul3A_486] : memref<10000xi32, #tpu.memory_space<vmem>> -> memref<40xi32, #tpu.memory_space<vmem>>
        %dma_start3A_493 = arith.constant 0 : i32
        %dma_start3A_494 = arith.constant 0 : i32
        %dma_start3A_495 = tpu.memref_slice %arg2[%dma_start3A_493, %dma_start3A_494] : memref<10000x128xf32, #tpu.memory_space<hbm>> -> memref<10000x128xf32, #tpu.memory_space<hbm>>
        tpu.enqueue_indirect_dma source(%dma_start3A_495 : memref<10000x128xf32, #tpu.memory_space<hbm>>) target(%dma_start3A_491 : memref<40x128xf32, #tpu.memory_space<vmem>>) offsets(%dma_start3A_492 : memref<40xi32, #tpu.memory_space<vmem>>) semaphore(%arg14 : memref<!tpu.dma_semaphore, #tpu.memory_space<semaphore_mem>>)
      } else {
      }
    }
    %scan3A_84 = arith.constant 62 : i32
    %dma_wait3A_85 = arith.constant 0 : i32
    %dma_wait3A_86 = arith.constant 0 : i32
    %dma_wait3A_87 = arith.constant 0 : i32
    %dma_wait3A_88 = tpu.memref_slice %arg9[%dma_wait3A_85, %dma_wait3A_86, %dma_wait3A_87] : memref<4x40x128xf32, #tpu.memory_space<vmem>> -> memref<1x40x128xf32, #tpu.memory_space<vmem>>
    %dma_wait3A_89 = tpu.memref_squeeze %dma_wait3A_88 : memref<1x40x128xf32, #tpu.memory_space<vmem>> -> memref<40x128xf32, #tpu.memory_space<vmem>>
    %dma_wait3A_90 = arith.constant 9920 : i32
    %dma_wait3A_91 = tpu.memref_slice %arg7[%dma_wait3A_90] : memref<10000xi32, #tpu.memory_space<vmem>> -> memref<40xi32, #tpu.memory_space<vmem>>
    %dma_wait3A_92 = arith.constant 0 : i32
    %dma_wait3A_93 = arith.constant 0 : i32
    %dma_wait3A_94 = tpu.memref_slice %arg2[%dma_wait3A_92, %dma_wait3A_93] : memref<10000x128xf32, #tpu.memory_space<hbm>> -> memref<10000x128xf32, #tpu.memory_space<hbm>>
    tpu.wait_indirect_dma semaphore(%arg11 : memref<!tpu.dma_semaphore, #tpu.memory_space<semaphore_mem>>) src(%dma_wait3A_94 : memref<10000x128xf32, #tpu.memory_space<hbm>>) dst(%dma_wait3A_89 : memref<40x128xf32, #tpu.memory_space<vmem>>)
    %run_scoped3A = arith.constant 0 : i32
    %run_scoped3A_95 = arith.constant 124 : i32
    "tpu.region"() ({
      %run_scoped3A_121 = tpu.sem_alloc : memref<!tpu.dma_semaphore, #tpu.memory_space<semaphore_mem>>
      %dma_start3A_122 = arith.constant 0 : i32
      %dma_start3A_123 = arith.constant 0 : i32
      %dma_start3A_124 = tpu.memref_slice %arg9[%run_scoped3A, %dma_start3A_122, %dma_start3A_123] : memref<4x40x128xf32, #tpu.memory_space<vmem>> -> memref<1x40x128xf32, #tpu.memory_space<vmem>>
      %dma_start3A_125 = tpu.memref_squeeze %dma_start3A_124 : memref<1x40x128xf32, #tpu.memory_space<vmem>> -> memref<40x128xf32, #tpu.memory_space<vmem>>
      %dma_start3A_126 = arith.constant 0 : i32
      %dma_start3A_127 = tpu.memref_slice %arg8[%run_scoped3A_95, %dma_start3A_126] : memref<125x80xi32, #tpu.memory_space<vmem>> -> memref<1x40xi32, #tpu.memory_space<vmem>>
      %dma_start3A_128 = tpu.memref_squeeze %dma_start3A_127 : memref<1x40xi32, #tpu.memory_space<vmem>> -> memref<40xi32, #tpu.memory_space<vmem>>
      %dma_start3A_129 = arith.constant 0 : i32
      %dma_start3A_130 = arith.constant 0 : i32
      %dma_start3A_131 = tpu.memref_slice %arg10[%dma_start3A_129, %dma_start3A_130] : memref<10000x128xf32, #tpu.memory_space<vmem_shared>> -> memref<10000x128xf32, #tpu.memory_space<vmem_shared>>
      tpu.enqueue_indirect_dma source(%dma_start3A_125 : memref<40x128xf32, #tpu.memory_space<vmem>>) target(%dma_start3A_131 : memref<10000x128xf32, #tpu.memory_space<vmem_shared>>) offsets(%dma_start3A_128 : memref<40xi32, #tpu.memory_space<vmem>>) semaphore(%run_scoped3A_121 : memref<!tpu.dma_semaphore, #tpu.memory_space<semaphore_mem>>) {add = true}
      %dma_wait3A_132 = arith.constant 0 : i32
      %dma_wait3A_133 = arith.constant 0 : i32
      %dma_wait3A_134 = tpu.memref_slice %arg9[%run_scoped3A, %dma_wait3A_132, %dma_wait3A_133] : memref<4x40x128xf32, #tpu.memory_space<vmem>> -> memref<1x40x128xf32, #tpu.memory_space<vmem>>
      %dma_wait3A_135 = tpu.memref_squeeze %dma_wait3A_134 : memref<1x40x128xf32, #tpu.memory_space<vmem>> -> memref<40x128xf32, #tpu.memory_space<vmem>>
      %dma_wait3A_136 = arith.constant 0 : i32
      %dma_wait3A_137 = tpu.memref_slice %arg8[%run_scoped3A_95, %dma_wait3A_136] : memref<125x80xi32, #tpu.memory_space<vmem>> -> memref<1x40xi32, #tpu.memory_space<vmem>>
      %dma_wait3A_138 = tpu.memref_squeeze %dma_wait3A_137 : memref<1x40xi32, #tpu.memory_space<vmem>> -> memref<40xi32, #tpu.memory_space<vmem>>
      %dma_wait3A_139 = arith.constant 0 : i32
      %dma_wait3A_140 = arith.constant 0 : i32
      %dma_wait3A_141 = tpu.memref_slice %arg10[%dma_wait3A_139, %dma_wait3A_140] : memref<10000x128xf32, #tpu.memory_space<vmem_shared>> -> memref<10000x128xf32, #tpu.memory_space<vmem_shared>>
      tpu.wait_indirect_dma semaphore(%run_scoped3A_121 : memref<!tpu.dma_semaphore, #tpu.memory_space<semaphore_mem>>) src(%dma_wait3A_135 : memref<40x128xf32, #tpu.memory_space<vmem>>) dst(%dma_wait3A_141 : memref<10000x128xf32, #tpu.memory_space<vmem_shared>>)
      tpu.yield
    }) : () -> ()
    %dma_wait3A_96 = arith.constant 1 : i32
    %dma_wait3A_97 = arith.constant 0 : i32
    %dma_wait3A_98 = arith.constant 0 : i32
    %dma_wait3A_99 = tpu.memref_slice %arg9[%dma_wait3A_96, %dma_wait3A_97, %dma_wait3A_98] : memref<4x40x128xf32, #tpu.memory_space<vmem>> -> memref<1x40x128xf32, #tpu.memory_space<vmem>>
    %dma_wait3A_100 = tpu.memref_squeeze %dma_wait3A_99 : memref<1x40x128xf32, #tpu.memory_space<vmem>> -> memref<40x128xf32, #tpu.memory_space<vmem>>
    %dma_wait3A_101 = arith.constant 9960 : i32
    %dma_wait3A_102 = tpu.memref_slice %arg7[%dma_wait3A_101] : memref<10000xi32, #tpu.memory_space<vmem>> -> memref<40xi32, #tpu.memory_space<vmem>>
    %dma_wait3A_103 = arith.constant 0 : i32
    %dma_wait3A_104 = arith.constant 0 : i32
    %dma_wait3A_105 = tpu.memref_slice %arg2[%dma_wait3A_103, %dma_wait3A_104] : memref<10000x128xf32, #tpu.memory_space<hbm>> -> memref<10000x128xf32, #tpu.memory_space<hbm>>
    tpu.wait_indirect_dma semaphore(%arg12 : memref<!tpu.dma_semaphore, #tpu.memory_space<semaphore_mem>>) src(%dma_wait3A_105 : memref<10000x128xf32, #tpu.memory_space<hbm>>) dst(%dma_wait3A_100 : memref<40x128xf32, #tpu.memory_space<vmem>>)
    %run_scoped3A_106 = arith.constant 1 : i32
    %run_scoped3A_107 = arith.constant 124 : i32
    "tpu.region"() ({
      %run_scoped3A_121 = tpu.sem_alloc : memref<!tpu.dma_semaphore, #tpu.memory_space<semaphore_mem>>
      %dma_start3A_122 = arith.constant 0 : i32
      %dma_start3A_123 = arith.constant 0 : i32
      %dma_start3A_124 = tpu.memref_slice %arg9[%run_scoped3A_106, %dma_start3A_122, %dma_start3A_123] : memref<4x40x128xf32, #tpu.memory_space<vmem>> -> memref<1x40x128xf32, #tpu.memory_space<vmem>>
      %dma_start3A_125 = tpu.memref_squeeze %dma_start3A_124 : memref<1x40x128xf32, #tpu.memory_space<vmem>> -> memref<40x128xf32, #tpu.memory_space<vmem>>
      %dma_start3A_126 = arith.constant 40 : i32
      %dma_start3A_127 = tpu.memref_slice %arg8[%run_scoped3A_107, %dma_start3A_126] : memref<125x80xi32, #tpu.memory_space<vmem>> -> memref<1x40xi32, #tpu.memory_space<vmem>>
      %dma_start3A_128 = tpu.memref_squeeze %dma_start3A_127 : memref<1x40xi32, #tpu.memory_space<vmem>> -> memref<40xi32, #tpu.memory_space<vmem>>
      %dma_start3A_129 = arith.constant 0 : i32
      %dma_start3A_130 = arith.constant 0 : i32
      %dma_start3A_131 = tpu.memref_slice %arg10[%dma_start3A_129, %dma_start3A_130] : memref<10000x128xf32, #tpu.memory_space<vmem_shared>> -> memref<10000x128xf32, #tpu.memory_space<vmem_shared>>
      tpu.enqueue_indirect_dma source(%dma_start3A_125 : memref<40x128xf32, #tpu.memory_space<vmem>>) target(%dma_start3A_131 : memref<10000x128xf32, #tpu.memory_space<vmem_shared>>) offsets(%dma_start3A_128 : memref<40xi32, #tpu.memory_space<vmem>>) semaphore(%run_scoped3A_121 : memref<!tpu.dma_semaphore, #tpu.memory_space<semaphore_mem>>) {add = true}
      %dma_wait3A_132 = arith.constant 0 : i32
      %dma_wait3A_133 = arith.constant 0 : i32
      %dma_wait3A_134 = tpu.memref_slice %arg9[%run_scoped3A_106, %dma_wait3A_132, %dma_wait3A_133] : memref<4x40x128xf32, #tpu.memory_space<vmem>> -> memref<1x40x128xf32, #tpu.memory_space<vmem>>
      %dma_wait3A_135 = tpu.memref_squeeze %dma_wait3A_134 : memref<1x40x128xf32, #tpu.memory_space<vmem>> -> memref<40x128xf32, #tpu.memory_space<vmem>>
      %dma_wait3A_136 = arith.constant 40 : i32
      %dma_wait3A_137 = tpu.memref_slice %arg8[%run_scoped3A_107, %dma_wait3A_136] : memref<125x80xi32, #tpu.memory_space<vmem>> -> memref<1x40xi32, #tpu.memory_space<vmem>>
      %dma_wait3A_138 = tpu.memref_squeeze %dma_wait3A_137 : memref<1x40xi32, #tpu.memory_space<vmem>> -> memref<40xi32, #tpu.memory_space<vmem>>
      %dma_wait3A_139 = arith.constant 0 : i32
      %dma_wait3A_140 = arith.constant 0 : i32
      %dma_wait3A_141 = tpu.memref_slice %arg10[%dma_wait3A_139, %dma_wait3A_140] : memref<10000x128xf32, #tpu.memory_space<vmem_shared>> -> memref<10000x128xf32, #tpu.memory_space<vmem_shared>>
      tpu.wait_indirect_dma semaphore(%run_scoped3A_121 : memref<!tpu.dma_semaphore, #tpu.memory_space<semaphore_mem>>) src(%dma_wait3A_135 : memref<40x128xf32, #tpu.memory_space<vmem>>) dst(%dma_wait3A_141 : memref<10000x128xf32, #tpu.memory_space<vmem_shared>>)
      tpu.yield
    }) : () -> ()
    %barrier3A_108 = arith.constant 0 : index
    tpu.barrier barrier_id(%barrier3A_108)
    %mul3A_109 = arith.constant 624 : i32
    %mul3A_110 = arith.muli %arg1, %mul3A_109 : i32
    %mul3A_111 = arith.constant 10000 : i32
    %mul3A_112 = arith.muli %arg0, %mul3A_111 : i32
    %mul3A_113 = arith.constant 624 : i32
    %mul3A_114 = arith.muli %arg1, %mul3A_113 : i32
    %add3A_115 = arith.addi %mul3A_112, %mul3A_114 : i32
    "tpu.region"() ({
      %run_scoped3A_121 = tpu.sem_alloc : memref<!tpu.dma_semaphore, #tpu.memory_space<semaphore_mem>>
      %dma_start3A_122 = arith.constant 0 : i32
      %dma_start3A_123 = tpu.memref_slice %arg6[%add3A_115, %dma_start3A_122] : memref<20000x128xf32, #tpu.memory_space<hbm>> -> memref<624x128xf32, #tpu.memory_space<hbm>>
      %dma_start3A_124 = arith.constant 0 : i32
      %dma_start3A_125 = tpu.memref_slice %arg10[%mul3A_110, %dma_start3A_124] : memref<10000x128xf32, #tpu.memory_space<vmem_shared>> -> memref<624x128xf32, #tpu.memory_space<vmem_shared>>
      tpu.enqueue_dma source(%dma_start3A_125 : memref<624x128xf32, #tpu.memory_space<vmem_shared>>) target(%dma_start3A_123 : memref<624x128xf32, #tpu.memory_space<hbm>>) target_semaphore(%run_scoped3A_121 : memref<!tpu.dma_semaphore, #tpu.memory_space<semaphore_mem>>)
      %dma_wait3A_126 = arith.constant 0 : i32
      %dma_wait3A_127 = tpu.memref_slice %arg6[%add3A_115, %dma_wait3A_126] : memref<20000x128xf32, #tpu.memory_space<hbm>> -> memref<624x128xf32, #tpu.memory_space<hbm>>
      %dma_wait3A_128 = arith.constant 0 : i32
      %dma_wait3A_129 = tpu.memref_slice %arg10[%mul3A_110, %dma_wait3A_128] : memref<10000x128xf32, #tpu.memory_space<vmem_shared>> -> memref<624x128xf32, #tpu.memory_space<vmem_shared>>
      tpu.wait_dma2 semaphore(%run_scoped3A_121 : memref<!tpu.dma_semaphore, #tpu.memory_space<semaphore_mem>>) src(%dma_wait3A_129 : memref<624x128xf32, #tpu.memory_space<vmem_shared>>) dst(%dma_wait3A_127 : memref<624x128xf32, #tpu.memory_space<hbm>>)
      tpu.yield
    }) : () -> ()
    %eq3A_116 = arith.constant 15 : i32
    %eq3A_117 = arith.cmpi eq, %arg1, %eq3A_116 : i32
    %convert_element_type3A_118 = arith.extui %eq3A_117 : i1 to i32
    %cond3A_119 = arith.constant 0 : i32
    %cond3A_120 = arith.cmpi ne, %convert_element_type3A_118, %cond3A_119 : i32
    scf.if %cond3A_120 {
      %mul3A_121 = arith.constant 10000 : i32
      %mul3A_122 = arith.muli %arg0, %mul3A_121 : i32
      %add3A_123 = arith.constant 9984 : i32
      %add3A_124 = arith.addi %mul3A_122, %add3A_123 : i32
      "tpu.region"() ({
        %run_scoped3A_125 = tpu.sem_alloc : memref<!tpu.dma_semaphore, #tpu.memory_space<semaphore_mem>>
        %dma_start3A_126 = arith.constant 0 : i32
        %dma_start3A_127 = tpu.memref_slice %arg6[%add3A_124, %dma_start3A_126] : memref<20000x128xf32, #tpu.memory_space<hbm>> -> memref<16x128xf32, #tpu.memory_space<hbm>>
        %dma_start3A_128 = arith.constant 9984 : i32
        %dma_start3A_129 = arith.constant 0 : i32
        %dma_start3A_130 = tpu.memref_slice %arg10[%dma_start3A_128, %dma_start3A_129] : memref<10000x128xf32, #tpu.memory_space<vmem_shared>> -> memref<16x128xf32, #tpu.memory_space<vmem_shared>>
        tpu.enqueue_dma source(%dma_start3A_130 : memref<16x128xf32, #tpu.memory_space<vmem_shared>>) target(%dma_start3A_127 : memref<16x128xf32, #tpu.memory_space<hbm>>) target_semaphore(%run_scoped3A_125 : memref<!tpu.dma_semaphore, #tpu.memory_space<semaphore_mem>>)
        %dma_wait3A_131 = arith.constant 0 : i32
        %dma_wait3A_132 = tpu.memref_slice %arg6[%add3A_124, %dma_wait3A_131] : memref<20000x128xf32, #tpu.memory_space<hbm>> -> memref<16x128xf32, #tpu.memory_space<hbm>>
        %dma_wait3A_133 = arith.constant 9984 : i32
        %dma_wait3A_134 = arith.constant 0 : i32
        %dma_wait3A_135 = tpu.memref_slice %arg10[%dma_wait3A_133, %dma_wait3A_134] : memref<10000x128xf32, #tpu.memory_space<vmem_shared>> -> memref<16x128xf32, #tpu.memory_space<vmem_shared>>
        tpu.wait_dma2 semaphore(%run_scoped3A_125 : memref<!tpu.dma_semaphore, #tpu.memory_space<semaphore_mem>>) src(%dma_wait3A_135 : memref<16x128xf32, #tpu.memory_space<vmem_shared>>) dst(%dma_wait3A_132 : memref<16x128xf32, #tpu.memory_space<hbm>>)
        tpu.yield
      }) : () -> ()
    } else {
    }
    return
  }
}

module attributes {stable_mosaic.version = 14 : i64} {
  func.func @body(%arg0: i32, %arg1: memref<1000x128xf32, #tpu.memory_space<vmem>>, %arg2: memref<128x128xf32, #tpu.memory_space<vmem>>, %arg3: memref<1x128xf32, #tpu.memory_space<vmem>>, %arg4: memref<1000x16xf32, #tpu.memory_space<vmem>>, %arg5: memref<1000x16xf32, #tpu.memory_space<vmem>>, %arg6: memref<1000x128xf32, #tpu.memory_space<vmem>>, %arg7: memref<1000x128xf32, #tpu.memory_space<vmem>>, %arg8: memref<1000x1xf32, #tpu.memory_space<vmem>>) attributes {dimension_semantics = [#tpu.dimension_semantics<arbitrary>], iteration_bounds = array<i64: 10>, scalar_prefetch = 0 : i64, scratch_operands = 0 : i64, tpu.core_type = #tpu.core_type<tc>, window_params = [{transform_indices = @transform_0, window_bounds = array<i64: 1000, 128>}, {pipeline_mode = #tpu.pipeline_mode<synchronous>, transform_indices = @transform_1, window_bounds = array<i64: 128, 128>}, {pipeline_mode = #tpu.pipeline_mode<synchronous>, transform_indices = @transform_2, window_bounds = array<i64: 1, 128>}, {transform_indices = @transform_3, window_bounds = array<i64: 1000, 16>}, {transform_indices = @transform_4, window_bounds = array<i64: 1000, 16>}, {transform_indices = @transform_5, window_bounds = array<i64: 1000, 128>}, {transform_indices = @transform_6, window_bounds = array<i64: 1000, 128>}, {transform_indices = @transform_7, window_bounds = array<i64: 1000, 1>}]} {
    %get3A = arith.constant 0 : index
    %get3A_0 = arith.constant 0 : index
    %get3A_1 = vector.load %arg4[%get3A, %get3A_0] : memref<1000x16xf32, #tpu.memory_space<vmem>>, vector<1000x1xf32>
    %get3A_2 = arith.constant 0 : index
    %get3A_3 = arith.constant 0 : index
    %get3A_4 = vector.load %arg5[%get3A_2, %get3A_3] : memref<1000x16xf32, #tpu.memory_space<vmem>>, vector<1000x1xf32>
    %add3A = arith.addf %get3A_1, %get3A_4 : vector<1000x1xf32>
    %add3A_5 = arith.constant 1.000000e+00 : f32
    %add3A_6 = vector.broadcast %add3A_5 : f32 to vector<1000x1xf32>
    %add3A_7 = arith.addf %add3A, %add3A_6 : vector<1000x1xf32>
    %rsqrt3A = math.rsqrt %add3A_7 : vector<1000x1xf32>
    %get3A_8 = arith.constant 0 : index
    %get3A_9 = arith.constant 0 : index
    %get3A_10 = vector.load %arg1[%get3A_8, %get3A_9] : memref<1000x128xf32, #tpu.memory_space<vmem>>, vector<1000x128xf32>
    %get3A_11 = arith.constant 0 : index
    %get3A_12 = arith.constant 0 : index
    %get3A_13 = vector.load %arg2[%get3A_11, %get3A_12] : memref<128x128xf32, #tpu.memory_space<vmem>>, vector<128x128xf32>
    %dot_general3A = arith.constant dense<0.000000e+00> : vector<1000x128xf32>
    %dot_general3A_14 = tpu.matmul %get3A_10, %get3A_13, %dot_general3A {dimension_numbers = #tpu.dot_dimension_numbers<[1], [0], [0], [1], [0, 0, 1, 1], [], []>, precision = #tpu.contract_precision<fp32>, transpose_lhs_hint = false} : vector<1000x128xf32>, vector<128x128xf32>, vector<1000x128xf32> -> vector<1000x128xf32>
    %get3A_15 = arith.constant 0 : index
    %get3A_16 = arith.constant 0 : index
    %get3A_17 = vector.load %arg3[%get3A_15, %get3A_16] : memref<1x128xf32, #tpu.memory_space<vmem>>, vector<1x128xf32>
    %add3A_18 = vector.broadcast %get3A_17 : vector<1x128xf32> to vector<1000x128xf32>
    %add3A_19 = arith.addf %dot_general3A_14, %add3A_18 : vector<1000x128xf32>
    %max3A = arith.constant 0.000000e+00 : f32
    %max3A_20 = vector.broadcast %max3A : f32 to vector<1000x128xf32>
    %max3A_21 = arith.maximumf %add3A_19, %max3A_20 : vector<1000x128xf32>
    %swap3A = arith.constant 0 : index
    %swap3A_22 = arith.constant 0 : index
    %swap3A_23 = vector.load %arg6[%swap3A, %swap3A_22] : memref<1000x128xf32, #tpu.memory_space<vmem>>, vector<1000x128xf32>
    tpu.vector_store %arg6[%swap3A, %swap3A_22], %max3A_21 {strides = array<i32>} : memref<1000x128xf32, #tpu.memory_space<vmem>>, vector<1000x128xf32>,
    %mul3A = vector.broadcast %rsqrt3A : vector<1000x1xf32> to vector<1000x128xf32>
    %mul3A_24 = arith.mulf %mul3A, %max3A_21 : vector<1000x128xf32>
    %swap3A_25 = arith.constant 0 : index
    %swap3A_26 = arith.constant 0 : index
    %swap3A_27 = vector.load %arg7[%swap3A_25, %swap3A_26] : memref<1000x128xf32, #tpu.memory_space<vmem>>, vector<1000x128xf32>
    tpu.vector_store %arg7[%swap3A_25, %swap3A_26], %mul3A_24 {strides = array<i32>} : memref<1000x128xf32, #tpu.memory_space<vmem>>, vector<1000x128xf32>,
    %swap3A_28 = arith.constant 0 : index
    %swap3A_29 = arith.constant 0 : index
    %swap3A_30 = vector.load %arg8[%swap3A_28, %swap3A_29] : memref<1000x1xf32, #tpu.memory_space<vmem>>, vector<1000x1xf32>
    tpu.vector_store %arg8[%swap3A_28, %swap3A_29], %rsqrt3A {strides = array<i32>} : memref<1000x1xf32, #tpu.memory_space<vmem>>, vector<1000x1xf32>,
    return
  }
  func.func @transform_0(%arg0: i32) -> (i32, i32) {
    %c0_i32 = arith.constant 0 : i32
    %c0_i32_0 = arith.constant 0 : i32
    return %arg0, %c0_i32 : i32, i32
  }
  func.func @transform_1(%arg0: i32) -> (i32, i32) {
    %c0_i32 = arith.constant 0 : i32
    %c0_i32_0 = arith.constant 0 : i32
    %c0_i32_1 = arith.constant 0 : i32
    return %c0_i32, %c0_i32_0 : i32, i32
  }
  func.func @transform_2(%arg0: i32) -> (i32, i32) {
    %c0_i32 = arith.constant 0 : i32
    %c0_i32_0 = arith.constant 0 : i32
    %c0_i32_1 = arith.constant 0 : i32
    return %c0_i32, %c0_i32_0 : i32, i32
  }
  func.func @transform_3(%arg0: i32) -> (i32, i32) {
    %c0_i32 = arith.constant 0 : i32
    %c0_i32_0 = arith.constant 0 : i32
    return %arg0, %c0_i32 : i32, i32
  }
  func.func @transform_4(%arg0: i32) -> (i32, i32) {
    %add3A = arith.constant 10 : i32
    %add3A_0 = arith.addi %arg0, %add3A : i32
    %c0_i32 = arith.constant 0 : i32
    %c0_i32_1 = arith.constant 0 : i32
    return %add3A_0, %c0_i32 : i32, i32
  }
  func.func @transform_5(%arg0: i32) -> (i32, i32) {
    %c0_i32 = arith.constant 0 : i32
    %c0_i32_0 = arith.constant 0 : i32
    return %arg0, %c0_i32 : i32, i32
  }
  func.func @transform_6(%arg0: i32) -> (i32, i32) {
    %c0_i32 = arith.constant 0 : i32
    %c0_i32_0 = arith.constant 0 : i32
    return %arg0, %c0_i32 : i32, i32
  }
  func.func @transform_7(%arg0: i32) -> (i32, i32) {
    %c0_i32 = arith.constant 0 : i32
    %c0_i32_0 = arith.constant 0 : i32
    return %arg0, %c0_i32 : i32, i32
  }
}

module attributes {stable_mosaic.version = 14 : i64} {
  func.func @body(%arg0: i32, %arg1: memref<1000x128xf32, #tpu.memory_space<vmem>>, %arg2: memref<1000x128xf32, #tpu.memory_space<vmem>>, %arg3: memref<1000x128xf32, #tpu.memory_space<vmem>>, %arg4: memref<1000x128xf32, #tpu.memory_space<vmem>>, %arg5: memref<1000x1xf32, #tpu.memory_space<vmem>>, %arg6: memref<128x128xf32, #tpu.memory_space<vmem>>, %arg7: memref<1000x128xf32, #tpu.memory_space<vmem>>) attributes {dimension_semantics = [#tpu.dimension_semantics<arbitrary>], iteration_bounds = array<i64: 10>, scalar_prefetch = 0 : i64, scratch_operands = 0 : i64, tpu.core_type = #tpu.core_type<tc>, window_params = [{transform_indices = @transform_0, window_bounds = array<i64: 1000, 128>}, {transform_indices = @transform_1, window_bounds = array<i64: 1000, 128>}, {transform_indices = @transform_2, window_bounds = array<i64: 1000, 128>}, {transform_indices = @transform_3, window_bounds = array<i64: 1000, 128>}, {transform_indices = @transform_4, window_bounds = array<i64: 1000, 1>}, {pipeline_mode = #tpu.pipeline_mode<synchronous>, transform_indices = @transform_5, window_bounds = array<i64: 128, 128>}, {transform_indices = @transform_6, window_bounds = array<i64: 1000, 128>}]} {
    %get3A = arith.constant 0 : index
    %get3A_0 = arith.constant 0 : index
    %get3A_1 = vector.load %arg5[%get3A, %get3A_0] : memref<1000x1xf32, #tpu.memory_space<vmem>>, vector<1000x1xf32>
    %mul3A = arith.constant 0.899999976 : f32
    %mul3A_2 = vector.broadcast %mul3A : f32 to vector<1000x1xf32>
    %mul3A_3 = arith.mulf %mul3A_2, %get3A_1 : vector<1000x1xf32>
    %get3A_4 = arith.constant 0 : index
    %get3A_5 = arith.constant 0 : index
    %get3A_6 = vector.load %arg1[%get3A_4, %get3A_5] : memref<1000x128xf32, #tpu.memory_space<vmem>>, vector<1000x128xf32>
    %get3A_7 = arith.constant 0 : index
    %get3A_8 = arith.constant 0 : index
    %get3A_9 = vector.load %arg2[%get3A_7, %get3A_8] : memref<1000x128xf32, #tpu.memory_space<vmem>>, vector<1000x128xf32>
    %add3A = arith.addf %get3A_6, %get3A_9 : vector<1000x128xf32>
    %get3A_10 = arith.constant 0 : index
    %get3A_11 = arith.constant 0 : index
    %get3A_12 = vector.load %arg3[%get3A_10, %get3A_11] : memref<1000x128xf32, #tpu.memory_space<vmem>>, vector<1000x128xf32>
    %add3A_13 = arith.addf %add3A, %get3A_12 : vector<1000x128xf32>
    %mul3A_14 = vector.broadcast %mul3A_3 : vector<1000x1xf32> to vector<1000x128xf32>
    %mul3A_15 = arith.mulf %mul3A_14, %add3A_13 : vector<1000x128xf32>
    %get3A_16 = arith.constant 0 : index
    %get3A_17 = arith.constant 0 : index
    %get3A_18 = vector.load %arg4[%get3A_16, %get3A_17] : memref<1000x128xf32, #tpu.memory_space<vmem>>, vector<1000x128xf32>
    %mul3A_19 = arith.constant 1.000000e-01 : f32
    %mul3A_20 = vector.broadcast %mul3A_19 : f32 to vector<1000x128xf32>
    %mul3A_21 = arith.mulf %mul3A_20, %get3A_18 : vector<1000x128xf32>
    %add3A_22 = arith.addf %mul3A_15, %mul3A_21 : vector<1000x128xf32>
    %get3A_23 = arith.constant 0 : index
    %get3A_24 = arith.constant 0 : index
    %get3A_25 = vector.load %arg6[%get3A_23, %get3A_24] : memref<128x128xf32, #tpu.memory_space<vmem>>, vector<128x128xf32>
    %dot_general3A = arith.constant dense<0.000000e+00> : vector<1000x128xf32>
    %dot_general3A_26 = tpu.matmul %add3A_22, %get3A_25, %dot_general3A {dimension_numbers = #tpu.dot_dimension_numbers<[1], [0], [0], [1], [0, 0, 1, 1], [], []>, precision = #tpu.contract_precision<fp32>, transpose_lhs_hint = false} : vector<1000x128xf32>, vector<128x128xf32>, vector<1000x128xf32> -> vector<1000x128xf32>
    %max3A = arith.constant 0.000000e+00 : f32
    %max3A_27 = vector.broadcast %max3A : f32 to vector<1000x128xf32>
    %max3A_28 = arith.maximumf %dot_general3A_26, %max3A_27 : vector<1000x128xf32>
    %mul3A_29 = vector.broadcast %get3A_1 : vector<1000x1xf32> to vector<1000x128xf32>
    %mul3A_30 = arith.mulf %mul3A_29, %max3A_28 : vector<1000x128xf32>
    %swap3A = arith.constant 0 : index
    %swap3A_31 = arith.constant 0 : index
    %swap3A_32 = vector.load %arg7[%swap3A, %swap3A_31] : memref<1000x128xf32, #tpu.memory_space<vmem>>, vector<1000x128xf32>
    tpu.vector_store %arg7[%swap3A, %swap3A_31], %mul3A_30 {strides = array<i32>} : memref<1000x128xf32, #tpu.memory_space<vmem>>, vector<1000x128xf32>,
    return
  }
  func.func @transform_0(%arg0: i32) -> (i32, i32) {
    %c0_i32 = arith.constant 0 : i32
    %c0_i32_0 = arith.constant 0 : i32
    return %arg0, %c0_i32 : i32, i32
  }
  func.func @transform_1(%arg0: i32) -> (i32, i32) {
    %add3A = arith.constant 10 : i32
    %add3A_0 = arith.addi %arg0, %add3A : i32
    %c0_i32 = arith.constant 0 : i32
    %c0_i32_1 = arith.constant 0 : i32
    return %add3A_0, %c0_i32 : i32, i32
  }
  func.func @transform_2(%arg0: i32) -> (i32, i32) {
    %c0_i32 = arith.constant 0 : i32
    %c0_i32_0 = arith.constant 0 : i32
    return %arg0, %c0_i32 : i32, i32
  }
  func.func @transform_3(%arg0: i32) -> (i32, i32) {
    %c0_i32 = arith.constant 0 : i32
    %c0_i32_0 = arith.constant 0 : i32
    return %arg0, %c0_i32 : i32, i32
  }
  func.func @transform_4(%arg0: i32) -> (i32, i32) {
    %c0_i32 = arith.constant 0 : i32
    %c0_i32_0 = arith.constant 0 : i32
    return %arg0, %c0_i32 : i32, i32
  }
  func.func @transform_5(%arg0: i32) -> (i32, i32) {
    %c0_i32 = arith.constant 0 : i32
    %c0_i32_0 = arith.constant 0 : i32
    %c0_i32_1 = arith.constant 0 : i32
    return %c0_i32, %c0_i32_0 : i32, i32
  }
  func.func @transform_6(%arg0: i32) -> (i32, i32) {
    %c0_i32 = arith.constant 0 : i32
    %c0_i32_0 = arith.constant 0 : i32
    return %arg0, %c0_i32 : i32, i32
  }
}

module attributes {stable_mosaic.version = 14 : i64} {
  func.func @body(%arg0: i32, %arg1: memref<1000x128xf32, #tpu.memory_space<vmem>>, %arg2: memref<1000x128xf32, #tpu.memory_space<vmem>>, %arg3: memref<1000x128xf32, #tpu.memory_space<vmem>>, %arg4: memref<1000x128xf32, #tpu.memory_space<vmem>>, %arg5: memref<1000x1xf32, #tpu.memory_space<vmem>>, %arg6: memref<128x128xf32, #tpu.memory_space<vmem>>, %arg7: memref<128x64xf32, #tpu.memory_space<vmem>>, %arg8: memref<1x64xf32, #tpu.memory_space<vmem>>, %arg9: memref<1000x64xf32, #tpu.memory_space<vmem>>) attributes {dimension_semantics = [#tpu.dimension_semantics<arbitrary>], iteration_bounds = array<i64: 10>, scalar_prefetch = 0 : i64, scratch_operands = 0 : i64, tpu.core_type = #tpu.core_type<tc>, window_params = [{transform_indices = @transform_0, window_bounds = array<i64: 1000, 128>}, {transform_indices = @transform_1, window_bounds = array<i64: 1000, 128>}, {transform_indices = @transform_2, window_bounds = array<i64: 1000, 128>}, {transform_indices = @transform_3, window_bounds = array<i64: 1000, 128>}, {transform_indices = @transform_4, window_bounds = array<i64: 1000, 1>}, {pipeline_mode = #tpu.pipeline_mode<synchronous>, transform_indices = @transform_5, window_bounds = array<i64: 128, 128>}, {pipeline_mode = #tpu.pipeline_mode<synchronous>, transform_indices = @transform_6, window_bounds = array<i64: 128, 64>}, {pipeline_mode = #tpu.pipeline_mode<synchronous>, transform_indices = @transform_7, window_bounds = array<i64: 1, 64>}, {transform_indices = @transform_8, window_bounds = array<i64: 1000, 64>}]} {
    %get3A = arith.constant 0 : index
    %get3A_0 = arith.constant 0 : index
    %get3A_1 = vector.load %arg5[%get3A, %get3A_0] : memref<1000x1xf32, #tpu.memory_space<vmem>>, vector<1000x1xf32>
    %mul3A = arith.constant 0.899999976 : f32
    %mul3A_2 = vector.broadcast %mul3A : f32 to vector<1000x1xf32>
    %mul3A_3 = arith.mulf %mul3A_2, %get3A_1 : vector<1000x1xf32>
    %get3A_4 = arith.constant 0 : index
    %get3A_5 = arith.constant 0 : index
    %get3A_6 = vector.load %arg1[%get3A_4, %get3A_5] : memref<1000x128xf32, #tpu.memory_space<vmem>>, vector<1000x128xf32>
    %get3A_7 = arith.constant 0 : index
    %get3A_8 = arith.constant 0 : index
    %get3A_9 = vector.load %arg2[%get3A_7, %get3A_8] : memref<1000x128xf32, #tpu.memory_space<vmem>>, vector<1000x128xf32>
    %add3A = arith.addf %get3A_6, %get3A_9 : vector<1000x128xf32>
    %get3A_10 = arith.constant 0 : index
    %get3A_11 = arith.constant 0 : index
    %get3A_12 = vector.load %arg3[%get3A_10, %get3A_11] : memref<1000x128xf32, #tpu.memory_space<vmem>>, vector<1000x128xf32>
    %add3A_13 = arith.addf %add3A, %get3A_12 : vector<1000x128xf32>
    %mul3A_14 = vector.broadcast %mul3A_3 : vector<1000x1xf32> to vector<1000x128xf32>
    %mul3A_15 = arith.mulf %mul3A_14, %add3A_13 : vector<1000x128xf32>
    %get3A_16 = arith.constant 0 : index
    %get3A_17 = arith.constant 0 : index
    %get3A_18 = vector.load %arg4[%get3A_16, %get3A_17] : memref<1000x128xf32, #tpu.memory_space<vmem>>, vector<1000x128xf32>
    %mul3A_19 = arith.constant 1.000000e-01 : f32
    %mul3A_20 = vector.broadcast %mul3A_19 : f32 to vector<1000x128xf32>
    %mul3A_21 = arith.mulf %mul3A_20, %get3A_18 : vector<1000x128xf32>
    %add3A_22 = arith.addf %mul3A_15, %mul3A_21 : vector<1000x128xf32>
    %get3A_23 = arith.constant 0 : index
    %get3A_24 = arith.constant 0 : index
    %get3A_25 = vector.load %arg6[%get3A_23, %get3A_24] : memref<128x128xf32, #tpu.memory_space<vmem>>, vector<128x128xf32>
    %dot_general3A = arith.constant dense<0.000000e+00> : vector<1000x128xf32>
    %dot_general3A_26 = tpu.matmul %add3A_22, %get3A_25, %dot_general3A {dimension_numbers = #tpu.dot_dimension_numbers<[1], [0], [0], [1], [0, 0, 1, 1], [], []>, precision = #tpu.contract_precision<fp32>, transpose_lhs_hint = false} : vector<1000x128xf32>, vector<128x128xf32>, vector<1000x128xf32> -> vector<1000x128xf32>
    %max3A = arith.constant 0.000000e+00 : f32
    %max3A_27 = vector.broadcast %max3A : f32 to vector<1000x128xf32>
    %max3A_28 = arith.maximumf %dot_general3A_26, %max3A_27 : vector<1000x128xf32>
    %get3A_29 = arith.constant 0 : index
    %get3A_30 = arith.constant 0 : index
    %get3A_31 = vector.load %arg7[%get3A_29, %get3A_30] : memref<128x64xf32, #tpu.memory_space<vmem>>, vector<128x64xf32>
    %dot_general3A_32 = arith.constant dense<0.000000e+00> : vector<1000x64xf32>
    %dot_general3A_33 = tpu.matmul %max3A_28, %get3A_31, %dot_general3A_32 {dimension_numbers = #tpu.dot_dimension_numbers<[1], [0], [0], [1], [0, 0, 1, 1], [], []>, precision = #tpu.contract_precision<fp32>, transpose_lhs_hint = false} : vector<1000x128xf32>, vector<128x64xf32>, vector<1000x64xf32> -> vector<1000x64xf32>
    %get3A_34 = arith.constant 0 : index
    %get3A_35 = arith.constant 0 : index
    %get3A_36 = vector.load %arg8[%get3A_34, %get3A_35] : memref<1x64xf32, #tpu.memory_space<vmem>>, vector<1x64xf32>
    %add3A_37 = vector.broadcast %get3A_36 : vector<1x64xf32> to vector<1000x64xf32>
    %add3A_38 = arith.addf %dot_general3A_33, %add3A_37 : vector<1000x64xf32>
    %reduce_max3A = arith.constant dense<0xFF800000> : vector<1000xf32>
    %reduce_max3A_39 = vector.multi_reduction <maximumf>, %add3A_38, %reduce_max3A [1] : vector<1000x64xf32> to vector<1000xf32>
    %broadcast_in_dim3A = vector.shape_cast %reduce_max3A_39 : vector<1000xf32> to vector<1000x1xf32>
    %sub3A = vector.broadcast %broadcast_in_dim3A : vector<1000x1xf32> to vector<1000x64xf32>
    %sub3A_40 = arith.subf %add3A_38, %sub3A : vector<1000x64xf32>
    %exp3A = math.exp %sub3A_40 : vector<1000x64xf32>
    %reduce_sum3A = arith.constant dense<0.000000e+00> : vector<1000xf32>
    %reduce_sum3A_41 = vector.multi_reduction <add>, %exp3A, %reduce_sum3A [1] : vector<1000x64xf32> to vector<1000xf32>
    %broadcast_in_dim3A_42 = vector.shape_cast %reduce_sum3A_41 : vector<1000xf32> to vector<1000x1xf32>
    %log3A = math.log %broadcast_in_dim3A_42 : vector<1000x1xf32>
    %sub3A_43 = vector.broadcast %log3A : vector<1000x1xf32> to vector<1000x64xf32>
    %sub3A_44 = arith.subf %sub3A_40, %sub3A_43 : vector<1000x64xf32>
    %swap3A = arith.constant 0 : index
    %swap3A_45 = arith.constant 0 : index
    %swap3A_46 = vector.load %arg9[%swap3A, %swap3A_45] : memref<1000x64xf32, #tpu.memory_space<vmem>>, vector<1000x64xf32>
    tpu.vector_store %arg9[%swap3A, %swap3A_45], %sub3A_44 {strides = array<i32>} : memref<1000x64xf32, #tpu.memory_space<vmem>>, vector<1000x64xf32>,
    return
  }
  func.func @transform_0(%arg0: i32) -> (i32, i32) {
    %c0_i32 = arith.constant 0 : i32
    %c0_i32_0 = arith.constant 0 : i32
    return %arg0, %c0_i32 : i32, i32
  }
  func.func @transform_1(%arg0: i32) -> (i32, i32) {
    %add3A = arith.constant 10 : i32
    %add3A_0 = arith.addi %arg0, %add3A : i32
    %c0_i32 = arith.constant 0 : i32
    %c0_i32_1 = arith.constant 0 : i32
    return %add3A_0, %c0_i32 : i32, i32
  }
  func.func @transform_2(%arg0: i32) -> (i32, i32) {
    %c0_i32 = arith.constant 0 : i32
    %c0_i32_0 = arith.constant 0 : i32
    return %arg0, %c0_i32 : i32, i32
  }
  func.func @transform_3(%arg0: i32) -> (i32, i32) {
    %c0_i32 = arith.constant 0 : i32
    %c0_i32_0 = arith.constant 0 : i32
    return %arg0, %c0_i32 : i32, i32
  }
  func.func @transform_4(%arg0: i32) -> (i32, i32) {
    %c0_i32 = arith.constant 0 : i32
    %c0_i32_0 = arith.constant 0 : i32
    return %arg0, %c0_i32 : i32, i32
  }
  func.func @transform_5(%arg0: i32) -> (i32, i32) {
    %c0_i32 = arith.constant 0 : i32
    %c0_i32_0 = arith.constant 0 : i32
    %c0_i32_1 = arith.constant 0 : i32
    return %c0_i32, %c0_i32_0 : i32, i32
  }
  func.func @transform_6(%arg0: i32) -> (i32, i32) {
    %c0_i32 = arith.constant 0 : i32
    %c0_i32_0 = arith.constant 0 : i32
    %c0_i32_1 = arith.constant 0 : i32
    return %c0_i32, %c0_i32_0 : i32, i32
  }
  func.func @transform_7(%arg0: i32) -> (i32, i32) {
    %c0_i32 = arith.constant 0 : i32
    %c0_i32_0 = arith.constant 0 : i32
    %c0_i32_1 = arith.constant 0 : i32
    return %c0_i32, %c0_i32_0 : i32, i32
  }
  func.func @transform_8(%arg0: i32) -> (i32, i32) {
    %c0_i32 = arith.constant 0 : i32
    %c0_i32_0 = arith.constant 0 : i32
    return %arg0, %c0_i32 : i32, i32
  }
}

</mosaic_0001>

<sc_bundles>
// kernel: kernel.12.cloned.1.call-start
scs
__scs_entry_jumppad:
0x0: {  	(pc) =	sbr.rel $0x88, $3  }
0x1: {  	(tag) =	ssettag $0x0;
	lr =	simm.s32 $0x1  }
0x2: {  	[smem:$0x3F9A] =	sst lr;
	_ =	strace $0xD0000000  }
0x3: {  	_ = 	snop  }
0x4: {  	_ = 	snop  }
0x5: {  	_ = 	snop  }
0x6: {  	_ = 	snop  }
0x7: {  	_ = 	snop  }
__scs_overlays_trampoline_lowered:
0x8: {  	[smem:$0x3FA9] =	sst s0  }
0x9: {  	[smem:$0x3FAA] =	sst s1  }
0xa: {  	[smem:$0x3FAB] =	sst s2  }
0xb: {  	[smem:$0x3FAC] =	sst s3  }
0xc: {  	[smem:$0x3FAD] =	sst s4  }
0xd: {  	[smem:$0x3FAE] =	sst s5  }
0xe: {  	[smem:$0x3FAF] =	sst s6  }
0xf: {  	[smem:$0x3FB0] =	sst s7  }
0x10: {  	[smem:$0x3FB1] =	sst s8  }
0x11: {  	[smem:$0x3FB2] =	sst s9;
	s0 =	simm.s32 @!p0 $0x0  }
0x12: {  	s1 =	sld [smem:$0x3F98];
	s0 =	simm.s32 @p0 $0x1  }
0x13: {  	[smem:$0x3FB3] =	sst s0;
	s0 =	simm.s32 @!p1 $0x0  }
0x14: {  	s2 =	sld [smem:$0x3F97];
	s0 =	simm.s32 @p1 $0x1  }
0x15: {  	[smem:$0x3FB4] =	sst s0;
	s0 =	simm.s32 @!p2 $0x0  }
0x16: {  	s3 =	sld [smem:$0x3FDB];
	s0 =	simm.s32 @p2 $0x1  }
0x17: {  	s4 =	simm.s32 $0x1BF5;
	[smem:$0x3FB6] =	sst s0  }
0x18: {  	s0 =	sld [smem:$0x3F99];
	_ =	swait.ge [sflag:s4], $0x0  }
0x19: {  	s7 =	sld [smem:$0x3F9A]  }
0x1a: {  	s8 =	sadd.s32 $0xFFFFE003, lr  }
0x1b: {  	s9 =	sadd.s32 $0xFFFFFEF7, lr;
	s5 =	simm.s32 $0xFFFFFFFF;
	p2 =	slt.u32 s8, $0xFFFFF086  }
0x1c: {  	p1 =	slt.u32 s9, $0xF7A;
	s5 =	simm.s32 @!p2 $0x0  }
0x1d: {  	s5 =	simm.s32 @p1 $0x1;
	p0 =	seq.s32 s7, s2  }
0x1e: {  	s7 =	smul.u32 @!p0 $0xF7A, s2;
	p2 =	seq.s32 @!p0 s5, $0x0  }
0x1f: {  	s9 =	smul.u32 $0xF7A, s1;
	s8 =	simm.s32 @!p0 $0x1BF5;
	p2 =	por !p2, p0  }
0x20: {  	[sflag:s8] =	ssyncset.s32 @!p0 $0xFFFFF086;
	s6 =	sadd.s32 @!p0 s3, s7;
	s7 =	simm.s32 @!p0 $0x108  }
0x21: {  	s3 =	sadd.s32 s3, s9;
	s6 =	sadd.s32 @!p0 $0x88, s6;
	s7 =	simm.s32 @p2 $0x1082  }
0x22: {  	[simem:s7], [sflag:s8] =	dma.local @!p0 [hbm:s6], $0xF7A  }
0x23: {  	s9 =	sor.u32 $0xD0000000, s2;
	s6 =	simm.s32 $0x108;
	_ =	swait.ge @!p0 [sflag:s8], $0x0  }
0x24: {  	s3 =	sadd.s32 $0x88, s3;
	s6 =	simm.s32 @!p1 $0x1082;
	[sflag:s4] =	ssyncset.s32 $0xFFFFF086  }
0x25: {  	[simem:s6], [sflag:s4] =	dma.local [hbm:s3], $0xF7A  }
0x26: {  	[smem:$0x3F9A] =	sst s1;
	(tag) =	ssettag s2;
	_ =	strace s9  }
0x27: {  	s1 =	sld [smem:$0x3FAA]  }
0x28: {  	s2 =	sld [smem:$0x3FAB]  }
0x29: {  	s4 =	sld [smem:$0x3FAD]  }
0x2a: {  	p0 =	seq.s32 s5, $0x0;
	s5 =	sld [smem:$0x3FAE]  }
0x2b: {  	s6 =	sld [smem:$0x3FAF]  }
0x2c: {  	s7 =	sld [smem:$0x3FB0]  }
0x2d: {  	s3 =	simm.s32 $0x108;
	s8 =	sld [smem:$0x3FB1]  }
0x2e: {  	s3 =	simm.s32 @!p0 $0x1082;
	s9 =	sld [smem:$0x3FB2]  }
0x2f: {  	lr =	sadd.s32 s0, s3;
	s0 =	sld [smem:$0x3FA9]  }
0x30: {  	s3 =	sld [smem:$0x3FAC]  }
0x31: {  	[smem:$0x3FB5] =	sst s10  }
0x32: {  	s10 =	sld [smem:$0x3FB3];
	_ =	sdelay $0x3  }
0x33: {  	p0 =	seq.s32 s10, $0x1;
	s10 =	sld [smem:$0x3FB5];
	_ =	sdelay $0x3  }
0x34: {  	[smem:$0x3FB5] =	sst s10  }
0x35: {  	s10 =	sld [smem:$0x3FB4];
	_ =	sdelay $0x3  }
0x36: {  	p1 =	seq.s32 s10, $0x1;
	s10 =	sld [smem:$0x3FB5];
	_ =	sdelay $0x3  }
0x37: {  	[smem:$0x3FB5] =	sst s10  }
0x38: {  	s10 =	sld [smem:$0x3FB6]  }
0x39: {  	_ = 	snop;
	(pc) =	sbr.ind lr, $3  }
0x3a: {  	_ = 	snop  }
0x3b: {  	_ = 	snop  }
0x3c: {  	p2 =	seq.s32 s10, $0x1;
	s10 =	sld [smem:$0x3FB5]  }
0x3d: {  	_ =	shalt  }
0x3e: {  	_ =	shalt  }
0x3f: {  	_ =	shalt  }
0x40: {  	_ =	shalt  }
0x41: {  	_ =	shalt  }
0x42: {  	_ =	shalt  }
0x43: {  	_ =	shalt  }
0x44: {  	_ =	shalt  }
0x45: {  	_ =	shalt  }
0x46: {  	_ =	shalt  }
0x47: {  	_ =	shalt  }
0x48: {  	_ =	shalt  }
0x49: {  	_ =	shalt  }
0x4a: {  	_ =	shalt  }
0x4b: {  	_ =	shalt  }
0x4c: {  	_ =	shalt  }
0x4d: {  	_ =	shalt  }
0x4e: {  	_ =	shalt  }
0x4f: {  	_ =	shalt  }
0x50: {  	_ =	shalt  }
0x51: {  	_ =	shalt  }
0x52: {  	_ =	shalt  }
0x53: {  	_ =	shalt  }
0x54: {  	_ =	shalt  }
0x55: {  	_ =	shalt  }
0x56: {  	_ =	shalt  }
0x57: {  	_ =	shalt  }
0x58: {  	_ =	shalt  }
0x59: {  	_ =	shalt  }
0x5a: {  	_ =	shalt  }
0x5b: {  	_ =	shalt  }
0x5c: {  	_ =	shalt  }
0x5d: {  	_ =	shalt  }
0x5e: {  	_ =	shalt  }
0x5f: {  	_ =	shalt  }
0x60: {  	_ =	shalt  }
0x61: {  	_ =	shalt  }
0x62: {  	_ =	shalt  }
0x63: {  	_ =	shalt  }
0x64: {  	_ =	shalt  }
0x65: {  	_ =	shalt  }
0x66: {  	_ =	shalt  }
0x67: {  	_ =	shalt  }
0x68: {  	_ =	shalt  }
0x69: {  	_ =	shalt  }
0x6a: {  	_ =	shalt  }
0x6b: {  	_ =	shalt  }
0x6c: {  	_ =	shalt  }
0x6d: {  	_ =	shalt  }
0x6e: {  	_ =	shalt  }
0x6f: {  	_ =	shalt  }
0x70: {  	_ =	shalt  }
0x71: {  	_ =	shalt  }
0x72: {  	_ =	shalt  }
0x73: {  	_ =	shalt  }
0x74: {  	_ =	shalt  }
0x75: {  	_ =	shalt  }
0x76: {  	_ =	shalt  }
0x77: {  	_ =	shalt  }
0x78: {  	_ =	shalt  }
0x79: {  	_ =	shalt  }
0x7a: {  	_ =	shalt  }
0x7b: {  	_ =	shalt  }
0x7c: {  	_ =	shalt  }
0x7d: {  	_ =	shalt  }
0x7e: {  	_ =	shalt  }
0x7f: {  	_ =	shalt  }
0x80: {  	_ =	shalt  }
0x81: {  	_ =	shalt  }
0x82: {  	_ =	shalt  }
0x83: {  	_ =	shalt  }
0x84: {  	_ =	shalt  }
0x85: {  	_ =	shalt  }
0x86: {  	_ =	shalt  }
0x87: {  	_ =	shalt  }
.Lfunc_end0:
.L_simem_size_0:
called_computation_lowered:
.L_overlay_start_0:
0x88: {  	s2 =	sld [smem:$0x3FD9]  }
0x89: {  	s3 =	sld [smem:$0x3FFE];
	_ =	sdelay $0x1  }
0x8a: {  	s1 =	srdreg.scid  }
0x8b: {  	s0 =	sand.u32 $0x1, s1  }
0x8c: {  	s17 =	sshll.u32 s0, $0xA;
	s2 =	sadd.s32 s3, s2  }
0x8d: {  	s2 =	sadd.s32 s2, s17  }
0x8e: {  	[smem:$0x3FC1] =	sst s2  }
0x8f: {  	_ = 	snop  }
0x90: {  	s2 =	sld [smem:$0x3FD0];
	(tm) =	ssettm $0x1  }
0x91: {  	s18 =	sld [smem:$0x3FFB];
	_ =	sdelay $0x3  }
0x92: {  	_ =	strace s18  }
0x93: {  	s3 =	sld [smem:$0x3FFC];
	_ =	sdelay $0x3  }
0x94: {  	_ =	strace s3  }
0x95: {  	s3 =	sld [smem:$0x3FFD];
	_ =	sdelay $0x3  }
0x96: {  	_ =	strace s3  }
0x97: {  	_ =	strace $0x8FFFFFFF  }
0x98: {  	s19 =	sld [smem:$0x3FDB];
	_ =	sdelay $0x1  }
0x99: {  	s4 =	simm.s32 $_scs_section_size  }
0x9a: {  	s5 =	simm.s32 $_size__tile_overlayer_lowered;
	s6 =	simm.s32 $_tile_overlayer_lowered  }
0x9b: {  	s22 =	simm.s32 $0x1BFF;
	s21 =	sshll.u32 s6, $0x1;
	s3 =	sadd.s32 s4, s19  }
0x9c: {  	s7 =	simm.s32 $0x0;
	s20 =	sshll.u32 s5, $0x1;
	s5 =	sadd.s32 s21, s3  }
0x9d: {  	[timem:s7], [sflag:s22] =	dma.local [hbm:s5], s20  }
0x9e: {  	_ =	swait.ge [sflag:s22], s20  }
0x9f: {  	s4 =	ssub.s32 $0x0, s20;
	[sflag:s22] =	ssyncset.done $0x0  }
0xa0: {  	[sflag:s22] =	ssyncadd.s32 s4;
	_ =	sdelay $0x1  }
0xa1: {  	s23 =	simm.s32 $0x1B8B  }
0xa2: {  	_ =	swait.ge [sflag:s23], $0x1  }
0xa3: {  	[sflag:s23] =	ssyncset.done $0x0  }
0xa4: {  	s25 =	simm.s32 $0x1B8E;
	s24 =	sld [smem:$0x3FFE];
	[sflag:s23] =	ssyncadd.s32 $0xFFFFFFFF  }
0xa5: {  	s26 =	simm.s32 $execute0_lowered;
	[smem:$0x3FD2] =	sst s25  }
0xa6: {  	s5 =	sshll.u32 s26, $0x1;
	_ =	strace $0x80000046;
	[dreg:$0x1] =	wrdreg $0xFFFFFFFF  }
0xa7: {  	s28 =	simm.s32 $_size_execute0_lowered;
	s3 =	sadd.s32 s3, s5;
	[dreg:$0x0] =	wrdreg $0x0  }
0xa8: {  	s5 =	sshll.u32 s28, $0x1;
	[dreg:$0x2] =	wrdreg s3  }
0xa9: {  	[dreg:$0x3] =	wrdreg s5  }
0xaa: {  	[dreg:$0x4] =	wrdreg $0xC0  }
0xab: {  	_ =	task [dreg:s7], $0x5FFFF  }
0xac: {  	[dreg:$0x1] =	wrdreg $0xFFFFFFFF  }
0xad: {  	[dreg:$0x0] =	wrdreg $0x60  }
0xae: {  	[dreg:$0x2] =	wrdreg s2  }
0xaf: {  	[dreg:$0x3] =	wrdreg s24  }
0xb0: {  	[dreg:$0x4] =	wrdreg $0x68000  }
0xb1: {  	[dreg:$0x5] =	wrdreg $0x9  }
0xb2: {  	_ =	task.clear_ibuf [dreg:s7], $0x6FFFF;
	_ =	strace $0x90000046  }
0xb3: {  	s29 =	simm.s32 $0x9;
	_ =	strace $0x80000048  }
0xb4: {  	_ =	swait.ge [sflag:s29], $0x1  }
0xb5: {  	[sflag:s29] =	ssyncadd.s32 $0xFFFFFFFF  }
0xb6: {  	_ =	strace $0x90000048  }
0xb7: {  	_ =	sfence  }
0xb8: {  	s30 =	sld [smem:$0x0];
	_ =	sdelay $0x2  }
0xb9: {  	s31 =	sshll.u32 s1, $0xD;
	s1 =	sshrl.u32 s1, $0x2  }
0xba: {  	s3 =	sand.u32 $0x4000, s31;
	s1 =	sadd.s32 s1, s30  }
0xbb: {  	s0 =	sor.u32 s3, s0;
	s1 =	sshll.u32 s1, $0x11  }
0xbc: {  	s0 =	sor.u32 s1, s0  }
0xbd: {  	s0 =	sadd.s32 $0x8F2B, s0  }
0xbe: {  	[sflag:s0] =	ssyncadd.remote.s32 $0x1  }
0xbf: {  	_ =	sfence.sel $0xFFFF  }
0xc0: {  	[dreg:$0x0] =	wrdreg $0xFFFFFFFF;
	(pc) =	sbr.abs _section_cstart, $3  }
0xc1: {  	[dreg:$0x1] =	wrdreg $0xFFFFFFFF  }
0xc2: {  	_ =	task.clear_ibuf [dreg:s7], $0x2FFFF;
	_ =	strace $0x9FFFFFFF  }
0xc3: {  	(tm) =	ssettm $0x7FFFFFFF  }
tec
execute0_lowered:
.L_overlay_start_1:
0x0: {  	(tag) =	ssettag $0x1  }
0x1: {  	s5 =	rddreg [dreg:$0x0]  }
0x2: {  	s6 =	rddreg [dreg:$0x1]  }
0x3: {  	s1 =	rddreg [dreg:$0x2]  }
0x4: {  	s0 =	rddreg [dreg:$0x3]  }
0x5: {  	s3 =	simm.s32 $0x0;
	s4 =	srdreg.scid;
	s2 =	stileid.u32  }
0x6: {  	s14 =	simm.s32 $0x4000;
	s15 =	simm.s32 $0x1;
	s16 =	simm.s32 $0x2  }
0x7: {  	s17 =	simm.s32 $0x3;
	s18 =	simm.s32 $0x4;
	s19 =	simm.s32 $0x3E00  }
0x8: {  	s20 =	simm.s32 $0x0;
	[smem:$0x7FF] =	sst s3;
	s7 =	sand.u32 $0x1, s4  }
0x9: {  	s4 =	sadd.s32 $0x3200, s6;
	s9 =	smul.u32 $0x2700, s2;
	s6 =	sadd.s32 $0x5A00, s6  }
0xa: {  	s11 =	smul.u32 $0x4E000, s2;
	s13 =	sshll.u32 s2, $0xC;
	p0 =	sne.s32 s2, $0xF  }
0xb: {  	s31 =	sshll.u32 s2, $0x6;
	_ =	strace $0x80000047;
	s12 =	smul.u32 $0x138800, s7  }
0xc: {  	s8 =	ssub.s32 $0x2, s7;
	s25 =	sshll.u32 s7, $0xB;
	s7 =	smul.u32 $0x27100, s7  }
0xd: {  	s10 =	sshrl.u32 s8, $0x1;
	s5 =	sadd.s32 s5, s25;
	s26 =	sshrl.u32 s11, $0x2  }
0xe: {  	s8 =	ssub.s32 s8, s10;
	s5 =	sadd.s32 s13, s5;
	s28 =	sshrl.u32 s12, $0x3  }
0xf: {  	s29 =	sadd.s32 s26, s1;
	s7 =	sadd.s32 s9, s7;
	s13 =	sadd.s32 $0x138000, s1  }
0x10: {  	s9 =	simm.s32 $0x5;
	s10 =	sor.u32 $0x1C05, s31;
	s30 =	sadd.s32 s6, s28  }
0x11: {  	v0 =	vimm.f32 $0.0e+00;
	vm0 =	vcmask $0x300;
	s6 =	sadd.s32 s6, s7;
	s8 =	smax.u32 s8, $0x1;
	s11 =	sshrl.u32 s29, $0x3  }
0x12: {  	v0 =	vsel vm0, $0x3F800000, v0;
	s12 =	sshrl.u32 @!p0 s13, $0x3;
	s13 =	simm.s32 $0x50;
	s7 =	sadd.s32 $0x27000, s30  }
.LBB2_1:
0x13: {  	[tilespmem:s3], [sflag:$0x5] =	stream.linear.gather [hbm4b:s5+s3], $0x3E80, $0x38;
	[tilespmem:$0x8F10] =	vst v63  }
0x14: {  	_ =	swait.ge [sflag:s9], $0x3E80  }
0x15: {  	[sflag:s9] =	ssyncset.done $0x0  }
0x16: {  	s21 =	simm.s32 $0x200;
	s22 =	simm.s32 $0x0;
	[sflag:s9] =	ssyncadd.s32 $0xFFFFC180  }
.LBB2_2:
0x17: {  	p1 =	sne.s32 s21, $0x9E00;
	[tilespmem:s22+$0x4000] =	vst v0;
	s22 =	smov.u32 s21;
	s21 =	sadd.s32 $0x200, s21  }
.Ltmp0:
0x18: {  	(pc) =	sbr.rel @p1 .LBB2_2-.Ltmp0, $2  }
0x19: {  	_ =	sdelay $0x2  }
0x1a: {  	s22 =	sshra.s32 s22, $0x2  }
0x1b: {  	[tilespmem:s22+$0x4000] =	vst v0  }
0x1c: {  	[spmem:s11], [sflag:s10] =	dma.local [hbm:s4], $0x2700  }
0x1d: {  	_ =	swait.ge [sflag:s9], $0x2700  }
0x1e: {  	[sflag:s9] =	ssyncset.done $0x0  }
0x1f: {  	s21 =	simm.s32 @!p0 $0x5;
	[sflag:s9] =	ssyncadd.s32 $0xFFFFD900  }
0x20: {  	[spmem:s12], [sflag:s10] =	dma.local @!p0 [hbm:s4], $0x100  }
0x21: {  	_ =	swait.ge @!p0 [sflag:s21], $0x100  }
0x22: {  	[sflag:s21] =	ssyncset.done @!p0 $0x0  }
0x23: {  	[sflag:s21] =	ssyncadd.s32 @!p0 $0xFFFFFF00  }
0x24: {  	s28 =	simm.s32 $0x0;
	[bflag:$0x0] =	sbarrier.arrive $0xFFFF  }
0x25: {  	[spmem:s1] =	stream.indirect.scatter.add.f32 [tilespmem:s14], [sflag:$0x1], $0x10, s28, s13, $0xb8;
	[tilespmem:$0x8F10] =	vst v63  }
0x26: {  	s29 =	simm.s32 $0x80  }
0x27: {  	[spmem:s1] =	stream.indirect.scatter.add.f32 [tilespmem:s14], [sflag:$0x2], $0x10, s29, s13, $0xb8;
	[tilespmem:$0x8F10] =	vst v63  }
0x28: {  	s30 =	simm.s32 $0x100  }
0x29: {  	[spmem:s1] =	stream.indirect.scatter.add.f32 [tilespmem:s14], [sflag:$0x3], $0x10, s30, s13, $0xb8;
	[tilespmem:$0x8F10] =	vst v63  }
0x2a: {  	s31 =	simm.s32 $0x180  }
0x2b: {  	[spmem:s1] =	stream.indirect.scatter.add.f32 [tilespmem:s14], [sflag:$0x4], $0x10, s31, s13, $0xb8;
	[tilespmem:$0x8F10] =	vst v63  }
0x2c: {  	_ =	swait.ge [sflag:s15], $0x500  }
0x2d: {  	[sflag:s15] =	ssyncset.done $0x0  }
0x2e: {  	[sflag:s15] =	ssyncadd.s32 $0xFFFFFB00  }
0x2f: {  	_ =	swait.ge [sflag:s16], $0x500  }
0x30: {  	[sflag:s16] =	ssyncset.done $0x0  }
0x31: {  	[sflag:s16] =	ssyncadd.s32 $0xFFFFFB00  }
0x32: {  	_ =	swait.ge [sflag:s17], $0x500  }
0x33: {  	[sflag:s17] =	ssyncset.done $0x0  }
0x34: {  	[sflag:s17] =	ssyncadd.s32 $0xFFFFFB00  }
0x35: {  	_ =	swait.ge [sflag:s18], $0x500  }
0x36: {  	s22 =	simm.s32 $0x1000;
	s21 =	simm.s32 $0x800;
	[sflag:s18] =	ssyncset.done $0x0  }
.LBB2_4:
0x37: {  	s23 =	sshra.s32 s21, $0x2  }
0x38: {  	[sflag:s18] =	ssyncadd.s32 $0xFFFFFB00;
	s21 =	smov.u32 s22;
	s24 =	sadd.s32 $0x800, s22  }
0x39: {  	[spmem:s1] =	stream.indirect.scatter.add.f32 [tilespmem:s14], [sflag:$0x1], $0x10, s23, s13, $0xb8;
	[tilespmem:$0x8F10] =	vst v63  }
0x3a: {  	p1 =	sne.s32 s22, $0xF000;
	s22 =	sadd.s32 $0x80, s23  }
0x3b: {  	[spmem:s1] =	stream.indirect.scatter.add.f32 [tilespmem:s14], [sflag:$0x2], $0x10, s22, s13, $0xb8;
	[tilespmem:$0x8F10] =	vst v63  }
0x3c: {  	s22 =	sadd.s32 $0x100, s23  }
0x3d: {  	[spmem:s1] =	stream.indirect.scatter.add.f32 [tilespmem:s14], [sflag:$0x3], $0x10, s22, s13, $0xb8;
	[tilespmem:$0x8F10] =	vst v63  }
0x3e: {  	s22 =	sadd.s32 $0x180, s23  }
0x3f: {  	[spmem:s1] =	stream.indirect.scatter.add.f32 [tilespmem:s14], [sflag:$0x4], $0x10, s22, s13, $0xb8;
	[tilespmem:$0x8F10] =	vst v63  }
0x40: {  	_ =	swait.ge [sflag:s15], $0x500  }
0x41: {  	[sflag:s15] =	ssyncset.done $0x0  }
0x42: {  	[sflag:s15] =	ssyncadd.s32 $0xFFFFFB00  }
0x43: {  	_ =	swait.ge [sflag:s16], $0x500  }
0x44: {  	[sflag:s16] =	ssyncset.done $0x0  }
0x45: {  	[sflag:s16] =	ssyncadd.s32 $0xFFFFFB00  }
.Ltmp1:
0x46: {  	_ =	swait.ge [sflag:s17], $0x500;
	(pc) =	sbr.rel @p1 .LBB2_4-.Ltmp1, $4  }
0x47: {  	[sflag:s17] =	ssyncset.done $0x0  }
0x48: {  	[sflag:s17] =	ssyncadd.s32 $0xFFFFFB00  }
0x49: {  	_ =	swait.ge [sflag:s18], $0x500  }
0x4a: {  	s22 =	smov.u32 s24;
	[sflag:s18] =	ssyncset.done $0x0  }
0x4b: {  	s21 =	sshra.s32 s21, $0x2;
	[sflag:s18] =	ssyncadd.s32 $0xFFFFFB00  }
0x4c: {  	[spmem:s1] =	stream.indirect.scatter.add.f32 [tilespmem:s14], [sflag:$0x1], $0x10, s21, s13, $0xb8;
	[tilespmem:$0x8F10] =	vst v63  }
0x4d: {  	s22 =	sadd.s32 $0x80, s21  }
0x4e: {  	[spmem:s1] =	stream.indirect.scatter.add.f32 [tilespmem:s14], [sflag:$0x2], $0x10, s22, s13, $0xb8;
	[tilespmem:$0x8F10] =	vst v63  }
0x4f: {  	s31 =	sadd.s32 $0x100, s21  }
0x50: {  	[spmem:s1] =	stream.indirect.scatter.add.f32 [tilespmem:s14], [sflag:$0x3], $0x10, s31, s13, $0xb8;
	[tilespmem:$0x8F10] =	vst v63  }
0x51: {  	s21 =	sadd.s32 $0x180, s21  }
0x52: {  	[spmem:s1] =	stream.indirect.scatter.add.f32 [tilespmem:s14], [sflag:$0x4], $0x10, s21, s13, $0xb8;
	[tilespmem:$0x8F10] =	vst v63  }
0x53: {  	_ =	swait.ge [sflag:s15], $0x500  }
0x54: {  	[sflag:s15] =	ssyncset.done $0x0  }
0x55: {  	[sflag:s15] =	ssyncadd.s32 $0xFFFFFB00  }
0x56: {  	_ =	swait.ge [sflag:s16], $0x500  }
0x57: {  	[sflag:s16] =	ssyncset.done $0x0  }
0x58: {  	[sflag:s16] =	ssyncadd.s32 $0xFFFFFB00  }
0x59: {  	_ =	swait.ge [sflag:s17], $0x500  }
0x5a: {  	[sflag:s17] =	ssyncset.done $0x0  }
0x5b: {  	[sflag:s17] =	ssyncadd.s32 $0xFFFFFB00  }
0x5c: {  	_ =	swait.ge [sflag:s18], $0x500  }
0x5d: {  	[sflag:s18] =	ssyncset.done $0x0  }
0x5e: {  	[sflag:s18] =	ssyncadd.s32 $0xFFFFFB00  }
0x5f: {  	[spmem:s1] =	stream.indirect.scatter.add.f32 [tilespmem:s14], [sflag:$0x5], $0x10, s19, s13, $0xb8;
	[tilespmem:$0x8F10] =	vst v63  }
0x60: {  	_ =	swait.ge [sflag:s9], $0x500  }
0x61: {  	[sflag:s9] =	ssyncset.done $0x0  }
0x62: {  	[sflag:s9] =	ssyncadd.s32 $0xFFFFFB00  }
0x63: {  	[bflag:$0x0] =	sbarrier.arrive $0xFFFF  }
0x64: {  	[hbm:s6], [sflag:s10] =	dma.local [spmem:s11], $0x2700  }
0x65: {  	s20 =	sadd.s32 $0x1, s20;
	_ =	swait.ge [sflag:s9], $0x2700  }
0x66: {  	p1 =	sne.s32 s20, s8;
	[sflag:s9] =	ssyncset.done $0x0  }
.Ltmp2:
0x67: {  	s21 =	simm.s32 @!p0 $0x5;
	[sflag:s9] =	ssyncadd.s32 $0xFFFFD900;
	(pc) =	sbr.rel @p1 .LBB2_1-.Ltmp2, $4  }
0x68: {  	[hbm:s7], [sflag:s10] =	dma.local @!p0 [spmem:s12], $0x100  }
0x69: {  	_ =	swait.ge @!p0 [sflag:s21], $0x100  }
0x6a: {  	[sflag:s21] =	ssyncset.done @!p0 $0x0  }
0x6b: {  	[sflag:s21] =	ssyncadd.s32 @!p0 $0xFFFFFF00  }
0x6c: {  	_ =	sfence.sel $0x180000  }
0x6d: {  	[bflag:$0x0] =	sbarrier.arrive $0xFFFF  }
0x6e: {  	p0 =	sne.s32 s2, $0x0;
	_ =	strace $0x90000047  }
0x6f: {  	s0 =	sadd.s32 @!p0 $0x100000, s0;
	[bflag:$0x2] =	sbarrier.arrive $0xFFFF  }
0x70: {  	[sflag:s0] =	ssyncadd.tile.s32 @!p0 $0x1;
	_ =	shalt  }
.Lfunc_end2:
_tile_overlayer_lowered:
.L_overlay_start_2:
0x71: {  	(tag) =	ssettag $0x2  }
0x72: {  	s0 =	rddreg [dreg:$0x0];
	s2 =	stileid.u32  }
0x73: {  	s1 =	rddreg [dreg:$0x1];
	p0 =	sne.s32 s2, $0x0  }
0x74: {  	s3 =	rddreg [dreg:$0x2];
	[bflag:$0x3] =	sbarrier.arrive $0xFFFF;
	s2 =	simm.s32 @!p0 $0x1C05  }
0x75: {  	[timem:s3], [sflag:s2] =	dma.local @!p0 [hbm:s0], s1  }
0x76: {  	s0 =	simm.s32 @!p0 $0x5  }
0x77: {  	_ =	swait.ge @!p0 [sflag:s0], s1  }
0x78: {  	s1 =	ssub.s32 @!p0 $0x0, s1;
	[sflag:s0] =	ssyncset.done @!p0 $0x0  }
0x79: {  	[sflag:s0] =	ssyncadd.s32 @!p0 s1  }
0x7a: {  	[bflag:$0x3] =	sbarrier.arrive $0xFFFF  }
0x7b: {  	_ =	shalt  }

// kernel: kernel.15.cloned.1.call-start
scs
__scs_entry_jumppad:
0x0: {  	(pc) =	sbr.rel $0x88, $3  }
0x1: {  	(tag) =	ssettag $0x0;
	lr =	simm.s32 $0x1  }
0x2: {  	[smem:$0x3F9A] =	sst lr;
	_ =	strace $0xD0000000  }
0x3: {  	_ = 	snop  }
0x4: {  	_ = 	snop  }
0x5: {  	_ = 	snop  }
0x6: {  	_ = 	snop  }
0x7: {  	_ = 	snop  }
__scs_overlays_trampoline_lowered:
0x8: {  	[smem:$0x3FA9] =	sst s0  }
0x9: {  	[smem:$0x3FAA] =	sst s1  }
0xa: {  	[smem:$0x3FAB] =	sst s2  }
0xb: {  	[smem:$0x3FAC] =	sst s3  }
0xc: {  	[smem:$0x3FAD] =	sst s4  }
0xd: {  	[smem:$0x3FAE] =	sst s5  }
0xe: {  	[smem:$0x3FAF] =	sst s6  }
0xf: {  	[smem:$0x3FB0] =	sst s7  }
0x10: {  	[smem:$0x3FB1] =	sst s8  }
0x11: {  	[smem:$0x3FB2] =	sst s9;
	s0 =	simm.s32 @!p0 $0x0  }
0x12: {  	s1 =	sld [smem:$0x3F98];
	s0 =	simm.s32 @p0 $0x1  }
0x13: {  	[smem:$0x3FB3] =	sst s0;
	s0 =	simm.s32 @!p1 $0x0  }
0x14: {  	s2 =	sld [smem:$0x3F97];
	s0 =	simm.s32 @p1 $0x1  }
0x15: {  	[smem:$0x3FB4] =	sst s0;
	s0 =	simm.s32 @!p2 $0x0  }
0x16: {  	s3 =	sld [smem:$0x3FDB];
	s0 =	simm.s32 @p2 $0x1  }
0x17: {  	s4 =	simm.s32 $0x1BF5;
	[smem:$0x3FB6] =	sst s0  }
0x18: {  	s0 =	sld [smem:$0x3F99];
	_ =	swait.ge [sflag:s4], $0x0  }
0x19: {  	s7 =	sld [smem:$0x3F9A]  }
0x1a: {  	s8 =	sadd.s32 $0xFFFFE003, lr  }
0x1b: {  	s9 =	sadd.s32 $0xFFFFFEF7, lr;
	s5 =	simm.s32 $0xFFFFFFFF;
	p2 =	slt.u32 s8, $0xFFFFF086  }
0x1c: {  	p1 =	slt.u32 s9, $0xF7A;
	s5 =	simm.s32 @!p2 $0x0  }
0x1d: {  	s5 =	simm.s32 @p1 $0x1;
	p0 =	seq.s32 s7, s2  }
0x1e: {  	s7 =	smul.u32 @!p0 $0xF7A, s2;
	p2 =	seq.s32 @!p0 s5, $0x0  }
0x1f: {  	s9 =	smul.u32 $0xF7A, s1;
	s8 =	simm.s32 @!p0 $0x1BF5;
	p2 =	por !p2, p0  }
0x20: {  	[sflag:s8] =	ssyncset.s32 @!p0 $0xFFFFF086;
	s6 =	sadd.s32 @!p0 s3, s7;
	s7 =	simm.s32 @!p0 $0x108  }
0x21: {  	s3 =	sadd.s32 s3, s9;
	s6 =	sadd.s32 @!p0 $0x88, s6;
	s7 =	simm.s32 @p2 $0x1082  }
0x22: {  	[simem:s7], [sflag:s8] =	dma.local @!p0 [hbm:s6], $0xF7A  }
0x23: {  	s9 =	sor.u32 $0xD0000000, s2;
	s6 =	simm.s32 $0x108;
	_ =	swait.ge @!p0 [sflag:s8], $0x0  }
0x24: {  	s3 =	sadd.s32 $0x88, s3;
	s6 =	simm.s32 @!p1 $0x1082;
	[sflag:s4] =	ssyncset.s32 $0xFFFFF086  }
0x25: {  	[simem:s6], [sflag:s4] =	dma.local [hbm:s3], $0xF7A  }
0x26: {  	[smem:$0x3F9A] =	sst s1;
	(tag) =	ssettag s2;
	_ =	strace s9  }
0x27: {  	s1 =	sld [smem:$0x3FAA]  }
0x28: {  	s2 =	sld [smem:$0x3FAB]  }
0x29: {  	s4 =	sld [smem:$0x3FAD]  }
0x2a: {  	p0 =	seq.s32 s5, $0x0;
	s5 =	sld [smem:$0x3FAE]  }
0x2b: {  	s6 =	sld [smem:$0x3FAF]  }
0x2c: {  	s7 =	sld [smem:$0x3FB0]  }
0x2d: {  	s3 =	simm.s32 $0x108;
	s8 =	sld [smem:$0x3FB1]  }
0x2e: {  	s3 =	simm.s32 @!p0 $0x1082;
	s9 =	sld [smem:$0x3FB2]  }
0x2f: {  	lr =	sadd.s32 s0, s3;
	s0 =	sld [smem:$0x3FA9]  }
0x30: {  	s3 =	sld [smem:$0x3FAC]  }
0x31: {  	[smem:$0x3FB5] =	sst s10  }
0x32: {  	s10 =	sld [smem:$0x3FB3];
	_ =	sdelay $0x3  }
0x33: {  	p0 =	seq.s32 s10, $0x1;
	s10 =	sld [smem:$0x3FB5];
	_ =	sdelay $0x3  }
0x34: {  	[smem:$0x3FB5] =	sst s10  }
0x35: {  	s10 =	sld [smem:$0x3FB4];
	_ =	sdelay $0x3  }
0x36: {  	p1 =	seq.s32 s10, $0x1;
	s10 =	sld [smem:$0x3FB5];
	_ =	sdelay $0x3  }
0x37: {  	[smem:$0x3FB5] =	sst s10  }
0x38: {  	s10 =	sld [smem:$0x3FB6]  }
0x39: {  	_ = 	snop;
	(pc) =	sbr.ind lr, $3  }
0x3a: {  	_ = 	snop  }
0x3b: {  	_ = 	snop  }
0x3c: {  	p2 =	seq.s32 s10, $0x1;
	s10 =	sld [smem:$0x3FB5]  }
0x3d: {  	_ =	shalt  }
0x3e: {  	_ =	shalt  }
0x3f: {  	_ =	shalt  }
0x40: {  	_ =	shalt  }
0x41: {  	_ =	shalt  }
0x42: {  	_ =	shalt  }
0x43: {  	_ =	shalt  }
0x44: {  	_ =	shalt  }
0x45: {  	_ =	shalt  }
0x46: {  	_ =	shalt  }
0x47: {  	_ =	shalt  }
0x48: {  	_ =	shalt  }
0x49: {  	_ =	shalt  }
0x4a: {  	_ =	shalt  }
0x4b: {  	_ =	shalt  }
0x4c: {  	_ =	shalt  }
0x4d: {  	_ =	shalt  }
0x4e: {  	_ =	shalt  }
0x4f: {  	_ =	shalt  }
0x50: {  	_ =	shalt  }
0x51: {  	_ =	shalt  }
0x52: {  	_ =	shalt  }
0x53: {  	_ =	shalt  }
0x54: {  	_ =	shalt  }
0x55: {  	_ =	shalt  }
0x56: {  	_ =	shalt  }
0x57: {  	_ =	shalt  }
0x58: {  	_ =	shalt  }
0x59: {  	_ =	shalt  }
0x5a: {  	_ =	shalt  }
0x5b: {  	_ =	shalt  }
0x5c: {  	_ =	shalt  }
0x5d: {  	_ =	shalt  }
0x5e: {  	_ =	shalt  }
0x5f: {  	_ =	shalt  }
0x60: {  	_ =	shalt  }
0x61: {  	_ =	shalt  }
0x62: {  	_ =	shalt  }
0x63: {  	_ =	shalt  }
0x64: {  	_ =	shalt  }
0x65: {  	_ =	shalt  }
0x66: {  	_ =	shalt  }
0x67: {  	_ =	shalt  }
0x68: {  	_ =	shalt  }
0x69: {  	_ =	shalt  }
0x6a: {  	_ =	shalt  }
0x6b: {  	_ =	shalt  }
0x6c: {  	_ =	shalt  }
0x6d: {  	_ =	shalt  }
0x6e: {  	_ =	shalt  }
0x6f: {  	_ =	shalt  }
0x70: {  	_ =	shalt  }
0x71: {  	_ =	shalt  }
0x72: {  	_ =	shalt  }
0x73: {  	_ =	shalt  }
0x74: {  	_ =	shalt  }
0x75: {  	_ =	shalt  }
0x76: {  	_ =	shalt  }
0x77: {  	_ =	shalt  }
0x78: {  	_ =	shalt  }
0x79: {  	_ =	shalt  }
0x7a: {  	_ =	shalt  }
0x7b: {  	_ =	shalt  }
0x7c: {  	_ =	shalt  }
0x7d: {  	_ =	shalt  }
0x7e: {  	_ =	shalt  }
0x7f: {  	_ =	shalt  }
0x80: {  	_ =	shalt  }
0x81: {  	_ =	shalt  }
0x82: {  	_ =	shalt  }
0x83: {  	_ =	shalt  }
0x84: {  	_ =	shalt  }
0x85: {  	_ =	shalt  }
0x86: {  	_ =	shalt  }
0x87: {  	_ =	shalt  }
.Lfunc_end0:
.L_simem_size_0:
called_computation.1_lowered:
.L_overlay_start_0:
0x88: {  	s2 =	sld [smem:$0x3FD9]  }
0x89: {  	s3 =	sld [smem:$0x3FFE];
	_ =	sdelay $0x1  }
0x8a: {  	s1 =	srdreg.scid  }
0x8b: {  	s0 =	sand.u32 $0x1, s1  }
0x8c: {  	s17 =	sshll.u32 s0, $0xA;
	s2 =	sadd.s32 s3, s2  }
0x8d: {  	s2 =	sadd.s32 s2, s17  }
0x8e: {  	[smem:$0x3FC1] =	sst s2  }
0x8f: {  	_ = 	snop  }
0x90: {  	s2 =	sld [smem:$0x3FD0];
	(tm) =	ssettm $0x1  }
0x91: {  	s18 =	sld [smem:$0x3FFB];
	_ =	sdelay $0x3  }
0x92: {  	_ =	strace s18  }
0x93: {  	s3 =	sld [smem:$0x3FFC];
	_ =	sdelay $0x3  }
0x94: {  	_ =	strace s3  }
0x95: {  	s3 =	sld [smem:$0x3FFD];
	_ =	sdelay $0x3  }
0x96: {  	_ =	strace s3  }
0x97: {  	_ =	strace $0x8FFFFFFF  }
0x98: {  	s19 =	sld [smem:$0x3FDB];
	_ =	sdelay $0x1  }
0x99: {  	s4 =	simm.s32 $_scs_section_size  }
0x9a: {  	s5 =	simm.s32 $_size__tile_overlayer_lowered;
	s6 =	simm.s32 $_tile_overlayer_lowered  }
0x9b: {  	s22 =	simm.s32 $0x1BFF;
	s21 =	sshll.u32 s6, $0x1;
	s3 =	sadd.s32 s4, s19  }
0x9c: {  	s7 =	simm.s32 $0x0;
	s20 =	sshll.u32 s5, $0x1;
	s5 =	sadd.s32 s21, s3  }
0x9d: {  	[timem:s7], [sflag:s22] =	dma.local [hbm:s5], s20  }
0x9e: {  	_ =	swait.ge [sflag:s22], s20  }
0x9f: {  	s4 =	ssub.s32 $0x0, s20;
	[sflag:s22] =	ssyncset.done $0x0  }
0xa0: {  	[sflag:s22] =	ssyncadd.s32 s4;
	_ =	sdelay $0x1  }
0xa1: {  	s23 =	simm.s32 $0x1B8B  }
0xa2: {  	_ =	swait.ge [sflag:s23], $0x1  }
0xa3: {  	[sflag:s23] =	ssyncset.done $0x0  }
0xa4: {  	s25 =	simm.s32 $0x1B8E;
	s24 =	sld [smem:$0x3FFE];
	[sflag:s23] =	ssyncadd.s32 $0xFFFFFFFF  }
0xa5: {  	s26 =	simm.s32 $execute0_lowered;
	[smem:$0x3FD2] =	sst s25  }
0xa6: {  	s5 =	sshll.u32 s26, $0x1;
	_ =	strace $0x80000049;
	[dreg:$0x1] =	wrdreg $0xFFFFFFFF  }
0xa7: {  	s28 =	simm.s32 $_size_execute0_lowered;
	s3 =	sadd.s32 s3, s5;
	[dreg:$0x0] =	wrdreg $0x0  }
0xa8: {  	s5 =	sshll.u32 s28, $0x1;
	[dreg:$0x2] =	wrdreg s3  }
0xa9: {  	[dreg:$0x3] =	wrdreg s5  }
0xaa: {  	[dreg:$0x4] =	wrdreg $0xC0  }
0xab: {  	_ =	task [dreg:s7], $0x5FFFF  }
0xac: {  	[dreg:$0x1] =	wrdreg $0xFFFFFFFF  }
0xad: {  	[dreg:$0x0] =	wrdreg $0x60  }
0xae: {  	[dreg:$0x2] =	wrdreg s24  }
0xaf: {  	[dreg:$0x3] =	wrdreg s2  }
0xb0: {  	[dreg:$0x4] =	wrdreg $0xB7800  }
0xb1: {  	[dreg:$0x5] =	wrdreg $0x9  }
0xb2: {  	_ =	task.clear_ibuf [dreg:s7], $0x6FFFF;
	_ =	strace $0x90000049  }
0xb3: {  	s29 =	simm.s32 $0x9;
	_ =	strace $0x8000004B  }
0xb4: {  	_ =	swait.ge [sflag:s29], $0x1  }
0xb5: {  	[sflag:s29] =	ssyncadd.s32 $0xFFFFFFFF  }
0xb6: {  	_ =	strace $0x9000004B  }
0xb7: {  	_ =	sfence  }
0xb8: {  	s30 =	sld [smem:$0x0];
	_ =	sdelay $0x2  }
0xb9: {  	s31 =	sshll.u32 s1, $0xD;
	s1 =	sshrl.u32 s1, $0x2  }
0xba: {  	s3 =	sand.u32 $0x4000, s31;
	s1 =	sadd.s32 s1, s30  }
0xbb: {  	s0 =	sor.u32 s3, s0;
	s1 =	sshll.u32 s1, $0x11  }
0xbc: {  	s0 =	sor.u32 s1, s0  }
0xbd: {  	s0 =	sadd.s32 $0x8F2B, s0  }
0xbe: {  	[sflag:s0] =	ssyncadd.remote.s32 $0x1  }
0xbf: {  	_ =	sfence.sel $0xFFFF  }
0xc0: {  	[dreg:$0x0] =	wrdreg $0xFFFFFFFF;
	(pc) =	sbr.abs _section_cstart, $3  }
0xc1: {  	[dreg:$0x1] =	wrdreg $0xFFFFFFFF  }
0xc2: {  	_ =	task.clear_ibuf [dreg:s7], $0x2FFFF;
	_ =	strace $0x9FFFFFFF  }
0xc3: {  	(tm) =	ssettm $0x7FFFFFFF  }
tec
execute0_lowered:
.L_overlay_start_1:
0x0: {  	(tag) =	ssettag $0x1  }
0x1: {  	s0 =	srdreg.scid  }
0x2: {  	s14 =	stileid.u32;
	s1 =	rddreg [dreg:$0x0]  }
0x3: {  	s6 =	rddreg [dreg:$0x1];
	s18 =	simm.s32 $0x9;
	s19 =	simm.s32 $0x28  }
0x4: {  	s20 =	simm.s32 $0x6780;
	s21 =	simm.s32 $0x7B80;
	s28 =	simm.s32 $0x1  }
0x5: {  	s29 =	simm.s32 $0x2;
	s30 =	simm.s32 $0x3;
	s31 =	simm.s32 $0x4  }
0x6: {  	s15 =	simm.s32 $0x8;
	s16 =	simm.s32 $0x0;
	s11 =	smul.u32 $0x2700, s14  }
0x7: {  	s0 =	sand.u32 $0x1, s0;
	s3 =	sshrl.u32 s14, $0x2;
	s22 =	smul.u32 $0x4E000, s14  }
0x8: {  	s2 =	sshll.u32 s14, $0x1;
	p0 =	sne.s32 s14, $0xF;
	s4 =	smul.u32 $0x13C00, s3  }
0x9: {  	s7 =	sor.u32 s0, s2;
	s2 =	rddreg [dreg:$0x2];
	s12 =	smul.u32 $0x138800, s0  }
0xa: {  	s3 =	simm.s32 $0x0;
	s9 =	ssub.s32 $0x2, s0;
	s0 =	smul.u32 $0x27100, s0  }
0xb: {  	s5 =	sshll.u32 s7, $0x7;
	[smem:$0x7FF] =	sst s3;
	s10 =	sshrl.u32 s9, $0x1  }
0xc: {  	s7 =	sshll.u32 s7, $0xB;
	s23 =	sshrl.u32 s22, $0x2;
	s26 =	sadd.s32 $0x138000, s2  }
0xd: {  	s22 =	simm.s32 $0xB;
	s5 =	sand.u32 $0x380, s5;
	_ =	strace $0x8000004A  }
0xe: {  	s9 =	ssub.s32 s9, s10;
	s6 =	sadd.s32 s6, s7;
	s24 =	sshrl.u32 s12, $0x3  }
0xf: {  	s0 =	sadd.s32 s11, s0;
	[dreg:$0x7] =	wrdreg s26;
	s26 =	simm.s32 $0xA  }
0x10: {  	s4 =	sor.u32 s4, s5;
	[dreg:$0x5] =	wrdreg s6;
	s6 =	sadd.s32 s23, s2  }
0x11: {  	s13 =	smax.u32 s9, $0x1;
	s23 =	simm.s32 $0x8F80;
	s5 =	sshrl.u32 s4, $0x3  }
0x12: {  	s4 =	sadd.s32 $0x3200, s1;
	s17 =	sshrl.u32 s6, $0x3;
	s8 =	sadd.s32 s5, s1  }
0x13: {  	s5 =	sadd.s32 $0x2A400, s1;
	s1 =	sadd.s32 $0x5DA00, s1;
	s8 =	sadd.s32 $0x53C00, s8  }
0x14: {  	s7 =	sadd.s32 s1, s24;
	s0 =	sadd.s32 s1, s0;
	[dreg:$0x4] =	wrdreg s8  }
0x15: {  	s1 =	simm.s32 $0x5;
	s8 =	sshll.u32 s14, $0x6;
	[dreg:$0x8] =	wrdreg s0  }
0x16: {  	s12 =	sadd.s32 $0x27000, s7;
	s0 =	simm.s32 $0x6;
	s25 =	sor.u32 $0x1C0A, s8  }
0x17: {  	s14 =	simm.s32 $0x7;
	[dreg:$0x6] =	wrdreg s25;
	s25 =	simm.s32 $0xA380  }
.LBB2_1:
0x18: {  	s6 =	rddreg [dreg:$0x4]  }
0x19: {  	s7 =	simm.s32 $0x80;
	s9 =	simm.s32 $0x400;
	s11 =	rddreg [dreg:$0x6]  }
0x1a: {  	[tilespmem:s3], [sflag:$0x9] =	stream.strided.gather [hbm4b:s6+s7], $0x2780, s9, s7, $0x38;
	[tilespmem:$0x1F000] =	vst v63  }
0x1b: {  	s10 =	simm.s32 $0x2780;
	s9 =	rddreg [dreg:$0x5]  }
0x1c: {  	[tilespmem:s10], [sflag:$0xA] =	stream.linear.gather [hbm4b:s9+s3], $0x3E80, $0x38;
	[tilespmem:$0x1F000] =	vst v63  }
0x1d: {  	[spmem:s17], [sflag:s11] =	dma.local [hbm:s5], $0x2700  }
0x1e: {  	_ =	swait.ge [sflag:s18], $0x2780  }
0x1f: {  	[sflag:s18] =	ssyncset.done $0x0  }
0x20: {  	[sflag:s18] =	ssyncadd.s32 $0xFFFFD880  }
0x21: {  	[tilespmem:s20], [sflag:$0x1] =	stream.indirect.gather [hbm4b:s4+s19], $0x80, s3, s19, $0xb8;
	[tilespmem:$0x1F000] =	vst v63  }
0x22: {  	_ = 	snop  }
0x23: {  	[tilespmem:s21], [sflag:$0x2] =	stream.indirect.gather [hbm4b:s4+s19], $0x80, s19, s19, $0xb8;
	[tilespmem:$0x1F000] =	vst v63  }
0x24: {  	s24 =	simm.s32 $0x50;
	s6 =	rddreg [dreg:$0x7]  }
0x25: {  	[tilespmem:s23], [sflag:$0x3] =	stream.indirect.gather [hbm4b:s4+s19], $0x80, s24, s19, $0xb8;
	[tilespmem:$0x1F000] =	vst v63  }
0x26: {  	s7 =	simm.s32 $0x78;
	s24 =	sshrl.u32 @!p0 s6, $0x3;
	s6 =	simm.s32 @!p0 $0x1FCB  }
0x27: {  	[tilespmem:s25], [sflag:$0x4] =	stream.indirect.gather [hbm4b:s4+s19], $0x80, s7, s19, $0xb8;
	[tilespmem:$0x1F000] =	vst v63  }
0x28: {  	[spmem:s24], [sflag:s6] =	dma.local @!p0 [hbm:s5], $0x100  }
0x29: {  	s6 =	simm.s32 @!p0 $0xB  }
0x2a: {  	_ =	swait.ge @!p0 [sflag:s6], $0x100  }
0x2b: {  	[sflag:s6] =	ssyncset.done @!p0 $0x0  }
0x2c: {  	[sflag:s6] =	ssyncadd.s32 @!p0 $0xFFFFFF00  }
0x2d: {  	_ =	swait.ge [sflag:s26], $0x3E80  }
0x2e: {  	[sflag:s26] =	ssyncset.done $0x0  }
0x2f: {  	[sflag:s26] =	ssyncadd.s32 $0xFFFFC180  }
0x30: {  	_ =	swait.ge [sflag:s26], $0x2700  }
0x31: {  	[sflag:s26] =	ssyncset.done $0x0  }
0x32: {  	[sflag:s26] =	ssyncadd.s32 $0xFFFFD900  }
0x33: {  	[bflag:$0x0] =	sbarrier.arrive $0xFFFF  }
0x34: {  	_ =	swait.ge [sflag:s28], $0x1400  }
0x35: {  	[sflag:s28] =	ssyncset.done $0x0  }
0x36: {  	s9 =	simm.s32 $0x2780;
	[sflag:s28] =	ssyncadd.s32 $0xFFFFEC00  }
0x37: {  	[spmem:s2] =	stream.indirect.scatter.add.f32 [tilespmem:s20], [sflag:$0x5], $0x80, s9, s19, $0xb8;
	[tilespmem:$0x1F000] =	vst v63  }
0x38: {  	_ =	swait.ge [sflag:s29], $0x1400  }
0x39: {  	[sflag:s29] =	ssyncset.done $0x0  }
0x3a: {  	s10 =	simm.s32 $0x27A8;
	[sflag:s29] =	ssyncadd.s32 $0xFFFFEC00  }
0x3b: {  	[spmem:s2] =	stream.indirect.scatter.add.f32 [tilespmem:s21], [sflag:$0x6], $0x80, s10, s19, $0xb8;
	[tilespmem:$0x1F000] =	vst v63  }
0x3c: {  	_ =	swait.ge [sflag:s30], $0x1400  }
0x3d: {  	[sflag:s30] =	ssyncset.done $0x0  }
0x3e: {  	s11 =	simm.s32 $0x2800;
	[sflag:s30] =	ssyncadd.s32 $0xFFFFEC00  }
0x3f: {  	[spmem:s2] =	stream.indirect.scatter.add.f32 [tilespmem:s23], [sflag:$0x7], $0x80, s11, s19, $0xb8;
	[tilespmem:$0x1F000] =	vst v63  }
0x40: {  	_ =	swait.ge [sflag:s31], $0x1400  }
0x41: {  	[sflag:s31] =	ssyncset.done $0x0  }
0x42: {  	s7 =	simm.s32 $0x2828;
	[sflag:s31] =	ssyncadd.s32 $0xFFFFEC00  }
0x43: {  	[spmem:s2] =	stream.indirect.scatter.add.f32 [tilespmem:s25], [sflag:$0x8], $0x80, s7, s19, $0xb8;
	[tilespmem:$0x1F000] =	vst v63  }
0x44: {  	_ =	swait.ge [sflag:s1], $0x1400  }
0x45: {  	[sflag:s1] =	ssyncset.done $0x0  }
0x46: {  	s9 =	simm.s32 $0xA0;
	[sflag:s1] =	ssyncadd.s32 $0xFFFFEC00  }
0x47: {  	[tilespmem:s20], [sflag:$0x1] =	stream.indirect.gather [hbm4b:s4+s19], $0x80, s9, s19, $0xb8;
	[tilespmem:$0x1F000] =	vst v63  }
0x48: {  	_ =	swait.ge [sflag:s0], $0x1400  }
0x49: {  	[sflag:s0] =	ssyncset.done $0x0  }
0x4a: {  	s10 =	simm.s32 $0xC8;
	[sflag:s0] =	ssyncadd.s32 $0xFFFFEC00  }
0x4b: {  	[tilespmem:s21], [sflag:$0x2] =	stream.indirect.gather [hbm4b:s4+s19], $0x80, s10, s19, $0xb8;
	[tilespmem:$0x1F000] =	vst v63  }
0x4c: {  	_ =	swait.ge [sflag:s14], $0x1400  }
0x4d: {  	[sflag:s14] =	ssyncset.done $0x0  }
0x4e: {  	s11 =	simm.s32 $0xF0;
	[sflag:s14] =	ssyncadd.s32 $0xFFFFEC00  }
0x4f: {  	[tilespmem:s23], [sflag:$0x3] =	stream.indirect.gather [hbm4b:s4+s19], $0x80, s11, s19, $0xb8;
	[tilespmem:$0x1F000] =	vst v63  }
0x50: {  	_ =	swait.ge [sflag:s15], $0x1400  }
0x51: {  	s6 =	simm.s32 $0x118;
	[sflag:s15] =	ssyncset.done $0x0  }
0x52: {  	s7 =	simm.s32 $0x400;
	s9 =	simm.s32 $0x1B8;
	[sflag:s15] =	ssyncadd.s32 $0xFFFFEC00  }
.LBB2_2:
0x53: {  	[tilespmem:s25], [sflag:$0x4] =	stream.indirect.gather [hbm4b:s4+s19], $0x80, s6, s19, $0xb8;
	[tilespmem:$0x1F000] =	vst v63  }
0x54: {  	s10 =	smov.u32 s7;
	s6 =	smov.u32 s9  }
0x55: {  	p1 =	sne.s32 s7, $0xF000;
	s7 =	sadd.s32 $0x400, s7;
	_ =	swait.ge [sflag:s28], $0x1400  }
0x56: {  	s10 =	sshra.s32 s10, $0x2;
	[sflag:s28] =	ssyncset.done $0x0  }
0x57: {  	s11 =	sadd.s32 $0x2780, s10;
	[sflag:s28] =	ssyncadd.s32 $0xFFFFEC00  }
0x58: {  	[spmem:s2] =	stream.indirect.scatter.add.f32 [tilespmem:s20], [sflag:$0x5], $0x80, s11, s19, $0xb8;
	[tilespmem:$0x1F000] =	vst v63  }
0x59: {  	_ =	swait.ge [sflag:s29], $0x1400  }
0x5a: {  	[sflag:s29] =	ssyncset.done $0x0  }
0x5b: {  	s11 =	sadd.s32 $0x27A8, s10;
	[sflag:s29] =	ssyncadd.s32 $0xFFFFEC00  }
0x5c: {  	[spmem:s2] =	stream.indirect.scatter.add.f32 [tilespmem:s21], [sflag:$0x6], $0x80, s11, s19, $0xb8;
	[tilespmem:$0x1F000] =	vst v63  }
0x5d: {  	_ =	swait.ge [sflag:s30], $0x1400  }
0x5e: {  	[sflag:s30] =	ssyncset.done $0x0  }
0x5f: {  	s11 =	sadd.s32 $0x2800, s10;
	[sflag:s30] =	ssyncadd.s32 $0xFFFFEC00  }
0x60: {  	[spmem:s2] =	stream.indirect.scatter.add.f32 [tilespmem:s23], [sflag:$0x7], $0x80, s11, s19, $0xb8;
	[tilespmem:$0x1F000] =	vst v63  }
0x61: {  	_ =	swait.ge [sflag:s31], $0x1400  }
0x62: {  	[sflag:s31] =	ssyncset.done $0x0  }
0x63: {  	s10 =	sadd.s32 $0x2828, s10;
	[sflag:s31] =	ssyncadd.s32 $0xFFFFEC00  }
0x64: {  	[spmem:s2] =	stream.indirect.scatter.add.f32 [tilespmem:s25], [sflag:$0x8], $0x80, s10, s19, $0xb8;
	[tilespmem:$0x1F000] =	vst v63  }
0x65: {  	_ =	swait.ge [sflag:s1], $0x1400  }
0x66: {  	[sflag:s1] =	ssyncset.done $0x0  }
0x67: {  	s10 =	sadd.s32 $0xFFFFFF88, s9;
	[sflag:s1] =	ssyncadd.s32 $0xFFFFEC00  }
0x68: {  	[tilespmem:s20], [sflag:$0x1] =	stream.indirect.gather [hbm4b:s4+s19], $0x80, s10, s19, $0xb8;
	[tilespmem:$0x1F000] =	vst v63  }
0x69: {  	_ =	swait.ge [sflag:s0], $0x1400  }
0x6a: {  	[sflag:s0] =	ssyncset.done $0x0  }
0x6b: {  	s10 =	sadd.s32 $0xFFFFFFB0, s9;
	[sflag:s0] =	ssyncadd.s32 $0xFFFFEC00  }
0x6c: {  	[tilespmem:s21], [sflag:$0x2] =	stream.indirect.gather [hbm4b:s4+s19], $0x80, s10, s19, $0xb8;
	[tilespmem:$0x1F000] =	vst v63  }
0x6d: {  	_ =	swait.ge [sflag:s14], $0x1400  }
0x6e: {  	[sflag:s14] =	ssyncset.done $0x0  }
.Ltmp0:
0x6f: {  	s10 =	sadd.s32 $0xFFFFFFD8, s9;
	[sflag:s14] =	ssyncadd.s32 $0xFFFFEC00;
	(pc) =	sbr.rel @p1 .LBB2_2-.Ltmp0, $4  }
0x70: {  	[tilespmem:s23], [sflag:$0x3] =	stream.indirect.gather [hbm4b:s4+s19], $0x80, s10, s19, $0xb8;
	[tilespmem:$0x1F000] =	vst v63  }
0x71: {  	_ =	swait.ge [sflag:s15], $0x1400  }
0x72: {  	[sflag:s15] =	ssyncset.done $0x0  }
0x73: {  	s9 =	sadd.s32 $0xA0, s9;
	[sflag:s15] =	ssyncadd.s32 $0xFFFFEC00  }
0x74: {  	[tilespmem:s25], [sflag:$0x4] =	stream.indirect.gather [hbm4b:s4+s19], $0x80, s6, s19, $0xb8;
	[tilespmem:$0x1F000] =	vst v63  }
0x75: {  	_ =	swait.ge [sflag:s28], $0x1400  }
0x76: {  	[sflag:s28] =	ssyncset.done $0x0  }
0x77: {  	s7 =	simm.s32 $0x6480;
	[sflag:s28] =	ssyncadd.s32 $0xFFFFEC00  }
0x78: {  	[spmem:s2] =	stream.indirect.scatter.add.f32 [tilespmem:s20], [sflag:$0x5], $0x80, s7, s19, $0xb8;
	[tilespmem:$0x1F000] =	vst v63  }
0x79: {  	_ =	swait.ge [sflag:s29], $0x1400  }
0x7a: {  	[sflag:s29] =	ssyncset.done $0x0  }
0x7b: {  	s9 =	simm.s32 $0x64A8;
	[sflag:s29] =	ssyncadd.s32 $0xFFFFEC00  }
0x7c: {  	[spmem:s2] =	stream.indirect.scatter.add.f32 [tilespmem:s21], [sflag:$0x6], $0x80, s9, s19, $0xb8;
	[tilespmem:$0x1F000] =	vst v63  }
0x7d: {  	_ =	swait.ge [sflag:s30], $0x1400  }
0x7e: {  	[sflag:s30] =	ssyncset.done $0x0  }
0x7f: {  	s10 =	simm.s32 $0x6500;
	[sflag:s30] =	ssyncadd.s32 $0xFFFFEC00  }
0x80: {  	[spmem:s2] =	stream.indirect.scatter.add.f32 [tilespmem:s23], [sflag:$0x7], $0x80, s10, s19, $0xb8;
	[tilespmem:$0x1F000] =	vst v63  }
0x81: {  	_ =	swait.ge [sflag:s31], $0x1400  }
0x82: {  	[sflag:s31] =	ssyncset.done $0x0  }
0x83: {  	s11 =	simm.s32 $0x6528;
	[sflag:s31] =	ssyncadd.s32 $0xFFFFEC00  }
0x84: {  	[spmem:s2] =	stream.indirect.scatter.add.f32 [tilespmem:s25], [sflag:$0x8], $0x80, s11, s19, $0xb8;
	[tilespmem:$0x1F000] =	vst v63  }
0x85: {  	_ =	swait.ge [sflag:s1], $0x1400  }
0x86: {  	[sflag:s1] =	ssyncset.done $0x0  }
0x87: {  	s7 =	simm.s32 $0x26C0;
	[sflag:s1] =	ssyncadd.s32 $0xFFFFEC00  }
0x88: {  	[tilespmem:s20], [sflag:$0x1] =	stream.indirect.gather [hbm4b:s4+s19], $0x80, s7, s19, $0xb8;
	[tilespmem:$0x1F000] =	vst v63  }
0x89: {  	_ =	swait.ge [sflag:s0], $0x1400  }
0x8a: {  	[sflag:s0] =	ssyncset.done $0x0  }
0x8b: {  	s9 =	simm.s32 $0x26E8;
	[sflag:s0] =	ssyncadd.s32 $0xFFFFEC00  }
0x8c: {  	[tilespmem:s21], [sflag:$0x2] =	stream.indirect.gather [hbm4b:s4+s19], $0x80, s9, s19, $0xb8;
	[tilespmem:$0x1F000] =	vst v63  }
0x8d: {  	_ =	swait.ge [sflag:s14], $0x1400  }
0x8e: {  	[sflag:s14] =	ssyncset.done $0x0  }
0x8f: {  	[sflag:s14] =	ssyncadd.s32 $0xFFFFEC00  }
0x90: {  	_ =	swait.ge [sflag:s15], $0x1400  }
0x91: {  	[sflag:s15] =	ssyncset.done $0x0  }
0x92: {  	[sflag:s15] =	ssyncadd.s32 $0xFFFFEC00  }
0x93: {  	_ =	swait.ge [sflag:s28], $0x1400  }
0x94: {  	[sflag:s28] =	ssyncset.done $0x0  }
0x95: {  	s10 =	simm.s32 $0x6580;
	[sflag:s28] =	ssyncadd.s32 $0xFFFFEC00  }
0x96: {  	[spmem:s2] =	stream.indirect.scatter.add.f32 [tilespmem:s20], [sflag:$0xB], $0x80, s10, s19, $0xb8;
	[tilespmem:$0x1F000] =	vst v63  }
0x97: {  	_ =	swait.ge [sflag:s22], $0x1400  }
0x98: {  	[sflag:s22] =	ssyncset.done $0x0  }
0x99: {  	[sflag:s22] =	ssyncadd.s32 $0xFFFFEC00  }
0x9a: {  	_ =	swait.ge [sflag:s29], $0x1400  }
0x9b: {  	[sflag:s29] =	ssyncset.done $0x0  }
0x9c: {  	s11 =	simm.s32 $0x65A8;
	[sflag:s29] =	ssyncadd.s32 $0xFFFFEC00  }
0x9d: {  	[spmem:s2] =	stream.indirect.scatter.add.f32 [tilespmem:s21], [sflag:$0xB], $0x80, s11, s19, $0xb8;
	[tilespmem:$0x1F000] =	vst v63  }
0x9e: {  	_ =	swait.ge [sflag:s22], $0x1400  }
0x9f: {  	[sflag:s22] =	ssyncset.done $0x0  }
0xa0: {  	[sflag:s22] =	ssyncadd.s32 $0xFFFFEC00  }
0xa1: {  	[bflag:$0x0] =	sbarrier.arrive $0xFFFF  }
0xa2: {  	s6 =	sor.u32 $0x1C0B, s8;
	s7 =	rddreg [dreg:$0x8]  }
0xa3: {  	[hbm:s7], [sflag:s6] =	dma.local [spmem:s17], $0x2700  }
0xa4: {  	_ =	swait.ge [sflag:s22], $0x2700  }
0xa5: {  	s16 =	sadd.s32 $0x1, s16;
	[sflag:s22] =	ssyncset.done $0x0  }
0xa6: {  	p1 =	sne.s32 s16, s13;
	[sflag:s22] =	ssyncadd.s32 $0xFFFFD900  }
0xa7: {  	[hbm:s12], [sflag:s6] =	dma.local @!p0 [spmem:s24], $0x100  }
.Ltmp1:
0xa8: {  	_ = 	snop;
	(pc) =	sbr.rel @p1 .LBB2_1-.Ltmp1, $4  }
0xa9: {  	s6 =	simm.s32 @!p0 $0xB  }
0xaa: {  	_ =	swait.ge @!p0 [sflag:s6], $0x100  }
0xab: {  	[sflag:s6] =	ssyncset.done @!p0 $0x0  }
0xac: {  	[sflag:s6] =	ssyncadd.s32 @!p0 $0xFFFFFF00  }
0xad: {  	_ =	sfence.sel $0x180000  }
0xae: {  	[bflag:$0x0] =	sbarrier.arrive $0xFFFF  }
0xaf: {  	_ =	strace $0x9000004A  }
0xb0: {  	s0 =	stileid.u32;
	[bflag:$0x2] =	sbarrier.arrive $0xFFFF  }
0xb1: {  	p0 =	sne.s32 s0, $0x0;
	s0 =	rddreg [dreg:$0x3]  }
0xb2: {  	s0 =	sadd.s32 @!p0 $0x100000, s0  }
0xb3: {  	[sflag:s0] =	ssyncadd.tile.s32 @!p0 $0x1;
	_ =	shalt  }
.Lfunc_end2:
_tile_overlayer_lowered:
.L_overlay_start_2:
0xb4: {  	(tag) =	ssettag $0x2  }
0xb5: {  	s0 =	rddreg [dreg:$0x0];
	s2 =	stileid.u32  }
0xb6: {  	s1 =	rddreg [dreg:$0x1];
	p0 =	sne.s32 s2, $0x0  }
0xb7: {  	s3 =	rddreg [dreg:$0x2];
	[bflag:$0x3] =	sbarrier.arrive $0xFFFF;
	s2 =	simm.s32 @!p0 $0x1C0B  }
0xb8: {  	[timem:s3], [sflag:s2] =	dma.local @!p0 [hbm:s0], s1  }
0xb9: {  	s0 =	simm.s32 @!p0 $0xB  }
0xba: {  	_ =	swait.ge @!p0 [sflag:s0], s1  }
0xbb: {  	s1 =	ssub.s32 @!p0 $0x0, s1;
	[sflag:s0] =	ssyncset.done @!p0 $0x0  }
0xbc: {  	[sflag:s0] =	ssyncadd.s32 @!p0 s1  }
0xbd: {  	[bflag:$0x3] =	sbarrier.arrive $0xFFFF  }
0xbe: {  	_ =	shalt  }

// kernel: kernel.18.cloned.1.call-start
scs
__scs_entry_jumppad:
0x0: {  	(pc) =	sbr.rel $0x88, $3  }
0x1: {  	(tag) =	ssettag $0x0;
	lr =	simm.s32 $0x1  }
0x2: {  	[smem:$0x3F9A] =	sst lr;
	_ =	strace $0xD0000000  }
0x3: {  	_ = 	snop  }
0x4: {  	_ = 	snop  }
0x5: {  	_ = 	snop  }
0x6: {  	_ = 	snop  }
0x7: {  	_ = 	snop  }
__scs_overlays_trampoline_lowered:
0x8: {  	[smem:$0x3FA9] =	sst s0  }
0x9: {  	[smem:$0x3FAA] =	sst s1  }
0xa: {  	[smem:$0x3FAB] =	sst s2  }
0xb: {  	[smem:$0x3FAC] =	sst s3  }
0xc: {  	[smem:$0x3FAD] =	sst s4  }
0xd: {  	[smem:$0x3FAE] =	sst s5  }
0xe: {  	[smem:$0x3FAF] =	sst s6  }
0xf: {  	[smem:$0x3FB0] =	sst s7  }
0x10: {  	[smem:$0x3FB1] =	sst s8  }
0x11: {  	[smem:$0x3FB2] =	sst s9;
	s0 =	simm.s32 @!p0 $0x0  }
0x12: {  	s1 =	sld [smem:$0x3F98];
	s0 =	simm.s32 @p0 $0x1  }
0x13: {  	[smem:$0x3FB3] =	sst s0;
	s0 =	simm.s32 @!p1 $0x0  }
0x14: {  	s2 =	sld [smem:$0x3F97];
	s0 =	simm.s32 @p1 $0x1  }
0x15: {  	[smem:$0x3FB4] =	sst s0;
	s0 =	simm.s32 @!p2 $0x0  }
0x16: {  	s3 =	sld [smem:$0x3FDB];
	s0 =	simm.s32 @p2 $0x1  }
0x17: {  	s4 =	simm.s32 $0x1BF5;
	[smem:$0x3FB6] =	sst s0  }
0x18: {  	s0 =	sld [smem:$0x3F99];
	_ =	swait.ge [sflag:s4], $0x0  }
0x19: {  	s7 =	sld [smem:$0x3F9A]  }
0x1a: {  	s8 =	sadd.s32 $0xFFFFE003, lr  }
0x1b: {  	s9 =	sadd.s32 $0xFFFFFEF7, lr;
	s5 =	simm.s32 $0xFFFFFFFF;
	p2 =	slt.u32 s8, $0xFFFFF086  }
0x1c: {  	p1 =	slt.u32 s9, $0xF7A;
	s5 =	simm.s32 @!p2 $0x0  }
0x1d: {  	s5 =	simm.s32 @p1 $0x1;
	p0 =	seq.s32 s7, s2  }
0x1e: {  	s7 =	smul.u32 @!p0 $0xF7A, s2;
	p2 =	seq.s32 @!p0 s5, $0x0  }
0x1f: {  	s9 =	smul.u32 $0xF7A, s1;
	s8 =	simm.s32 @!p0 $0x1BF5;
	p2 =	por !p2, p0  }
0x20: {  	[sflag:s8] =	ssyncset.s32 @!p0 $0xFFFFF086;
	s6 =	sadd.s32 @!p0 s3, s7;
	s7 =	simm.s32 @!p0 $0x108  }
0x21: {  	s3 =	sadd.s32 s3, s9;
	s6 =	sadd.s32 @!p0 $0x88, s6;
	s7 =	simm.s32 @p2 $0x1082  }
0x22: {  	[simem:s7], [sflag:s8] =	dma.local @!p0 [hbm:s6], $0xF7A  }
0x23: {  	s9 =	sor.u32 $0xD0000000, s2;
	s6 =	simm.s32 $0x108;
	_ =	swait.ge @!p0 [sflag:s8], $0x0  }
0x24: {  	s3 =	sadd.s32 $0x88, s3;
	s6 =	simm.s32 @!p1 $0x1082;
	[sflag:s4] =	ssyncset.s32 $0xFFFFF086  }
0x25: {  	[simem:s6], [sflag:s4] =	dma.local [hbm:s3], $0xF7A  }
0x26: {  	[smem:$0x3F9A] =	sst s1;
	(tag) =	ssettag s2;
	_ =	strace s9  }
0x27: {  	s1 =	sld [smem:$0x3FAA]  }
0x28: {  	s2 =	sld [smem:$0x3FAB]  }
0x29: {  	s4 =	sld [smem:$0x3FAD]  }
0x2a: {  	p0 =	seq.s32 s5, $0x0;
	s5 =	sld [smem:$0x3FAE]  }
0x2b: {  	s6 =	sld [smem:$0x3FAF]  }
0x2c: {  	s7 =	sld [smem:$0x3FB0]  }
0x2d: {  	s3 =	simm.s32 $0x108;
	s8 =	sld [smem:$0x3FB1]  }
0x2e: {  	s3 =	simm.s32 @!p0 $0x1082;
	s9 =	sld [smem:$0x3FB2]  }
0x2f: {  	lr =	sadd.s32 s0, s3;
	s0 =	sld [smem:$0x3FA9]  }
0x30: {  	s3 =	sld [smem:$0x3FAC]  }
0x31: {  	[smem:$0x3FB5] =	sst s10  }
0x32: {  	s10 =	sld [smem:$0x3FB3];
	_ =	sdelay $0x3  }
0x33: {  	p0 =	seq.s32 s10, $0x1;
	s10 =	sld [smem:$0x3FB5];
	_ =	sdelay $0x3  }
0x34: {  	[smem:$0x3FB5] =	sst s10  }
0x35: {  	s10 =	sld [smem:$0x3FB4];
	_ =	sdelay $0x3  }
0x36: {  	p1 =	seq.s32 s10, $0x1;
	s10 =	sld [smem:$0x3FB5];
	_ =	sdelay $0x3  }
0x37: {  	[smem:$0x3FB5] =	sst s10  }
0x38: {  	s10 =	sld [smem:$0x3FB6]  }
0x39: {  	_ = 	snop;
	(pc) =	sbr.ind lr, $3  }
0x3a: {  	_ = 	snop  }
0x3b: {  	_ = 	snop  }
0x3c: {  	p2 =	seq.s32 s10, $0x1;
	s10 =	sld [smem:$0x3FB5]  }
0x3d: {  	_ =	shalt  }
0x3e: {  	_ =	shalt  }
0x3f: {  	_ =	shalt  }
0x40: {  	_ =	shalt  }
0x41: {  	_ =	shalt  }
0x42: {  	_ =	shalt  }
0x43: {  	_ =	shalt  }
0x44: {  	_ =	shalt  }
0x45: {  	_ =	shalt  }
0x46: {  	_ =	shalt  }
0x47: {  	_ =	shalt  }
0x48: {  	_ =	shalt  }
0x49: {  	_ =	shalt  }
0x4a: {  	_ =	shalt  }
0x4b: {  	_ =	shalt  }
0x4c: {  	_ =	shalt  }
0x4d: {  	_ =	shalt  }
0x4e: {  	_ =	shalt  }
0x4f: {  	_ =	shalt  }
0x50: {  	_ =	shalt  }
0x51: {  	_ =	shalt  }
0x52: {  	_ =	shalt  }
0x53: {  	_ =	shalt  }
0x54: {  	_ =	shalt  }
0x55: {  	_ =	shalt  }
0x56: {  	_ =	shalt  }
0x57: {  	_ =	shalt  }
0x58: {  	_ =	shalt  }
0x59: {  	_ =	shalt  }
0x5a: {  	_ =	shalt  }
0x5b: {  	_ =	shalt  }
0x5c: {  	_ =	shalt  }
0x5d: {  	_ =	shalt  }
0x5e: {  	_ =	shalt  }
0x5f: {  	_ =	shalt  }
0x60: {  	_ =	shalt  }
0x61: {  	_ =	shalt  }
0x62: {  	_ =	shalt  }
0x63: {  	_ =	shalt  }
0x64: {  	_ =	shalt  }
0x65: {  	_ =	shalt  }
0x66: {  	_ =	shalt  }
0x67: {  	_ =	shalt  }
0x68: {  	_ =	shalt  }
0x69: {  	_ =	shalt  }
0x6a: {  	_ =	shalt  }
0x6b: {  	_ =	shalt  }
0x6c: {  	_ =	shalt  }
0x6d: {  	_ =	shalt  }
0x6e: {  	_ =	shalt  }
0x6f: {  	_ =	shalt  }
0x70: {  	_ =	shalt  }
0x71: {  	_ =	shalt  }
0x72: {  	_ =	shalt  }
0x73: {  	_ =	shalt  }
0x74: {  	_ =	shalt  }
0x75: {  	_ =	shalt  }
0x76: {  	_ =	shalt  }
0x77: {  	_ =	shalt  }
0x78: {  	_ =	shalt  }
0x79: {  	_ =	shalt  }
0x7a: {  	_ =	shalt  }
0x7b: {  	_ =	shalt  }
0x7c: {  	_ =	shalt  }
0x7d: {  	_ =	shalt  }
0x7e: {  	_ =	shalt  }
0x7f: {  	_ =	shalt  }
0x80: {  	_ =	shalt  }
0x81: {  	_ =	shalt  }
0x82: {  	_ =	shalt  }
0x83: {  	_ =	shalt  }
0x84: {  	_ =	shalt  }
0x85: {  	_ =	shalt  }
0x86: {  	_ =	shalt  }
0x87: {  	_ =	shalt  }
.Lfunc_end0:
.L_simem_size_0:
called_computation.2_lowered:
.L_overlay_start_0:
0x88: {  	s2 =	sld [smem:$0x3FD9]  }
0x89: {  	s3 =	sld [smem:$0x3FFE];
	_ =	sdelay $0x1  }
0x8a: {  	s1 =	srdreg.scid  }
0x8b: {  	s0 =	sand.u32 $0x1, s1  }
0x8c: {  	s17 =	sshll.u32 s0, $0xA;
	s2 =	sadd.s32 s3, s2  }
0x8d: {  	s2 =	sadd.s32 s2, s17  }
0x8e: {  	[smem:$0x3FC1] =	sst s2  }
0x8f: {  	_ = 	snop  }
0x90: {  	s2 =	sld [smem:$0x3FD0];
	(tm) =	ssettm $0x1  }
0x91: {  	s18 =	sld [smem:$0x3FFB];
	_ =	sdelay $0x3  }
0x92: {  	_ =	strace s18  }
0x93: {  	s3 =	sld [smem:$0x3FFC];
	_ =	sdelay $0x3  }
0x94: {  	_ =	strace s3  }
0x95: {  	s3 =	sld [smem:$0x3FFD];
	_ =	sdelay $0x3  }
0x96: {  	_ =	strace s3  }
0x97: {  	_ =	strace $0x8FFFFFFF  }
0x98: {  	s19 =	sld [smem:$0x3FDB];
	_ =	sdelay $0x1  }
0x99: {  	s4 =	simm.s32 $_scs_section_size  }
0x9a: {  	s5 =	simm.s32 $_size__tile_overlayer_lowered;
	s6 =	simm.s32 $_tile_overlayer_lowered  }
0x9b: {  	s22 =	simm.s32 $0x1BFF;
	s21 =	sshll.u32 s6, $0x1;
	s3 =	sadd.s32 s4, s19  }
0x9c: {  	s7 =	simm.s32 $0x0;
	s20 =	sshll.u32 s5, $0x1;
	s5 =	sadd.s32 s21, s3  }
0x9d: {  	[timem:s7], [sflag:s22] =	dma.local [hbm:s5], s20  }
0x9e: {  	_ =	swait.ge [sflag:s22], s20  }
0x9f: {  	s4 =	ssub.s32 $0x0, s20;
	[sflag:s22] =	ssyncset.done $0x0  }
0xa0: {  	[sflag:s22] =	ssyncadd.s32 s4;
	_ =	sdelay $0x1  }
0xa1: {  	s23 =	simm.s32 $0x1B8B  }
0xa2: {  	_ =	swait.ge [sflag:s23], $0x1  }
0xa3: {  	[sflag:s23] =	ssyncset.done $0x0  }
0xa4: {  	s25 =	simm.s32 $0x1B8E;
	s24 =	sld [smem:$0x3FFE];
	[sflag:s23] =	ssyncadd.s32 $0xFFFFFFFF  }
0xa5: {  	s26 =	simm.s32 $execute0_lowered;
	[smem:$0x3FD2] =	sst s25  }
0xa6: {  	s5 =	sshll.u32 s26, $0x1;
	_ =	strace $0x8000004C;
	[dreg:$0x1] =	wrdreg $0xFFFFFFFF  }
0xa7: {  	s28 =	simm.s32 $_size_execute0_lowered;
	s3 =	sadd.s32 s3, s5;
	[dreg:$0x0] =	wrdreg $0x0  }
0xa8: {  	s5 =	sshll.u32 s28, $0x1;
	[dreg:$0x2] =	wrdreg s3  }
0xa9: {  	[dreg:$0x3] =	wrdreg s5  }
0xaa: {  	[dreg:$0x4] =	wrdreg $0xC0  }
0xab: {  	_ =	task [dreg:s7], $0x5FFFF  }
0xac: {  	[dreg:$0x1] =	wrdreg $0xFFFFFFFF  }
0xad: {  	[dreg:$0x0] =	wrdreg $0x60  }
0xae: {  	[dreg:$0x2] =	wrdreg s24  }
0xaf: {  	[dreg:$0x3] =	wrdreg s2  }
0xb0: {  	[dreg:$0x4] =	wrdreg $0xB7800  }
0xb1: {  	[dreg:$0x5] =	wrdreg $0x9  }
0xb2: {  	_ =	task.clear_ibuf [dreg:s7], $0x6FFFF;
	_ =	strace $0x9000004C  }
0xb3: {  	s29 =	simm.s32 $0x9;
	_ =	strace $0x8000004E  }
0xb4: {  	_ =	swait.ge [sflag:s29], $0x1  }
0xb5: {  	[sflag:s29] =	ssyncadd.s32 $0xFFFFFFFF  }
0xb6: {  	_ =	strace $0x9000004E  }
0xb7: {  	_ =	sfence  }
0xb8: {  	s30 =	sld [smem:$0x0];
	_ =	sdelay $0x2  }
0xb9: {  	s31 =	sshll.u32 s1, $0xD;
	s1 =	sshrl.u32 s1, $0x2  }
0xba: {  	s3 =	sand.u32 $0x4000, s31;
	s1 =	sadd.s32 s1, s30  }
0xbb: {  	s0 =	sor.u32 s3, s0;
	s1 =	sshll.u32 s1, $0x11  }
0xbc: {  	s0 =	sor.u32 s1, s0  }
0xbd: {  	s0 =	sadd.s32 $0x8F2B, s0  }
0xbe: {  	[sflag:s0] =	ssyncadd.remote.s32 $0x1  }
0xbf: {  	_ =	sfence.sel $0xFFFF  }
0xc0: {  	[dreg:$0x0] =	wrdreg $0xFFFFFFFF;
	(pc) =	sbr.abs _section_cstart, $3  }
0xc1: {  	[dreg:$0x1] =	wrdreg $0xFFFFFFFF  }
0xc2: {  	_ =	task.clear_ibuf [dreg:s7], $0x2FFFF;
	_ =	strace $0x9FFFFFFF  }
0xc3: {  	(tm) =	ssettm $0x7FFFFFFF  }
tec
execute0_lowered:
.L_overlay_start_1:
0x0: {  	(tag) =	ssettag $0x1  }
0x1: {  	s0 =	srdreg.scid  }
0x2: {  	s14 =	stileid.u32;
	s1 =	rddreg [dreg:$0x0]  }
0x3: {  	s6 =	rddreg [dreg:$0x1];
	s18 =	simm.s32 $0x9;
	s19 =	simm.s32 $0x28  }
0x4: {  	s20 =	simm.s32 $0x6780;
	s21 =	simm.s32 $0x7B80;
	s28 =	simm.s32 $0x1  }
0x5: {  	s29 =	simm.s32 $0x2;
	s30 =	simm.s32 $0x3;
	s31 =	simm.s32 $0x4  }
0x6: {  	s15 =	simm.s32 $0x8;
	s16 =	simm.s32 $0x0;
	s11 =	smul.u32 $0x2700, s14  }
0x7: {  	s0 =	sand.u32 $0x1, s0;
	s3 =	sshrl.u32 s14, $0x2;
	s22 =	smul.u32 $0x4E000, s14  }
0x8: {  	s2 =	sshll.u32 s14, $0x1;
	p0 =	sne.s32 s14, $0xF;
	s4 =	smul.u32 $0x13C00, s3  }
0x9: {  	s7 =	sor.u32 s0, s2;
	s2 =	rddreg [dreg:$0x2];
	s12 =	smul.u32 $0x138800, s0  }
0xa: {  	s3 =	simm.s32 $0x0;
	s9 =	ssub.s32 $0x2, s0;
	s0 =	smul.u32 $0x27100, s0  }
0xb: {  	s5 =	sshll.u32 s7, $0x7;
	[smem:$0x7FF] =	sst s3;
	s10 =	sshrl.u32 s9, $0x1  }
0xc: {  	s7 =	sshll.u32 s7, $0xB;
	s23 =	sshrl.u32 s22, $0x2;
	s26 =	sadd.s32 $0x138000, s2  }
0xd: {  	s22 =	simm.s32 $0xB;
	s5 =	sand.u32 $0x380, s5;
	_ =	strace $0x8000004D  }
0xe: {  	s9 =	ssub.s32 s9, s10;
	s6 =	sadd.s32 s6, s7;
	s24 =	sshrl.u32 s12, $0x3  }
0xf: {  	s0 =	sadd.s32 s11, s0;
	[dreg:$0x7] =	wrdreg s26;
	s26 =	simm.s32 $0xA  }
0x10: {  	s4 =	sor.u32 s4, s5;
	[dreg:$0x5] =	wrdreg s6;
	s6 =	sadd.s32 s23, s2  }
0x11: {  	s13 =	smax.u32 s9, $0x1;
	s23 =	simm.s32 $0x8F80;
	s5 =	sshrl.u32 s4, $0x3  }
0x12: {  	s4 =	sadd.s32 $0x3200, s1;
	s17 =	sshrl.u32 s6, $0x3;
	s8 =	sadd.s32 s5, s1  }
0x13: {  	s5 =	sadd.s32 $0x2A400, s1;
	s1 =	sadd.s32 $0x5DA00, s1;
	s8 =	sadd.s32 $0x53C00, s8  }
0x14: {  	s7 =	sadd.s32 s1, s24;
	s0 =	sadd.s32 s1, s0;
	[dreg:$0x4] =	wrdreg s8  }
0x15: {  	s1 =	simm.s32 $0x5;
	s8 =	sshll.u32 s14, $0x6;
	[dreg:$0x8] =	wrdreg s0  }
0x16: {  	s12 =	sadd.s32 $0x27000, s7;
	s0 =	simm.s32 $0x6;
	s25 =	sor.u32 $0x1C0A, s8  }
0x17: {  	s14 =	simm.s32 $0x7;
	[dreg:$0x6] =	wrdreg s25;
	s25 =	simm.s32 $0xA380  }
.LBB2_1:
0x18: {  	s6 =	rddreg [dreg:$0x4]  }
0x19: {  	s7 =	simm.s32 $0x80;
	s9 =	simm.s32 $0x400;
	s11 =	rddreg [dreg:$0x6]  }
0x1a: {  	[tilespmem:s3], [sflag:$0x9] =	stream.strided.gather [hbm4b:s6+s7], $0x2780, s9, s7, $0x38;
	[tilespmem:$0x1F000] =	vst v63  }
0x1b: {  	s10 =	simm.s32 $0x2780;
	s9 =	rddreg [dreg:$0x5]  }
0x1c: {  	[tilespmem:s10], [sflag:$0xA] =	stream.linear.gather [hbm4b:s9+s3], $0x3E80, $0x38;
	[tilespmem:$0x1F000] =	vst v63  }
0x1d: {  	[spmem:s17], [sflag:s11] =	dma.local [hbm:s5], $0x2700  }
0x1e: {  	_ =	swait.ge [sflag:s18], $0x2780  }
0x1f: {  	[sflag:s18] =	ssyncset.done $0x0  }
0x20: {  	[sflag:s18] =	ssyncadd.s32 $0xFFFFD880  }
0x21: {  	[tilespmem:s20], [sflag:$0x1] =	stream.indirect.gather [hbm4b:s4+s19], $0x80, s3, s19, $0xb8;
	[tilespmem:$0x1F000] =	vst v63  }
0x22: {  	_ = 	snop  }
0x23: {  	[tilespmem:s21], [sflag:$0x2] =	stream.indirect.gather [hbm4b:s4+s19], $0x80, s19, s19, $0xb8;
	[tilespmem:$0x1F000] =	vst v63  }
0x24: {  	s24 =	simm.s32 $0x50;
	s6 =	rddreg [dreg:$0x7]  }
0x25: {  	[tilespmem:s23], [sflag:$0x3] =	stream.indirect.gather [hbm4b:s4+s19], $0x80, s24, s19, $0xb8;
	[tilespmem:$0x1F000] =	vst v63  }
0x26: {  	s7 =	simm.s32 $0x78;
	s24 =	sshrl.u32 @!p0 s6, $0x3;
	s6 =	simm.s32 @!p0 $0x1FCB  }
0x27: {  	[tilespmem:s25], [sflag:$0x4] =	stream.indirect.gather [hbm4b:s4+s19], $0x80, s7, s19, $0xb8;
	[tilespmem:$0x1F000] =	vst v63  }
0x28: {  	[spmem:s24], [sflag:s6] =	dma.local @!p0 [hbm:s5], $0x100  }
0x29: {  	s6 =	simm.s32 @!p0 $0xB  }
0x2a: {  	_ =	swait.ge @!p0 [sflag:s6], $0x100  }
0x2b: {  	[sflag:s6] =	ssyncset.done @!p0 $0x0  }
0x2c: {  	[sflag:s6] =	ssyncadd.s32 @!p0 $0xFFFFFF00  }
0x2d: {  	_ =	swait.ge [sflag:s26], $0x3E80  }
0x2e: {  	[sflag:s26] =	ssyncset.done $0x0  }
0x2f: {  	[sflag:s26] =	ssyncadd.s32 $0xFFFFC180  }
0x30: {  	_ =	swait.ge [sflag:s26], $0x2700  }
0x31: {  	[sflag:s26] =	ssyncset.done $0x0  }
0x32: {  	[sflag:s26] =	ssyncadd.s32 $0xFFFFD900  }
0x33: {  	[bflag:$0x0] =	sbarrier.arrive $0xFFFF  }
0x34: {  	_ =	swait.ge [sflag:s28], $0x1400  }
0x35: {  	[sflag:s28] =	ssyncset.done $0x0  }
0x36: {  	s9 =	simm.s32 $0x2780;
	[sflag:s28] =	ssyncadd.s32 $0xFFFFEC00  }
0x37: {  	[spmem:s2] =	stream.indirect.scatter.add.f32 [tilespmem:s20], [sflag:$0x5], $0x80, s9, s19, $0xb8;
	[tilespmem:$0x1F000] =	vst v63  }
0x38: {  	_ =	swait.ge [sflag:s29], $0x1400  }
0x39: {  	[sflag:s29] =	ssyncset.done $0x0  }
0x3a: {  	s10 =	simm.s32 $0x27A8;
	[sflag:s29] =	ssyncadd.s32 $0xFFFFEC00  }
0x3b: {  	[spmem:s2] =	stream.indirect.scatter.add.f32 [tilespmem:s21], [sflag:$0x6], $0x80, s10, s19, $0xb8;
	[tilespmem:$0x1F000] =	vst v63  }
0x3c: {  	_ =	swait.ge [sflag:s30], $0x1400  }
0x3d: {  	[sflag:s30] =	ssyncset.done $0x0  }
0x3e: {  	s11 =	simm.s32 $0x2800;
	[sflag:s30] =	ssyncadd.s32 $0xFFFFEC00  }
0x3f: {  	[spmem:s2] =	stream.indirect.scatter.add.f32 [tilespmem:s23], [sflag:$0x7], $0x80, s11, s19, $0xb8;
	[tilespmem:$0x1F000] =	vst v63  }
0x40: {  	_ =	swait.ge [sflag:s31], $0x1400  }
0x41: {  	[sflag:s31] =	ssyncset.done $0x0  }
0x42: {  	s7 =	simm.s32 $0x2828;
	[sflag:s31] =	ssyncadd.s32 $0xFFFFEC00  }
0x43: {  	[spmem:s2] =	stream.indirect.scatter.add.f32 [tilespmem:s25], [sflag:$0x8], $0x80, s7, s19, $0xb8;
	[tilespmem:$0x1F000] =	vst v63  }
0x44: {  	_ =	swait.ge [sflag:s1], $0x1400  }
0x45: {  	[sflag:s1] =	ssyncset.done $0x0  }
0x46: {  	s9 =	simm.s32 $0xA0;
	[sflag:s1] =	ssyncadd.s32 $0xFFFFEC00  }
0x47: {  	[tilespmem:s20], [sflag:$0x1] =	stream.indirect.gather [hbm4b:s4+s19], $0x80, s9, s19, $0xb8;
	[tilespmem:$0x1F000] =	vst v63  }
0x48: {  	_ =	swait.ge [sflag:s0], $0x1400  }
0x49: {  	[sflag:s0] =	ssyncset.done $0x0  }
0x4a: {  	s10 =	simm.s32 $0xC8;
	[sflag:s0] =	ssyncadd.s32 $0xFFFFEC00  }
0x4b: {  	[tilespmem:s21], [sflag:$0x2] =	stream.indirect.gather [hbm4b:s4+s19], $0x80, s10, s19, $0xb8;
	[tilespmem:$0x1F000] =	vst v63  }
0x4c: {  	_ =	swait.ge [sflag:s14], $0x1400  }
0x4d: {  	[sflag:s14] =	ssyncset.done $0x0  }
0x4e: {  	s11 =	simm.s32 $0xF0;
	[sflag:s14] =	ssyncadd.s32 $0xFFFFEC00  }
0x4f: {  	[tilespmem:s23], [sflag:$0x3] =	stream.indirect.gather [hbm4b:s4+s19], $0x80, s11, s19, $0xb8;
	[tilespmem:$0x1F000] =	vst v63  }
0x50: {  	_ =	swait.ge [sflag:s15], $0x1400  }
0x51: {  	s6 =	simm.s32 $0x118;
	[sflag:s15] =	ssyncset.done $0x0  }
0x52: {  	s7 =	simm.s32 $0x400;
	s9 =	simm.s32 $0x1B8;
	[sflag:s15] =	ssyncadd.s32 $0xFFFFEC00  }
.LBB2_2:
0x53: {  	[tilespmem:s25], [sflag:$0x4] =	stream.indirect.gather [hbm4b:s4+s19], $0x80, s6, s19, $0xb8;
	[tilespmem:$0x1F000] =	vst v63  }
0x54: {  	s10 =	smov.u32 s7;
	s6 =	smov.u32 s9  }
0x55: {  	p1 =	sne.s32 s7, $0xF000;
	s7 =	sadd.s32 $0x400, s7;
	_ =	swait.ge [sflag:s28], $0x1400  }
0x56: {  	s10 =	sshra.s32 s10, $0x2;
	[sflag:s28] =	ssyncset.done $0x0  }
0x57: {  	s11 =	sadd.s32 $0x2780, s10;
	[sflag:s28] =	ssyncadd.s32 $0xFFFFEC00  }
0x58: {  	[spmem:s2] =	stream.indirect.scatter.add.f32 [tilespmem:s20], [sflag:$0x5], $0x80, s11, s19, $0xb8;
	[tilespmem:$0x1F000] =	vst v63  }
0x59: {  	_ =	swait.ge [sflag:s29], $0x1400  }
0x5a: {  	[sflag:s29] =	ssyncset.done $0x0  }
0x5b: {  	s11 =	sadd.s32 $0x27A8, s10;
	[sflag:s29] =	ssyncadd.s32 $0xFFFFEC00  }
0x5c: {  	[spmem:s2] =	stream.indirect.scatter.add.f32 [tilespmem:s21], [sflag:$0x6], $0x80, s11, s19, $0xb8;
	[tilespmem:$0x1F000] =	vst v63  }
0x5d: {  	_ =	swait.ge [sflag:s30], $0x1400  }
0x5e: {  	[sflag:s30] =	ssyncset.done $0x0  }
0x5f: {  	s11 =	sadd.s32 $0x2800, s10;
	[sflag:s30] =	ssyncadd.s32 $0xFFFFEC00  }
0x60: {  	[spmem:s2] =	stream.indirect.scatter.add.f32 [tilespmem:s23], [sflag:$0x7], $0x80, s11, s19, $0xb8;
	[tilespmem:$0x1F000] =	vst v63  }
0x61: {  	_ =	swait.ge [sflag:s31], $0x1400  }
0x62: {  	[sflag:s31] =	ssyncset.done $0x0  }
0x63: {  	s10 =	sadd.s32 $0x2828, s10;
	[sflag:s31] =	ssyncadd.s32 $0xFFFFEC00  }
0x64: {  	[spmem:s2] =	stream.indirect.scatter.add.f32 [tilespmem:s25], [sflag:$0x8], $0x80, s10, s19, $0xb8;
	[tilespmem:$0x1F000] =	vst v63  }
0x65: {  	_ =	swait.ge [sflag:s1], $0x1400  }
0x66: {  	[sflag:s1] =	ssyncset.done $0x0  }
0x67: {  	s10 =	sadd.s32 $0xFFFFFF88, s9;
	[sflag:s1] =	ssyncadd.s32 $0xFFFFEC00  }
0x68: {  	[tilespmem:s20], [sflag:$0x1] =	stream.indirect.gather [hbm4b:s4+s19], $0x80, s10, s19, $0xb8;
	[tilespmem:$0x1F000] =	vst v63  }
0x69: {  	_ =	swait.ge [sflag:s0], $0x1400  }
0x6a: {  	[sflag:s0] =	ssyncset.done $0x0  }
0x6b: {  	s10 =	sadd.s32 $0xFFFFFFB0, s9;
	[sflag:s0] =	ssyncadd.s32 $0xFFFFEC00  }
0x6c: {  	[tilespmem:s21], [sflag:$0x2] =	stream.indirect.gather [hbm4b:s4+s19], $0x80, s10, s19, $0xb8;
	[tilespmem:$0x1F000] =	vst v63  }
0x6d: {  	_ =	swait.ge [sflag:s14], $0x1400  }
0x6e: {  	[sflag:s14] =	ssyncset.done $0x0  }
.Ltmp0:
0x6f: {  	s10 =	sadd.s32 $0xFFFFFFD8, s9;
	[sflag:s14] =	ssyncadd.s32 $0xFFFFEC00;
	(pc) =	sbr.rel @p1 .LBB2_2-.Ltmp0, $4  }
0x70: {  	[tilespmem:s23], [sflag:$0x3] =	stream.indirect.gather [hbm4b:s4+s19], $0x80, s10, s19, $0xb8;
	[tilespmem:$0x1F000] =	vst v63  }
0x71: {  	_ =	swait.ge [sflag:s15], $0x1400  }
0x72: {  	[sflag:s15] =	ssyncset.done $0x0  }
0x73: {  	s9 =	sadd.s32 $0xA0, s9;
	[sflag:s15] =	ssyncadd.s32 $0xFFFFEC00  }
0x74: {  	[tilespmem:s25], [sflag:$0x4] =	stream.indirect.gather [hbm4b:s4+s19], $0x80, s6, s19, $0xb8;
	[tilespmem:$0x1F000] =	vst v63  }
0x75: {  	_ =	swait.ge [sflag:s28], $0x1400  }
0x76: {  	[sflag:s28] =	ssyncset.done $0x0  }
0x77: {  	s7 =	simm.s32 $0x6480;
	[sflag:s28] =	ssyncadd.s32 $0xFFFFEC00  }
0x78: {  	[spmem:s2] =	stream.indirect.scatter.add.f32 [tilespmem:s20], [sflag:$0x5], $0x80, s7, s19, $0xb8;
	[tilespmem:$0x1F000] =	vst v63  }
0x79: {  	_ =	swait.ge [sflag:s29], $0x1400  }
0x7a: {  	[sflag:s29] =	ssyncset.done $0x0  }
0x7b: {  	s9 =	simm.s32 $0x64A8;
	[sflag:s29] =	ssyncadd.s32 $0xFFFFEC00  }
0x7c: {  	[spmem:s2] =	stream.indirect.scatter.add.f32 [tilespmem:s21], [sflag:$0x6], $0x80, s9, s19, $0xb8;
	[tilespmem:$0x1F000] =	vst v63  }
0x7d: {  	_ =	swait.ge [sflag:s30], $0x1400  }
0x7e: {  	[sflag:s30] =	ssyncset.done $0x0  }
0x7f: {  	s10 =	simm.s32 $0x6500;
	[sflag:s30] =	ssyncadd.s32 $0xFFFFEC00  }
0x80: {  	[spmem:s2] =	stream.indirect.scatter.add.f32 [tilespmem:s23], [sflag:$0x7], $0x80, s10, s19, $0xb8;
	[tilespmem:$0x1F000] =	vst v63  }
0x81: {  	_ =	swait.ge [sflag:s31], $0x1400  }
0x82: {  	[sflag:s31] =	ssyncset.done $0x0  }
0x83: {  	s11 =	simm.s32 $0x6528;
	[sflag:s31] =	ssyncadd.s32 $0xFFFFEC00  }
0x84: {  	[spmem:s2] =	stream.indirect.scatter.add.f32 [tilespmem:s25], [sflag:$0x8], $0x80, s11, s19, $0xb8;
	[tilespmem:$0x1F000] =	vst v63  }
0x85: {  	_ =	swait.ge [sflag:s1], $0x1400  }
0x86: {  	[sflag:s1] =	ssyncset.done $0x0  }
0x87: {  	s7 =	simm.s32 $0x26C0;
	[sflag:s1] =	ssyncadd.s32 $0xFFFFEC00  }
0x88: {  	[tilespmem:s20], [sflag:$0x1] =	stream.indirect.gather [hbm4b:s4+s19], $0x80, s7, s19, $0xb8;
	[tilespmem:$0x1F000] =	vst v63  }
0x89: {  	_ =	swait.ge [sflag:s0], $0x1400  }
0x8a: {  	[sflag:s0] =	ssyncset.done $0x0  }
0x8b: {  	s9 =	simm.s32 $0x26E8;
	[sflag:s0] =	ssyncadd.s32 $0xFFFFEC00  }
0x8c: {  	[tilespmem:s21], [sflag:$0x2] =	stream.indirect.gather [hbm4b:s4+s19], $0x80, s9, s19, $0xb8;
	[tilespmem:$0x1F000] =	vst v63  }
0x8d: {  	_ =	swait.ge [sflag:s14], $0x1400  }
0x8e: {  	[sflag:s14] =	ssyncset.done $0x0  }
0x8f: {  	[sflag:s14] =	ssyncadd.s32 $0xFFFFEC00  }
0x90: {  	_ =	swait.ge [sflag:s15], $0x1400  }
0x91: {  	[sflag:s15] =	ssyncset.done $0x0  }
0x92: {  	[sflag:s15] =	ssyncadd.s32 $0xFFFFEC00  }
0x93: {  	_ =	swait.ge [sflag:s28], $0x1400  }
0x94: {  	[sflag:s28] =	ssyncset.done $0x0  }
0x95: {  	s10 =	simm.s32 $0x6580;
	[sflag:s28] =	ssyncadd.s32 $0xFFFFEC00  }
0x96: {  	[spmem:s2] =	stream.indirect.scatter.add.f32 [tilespmem:s20], [sflag:$0xB], $0x80, s10, s19, $0xb8;
	[tilespmem:$0x1F000] =	vst v63  }
0x97: {  	_ =	swait.ge [sflag:s22], $0x1400  }
0x98: {  	[sflag:s22] =	ssyncset.done $0x0  }
0x99: {  	[sflag:s22] =	ssyncadd.s32 $0xFFFFEC00  }
0x9a: {  	_ =	swait.ge [sflag:s29], $0x1400  }
0x9b: {  	[sflag:s29] =	ssyncset.done $0x0  }
0x9c: {  	s11 =	simm.s32 $0x65A8;
	[sflag:s29] =	ssyncadd.s32 $0xFFFFEC00  }
0x9d: {  	[spmem:s2] =	stream.indirect.scatter.add.f32 [tilespmem:s21], [sflag:$0xB], $0x80, s11, s19, $0xb8;
	[tilespmem:$0x1F000] =	vst v63  }
0x9e: {  	_ =	swait.ge [sflag:s22], $0x1400  }
0x9f: {  	[sflag:s22] =	ssyncset.done $0x0  }
0xa0: {  	[sflag:s22] =	ssyncadd.s32 $0xFFFFEC00  }
0xa1: {  	[bflag:$0x0] =	sbarrier.arrive $0xFFFF  }
0xa2: {  	s6 =	sor.u32 $0x1C0B, s8;
	s7 =	rddreg [dreg:$0x8]  }
0xa3: {  	[hbm:s7], [sflag:s6] =	dma.local [spmem:s17], $0x2700  }
0xa4: {  	_ =	swait.ge [sflag:s22], $0x2700  }
0xa5: {  	s16 =	sadd.s32 $0x1, s16;
	[sflag:s22] =	ssyncset.done $0x0  }
0xa6: {  	p1 =	sne.s32 s16, s13;
	[sflag:s22] =	ssyncadd.s32 $0xFFFFD900  }
0xa7: {  	[hbm:s12], [sflag:s6] =	dma.local @!p0 [spmem:s24], $0x100  }
.Ltmp1:
0xa8: {  	_ = 	snop;
	(pc) =	sbr.rel @p1 .LBB2_1-.Ltmp1, $4  }
0xa9: {  	s6 =	simm.s32 @!p0 $0xB  }
0xaa: {  	_ =	swait.ge @!p0 [sflag:s6], $0x100  }
0xab: {  	[sflag:s6] =	ssyncset.done @!p0 $0x0  }
0xac: {  	[sflag:s6] =	ssyncadd.s32 @!p0 $0xFFFFFF00  }
0xad: {  	_ =	sfence.sel $0x180000  }
0xae: {  	[bflag:$0x0] =	sbarrier.arrive $0xFFFF  }
0xaf: {  	_ =	strace $0x9000004D  }
0xb0: {  	s0 =	stileid.u32;
	[bflag:$0x2] =	sbarrier.arrive $0xFFFF  }
0xb1: {  	p0 =	sne.s32 s0, $0x0;
	s0 =	rddreg [dreg:$0x3]  }
0xb2: {  	s0 =	sadd.s32 @!p0 $0x100000, s0  }
0xb3: {  	[sflag:s0] =	ssyncadd.tile.s32 @!p0 $0x1;
	_ =	shalt  }
.Lfunc_end2:
_tile_overlayer_lowered:
.L_overlay_start_2:
0xb4: {  	(tag) =	ssettag $0x2  }
0xb5: {  	s0 =	rddreg [dreg:$0x0];
	s2 =	stileid.u32  }
0xb6: {  	s1 =	rddreg [dreg:$0x1];
	p0 =	sne.s32 s2, $0x0  }
0xb7: {  	s3 =	rddreg [dreg:$0x2];
	[bflag:$0x3] =	sbarrier.arrive $0xFFFF;
	s2 =	simm.s32 @!p0 $0x1C0B  }
0xb8: {  	[timem:s3], [sflag:s2] =	dma.local @!p0 [hbm:s0], s1  }
0xb9: {  	s0 =	simm.s32 @!p0 $0xB  }
0xba: {  	_ =	swait.ge @!p0 [sflag:s0], s1  }
0xbb: {  	s1 =	ssub.s32 @!p0 $0x0, s1;
	[sflag:s0] =	ssyncset.done @!p0 $0x0  }
0xbc: {  	[sflag:s0] =	ssyncadd.s32 @!p0 s1  }
0xbd: {  	[bflag:$0x3] =	sbarrier.arrive $0xFFFF  }
0xbe: {  	_ =	shalt  }

// kernel: kernel.21.cloned.1.call-start
scs
__scs_entry_jumppad:
0x0: {  	(pc) =	sbr.rel $0x88, $3  }
0x1: {  	(tag) =	ssettag $0x0;
	lr =	simm.s32 $0x1  }
0x2: {  	[smem:$0x3F9A] =	sst lr;
	_ =	strace $0xD0000000  }
0x3: {  	_ = 	snop  }
0x4: {  	_ = 	snop  }
0x5: {  	_ = 	snop  }
0x6: {  	_ = 	snop  }
0x7: {  	_ = 	snop  }
__scs_overlays_trampoline_lowered:
0x8: {  	[smem:$0x3FA9] =	sst s0  }
0x9: {  	[smem:$0x3FAA] =	sst s1  }
0xa: {  	[smem:$0x3FAB] =	sst s2  }
0xb: {  	[smem:$0x3FAC] =	sst s3  }
0xc: {  	[smem:$0x3FAD] =	sst s4  }
0xd: {  	[smem:$0x3FAE] =	sst s5  }
0xe: {  	[smem:$0x3FAF] =	sst s6  }
0xf: {  	[smem:$0x3FB0] =	sst s7  }
0x10: {  	[smem:$0x3FB1] =	sst s8  }
0x11: {  	[smem:$0x3FB2] =	sst s9;
	s0 =	simm.s32 @!p0 $0x0  }
0x12: {  	s1 =	sld [smem:$0x3F98];
	s0 =	simm.s32 @p0 $0x1  }
0x13: {  	[smem:$0x3FB3] =	sst s0;
	s0 =	simm.s32 @!p1 $0x0  }
0x14: {  	s2 =	sld [smem:$0x3F97];
	s0 =	simm.s32 @p1 $0x1  }
0x15: {  	[smem:$0x3FB4] =	sst s0;
	s0 =	simm.s32 @!p2 $0x0  }
0x16: {  	s3 =	sld [smem:$0x3FDB];
	s0 =	simm.s32 @p2 $0x1  }
0x17: {  	s4 =	simm.s32 $0x1BF5;
	[smem:$0x3FB6] =	sst s0  }
0x18: {  	s0 =	sld [smem:$0x3F99];
	_ =	swait.ge [sflag:s4], $0x0  }
0x19: {  	s7 =	sld [smem:$0x3F9A]  }
0x1a: {  	s8 =	sadd.s32 $0xFFFFE003, lr  }
0x1b: {  	s9 =	sadd.s32 $0xFFFFFEF7, lr;
	s5 =	simm.s32 $0xFFFFFFFF;
	p2 =	slt.u32 s8, $0xFFFFF086  }
0x1c: {  	p1 =	slt.u32 s9, $0xF7A;
	s5 =	simm.s32 @!p2 $0x0  }
0x1d: {  	s5 =	simm.s32 @p1 $0x1;
	p0 =	seq.s32 s7, s2  }
0x1e: {  	s7 =	smul.u32 @!p0 $0xF7A, s2;
	p2 =	seq.s32 @!p0 s5, $0x0  }
0x1f: {  	s9 =	smul.u32 $0xF7A, s1;
	s8 =	simm.s32 @!p0 $0x1BF5;
	p2 =	por !p2, p0  }
0x20: {  	[sflag:s8] =	ssyncset.s32 @!p0 $0xFFFFF086;
	s6 =	sadd.s32 @!p0 s3, s7;
	s7 =	simm.s32 @!p0 $0x108  }
0x21: {  	s3 =	sadd.s32 s3, s9;
	s6 =	sadd.s32 @!p0 $0x88, s6;
	s7 =	simm.s32 @p2 $0x1082  }
0x22: {  	[simem:s7], [sflag:s8] =	dma.local @!p0 [hbm:s6], $0xF7A  }
0x23: {  	s9 =	sor.u32 $0xD0000000, s2;
	s6 =	simm.s32 $0x108;
	_ =	swait.ge @!p0 [sflag:s8], $0x0  }
0x24: {  	s3 =	sadd.s32 $0x88, s3;
	s6 =	simm.s32 @!p1 $0x1082;
	[sflag:s4] =	ssyncset.s32 $0xFFFFF086  }
0x25: {  	[simem:s6], [sflag:s4] =	dma.local [hbm:s3], $0xF7A  }
0x26: {  	[smem:$0x3F9A] =	sst s1;
	(tag) =	ssettag s2;
	_ =	strace s9  }
0x27: {  	s1 =	sld [smem:$0x3FAA]  }
0x28: {  	s2 =	sld [smem:$0x3FAB]  }
0x29: {  	s4 =	sld [smem:$0x3FAD]  }
0x2a: {  	p0 =	seq.s32 s5, $0x0;
	s5 =	sld [smem:$0x3FAE]  }
0x2b: {  	s6 =	sld [smem:$0x3FAF]  }
0x2c: {  	s7 =	sld [smem:$0x3FB0]  }
0x2d: {  	s3 =	simm.s32 $0x108;
	s8 =	sld [smem:$0x3FB1]  }
0x2e: {  	s3 =	simm.s32 @!p0 $0x1082;
	s9 =	sld [smem:$0x3FB2]  }
0x2f: {  	lr =	sadd.s32 s0, s3;
	s0 =	sld [smem:$0x3FA9]  }
0x30: {  	s3 =	sld [smem:$0x3FAC]  }
0x31: {  	[smem:$0x3FB5] =	sst s10  }
0x32: {  	s10 =	sld [smem:$0x3FB3];
	_ =	sdelay $0x3  }
0x33: {  	p0 =	seq.s32 s10, $0x1;
	s10 =	sld [smem:$0x3FB5];
	_ =	sdelay $0x3  }
0x34: {  	[smem:$0x3FB5] =	sst s10  }
0x35: {  	s10 =	sld [smem:$0x3FB4];
	_ =	sdelay $0x3  }
0x36: {  	p1 =	seq.s32 s10, $0x1;
	s10 =	sld [smem:$0x3FB5];
	_ =	sdelay $0x3  }
0x37: {  	[smem:$0x3FB5] =	sst s10  }
0x38: {  	s10 =	sld [smem:$0x3FB6]  }
0x39: {  	_ = 	snop;
	(pc) =	sbr.ind lr, $3  }
0x3a: {  	_ = 	snop  }
0x3b: {  	_ = 	snop  }
0x3c: {  	p2 =	seq.s32 s10, $0x1;
	s10 =	sld [smem:$0x3FB5]  }
0x3d: {  	_ =	shalt  }
0x3e: {  	_ =	shalt  }
0x3f: {  	_ =	shalt  }
0x40: {  	_ =	shalt  }
0x41: {  	_ =	shalt  }
0x42: {  	_ =	shalt  }
0x43: {  	_ =	shalt  }
0x44: {  	_ =	shalt  }
0x45: {  	_ =	shalt  }
0x46: {  	_ =	shalt  }
0x47: {  	_ =	shalt  }
0x48: {  	_ =	shalt  }
0x49: {  	_ =	shalt  }
0x4a: {  	_ =	shalt  }
0x4b: {  	_ =	shalt  }
0x4c: {  	_ =	shalt  }
0x4d: {  	_ =	shalt  }
0x4e: {  	_ =	shalt  }
0x4f: {  	_ =	shalt  }
0x50: {  	_ =	shalt  }
0x51: {  	_ =	shalt  }
0x52: {  	_ =	shalt  }
0x53: {  	_ =	shalt  }
0x54: {  	_ =	shalt  }
0x55: {  	_ =	shalt  }
0x56: {  	_ =	shalt  }
0x57: {  	_ =	shalt  }
0x58: {  	_ =	shalt  }
0x59: {  	_ =	shalt  }
0x5a: {  	_ =	shalt  }
0x5b: {  	_ =	shalt  }
0x5c: {  	_ =	shalt  }
0x5d: {  	_ =	shalt  }
0x5e: {  	_ =	shalt  }
0x5f: {  	_ =	shalt  }
0x60: {  	_ =	shalt  }
0x61: {  	_ =	shalt  }
0x62: {  	_ =	shalt  }
0x63: {  	_ =	shalt  }
0x64: {  	_ =	shalt  }
0x65: {  	_ =	shalt  }
0x66: {  	_ =	shalt  }
0x67: {  	_ =	shalt  }
0x68: {  	_ =	shalt  }
0x69: {  	_ =	shalt  }
0x6a: {  	_ =	shalt  }
0x6b: {  	_ =	shalt  }
0x6c: {  	_ =	shalt  }
0x6d: {  	_ =	shalt  }
0x6e: {  	_ =	shalt  }
0x6f: {  	_ =	shalt  }
0x70: {  	_ =	shalt  }
0x71: {  	_ =	shalt  }
0x72: {  	_ =	shalt  }
0x73: {  	_ =	shalt  }
0x74: {  	_ =	shalt  }
0x75: {  	_ =	shalt  }
0x76: {  	_ =	shalt  }
0x77: {  	_ =	shalt  }
0x78: {  	_ =	shalt  }
0x79: {  	_ =	shalt  }
0x7a: {  	_ =	shalt  }
0x7b: {  	_ =	shalt  }
0x7c: {  	_ =	shalt  }
0x7d: {  	_ =	shalt  }
0x7e: {  	_ =	shalt  }
0x7f: {  	_ =	shalt  }
0x80: {  	_ =	shalt  }
0x81: {  	_ =	shalt  }
0x82: {  	_ =	shalt  }
0x83: {  	_ =	shalt  }
0x84: {  	_ =	shalt  }
0x85: {  	_ =	shalt  }
0x86: {  	_ =	shalt  }
0x87: {  	_ =	shalt  }
.Lfunc_end0:
.L_simem_size_0:
called_computation.3_lowered:
.L_overlay_start_0:
0x88: {  	s2 =	sld [smem:$0x3FD9]  }
0x89: {  	s3 =	sld [smem:$0x3FFE];
	_ =	sdelay $0x1  }
0x8a: {  	s1 =	srdreg.scid  }
0x8b: {  	s0 =	sand.u32 $0x1, s1  }
0x8c: {  	s17 =	sshll.u32 s0, $0xA;
	s2 =	sadd.s32 s3, s2  }
0x8d: {  	s2 =	sadd.s32 s2, s17  }
0x8e: {  	[smem:$0x3FC1] =	sst s2  }
0x8f: {  	_ = 	snop  }
0x90: {  	s2 =	sld [smem:$0x3FD0];
	(tm) =	ssettm $0x1  }
0x91: {  	s18 =	sld [smem:$0x3FFB];
	_ =	sdelay $0x3  }
0x92: {  	_ =	strace s18  }
0x93: {  	s3 =	sld [smem:$0x3FFC];
	_ =	sdelay $0x3  }
0x94: {  	_ =	strace s3  }
0x95: {  	s3 =	sld [smem:$0x3FFD];
	_ =	sdelay $0x3  }
0x96: {  	_ =	strace s3  }
0x97: {  	_ =	strace $0x8FFFFFFF  }
0x98: {  	s19 =	sld [smem:$0x3FDB];
	_ =	sdelay $0x1  }
0x99: {  	s4 =	simm.s32 $_scs_section_size  }
0x9a: {  	s5 =	simm.s32 $_size__tile_overlayer_lowered;
	s6 =	simm.s32 $_tile_overlayer_lowered  }
0x9b: {  	s22 =	simm.s32 $0x1BFF;
	s21 =	sshll.u32 s6, $0x1;
	s3 =	sadd.s32 s4, s19  }
0x9c: {  	s7 =	simm.s32 $0x0;
	s20 =	sshll.u32 s5, $0x1;
	s5 =	sadd.s32 s21, s3  }
0x9d: {  	[timem:s7], [sflag:s22] =	dma.local [hbm:s5], s20  }
0x9e: {  	_ =	swait.ge [sflag:s22], s20  }
0x9f: {  	s4 =	ssub.s32 $0x0, s20;
	[sflag:s22] =	ssyncset.done $0x0  }
0xa0: {  	[sflag:s22] =	ssyncadd.s32 s4;
	_ =	sdelay $0x1  }
0xa1: {  	s23 =	simm.s32 $0x1B8B  }
0xa2: {  	_ =	swait.ge [sflag:s23], $0x1  }
0xa3: {  	[sflag:s23] =	ssyncset.done $0x0  }
0xa4: {  	s25 =	simm.s32 $0x1B8E;
	s24 =	sld [smem:$0x3FFE];
	[sflag:s23] =	ssyncadd.s32 $0xFFFFFFFF  }
0xa5: {  	s26 =	simm.s32 $execute0_lowered;
	[smem:$0x3FD2] =	sst s25  }
0xa6: {  	s5 =	sshll.u32 s26, $0x1;
	_ =	strace $0x8000004F;
	[dreg:$0x1] =	wrdreg $0xFFFFFFFF  }
0xa7: {  	s28 =	simm.s32 $_size_execute0_lowered;
	s3 =	sadd.s32 s3, s5;
	[dreg:$0x0] =	wrdreg $0x0  }
0xa8: {  	s5 =	sshll.u32 s28, $0x1;
	[dreg:$0x2] =	wrdreg s3  }
0xa9: {  	[dreg:$0x3] =	wrdreg s5  }
0xaa: {  	[dreg:$0x4] =	wrdreg $0xC0  }
0xab: {  	_ =	task [dreg:s7], $0x5FFFF  }
0xac: {  	[dreg:$0x1] =	wrdreg $0xFFFFFFFF  }
0xad: {  	[dreg:$0x0] =	wrdreg $0x60  }
0xae: {  	[dreg:$0x2] =	wrdreg s24  }
0xaf: {  	[dreg:$0x3] =	wrdreg s2  }
0xb0: {  	[dreg:$0x4] =	wrdreg $0xB7800  }
0xb1: {  	[dreg:$0x5] =	wrdreg $0x9  }
0xb2: {  	_ =	task.clear_ibuf [dreg:s7], $0x6FFFF;
	_ =	strace $0x9000004F  }
0xb3: {  	s29 =	simm.s32 $0x9;
	_ =	strace $0x80000051  }
0xb4: {  	_ =	swait.ge [sflag:s29], $0x1  }
0xb5: {  	[sflag:s29] =	ssyncadd.s32 $0xFFFFFFFF  }
0xb6: {  	_ =	strace $0x90000051  }
0xb7: {  	_ =	sfence  }
0xb8: {  	s30 =	sld [smem:$0x0];
	_ =	sdelay $0x2  }
0xb9: {  	s31 =	sshll.u32 s1, $0xD;
	s1 =	sshrl.u32 s1, $0x2  }
0xba: {  	s3 =	sand.u32 $0x4000, s31;
	s1 =	sadd.s32 s1, s30  }
0xbb: {  	s0 =	sor.u32 s3, s0;
	s1 =	sshll.u32 s1, $0x11  }
0xbc: {  	s0 =	sor.u32 s1, s0  }
0xbd: {  	s0 =	sadd.s32 $0x8F2B, s0  }
0xbe: {  	[sflag:s0] =	ssyncadd.remote.s32 $0x1  }
0xbf: {  	_ =	sfence.sel $0xFFFF  }
0xc0: {  	[dreg:$0x0] =	wrdreg $0xFFFFFFFF;
	(pc) =	sbr.abs _section_cstart, $3  }
0xc1: {  	[dreg:$0x1] =	wrdreg $0xFFFFFFFF  }
0xc2: {  	_ =	task.clear_ibuf [dreg:s7], $0x2FFFF;
	_ =	strace $0x9FFFFFFF  }
0xc3: {  	(tm) =	ssettm $0x7FFFFFFF  }
tec
execute0_lowered:
.L_overlay_start_1:
0x0: {  	(tag) =	ssettag $0x1  }
0x1: {  	s0 =	srdreg.scid  }
0x2: {  	s14 =	stileid.u32;
	s1 =	rddreg [dreg:$0x0]  }
0x3: {  	s6 =	rddreg [dreg:$0x1];
	s18 =	simm.s32 $0x9;
	s19 =	simm.s32 $0x28  }
0x4: {  	s20 =	simm.s32 $0x6780;
	s21 =	simm.s32 $0x7B80;
	s28 =	simm.s32 $0x1  }
0x5: {  	s29 =	simm.s32 $0x2;
	s30 =	simm.s32 $0x3;
	s31 =	simm.s32 $0x4  }
0x6: {  	s15 =	simm.s32 $0x8;
	s16 =	simm.s32 $0x0;
	s11 =	smul.u32 $0x2700, s14  }
0x7: {  	s0 =	sand.u32 $0x1, s0;
	s3 =	sshrl.u32 s14, $0x2;
	s22 =	smul.u32 $0x4E000, s14  }
0x8: {  	s2 =	sshll.u32 s14, $0x1;
	p0 =	sne.s32 s14, $0xF;
	s4 =	smul.u32 $0x13C00, s3  }
0x9: {  	s7 =	sor.u32 s0, s2;
	s2 =	rddreg [dreg:$0x2];
	s12 =	smul.u32 $0x138800, s0  }
0xa: {  	s3 =	simm.s32 $0x0;
	s9 =	ssub.s32 $0x2, s0;
	s0 =	smul.u32 $0x27100, s0  }
0xb: {  	s5 =	sshll.u32 s7, $0x7;
	[smem:$0x7FF] =	sst s3;
	s10 =	sshrl.u32 s9, $0x1  }
0xc: {  	s7 =	sshll.u32 s7, $0xB;
	s23 =	sshrl.u32 s22, $0x2;
	s26 =	sadd.s32 $0x138000, s2  }
0xd: {  	s22 =	simm.s32 $0xB;
	s5 =	sand.u32 $0x380, s5;
	_ =	strace $0x80000050  }
0xe: {  	s9 =	ssub.s32 s9, s10;
	s6 =	sadd.s32 s6, s7;
	s24 =	sshrl.u32 s12, $0x3  }
0xf: {  	s0 =	sadd.s32 s11, s0;
	[dreg:$0x7] =	wrdreg s26;
	s26 =	simm.s32 $0xA  }
0x10: {  	s4 =	sor.u32 s4, s5;
	[dreg:$0x5] =	wrdreg s6;
	s6 =	sadd.s32 s23, s2  }
0x11: {  	s13 =	smax.u32 s9, $0x1;
	s23 =	simm.s32 $0x8F80;
	s5 =	sshrl.u32 s4, $0x3  }
0x12: {  	s4 =	sadd.s32 $0x3200, s1;
	s17 =	sshrl.u32 s6, $0x3;
	s8 =	sadd.s32 s5, s1  }
0x13: {  	s5 =	sadd.s32 $0x2A400, s1;
	s1 =	sadd.s32 $0x5DA00, s1;
	s8 =	sadd.s32 $0x53C00, s8  }
0x14: {  	s7 =	sadd.s32 s1, s24;
	s0 =	sadd.s32 s1, s0;
	[dreg:$0x4] =	wrdreg s8  }
0x15: {  	s1 =	simm.s32 $0x5;
	s8 =	sshll.u32 s14, $0x6;
	[dreg:$0x8] =	wrdreg s0  }
0x16: {  	s12 =	sadd.s32 $0x27000, s7;
	s0 =	simm.s32 $0x6;
	s25 =	sor.u32 $0x1C0A, s8  }
0x17: {  	s14 =	simm.s32 $0x7;
	[dreg:$0x6] =	wrdreg s25;
	s25 =	simm.s32 $0xA380  }
.LBB2_1:
0x18: {  	s6 =	rddreg [dreg:$0x4]  }
0x19: {  	s7 =	simm.s32 $0x80;
	s9 =	simm.s32 $0x400;
	s11 =	rddreg [dreg:$0x6]  }
0x1a: {  	[tilespmem:s3], [sflag:$0x9] =	stream.strided.gather [hbm4b:s6+s7], $0x2780, s9, s7, $0x38;
	[tilespmem:$0x1F000] =	vst v63  }
0x1b: {  	s10 =	simm.s32 $0x2780;
	s9 =	rddreg [dreg:$0x5]  }
0x1c: {  	[tilespmem:s10], [sflag:$0xA] =	stream.linear.gather [hbm4b:s9+s3], $0x3E80, $0x38;
	[tilespmem:$0x1F000] =	vst v63  }
0x1d: {  	[spmem:s17], [sflag:s11] =	dma.local [hbm:s5], $0x2700  }
0x1e: {  	_ =	swait.ge [sflag:s18], $0x2780  }
0x1f: {  	[sflag:s18] =	ssyncset.done $0x0  }
0x20: {  	[sflag:s18] =	ssyncadd.s32 $0xFFFFD880  }
0x21: {  	[tilespmem:s20], [sflag:$0x1] =	stream.indirect.gather [hbm4b:s4+s19], $0x80, s3, s19, $0xb8;
	[tilespmem:$0x1F000] =	vst v63  }
0x22: {  	_ = 	snop  }
0x23: {  	[tilespmem:s21], [sflag:$0x2] =	stream.indirect.gather [hbm4b:s4+s19], $0x80, s19, s19, $0xb8;
	[tilespmem:$0x1F000] =	vst v63  }
0x24: {  	s24 =	simm.s32 $0x50;
	s6 =	rddreg [dreg:$0x7]  }
0x25: {  	[tilespmem:s23], [sflag:$0x3] =	stream.indirect.gather [hbm4b:s4+s19], $0x80, s24, s19, $0xb8;
	[tilespmem:$0x1F000] =	vst v63  }
0x26: {  	s7 =	simm.s32 $0x78;
	s24 =	sshrl.u32 @!p0 s6, $0x3;
	s6 =	simm.s32 @!p0 $0x1FCB  }
0x27: {  	[tilespmem:s25], [sflag:$0x4] =	stream.indirect.gather [hbm4b:s4+s19], $0x80, s7, s19, $0xb8;
	[tilespmem:$0x1F000] =	vst v63  }
0x28: {  	[spmem:s24], [sflag:s6] =	dma.local @!p0 [hbm:s5], $0x100  }
0x29: {  	s6 =	simm.s32 @!p0 $0xB  }
0x2a: {  	_ =	swait.ge @!p0 [sflag:s6], $0x100  }
0x2b: {  	[sflag:s6] =	ssyncset.done @!p0 $0x0  }
0x2c: {  	[sflag:s6] =	ssyncadd.s32 @!p0 $0xFFFFFF00  }
0x2d: {  	_ =	swait.ge [sflag:s26], $0x3E80  }
0x2e: {  	[sflag:s26] =	ssyncset.done $0x0  }
0x2f: {  	[sflag:s26] =	ssyncadd.s32 $0xFFFFC180  }
0x30: {  	_ =	swait.ge [sflag:s26], $0x2700  }
0x31: {  	[sflag:s26] =	ssyncset.done $0x0  }
0x32: {  	[sflag:s26] =	ssyncadd.s32 $0xFFFFD900  }
0x33: {  	[bflag:$0x0] =	sbarrier.arrive $0xFFFF  }
0x34: {  	_ =	swait.ge [sflag:s28], $0x1400  }
0x35: {  	[sflag:s28] =	ssyncset.done $0x0  }
0x36: {  	s9 =	simm.s32 $0x2780;
	[sflag:s28] =	ssyncadd.s32 $0xFFFFEC00  }
0x37: {  	[spmem:s2] =	stream.indirect.scatter.add.f32 [tilespmem:s20], [sflag:$0x5], $0x80, s9, s19, $0xb8;
	[tilespmem:$0x1F000] =	vst v63  }
0x38: {  	_ =	swait.ge [sflag:s29], $0x1400  }
0x39: {  	[sflag:s29] =	ssyncset.done $0x0  }
0x3a: {  	s10 =	simm.s32 $0x27A8;
	[sflag:s29] =	ssyncadd.s32 $0xFFFFEC00  }
0x3b: {  	[spmem:s2] =	stream.indirect.scatter.add.f32 [tilespmem:s21], [sflag:$0x6], $0x80, s10, s19, $0xb8;
	[tilespmem:$0x1F000] =	vst v63  }
0x3c: {  	_ =	swait.ge [sflag:s30], $0x1400  }
0x3d: {  	[sflag:s30] =	ssyncset.done $0x0  }
0x3e: {  	s11 =	simm.s32 $0x2800;
	[sflag:s30] =	ssyncadd.s32 $0xFFFFEC00  }
0x3f: {  	[spmem:s2] =	stream.indirect.scatter.add.f32 [tilespmem:s23], [sflag:$0x7], $0x80, s11, s19, $0xb8;
	[tilespmem:$0x1F000] =	vst v63  }
0x40: {  	_ =	swait.ge [sflag:s31], $0x1400  }
0x41: {  	[sflag:s31] =	ssyncset.done $0x0  }
0x42: {  	s7 =	simm.s32 $0x2828;
	[sflag:s31] =	ssyncadd.s32 $0xFFFFEC00  }
0x43: {  	[spmem:s2] =	stream.indirect.scatter.add.f32 [tilespmem:s25], [sflag:$0x8], $0x80, s7, s19, $0xb8;
	[tilespmem:$0x1F000] =	vst v63  }
0x44: {  	_ =	swait.ge [sflag:s1], $0x1400  }
0x45: {  	[sflag:s1] =	ssyncset.done $0x0  }
0x46: {  	s9 =	simm.s32 $0xA0;
	[sflag:s1] =	ssyncadd.s32 $0xFFFFEC00  }
0x47: {  	[tilespmem:s20], [sflag:$0x1] =	stream.indirect.gather [hbm4b:s4+s19], $0x80, s9, s19, $0xb8;
	[tilespmem:$0x1F000] =	vst v63  }
0x48: {  	_ =	swait.ge [sflag:s0], $0x1400  }
0x49: {  	[sflag:s0] =	ssyncset.done $0x0  }
0x4a: {  	s10 =	simm.s32 $0xC8;
	[sflag:s0] =	ssyncadd.s32 $0xFFFFEC00  }
0x4b: {  	[tilespmem:s21], [sflag:$0x2] =	stream.indirect.gather [hbm4b:s4+s19], $0x80, s10, s19, $0xb8;
	[tilespmem:$0x1F000] =	vst v63  }
0x4c: {  	_ =	swait.ge [sflag:s14], $0x1400  }
0x4d: {  	[sflag:s14] =	ssyncset.done $0x0  }
0x4e: {  	s11 =	simm.s32 $0xF0;
	[sflag:s14] =	ssyncadd.s32 $0xFFFFEC00  }
0x4f: {  	[tilespmem:s23], [sflag:$0x3] =	stream.indirect.gather [hbm4b:s4+s19], $0x80, s11, s19, $0xb8;
	[tilespmem:$0x1F000] =	vst v63  }
0x50: {  	_ =	swait.ge [sflag:s15], $0x1400  }
0x51: {  	s6 =	simm.s32 $0x118;
	[sflag:s15] =	ssyncset.done $0x0  }
0x52: {  	s7 =	simm.s32 $0x400;
	s9 =	simm.s32 $0x1B8;
	[sflag:s15] =	ssyncadd.s32 $0xFFFFEC00  }
.LBB2_2:
0x53: {  	[tilespmem:s25], [sflag:$0x4] =	stream.indirect.gather [hbm4b:s4+s19], $0x80, s6, s19, $0xb8;
	[tilespmem:$0x1F000] =	vst v63  }
0x54: {  	s10 =	smov.u32 s7;
	s6 =	smov.u32 s9  }
0x55: {  	p1 =	sne.s32 s7, $0xF000;
	s7 =	sadd.s32 $0x400, s7;
	_ =	swait.ge [sflag:s28], $0x1400  }
0x56: {  	s10 =	sshra.s32 s10, $0x2;
	[sflag:s28] =	ssyncset.done $0x0  }
0x57: {  	s11 =	sadd.s32 $0x2780, s10;
	[sflag:s28] =	ssyncadd.s32 $0xFFFFEC00  }
0x58: {  	[spmem:s2] =	stream.indirect.scatter.add.f32 [tilespmem:s20], [sflag:$0x5], $0x80, s11, s19, $0xb8;
	[tilespmem:$0x1F000] =	vst v63  }
0x59: {  	_ =	swait.ge [sflag:s29], $0x1400  }
0x5a: {  	[sflag:s29] =	ssyncset.done $0x0  }
0x5b: {  	s11 =	sadd.s32 $0x27A8, s10;
	[sflag:s29] =	ssyncadd.s32 $0xFFFFEC00  }
0x5c: {  	[spmem:s2] =	stream.indirect.scatter.add.f32 [tilespmem:s21], [sflag:$0x6], $0x80, s11, s19, $0xb8;
	[tilespmem:$0x1F000] =	vst v63  }
0x5d: {  	_ =	swait.ge [sflag:s30], $0x1400  }
0x5e: {  	[sflag:s30] =	ssyncset.done $0x0  }
0x5f: {  	s11 =	sadd.s32 $0x2800, s10;
	[sflag:s30] =	ssyncadd.s32 $0xFFFFEC00  }
0x60: {  	[spmem:s2] =	stream.indirect.scatter.add.f32 [tilespmem:s23], [sflag:$0x7], $0x80, s11, s19, $0xb8;
	[tilespmem:$0x1F000] =	vst v63  }
0x61: {  	_ =	swait.ge [sflag:s31], $0x1400  }
0x62: {  	[sflag:s31] =	ssyncset.done $0x0  }
0x63: {  	s10 =	sadd.s32 $0x2828, s10;
	[sflag:s31] =	ssyncadd.s32 $0xFFFFEC00  }
0x64: {  	[spmem:s2] =	stream.indirect.scatter.add.f32 [tilespmem:s25], [sflag:$0x8], $0x80, s10, s19, $0xb8;
	[tilespmem:$0x1F000] =	vst v63  }
0x65: {  	_ =	swait.ge [sflag:s1], $0x1400  }
0x66: {  	[sflag:s1] =	ssyncset.done $0x0  }
0x67: {  	s10 =	sadd.s32 $0xFFFFFF88, s9;
	[sflag:s1] =	ssyncadd.s32 $0xFFFFEC00  }
0x68: {  	[tilespmem:s20], [sflag:$0x1] =	stream.indirect.gather [hbm4b:s4+s19], $0x80, s10, s19, $0xb8;
	[tilespmem:$0x1F000] =	vst v63  }
0x69: {  	_ =	swait.ge [sflag:s0], $0x1400  }
0x6a: {  	[sflag:s0] =	ssyncset.done $0x0  }
0x6b: {  	s10 =	sadd.s32 $0xFFFFFFB0, s9;
	[sflag:s0] =	ssyncadd.s32 $0xFFFFEC00  }
0x6c: {  	[tilespmem:s21], [sflag:$0x2] =	stream.indirect.gather [hbm4b:s4+s19], $0x80, s10, s19, $0xb8;
	[tilespmem:$0x1F000] =	vst v63  }
0x6d: {  	_ =	swait.ge [sflag:s14], $0x1400  }
0x6e: {  	[sflag:s14] =	ssyncset.done $0x0  }
.Ltmp0:
0x6f: {  	s10 =	sadd.s32 $0xFFFFFFD8, s9;
	[sflag:s14] =	ssyncadd.s32 $0xFFFFEC00;
	(pc) =	sbr.rel @p1 .LBB2_2-.Ltmp0, $4  }
0x70: {  	[tilespmem:s23], [sflag:$0x3] =	stream.indirect.gather [hbm4b:s4+s19], $0x80, s10, s19, $0xb8;
	[tilespmem:$0x1F000] =	vst v63  }
0x71: {  	_ =	swait.ge [sflag:s15], $0x1400  }
0x72: {  	[sflag:s15] =	ssyncset.done $0x0  }
0x73: {  	s9 =	sadd.s32 $0xA0, s9;
	[sflag:s15] =	ssyncadd.s32 $0xFFFFEC00  }
0x74: {  	[tilespmem:s25], [sflag:$0x4] =	stream.indirect.gather [hbm4b:s4+s19], $0x80, s6, s19, $0xb8;
	[tilespmem:$0x1F000] =	vst v63  }
0x75: {  	_ =	swait.ge [sflag:s28], $0x1400  }
0x76: {  	[sflag:s28] =	ssyncset.done $0x0  }
0x77: {  	s7 =	simm.s32 $0x6480;
	[sflag:s28] =	ssyncadd.s32 $0xFFFFEC00  }
0x78: {  	[spmem:s2] =	stream.indirect.scatter.add.f32 [tilespmem:s20], [sflag:$0x5], $0x80, s7, s19, $0xb8;
	[tilespmem:$0x1F000] =	vst v63  }
0x79: {  	_ =	swait.ge [sflag:s29], $0x1400  }
0x7a: {  	[sflag:s29] =	ssyncset.done $0x0  }
0x7b: {  	s9 =	simm.s32 $0x64A8;
	[sflag:s29] =	ssyncadd.s32 $0xFFFFEC00  }
0x7c: {  	[spmem:s2] =	stream.indirect.scatter.add.f32 [tilespmem:s21], [sflag:$0x6], $0x80, s9, s19, $0xb8;
	[tilespmem:$0x1F000] =	vst v63  }
0x7d: {  	_ =	swait.ge [sflag:s30], $0x1400  }
0x7e: {  	[sflag:s30] =	ssyncset.done $0x0  }
0x7f: {  	s10 =	simm.s32 $0x6500;
	[sflag:s30] =	ssyncadd.s32 $0xFFFFEC00  }
0x80: {  	[spmem:s2] =	stream.indirect.scatter.add.f32 [tilespmem:s23], [sflag:$0x7], $0x80, s10, s19, $0xb8;
	[tilespmem:$0x1F000] =	vst v63  }
0x81: {  	_ =	swait.ge [sflag:s31], $0x1400  }
0x82: {  	[sflag:s31] =	ssyncset.done $0x0  }
0x83: {  	s11 =	simm.s32 $0x6528;
	[sflag:s31] =	ssyncadd.s32 $0xFFFFEC00  }
0x84: {  	[spmem:s2] =	stream.indirect.scatter.add.f32 [tilespmem:s25], [sflag:$0x8], $0x80, s11, s19, $0xb8;
	[tilespmem:$0x1F000] =	vst v63  }
0x85: {  	_ =	swait.ge [sflag:s1], $0x1400  }
0x86: {  	[sflag:s1] =	ssyncset.done $0x0  }
0x87: {  	s7 =	simm.s32 $0x26C0;
	[sflag:s1] =	ssyncadd.s32 $0xFFFFEC00  }
0x88: {  	[tilespmem:s20], [sflag:$0x1] =	stream.indirect.gather [hbm4b:s4+s19], $0x80, s7, s19, $0xb8;
	[tilespmem:$0x1F000] =	vst v63  }
0x89: {  	_ =	swait.ge [sflag:s0], $0x1400  }
0x8a: {  	[sflag:s0] =	ssyncset.done $0x0  }
0x8b: {  	s9 =	simm.s32 $0x26E8;
	[sflag:s0] =	ssyncadd.s32 $0xFFFFEC00  }
0x8c: {  	[tilespmem:s21], [sflag:$0x2] =	stream.indirect.gather [hbm4b:s4+s19], $0x80, s9, s19, $0xb8;
	[tilespmem:$0x1F000] =	vst v63  }
0x8d: {  	_ =	swait.ge [sflag:s14], $0x1400  }
0x8e: {  	[sflag:s14] =	ssyncset.done $0x0  }
0x8f: {  	[sflag:s14] =	ssyncadd.s32 $0xFFFFEC00  }
0x90: {  	_ =	swait.ge [sflag:s15], $0x1400  }
0x91: {  	[sflag:s15] =	ssyncset.done $0x0  }
0x92: {  	[sflag:s15] =	ssyncadd.s32 $0xFFFFEC00  }
0x93: {  	_ =	swait.ge [sflag:s28], $0x1400  }
0x94: {  	[sflag:s28] =	ssyncset.done $0x0  }
0x95: {  	s10 =	simm.s32 $0x6580;
	[sflag:s28] =	ssyncadd.s32 $0xFFFFEC00  }
0x96: {  	[spmem:s2] =	stream.indirect.scatter.add.f32 [tilespmem:s20], [sflag:$0xB], $0x80, s10, s19, $0xb8;
	[tilespmem:$0x1F000] =	vst v63  }
0x97: {  	_ =	swait.ge [sflag:s22], $0x1400  }
0x98: {  	[sflag:s22] =	ssyncset.done $0x0  }
0x99: {  	[sflag:s22] =	ssyncadd.s32 $0xFFFFEC00  }
0x9a: {  	_ =	swait.ge [sflag:s29], $0x1400  }
0x9b: {  	[sflag:s29] =	ssyncset.done $0x0  }
0x9c: {  	s11 =	simm.s32 $0x65A8;
	[sflag:s29] =	ssyncadd.s32 $0xFFFFEC00  }
0x9d: {  	[spmem:s2] =	stream.indirect.scatter.add.f32 [tilespmem:s21], [sflag:$0xB], $0x80, s11, s19, $0xb8;
	[tilespmem:$0x1F000] =	vst v63  }
0x9e: {  	_ =	swait.ge [sflag:s22], $0x1400  }
0x9f: {  	[sflag:s22] =	ssyncset.done $0x0  }
0xa0: {  	[sflag:s22] =	ssyncadd.s32 $0xFFFFEC00  }
0xa1: {  	[bflag:$0x0] =	sbarrier.arrive $0xFFFF  }
0xa2: {  	s6 =	sor.u32 $0x1C0B, s8;
	s7 =	rddreg [dreg:$0x8]  }
0xa3: {  	[hbm:s7], [sflag:s6] =	dma.local [spmem:s17], $0x2700  }
0xa4: {  	_ =	swait.ge [sflag:s22], $0x2700  }
0xa5: {  	s16 =	sadd.s32 $0x1, s16;
	[sflag:s22] =	ssyncset.done $0x0  }
0xa6: {  	p1 =	sne.s32 s16, s13;
	[sflag:s22] =	ssyncadd.s32 $0xFFFFD900  }
0xa7: {  	[hbm:s12], [sflag:s6] =	dma.local @!p0 [spmem:s24], $0x100  }
.Ltmp1:
0xa8: {  	_ = 	snop;
	(pc) =	sbr.rel @p1 .LBB2_1-.Ltmp1, $4  }
0xa9: {  	s6 =	simm.s32 @!p0 $0xB  }
0xaa: {  	_ =	swait.ge @!p0 [sflag:s6], $0x100  }
0xab: {  	[sflag:s6] =	ssyncset.done @!p0 $0x0  }
0xac: {  	[sflag:s6] =	ssyncadd.s32 @!p0 $0xFFFFFF00  }
0xad: {  	_ =	sfence.sel $0x180000  }
0xae: {  	[bflag:$0x0] =	sbarrier.arrive $0xFFFF  }
0xaf: {  	_ =	strace $0x90000050  }
0xb0: {  	s0 =	stileid.u32;
	[bflag:$0x2] =	sbarrier.arrive $0xFFFF  }
0xb1: {  	p0 =	sne.s32 s0, $0x0;
	s0 =	rddreg [dreg:$0x3]  }
0xb2: {  	s0 =	sadd.s32 @!p0 $0x100000, s0  }
0xb3: {  	[sflag:s0] =	ssyncadd.tile.s32 @!p0 $0x1;
	_ =	shalt  }
.Lfunc_end2:
_tile_overlayer_lowered:
.L_overlay_start_2:
0xb4: {  	(tag) =	ssettag $0x2  }
0xb5: {  	s0 =	rddreg [dreg:$0x0];
	s2 =	stileid.u32  }
0xb6: {  	s1 =	rddreg [dreg:$0x1];
	p0 =	sne.s32 s2, $0x0  }
0xb7: {  	s3 =	rddreg [dreg:$0x2];
	[bflag:$0x3] =	sbarrier.arrive $0xFFFF;
	s2 =	simm.s32 @!p0 $0x1C0B  }
0xb8: {  	[timem:s3], [sflag:s2] =	dma.local @!p0 [hbm:s0], s1  }
0xb9: {  	s0 =	simm.s32 @!p0 $0xB  }
0xba: {  	_ =	swait.ge @!p0 [sflag:s0], s1  }
0xbb: {  	s1 =	ssub.s32 @!p0 $0x0, s1;
	[sflag:s0] =	ssyncset.done @!p0 $0x0  }
0xbc: {  	[sflag:s0] =	ssyncadd.s32 @!p0 s1  }
0xbd: {  	[bflag:$0x3] =	sbarrier.arrive $0xFFFF  }
0xbe: {  	_ =	shalt  }

// kernel: kernel.24.cloned.1.call-start
scs
__scs_entry_jumppad:
0x0: {  	(pc) =	sbr.rel $0x88, $3  }
0x1: {  	(tag) =	ssettag $0x0;
	lr =	simm.s32 $0x1  }
0x2: {  	[smem:$0x3F9A] =	sst lr;
	_ =	strace $0xD0000000  }
0x3: {  	_ = 	snop  }
0x4: {  	_ = 	snop  }
0x5: {  	_ = 	snop  }
0x6: {  	_ = 	snop  }
0x7: {  	_ = 	snop  }
__scs_overlays_trampoline_lowered:
0x8: {  	[smem:$0x3FA9] =	sst s0  }
0x9: {  	[smem:$0x3FAA] =	sst s1  }
0xa: {  	[smem:$0x3FAB] =	sst s2  }
0xb: {  	[smem:$0x3FAC] =	sst s3  }
0xc: {  	[smem:$0x3FAD] =	sst s4  }
0xd: {  	[smem:$0x3FAE] =	sst s5  }
0xe: {  	[smem:$0x3FAF] =	sst s6  }
0xf: {  	[smem:$0x3FB0] =	sst s7  }
0x10: {  	[smem:$0x3FB1] =	sst s8  }
0x11: {  	[smem:$0x3FB2] =	sst s9;
	s0 =	simm.s32 @!p0 $0x0  }
0x12: {  	s1 =	sld [smem:$0x3F98];
	s0 =	simm.s32 @p0 $0x1  }
0x13: {  	[smem:$0x3FB3] =	sst s0;
	s0 =	simm.s32 @!p1 $0x0  }
0x14: {  	s2 =	sld [smem:$0x3F97];
	s0 =	simm.s32 @p1 $0x1  }
0x15: {  	[smem:$0x3FB4] =	sst s0;
	s0 =	simm.s32 @!p2 $0x0  }
0x16: {  	s3 =	sld [smem:$0x3FDB];
	s0 =	simm.s32 @p2 $0x1  }
0x17: {  	s4 =	simm.s32 $0x1BF5;
	[smem:$0x3FB6] =	sst s0  }
0x18: {  	s0 =	sld [smem:$0x3F99];
	_ =	swait.ge [sflag:s4], $0x0  }
0x19: {  	s7 =	sld [smem:$0x3F9A]  }
0x1a: {  	s8 =	sadd.s32 $0xFFFFE003, lr  }
0x1b: {  	s9 =	sadd.s32 $0xFFFFFEF7, lr;
	s5 =	simm.s32 $0xFFFFFFFF;
	p2 =	slt.u32 s8, $0xFFFFF086  }
0x1c: {  	p1 =	slt.u32 s9, $0xF7A;
	s5 =	simm.s32 @!p2 $0x0  }
0x1d: {  	s5 =	simm.s32 @p1 $0x1;
	p0 =	seq.s32 s7, s2  }
0x1e: {  	s7 =	smul.u32 @!p0 $0xF7A, s2;
	p2 =	seq.s32 @!p0 s5, $0x0  }
0x1f: {  	s9 =	smul.u32 $0xF7A, s1;
	s8 =	simm.s32 @!p0 $0x1BF5;
	p2 =	por !p2, p0  }
0x20: {  	[sflag:s8] =	ssyncset.s32 @!p0 $0xFFFFF086;
	s6 =	sadd.s32 @!p0 s3, s7;
	s7 =	simm.s32 @!p0 $0x108  }
0x21: {  	s3 =	sadd.s32 s3, s9;
	s6 =	sadd.s32 @!p0 $0x88, s6;
	s7 =	simm.s32 @p2 $0x1082  }
0x22: {  	[simem:s7], [sflag:s8] =	dma.local @!p0 [hbm:s6], $0xF7A  }
0x23: {  	s9 =	sor.u32 $0xD0000000, s2;
	s6 =	simm.s32 $0x108;
	_ =	swait.ge @!p0 [sflag:s8], $0x0  }
0x24: {  	s3 =	sadd.s32 $0x88, s3;
	s6 =	simm.s32 @!p1 $0x1082;
	[sflag:s4] =	ssyncset.s32 $0xFFFFF086  }
0x25: {  	[simem:s6], [sflag:s4] =	dma.local [hbm:s3], $0xF7A  }
0x26: {  	[smem:$0x3F9A] =	sst s1;
	(tag) =	ssettag s2;
	_ =	strace s9  }
0x27: {  	s1 =	sld [smem:$0x3FAA]  }
0x28: {  	s2 =	sld [smem:$0x3FAB]  }
0x29: {  	s4 =	sld [smem:$0x3FAD]  }
0x2a: {  	p0 =	seq.s32 s5, $0x0;
	s5 =	sld [smem:$0x3FAE]  }
0x2b: {  	s6 =	sld [smem:$0x3FAF]  }
0x2c: {  	s7 =	sld [smem:$0x3FB0]  }
0x2d: {  	s3 =	simm.s32 $0x108;
	s8 =	sld [smem:$0x3FB1]  }
0x2e: {  	s3 =	simm.s32 @!p0 $0x1082;
	s9 =	sld [smem:$0x3FB2]  }
0x2f: {  	lr =	sadd.s32 s0, s3;
	s0 =	sld [smem:$0x3FA9]  }
0x30: {  	s3 =	sld [smem:$0x3FAC]  }
0x31: {  	[smem:$0x3FB5] =	sst s10  }
0x32: {  	s10 =	sld [smem:$0x3FB3];
	_ =	sdelay $0x3  }
0x33: {  	p0 =	seq.s32 s10, $0x1;
	s10 =	sld [smem:$0x3FB5];
	_ =	sdelay $0x3  }
0x34: {  	[smem:$0x3FB5] =	sst s10  }
0x35: {  	s10 =	sld [smem:$0x3FB4];
	_ =	sdelay $0x3  }
0x36: {  	p1 =	seq.s32 s10, $0x1;
	s10 =	sld [smem:$0x3FB5];
	_ =	sdelay $0x3  }
0x37: {  	[smem:$0x3FB5] =	sst s10  }
0x38: {  	s10 =	sld [smem:$0x3FB6]  }
0x39: {  	_ = 	snop;
	(pc) =	sbr.ind lr, $3  }
0x3a: {  	_ = 	snop  }
0x3b: {  	_ = 	snop  }
0x3c: {  	p2 =	seq.s32 s10, $0x1;
	s10 =	sld [smem:$0x3FB5]  }
0x3d: {  	_ =	shalt  }
0x3e: {  	_ =	shalt  }
0x3f: {  	_ =	shalt  }
0x40: {  	_ =	shalt  }
0x41: {  	_ =	shalt  }
0x42: {  	_ =	shalt  }
0x43: {  	_ =	shalt  }
0x44: {  	_ =	shalt  }
0x45: {  	_ =	shalt  }
0x46: {  	_ =	shalt  }
0x47: {  	_ =	shalt  }
0x48: {  	_ =	shalt  }
0x49: {  	_ =	shalt  }
0x4a: {  	_ =	shalt  }
0x4b: {  	_ =	shalt  }
0x4c: {  	_ =	shalt  }
0x4d: {  	_ =	shalt  }
0x4e: {  	_ =	shalt  }
0x4f: {  	_ =	shalt  }
0x50: {  	_ =	shalt  }
0x51: {  	_ =	shalt  }
0x52: {  	_ =	shalt  }
0x53: {  	_ =	shalt  }
0x54: {  	_ =	shalt  }
0x55: {  	_ =	shalt  }
0x56: {  	_ =	shalt  }
0x57: {  	_ =	shalt  }
0x58: {  	_ =	shalt  }
0x59: {  	_ =	shalt  }
0x5a: {  	_ =	shalt  }
0x5b: {  	_ =	shalt  }
0x5c: {  	_ =	shalt  }
0x5d: {  	_ =	shalt  }
0x5e: {  	_ =	shalt  }
0x5f: {  	_ =	shalt  }
0x60: {  	_ =	shalt  }
0x61: {  	_ =	shalt  }
0x62: {  	_ =	shalt  }
0x63: {  	_ =	shalt  }
0x64: {  	_ =	shalt  }
0x65: {  	_ =	shalt  }
0x66: {  	_ =	shalt  }
0x67: {  	_ =	shalt  }
0x68: {  	_ =	shalt  }
0x69: {  	_ =	shalt  }
0x6a: {  	_ =	shalt  }
0x6b: {  	_ =	shalt  }
0x6c: {  	_ =	shalt  }
0x6d: {  	_ =	shalt  }
0x6e: {  	_ =	shalt  }
0x6f: {  	_ =	shalt  }
0x70: {  	_ =	shalt  }
0x71: {  	_ =	shalt  }
0x72: {  	_ =	shalt  }
0x73: {  	_ =	shalt  }
0x74: {  	_ =	shalt  }
0x75: {  	_ =	shalt  }
0x76: {  	_ =	shalt  }
0x77: {  	_ =	shalt  }
0x78: {  	_ =	shalt  }
0x79: {  	_ =	shalt  }
0x7a: {  	_ =	shalt  }
0x7b: {  	_ =	shalt  }
0x7c: {  	_ =	shalt  }
0x7d: {  	_ =	shalt  }
0x7e: {  	_ =	shalt  }
0x7f: {  	_ =	shalt  }
0x80: {  	_ =	shalt  }
0x81: {  	_ =	shalt  }
0x82: {  	_ =	shalt  }
0x83: {  	_ =	shalt  }
0x84: {  	_ =	shalt  }
0x85: {  	_ =	shalt  }
0x86: {  	_ =	shalt  }
0x87: {  	_ =	shalt  }
.Lfunc_end0:
.L_simem_size_0:
called_computation.4_lowered:
.L_overlay_start_0:
0x88: {  	s2 =	sld [smem:$0x3FD9]  }
0x89: {  	s3 =	sld [smem:$0x3FFE];
	_ =	sdelay $0x1  }
0x8a: {  	s1 =	srdreg.scid  }
0x8b: {  	s0 =	sand.u32 $0x1, s1  }
0x8c: {  	s17 =	sshll.u32 s0, $0xA;
	s2 =	sadd.s32 s3, s2  }
0x8d: {  	s2 =	sadd.s32 s2, s17  }
0x8e: {  	[smem:$0x3FC1] =	sst s2  }
0x8f: {  	_ = 	snop  }
0x90: {  	s2 =	sld [smem:$0x3FD0];
	(tm) =	ssettm $0x1  }
0x91: {  	s18 =	sld [smem:$0x3FFB];
	_ =	sdelay $0x3  }
0x92: {  	_ =	strace s18  }
0x93: {  	s3 =	sld [smem:$0x3FFC];
	_ =	sdelay $0x3  }
0x94: {  	_ =	strace s3  }
0x95: {  	s3 =	sld [smem:$0x3FFD];
	_ =	sdelay $0x3  }
0x96: {  	_ =	strace s3  }
0x97: {  	_ =	strace $0x8FFFFFFF  }
0x98: {  	s19 =	sld [smem:$0x3FDB];
	_ =	sdelay $0x1  }
0x99: {  	s4 =	simm.s32 $_scs_section_size  }
0x9a: {  	s5 =	simm.s32 $_size__tile_overlayer_lowered;
	s6 =	simm.s32 $_tile_overlayer_lowered  }
0x9b: {  	s22 =	simm.s32 $0x1BFF;
	s21 =	sshll.u32 s6, $0x1;
	s3 =	sadd.s32 s4, s19  }
0x9c: {  	s7 =	simm.s32 $0x0;
	s20 =	sshll.u32 s5, $0x1;
	s5 =	sadd.s32 s21, s3  }
0x9d: {  	[timem:s7], [sflag:s22] =	dma.local [hbm:s5], s20  }
0x9e: {  	_ =	swait.ge [sflag:s22], s20  }
0x9f: {  	s4 =	ssub.s32 $0x0, s20;
	[sflag:s22] =	ssyncset.done $0x0  }
0xa0: {  	[sflag:s22] =	ssyncadd.s32 s4;
	_ =	sdelay $0x1  }
0xa1: {  	s23 =	simm.s32 $0x1B8B  }
0xa2: {  	_ =	swait.ge [sflag:s23], $0x1  }
0xa3: {  	[sflag:s23] =	ssyncset.done $0x0  }
0xa4: {  	s25 =	simm.s32 $0x1B8E;
	s24 =	sld [smem:$0x3FFE];
	[sflag:s23] =	ssyncadd.s32 $0xFFFFFFFF  }
0xa5: {  	s26 =	simm.s32 $execute0_lowered;
	[smem:$0x3FD2] =	sst s25  }
0xa6: {  	s5 =	sshll.u32 s26, $0x1;
	_ =	strace $0x80000052;
	[dreg:$0x1] =	wrdreg $0xFFFFFFFF  }
0xa7: {  	s28 =	simm.s32 $_size_execute0_lowered;
	s3 =	sadd.s32 s3, s5;
	[dreg:$0x0] =	wrdreg $0x0  }
0xa8: {  	s5 =	sshll.u32 s28, $0x1;
	[dreg:$0x2] =	wrdreg s3  }
0xa9: {  	[dreg:$0x3] =	wrdreg s5  }
0xaa: {  	[dreg:$0x4] =	wrdreg $0xC0  }
0xab: {  	_ =	task [dreg:s7], $0x5FFFF  }
0xac: {  	[dreg:$0x1] =	wrdreg $0xFFFFFFFF  }
0xad: {  	[dreg:$0x0] =	wrdreg $0x60  }
0xae: {  	[dreg:$0x2] =	wrdreg s24  }
0xaf: {  	[dreg:$0x3] =	wrdreg s2  }
0xb0: {  	[dreg:$0x4] =	wrdreg $0xB7800  }
0xb1: {  	[dreg:$0x5] =	wrdreg $0x9  }
0xb2: {  	_ =	task.clear_ibuf [dreg:s7], $0x6FFFF;
	_ =	strace $0x90000052  }
0xb3: {  	s29 =	simm.s32 $0x9;
	_ =	strace $0x80000054  }
0xb4: {  	_ =	swait.ge [sflag:s29], $0x1  }
0xb5: {  	[sflag:s29] =	ssyncadd.s32 $0xFFFFFFFF  }
0xb6: {  	_ =	strace $0x90000054  }
0xb7: {  	_ =	sfence  }
0xb8: {  	s30 =	sld [smem:$0x0];
	_ =	sdelay $0x2  }
0xb9: {  	s31 =	sshll.u32 s1, $0xD;
	s1 =	sshrl.u32 s1, $0x2  }
0xba: {  	s3 =	sand.u32 $0x4000, s31;
	s1 =	sadd.s32 s1, s30  }
0xbb: {  	s0 =	sor.u32 s3, s0;
	s1 =	sshll.u32 s1, $0x11  }
0xbc: {  	s0 =	sor.u32 s1, s0  }
0xbd: {  	s0 =	sadd.s32 $0x8F2B, s0  }
0xbe: {  	[sflag:s0] =	ssyncadd.remote.s32 $0x1  }
0xbf: {  	_ =	sfence.sel $0xFFFF  }
0xc0: {  	[dreg:$0x0] =	wrdreg $0xFFFFFFFF;
	(pc) =	sbr.abs _section_cstart, $3  }
0xc1: {  	[dreg:$0x1] =	wrdreg $0xFFFFFFFF  }
0xc2: {  	_ =	task.clear_ibuf [dreg:s7], $0x2FFFF;
	_ =	strace $0x9FFFFFFF  }
0xc3: {  	(tm) =	ssettm $0x7FFFFFFF  }
tec
execute0_lowered:
.L_overlay_start_1:
0x0: {  	(tag) =	ssettag $0x1  }
0x1: {  	s0 =	srdreg.scid  }
0x2: {  	s14 =	stileid.u32;
	s1 =	rddreg [dreg:$0x0]  }
0x3: {  	s6 =	rddreg [dreg:$0x1];
	s18 =	simm.s32 $0x9;
	s19 =	simm.s32 $0x28  }
0x4: {  	s20 =	simm.s32 $0x6780;
	s21 =	simm.s32 $0x7B80;
	s28 =	simm.s32 $0x1  }
0x5: {  	s29 =	simm.s32 $0x2;
	s30 =	simm.s32 $0x3;
	s31 =	simm.s32 $0x4  }
0x6: {  	s15 =	simm.s32 $0x8;
	s16 =	simm.s32 $0x0;
	s11 =	smul.u32 $0x2700, s14  }
0x7: {  	s0 =	sand.u32 $0x1, s0;
	s3 =	sshrl.u32 s14, $0x2;
	s22 =	smul.u32 $0x4E000, s14  }
0x8: {  	s2 =	sshll.u32 s14, $0x1;
	p0 =	sne.s32 s14, $0xF;
	s4 =	smul.u32 $0x13C00, s3  }
0x9: {  	s7 =	sor.u32 s0, s2;
	s2 =	rddreg [dreg:$0x2];
	s12 =	smul.u32 $0x138800, s0  }
0xa: {  	s3 =	simm.s32 $0x0;
	s9 =	ssub.s32 $0x2, s0;
	s0 =	smul.u32 $0x27100, s0  }
0xb: {  	s5 =	sshll.u32 s7, $0x7;
	[smem:$0x7FF] =	sst s3;
	s10 =	sshrl.u32 s9, $0x1  }
0xc: {  	s7 =	sshll.u32 s7, $0xB;
	s23 =	sshrl.u32 s22, $0x2;
	s26 =	sadd.s32 $0x138000, s2  }
0xd: {  	s22 =	simm.s32 $0xB;
	s5 =	sand.u32 $0x380, s5;
	_ =	strace $0x80000053  }
0xe: {  	s9 =	ssub.s32 s9, s10;
	s6 =	sadd.s32 s6, s7;
	s24 =	sshrl.u32 s12, $0x3  }
0xf: {  	s0 =	sadd.s32 s11, s0;
	[dreg:$0x7] =	wrdreg s26;
	s26 =	simm.s32 $0xA  }
0x10: {  	s4 =	sor.u32 s4, s5;
	[dreg:$0x5] =	wrdreg s6;
	s6 =	sadd.s32 s23, s2  }
0x11: {  	s13 =	smax.u32 s9, $0x1;
	s23 =	simm.s32 $0x8F80;
	s5 =	sshrl.u32 s4, $0x3  }
0x12: {  	s4 =	sadd.s32 $0x3200, s1;
	s17 =	sshrl.u32 s6, $0x3;
	s8 =	sadd.s32 s5, s1  }
0x13: {  	s5 =	sadd.s32 $0x2A400, s1;
	s1 =	sadd.s32 $0x5DA00, s1;
	s8 =	sadd.s32 $0x53C00, s8  }
0x14: {  	s7 =	sadd.s32 s1, s24;
	s0 =	sadd.s32 s1, s0;
	[dreg:$0x4] =	wrdreg s8  }
0x15: {  	s1 =	simm.s32 $0x5;
	s8 =	sshll.u32 s14, $0x6;
	[dreg:$0x8] =	wrdreg s0  }
0x16: {  	s12 =	sadd.s32 $0x27000, s7;
	s0 =	simm.s32 $0x6;
	s25 =	sor.u32 $0x1C0A, s8  }
0x17: {  	s14 =	simm.s32 $0x7;
	[dreg:$0x6] =	wrdreg s25;
	s25 =	simm.s32 $0xA380  }
.LBB2_1:
0x18: {  	s6 =	rddreg [dreg:$0x4]  }
0x19: {  	s7 =	simm.s32 $0x80;
	s9 =	simm.s32 $0x400;
	s11 =	rddreg [dreg:$0x6]  }
0x1a: {  	[tilespmem:s3], [sflag:$0x9] =	stream.strided.gather [hbm4b:s6+s7], $0x2780, s9, s7, $0x38;
	[tilespmem:$0x1F000] =	vst v63  }
0x1b: {  	s10 =	simm.s32 $0x2780;
	s9 =	rddreg [dreg:$0x5]  }
0x1c: {  	[tilespmem:s10], [sflag:$0xA] =	stream.linear.gather [hbm4b:s9+s3], $0x3E80, $0x38;
	[tilespmem:$0x1F000] =	vst v63  }
0x1d: {  	[spmem:s17], [sflag:s11] =	dma.local [hbm:s5], $0x2700  }
0x1e: {  	_ =	swait.ge [sflag:s18], $0x2780  }
0x1f: {  	[sflag:s18] =	ssyncset.done $0x0  }
0x20: {  	[sflag:s18] =	ssyncadd.s32 $0xFFFFD880  }
0x21: {  	[tilespmem:s20], [sflag:$0x1] =	stream.indirect.gather [hbm4b:s4+s19], $0x80, s3, s19, $0xb8;
	[tilespmem:$0x1F000] =	vst v63  }
0x22: {  	_ = 	snop  }
0x23: {  	[tilespmem:s21], [sflag:$0x2] =	stream.indirect.gather [hbm4b:s4+s19], $0x80, s19, s19, $0xb8;
	[tilespmem:$0x1F000] =	vst v63  }
0x24: {  	s24 =	simm.s32 $0x50;
	s6 =	rddreg [dreg:$0x7]  }
0x25: {  	[tilespmem:s23], [sflag:$0x3] =	stream.indirect.gather [hbm4b:s4+s19], $0x80, s24, s19, $0xb8;
	[tilespmem:$0x1F000] =	vst v63  }
0x26: {  	s7 =	simm.s32 $0x78;
	s24 =	sshrl.u32 @!p0 s6, $0x3;
	s6 =	simm.s32 @!p0 $0x1FCB  }
0x27: {  	[tilespmem:s25], [sflag:$0x4] =	stream.indirect.gather [hbm4b:s4+s19], $0x80, s7, s19, $0xb8;
	[tilespmem:$0x1F000] =	vst v63  }
0x28: {  	[spmem:s24], [sflag:s6] =	dma.local @!p0 [hbm:s5], $0x100  }
0x29: {  	s6 =	simm.s32 @!p0 $0xB  }
0x2a: {  	_ =	swait.ge @!p0 [sflag:s6], $0x100  }
0x2b: {  	[sflag:s6] =	ssyncset.done @!p0 $0x0  }
0x2c: {  	[sflag:s6] =	ssyncadd.s32 @!p0 $0xFFFFFF00  }
0x2d: {  	_ =	swait.ge [sflag:s26], $0x3E80  }
0x2e: {  	[sflag:s26] =	ssyncset.done $0x0  }
0x2f: {  	[sflag:s26] =	ssyncadd.s32 $0xFFFFC180  }
0x30: {  	_ =	swait.ge [sflag:s26], $0x2700  }
0x31: {  	[sflag:s26] =	ssyncset.done $0x0  }
0x32: {  	[sflag:s26] =	ssyncadd.s32 $0xFFFFD900  }
0x33: {  	[bflag:$0x0] =	sbarrier.arrive $0xFFFF  }
0x34: {  	_ =	swait.ge [sflag:s28], $0x1400  }
0x35: {  	[sflag:s28] =	ssyncset.done $0x0  }
0x36: {  	s9 =	simm.s32 $0x2780;
	[sflag:s28] =	ssyncadd.s32 $0xFFFFEC00  }
0x37: {  	[spmem:s2] =	stream.indirect.scatter.add.f32 [tilespmem:s20], [sflag:$0x5], $0x80, s9, s19, $0xb8;
	[tilespmem:$0x1F000] =	vst v63  }
0x38: {  	_ =	swait.ge [sflag:s29], $0x1400  }
0x39: {  	[sflag:s29] =	ssyncset.done $0x0  }
0x3a: {  	s10 =	simm.s32 $0x27A8;
	[sflag:s29] =	ssyncadd.s32 $0xFFFFEC00  }
0x3b: {  	[spmem:s2] =	stream.indirect.scatter.add.f32 [tilespmem:s21], [sflag:$0x6], $0x80, s10, s19, $0xb8;
	[tilespmem:$0x1F000] =	vst v63  }
0x3c: {  	_ =	swait.ge [sflag:s30], $0x1400  }
0x3d: {  	[sflag:s30] =	ssyncset.done $0x0  }
0x3e: {  	s11 =	simm.s32 $0x2800;
	[sflag:s30] =	ssyncadd.s32 $0xFFFFEC00  }
0x3f: {  	[spmem:s2] =	stream.indirect.scatter.add.f32 [tilespmem:s23], [sflag:$0x7], $0x80, s11, s19, $0xb8;
	[tilespmem:$0x1F000] =	vst v63  }
0x40: {  	_ =	swait.ge [sflag:s31], $0x1400  }
0x41: {  	[sflag:s31] =	ssyncset.done $0x0  }
0x42: {  	s7 =	simm.s32 $0x2828;
	[sflag:s31] =	ssyncadd.s32 $0xFFFFEC00  }
0x43: {  	[spmem:s2] =	stream.indirect.scatter.add.f32 [tilespmem:s25], [sflag:$0x8], $0x80, s7, s19, $0xb8;
	[tilespmem:$0x1F000] =	vst v63  }
0x44: {  	_ =	swait.ge [sflag:s1], $0x1400  }
0x45: {  	[sflag:s1] =	ssyncset.done $0x0  }
0x46: {  	s9 =	simm.s32 $0xA0;
	[sflag:s1] =	ssyncadd.s32 $0xFFFFEC00  }
0x47: {  	[tilespmem:s20], [sflag:$0x1] =	stream.indirect.gather [hbm4b:s4+s19], $0x80, s9, s19, $0xb8;
	[tilespmem:$0x1F000] =	vst v63  }
0x48: {  	_ =	swait.ge [sflag:s0], $0x1400  }
0x49: {  	[sflag:s0] =	ssyncset.done $0x0  }
0x4a: {  	s10 =	simm.s32 $0xC8;
	[sflag:s0] =	ssyncadd.s32 $0xFFFFEC00  }
0x4b: {  	[tilespmem:s21], [sflag:$0x2] =	stream.indirect.gather [hbm4b:s4+s19], $0x80, s10, s19, $0xb8;
	[tilespmem:$0x1F000] =	vst v63  }
0x4c: {  	_ =	swait.ge [sflag:s14], $0x1400  }
0x4d: {  	[sflag:s14] =	ssyncset.done $0x0  }
0x4e: {  	s11 =	simm.s32 $0xF0;
	[sflag:s14] =	ssyncadd.s32 $0xFFFFEC00  }
0x4f: {  	[tilespmem:s23], [sflag:$0x3] =	stream.indirect.gather [hbm4b:s4+s19], $0x80, s11, s19, $0xb8;
	[tilespmem:$0x1F000] =	vst v63  }
0x50: {  	_ =	swait.ge [sflag:s15], $0x1400  }
0x51: {  	s6 =	simm.s32 $0x118;
	[sflag:s15] =	ssyncset.done $0x0  }
0x52: {  	s7 =	simm.s32 $0x400;
	s9 =	simm.s32 $0x1B8;
	[sflag:s15] =	ssyncadd.s32 $0xFFFFEC00  }
.LBB2_2:
0x53: {  	[tilespmem:s25], [sflag:$0x4] =	stream.indirect.gather [hbm4b:s4+s19], $0x80, s6, s19, $0xb8;
	[tilespmem:$0x1F000] =	vst v63  }
0x54: {  	s10 =	smov.u32 s7;
	s6 =	smov.u32 s9  }
0x55: {  	p1 =	sne.s32 s7, $0xF000;
	s7 =	sadd.s32 $0x400, s7;
	_ =	swait.ge [sflag:s28], $0x1400  }
0x56: {  	s10 =	sshra.s32 s10, $0x2;
	[sflag:s28] =	ssyncset.done $0x0  }
0x57: {  	s11 =	sadd.s32 $0x2780, s10;
	[sflag:s28] =	ssyncadd.s32 $0xFFFFEC00  }
0x58: {  	[spmem:s2] =	stream.indirect.scatter.add.f32 [tilespmem:s20], [sflag:$0x5], $0x80, s11, s19, $0xb8;
	[tilespmem:$0x1F000] =	vst v63  }
0x59: {  	_ =	swait.ge [sflag:s29], $0x1400  }
0x5a: {  	[sflag:s29] =	ssyncset.done $0x0  }
0x5b: {  	s11 =	sadd.s32 $0x27A8, s10;
	[sflag:s29] =	ssyncadd.s32 $0xFFFFEC00  }
0x5c: {  	[spmem:s2] =	stream.indirect.scatter.add.f32 [tilespmem:s21], [sflag:$0x6], $0x80, s11, s19, $0xb8;
	[tilespmem:$0x1F000] =	vst v63  }
0x5d: {  	_ =	swait.ge [sflag:s30], $0x1400  }
0x5e: {  	[sflag:s30] =	ssyncset.done $0x0  }
0x5f: {  	s11 =	sadd.s32 $0x2800, s10;
	[sflag:s30] =	ssyncadd.s32 $0xFFFFEC00  }
0x60: {  	[spmem:s2] =	stream.indirect.scatter.add.f32 [tilespmem:s23], [sflag:$0x7], $0x80, s11, s19, $0xb8;
	[tilespmem:$0x1F000] =	vst v63  }
0x61: {  	_ =	swait.ge [sflag:s31], $0x1400  }
0x62: {  	[sflag:s31] =	ssyncset.done $0x0  }
0x63: {  	s10 =	sadd.s32 $0x2828, s10;
	[sflag:s31] =	ssyncadd.s32 $0xFFFFEC00  }
0x64: {  	[spmem:s2] =	stream.indirect.scatter.add.f32 [tilespmem:s25], [sflag:$0x8], $0x80, s10, s19, $0xb8;
	[tilespmem:$0x1F000] =	vst v63  }
0x65: {  	_ =	swait.ge [sflag:s1], $0x1400  }
0x66: {  	[sflag:s1] =	ssyncset.done $0x0  }
0x67: {  	s10 =	sadd.s32 $0xFFFFFF88, s9;
	[sflag:s1] =	ssyncadd.s32 $0xFFFFEC00  }
0x68: {  	[tilespmem:s20], [sflag:$0x1] =	stream.indirect.gather [hbm4b:s4+s19], $0x80, s10, s19, $0xb8;
	[tilespmem:$0x1F000] =	vst v63  }
0x69: {  	_ =	swait.ge [sflag:s0], $0x1400  }
0x6a: {  	[sflag:s0] =	ssyncset.done $0x0  }
0x6b: {  	s10 =	sadd.s32 $0xFFFFFFB0, s9;
	[sflag:s0] =	ssyncadd.s32 $0xFFFFEC00  }
0x6c: {  	[tilespmem:s21], [sflag:$0x2] =	stream.indirect.gather [hbm4b:s4+s19], $0x80, s10, s19, $0xb8;
	[tilespmem:$0x1F000] =	vst v63  }
0x6d: {  	_ =	swait.ge [sflag:s14], $0x1400  }
0x6e: {  	[sflag:s14] =	ssyncset.done $0x0  }
.Ltmp0:
0x6f: {  	s10 =	sadd.s32 $0xFFFFFFD8, s9;
	[sflag:s14] =	ssyncadd.s32 $0xFFFFEC00;
	(pc) =	sbr.rel @p1 .LBB2_2-.Ltmp0, $4  }
0x70: {  	[tilespmem:s23], [sflag:$0x3] =	stream.indirect.gather [hbm4b:s4+s19], $0x80, s10, s19, $0xb8;
	[tilespmem:$0x1F000] =	vst v63  }
0x71: {  	_ =	swait.ge [sflag:s15], $0x1400  }
0x72: {  	[sflag:s15] =	ssyncset.done $0x0  }
0x73: {  	s9 =	sadd.s32 $0xA0, s9;
	[sflag:s15] =	ssyncadd.s32 $0xFFFFEC00  }
0x74: {  	[tilespmem:s25], [sflag:$0x4] =	stream.indirect.gather [hbm4b:s4+s19], $0x80, s6, s19, $0xb8;
	[tilespmem:$0x1F000] =	vst v63  }
0x75: {  	_ =	swait.ge [sflag:s28], $0x1400  }
0x76: {  	[sflag:s28] =	ssyncset.done $0x0  }
0x77: {  	s7 =	simm.s32 $0x6480;
	[sflag:s28] =	ssyncadd.s32 $0xFFFFEC00  }
0x78: {  	[spmem:s2] =	stream.indirect.scatter.add.f32 [tilespmem:s20], [sflag:$0x5], $0x80, s7, s19, $0xb8;
	[tilespmem:$0x1F000] =	vst v63  }
0x79: {  	_ =	swait.ge [sflag:s29], $0x1400  }
0x7a: {  	[sflag:s29] =	ssyncset.done $0x0  }
0x7b: {  	s9 =	simm.s32 $0x64A8;
	[sflag:s29] =	ssyncadd.s32 $0xFFFFEC00  }
0x7c: {  	[spmem:s2] =	stream.indirect.scatter.add.f32 [tilespmem:s21], [sflag:$0x6], $0x80, s9, s19, $0xb8;
	[tilespmem:$0x1F000] =	vst v63  }
0x7d: {  	_ =	swait.ge [sflag:s30], $0x1400  }
0x7e: {  	[sflag:s30] =	ssyncset.done $0x0  }
0x7f: {  	s10 =	simm.s32 $0x6500;
	[sflag:s30] =	ssyncadd.s32 $0xFFFFEC00  }
0x80: {  	[spmem:s2] =	stream.indirect.scatter.add.f32 [tilespmem:s23], [sflag:$0x7], $0x80, s10, s19, $0xb8;
	[tilespmem:$0x1F000] =	vst v63  }
0x81: {  	_ =	swait.ge [sflag:s31], $0x1400  }
0x82: {  	[sflag:s31] =	ssyncset.done $0x0  }
0x83: {  	s11 =	simm.s32 $0x6528;
	[sflag:s31] =	ssyncadd.s32 $0xFFFFEC00  }
0x84: {  	[spmem:s2] =	stream.indirect.scatter.add.f32 [tilespmem:s25], [sflag:$0x8], $0x80, s11, s19, $0xb8;
	[tilespmem:$0x1F000] =	vst v63  }
0x85: {  	_ =	swait.ge [sflag:s1], $0x1400  }
0x86: {  	[sflag:s1] =	ssyncset.done $0x0  }
0x87: {  	s7 =	simm.s32 $0x26C0;
	[sflag:s1] =	ssyncadd.s32 $0xFFFFEC00  }
0x88: {  	[tilespmem:s20], [sflag:$0x1] =	stream.indirect.gather [hbm4b:s4+s19], $0x80, s7, s19, $0xb8;
	[tilespmem:$0x1F000] =	vst v63  }
0x89: {  	_ =	swait.ge [sflag:s0], $0x1400  }
0x8a: {  	[sflag:s0] =	ssyncset.done $0x0  }
0x8b: {  	s9 =	simm.s32 $0x26E8;
	[sflag:s0] =	ssyncadd.s32 $0xFFFFEC00  }
0x8c: {  	[tilespmem:s21], [sflag:$0x2] =	stream.indirect.gather [hbm4b:s4+s19], $0x80, s9, s19, $0xb8;
	[tilespmem:$0x1F000] =	vst v63  }
0x8d: {  	_ =	swait.ge [sflag:s14], $0x1400  }
0x8e: {  	[sflag:s14] =	ssyncset.done $0x0  }
0x8f: {  	[sflag:s14] =	ssyncadd.s32 $0xFFFFEC00  }
0x90: {  	_ =	swait.ge [sflag:s15], $0x1400  }
0x91: {  	[sflag:s15] =	ssyncset.done $0x0  }
0x92: {  	[sflag:s15] =	ssyncadd.s32 $0xFFFFEC00  }
0x93: {  	_ =	swait.ge [sflag:s28], $0x1400  }
0x94: {  	[sflag:s28] =	ssyncset.done $0x0  }
0x95: {  	s10 =	simm.s32 $0x6580;
	[sflag:s28] =	ssyncadd.s32 $0xFFFFEC00  }
0x96: {  	[spmem:s2] =	stream.indirect.scatter.add.f32 [tilespmem:s20], [sflag:$0xB], $0x80, s10, s19, $0xb8;
	[tilespmem:$0x1F000] =	vst v63  }
0x97: {  	_ =	swait.ge [sflag:s22], $0x1400  }
0x98: {  	[sflag:s22] =	ssyncset.done $0x0  }
0x99: {  	[sflag:s22] =	ssyncadd.s32 $0xFFFFEC00  }
0x9a: {  	_ =	swait.ge [sflag:s29], $0x1400  }
0x9b: {  	[sflag:s29] =	ssyncset.done $0x0  }
0x9c: {  	s11 =	simm.s32 $0x65A8;
	[sflag:s29] =	ssyncadd.s32 $0xFFFFEC00  }
0x9d: {  	[spmem:s2] =	stream.indirect.scatter.add.f32 [tilespmem:s21], [sflag:$0xB], $0x80, s11, s19, $0xb8;
	[tilespmem:$0x1F000] =	vst v63  }
0x9e: {  	_ =	swait.ge [sflag:s22], $0x1400  }
0x9f: {  	[sflag:s22] =	ssyncset.done $0x0  }
0xa0: {  	[sflag:s22] =	ssyncadd.s32 $0xFFFFEC00  }
0xa1: {  	[bflag:$0x0] =	sbarrier.arrive $0xFFFF  }
0xa2: {  	s6 =	sor.u32 $0x1C0B, s8;
	s7 =	rddreg [dreg:$0x8]  }
0xa3: {  	[hbm:s7], [sflag:s6] =	dma.local [spmem:s17], $0x2700  }
0xa4: {  	_ =	swait.ge [sflag:s22], $0x2700  }
0xa5: {  	s16 =	sadd.s32 $0x1, s16;
	[sflag:s22] =	ssyncset.done $0x0  }
0xa6: {  	p1 =	sne.s32 s16, s13;
	[sflag:s22] =	ssyncadd.s32 $0xFFFFD900  }
0xa7: {  	[hbm:s12], [sflag:s6] =	dma.local @!p0 [spmem:s24], $0x100  }
.Ltmp1:
0xa8: {  	_ = 	snop;
	(pc) =	sbr.rel @p1 .LBB2_1-.Ltmp1, $4  }
0xa9: {  	s6 =	simm.s32 @!p0 $0xB  }
0xaa: {  	_ =	swait.ge @!p0 [sflag:s6], $0x100  }
0xab: {  	[sflag:s6] =	ssyncset.done @!p0 $0x0  }
0xac: {  	[sflag:s6] =	ssyncadd.s32 @!p0 $0xFFFFFF00  }
0xad: {  	_ =	sfence.sel $0x180000  }
0xae: {  	[bflag:$0x0] =	sbarrier.arrive $0xFFFF  }
0xaf: {  	_ =	strace $0x90000053  }
0xb0: {  	s0 =	stileid.u32;
	[bflag:$0x2] =	sbarrier.arrive $0xFFFF  }
0xb1: {  	p0 =	sne.s32 s0, $0x0;
	s0 =	rddreg [dreg:$0x3]  }
0xb2: {  	s0 =	sadd.s32 @!p0 $0x100000, s0  }
0xb3: {  	[sflag:s0] =	ssyncadd.tile.s32 @!p0 $0x1;
	_ =	shalt  }
.Lfunc_end2:
_tile_overlayer_lowered:
.L_overlay_start_2:
0xb4: {  	(tag) =	ssettag $0x2  }
0xb5: {  	s0 =	rddreg [dreg:$0x0];
	s2 =	stileid.u32  }
0xb6: {  	s1 =	rddreg [dreg:$0x1];
	p0 =	sne.s32 s2, $0x0  }
0xb7: {  	s3 =	rddreg [dreg:$0x2];
	[bflag:$0x3] =	sbarrier.arrive $0xFFFF;
	s2 =	simm.s32 @!p0 $0x1C0B  }
0xb8: {  	[timem:s3], [sflag:s2] =	dma.local @!p0 [hbm:s0], s1  }
0xb9: {  	s0 =	simm.s32 @!p0 $0xB  }
0xba: {  	_ =	swait.ge @!p0 [sflag:s0], s1  }
0xbb: {  	s1 =	ssub.s32 @!p0 $0x0, s1;
	[sflag:s0] =	ssyncset.done @!p0 $0x0  }
0xbc: {  	[sflag:s0] =	ssyncadd.s32 @!p0 s1  }
0xbd: {  	[bflag:$0x3] =	sbarrier.arrive $0xFFFF  }
0xbe: {  	_ =	shalt  }

</sc_bundles>
